<compile_context>
chip_gen: v7x
topology: tpu7x:2x2x1
jax: 0.10.2.dev20260603
libtpu: 0.0.44.dev20260713+nightly
codegen_flags: <defaults>
</compile_context>

<pallas_src>
import functools

import jax
import jax.numpy as jnp
from jax import lax
from jax.experimental import pallas as pl
from jax.experimental.pallas import tpu as pltpu
from jax.experimental.pallas import tpu_sc as plsc

D_FEAT = 128
NUM_WORKERS = 32
CHUNK = 80
DEPTH = 4


@functools.partial(jax.jit, static_argnames=("n_edges",))
def _dot_predict_sc(h, src, dst, n_edges):
    per_w = n_edges // NUM_WORKERS
    n_chunks = per_w // CHUNK
    mesh = plsc.VectorSubcoreMesh(core_axis_name="c", subcore_axis_name="s")

    @functools.partial(
        pl.kernel,
        mesh=mesh,
        compiler_params=pltpu.CompilerParams(needs_layout_passes=False),
        out_type=jax.ShapeDtypeStruct((n_edges,), jnp.float32),
        scratch_types=[
            pltpu.VMEM((per_w,), jnp.int32),
            pltpu.VMEM((per_w,), jnp.int32),
            [pltpu.VMEM((CHUNK, D_FEAT), jnp.float32) for _ in range(DEPTH)],
            [pltpu.VMEM((CHUNK, D_FEAT), jnp.float32) for _ in range(DEPTH)],
            pltpu.VMEM((per_w,), jnp.float32),
            [pltpu.SemaphoreType.DMA for _ in range(DEPTH)],
            [pltpu.SemaphoreType.DMA for _ in range(DEPTH)],
        ],
    )
    def sc_kernel(h_hbm, src_hbm, dst_hbm, out_hbm,
                  sidx, didx, srows, drows, outv, sem_s, sem_d):
        wid = lax.axis_index("s") * 2 + lax.axis_index("c")
        wbase = wid * per_w

        pltpu.sync_copy(src_hbm.at[pl.ds(wbase, per_w)], sidx)
        pltpu.sync_copy(dst_hbm.at[pl.ds(wbase, per_w)], didx)

        def issue(ci, buf):
            pltpu.async_copy(h_hbm.at[sidx.at[pl.ds(ci * CHUNK, CHUNK)]],
                             srows[buf], sem_s[buf])
            pltpu.async_copy(h_hbm.at[didx.at[pl.ds(ci * CHUNK, CHUNK)]],
                             drows[buf], sem_d[buf])

        def wait(buf):
            pltpu.make_async_copy(h_hbm.at[sidx.at[pl.ds(0, CHUNK)]],
                                  srows[buf], sem_s[buf]).wait()
            pltpu.make_async_copy(h_hbm.at[didx.at[pl.ds(0, CHUNK)]],
                                  drows[buf], sem_d[buf]).wait()

        def compute(ci, buf):
            lane = lax.iota(jnp.int32, 16)

            def block_body(b, carry):
                rows = b * 16 + lane

                def k_body(kk, acc):
                    cols = (lane + kk) & (D_FEAT - 1)
                    a = plsc.load_gather(srows[buf], [rows, cols])
                    bb = plsc.load_gather(drows[buf], [rows, cols])
                    return acc + a * bb

                acc = lax.fori_loop(0, D_FEAT, k_body,
                                    jnp.zeros((16,), jnp.float32),
                                    unroll=32)
                outv[pl.ds(ci * CHUNK + b * 16, 16)] = acc
                return carry

            lax.fori_loop(0, CHUNK // 16, block_body, 0)

        for p in range(DEPTH - 1):
            issue(p, p)

        def ring_body(g, carry):
            for b in range(DEPTH):
                ci = g * DEPTH + b

                @pl.when(ci + DEPTH - 1 < n_chunks)
                def _issue_ahead():
                    issue(ci + DEPTH - 1, (b + DEPTH - 1) % DEPTH)

                wait(b)
                compute(ci, b)
            return carry

        lax.fori_loop(0, (n_chunks - 1) // DEPTH, ring_body, 0)
        wait(0)
        compute(n_chunks - 1, 0)

        pltpu.sync_copy(outv, out_hbm.at[pl.ds(wbase, per_w)])

    return sc_kernel(h, src, dst)


def kernel(h, edge_index):
    src = edge_index[0].astype(jnp.int32)
    dst = edge_index[1].astype(jnp.int32)
    return _dot_predict_sc(h, src, dst, src.shape[0])

# --- scband reference (transcript-rebuilt; emitter-appended) ---
"""Pipeline reference for scband-dot-predictor-68444598829061 (READ-ONLY COPY).

The authoritative reference and input builder live on the scoring server;
editing this copy changes nothing except your own understanding.
"""

import jax, jax.numpy as jnp
import numpy as np

N_NODES = 10000
N_EDGES = 320000
D_FEAT = 128


def setup_inputs(seed: int = 0) -> dict:
    key = jax.random.key(seed)
    k_h, k_e = jax.random.split(key)
    h = jax.random.normal(k_h, (N_NODES, D_FEAT), dtype=jnp.float32)
    edge_index = jax.random.randint(k_e, (2, N_EDGES), 0, N_NODES, dtype=jnp.int64)
    return {"h": h, "edge_index": edge_index}


def reference(h, edge_index):
    # DGL u_dot_v: for each edge e=(u,v), score[e] = <h[u], h[v]>
    src = edge_index[0]
    dst = edge_index[1]
    h_src = jnp.take(h, src, axis=0)
    h_dst = jnp.take(h, dst, axis=0)
    score = jnp.sum(h_src * h_dst, axis=-1)
    return score

if __name__ == "__main__":
    import jax
    _d = setup_inputs()
    print(jax.jit(kernel)(*tuple(_d.values())))

</pallas_src>

<mosaic_0001>
#map = affine_map<(d0, d1) -> (0, 0)>
#map1 = affine_map<(d0, d1) -> (0)>
module attributes {stable_mosaic.version = 14 : i64} {
  func.func @sc_kernel(%arg0: i32, %arg1: i32, %arg2: memref<10000x128xf32, #tpu.memory_space<hbm>>, %arg3: memref<320000xi32, #tpu.memory_space<hbm>>, %arg4: memref<320000xi32, #tpu.memory_space<hbm>>, %arg5: memref<320000xf32, #tpu.memory_space<hbm>>, %arg6: memref<10000xi32, #tpu.memory_space<vmem>>, %arg7: memref<10000xi32, #tpu.memory_space<vmem>>, %arg8: memref<80x128xf32, #tpu.memory_space<vmem>>, %arg9: memref<80x128xf32, #tpu.memory_space<vmem>>, %arg10: memref<80x128xf32, #tpu.memory_space<vmem>>, %arg11: memref<80x128xf32, #tpu.memory_space<vmem>>, %arg12: memref<80x128xf32, #tpu.memory_space<vmem>>, %arg13: memref<80x128xf32, #tpu.memory_space<vmem>>, %arg14: memref<80x128xf32, #tpu.memory_space<vmem>>, %arg15: memref<80x128xf32, #tpu.memory_space<vmem>>, %arg16: memref<10000xf32, #tpu.memory_space<vmem>>, %arg17: memref<!tpu.dma_semaphore, #tpu.memory_space<semaphore_mem>>, %arg18: memref<!tpu.dma_semaphore, #tpu.memory_space<semaphore_mem>>, %arg19: memref<!tpu.dma_semaphore, #tpu.memory_space<semaphore_mem>>, %arg20: memref<!tpu.dma_semaphore, #tpu.memory_space<semaphore_mem>>, %arg21: memref<!tpu.dma_semaphore, #tpu.memory_space<semaphore_mem>>, %arg22: memref<!tpu.dma_semaphore, #tpu.memory_space<semaphore_mem>>, %arg23: memref<!tpu.dma_semaphore, #tpu.memory_space<semaphore_mem>>, %arg24: memref<!tpu.dma_semaphore, #tpu.memory_space<semaphore_mem>>) attributes {dimension_semantics = [#tpu.dimension_semantics<core_parallel>, #tpu.dimension_semantics<subcore_parallel>], iteration_bounds = array<i64: 2, 16>, scalar_prefetch = 0 : i64, scratch_operands = 19 : i64, tpu.core_type = #tpu.core_type<sc_vector_subcore>, window_params = [{transform_indices = #map}, {transform_indices = #map1}, {transform_indices = #map1}, {transform_indices = #map1}]} {
    %mul3A = arith.constant 2 : i32
    %mul3A_0 = arith.muli %arg1, %mul3A : i32
    %add3A = arith.addi %mul3A_0, %arg0 : i32
    %mul3A_1 = arith.constant 10000 : i32
    %mul3A_2 = arith.muli %add3A, %mul3A_1 : i32
    "tpu.region"() ({
      %run_scoped3A = tpu.sem_alloc : memref<!tpu.dma_semaphore, #tpu.memory_space<semaphore_mem>>
      %dma_start3A_52 = tpu.memref_slice %arg3[%mul3A_2] : memref<320000xi32, #tpu.memory_space<hbm>> -> memref<10000xi32, #tpu.memory_space<hbm>>
      %dma_start3A_53 = tpu.memref_slice %arg3[%mul3A_2] : memref<320000xi32, #tpu.memory_space<hbm>> -> memref<10000xi32, #tpu.memory_space<hbm>>
      tpu.enqueue_dma source(%dma_start3A_53 : memref<10000xi32, #tpu.memory_space<hbm>>) target(%arg6 : memref<10000xi32, #tpu.memory_space<vmem>>) target_semaphore(%run_scoped3A : memref<!tpu.dma_semaphore, #tpu.memory_space<semaphore_mem>>)
      %dma_wait3A_54 = tpu.memref_slice %arg3[%mul3A_2] : memref<320000xi32, #tpu.memory_space<hbm>> -> memref<10000xi32, #tpu.memory_space<hbm>>
      %dma_wait3A_55 = tpu.memref_slice %arg3[%mul3A_2] : memref<320000xi32, #tpu.memory_space<hbm>> -> memref<10000xi32, #tpu.memory_space<hbm>>
      tpu.wait_dma2 semaphore(%run_scoped3A : memref<!tpu.dma_semaphore, #tpu.memory_space<semaphore_mem>>) src(%dma_wait3A_55 : memref<10000xi32, #tpu.memory_space<hbm>>) dst(%arg6 : memref<10000xi32, #tpu.memory_space<vmem>>)
      tpu.yield
    }) : () -> ()
    "tpu.region"() ({
      %run_scoped3A = tpu.sem_alloc : memref<!tpu.dma_semaphore, #tpu.memory_space<semaphore_mem>>
      %dma_start3A_52 = tpu.memref_slice %arg4[%mul3A_2] : memref<320000xi32, #tpu.memory_space<hbm>> -> memref<10000xi32, #tpu.memory_space<hbm>>
      %dma_start3A_53 = tpu.memref_slice %arg4[%mul3A_2] : memref<320000xi32, #tpu.memory_space<hbm>> -> memref<10000xi32, #tpu.memory_space<hbm>>
      tpu.enqueue_dma source(%dma_start3A_53 : memref<10000xi32, #tpu.memory_space<hbm>>) target(%arg7 : memref<10000xi32, #tpu.memory_space<vmem>>) target_semaphore(%run_scoped3A : memref<!tpu.dma_semaphore, #tpu.memory_space<semaphore_mem>>)
      %dma_wait3A_54 = tpu.memref_slice %arg4[%mul3A_2] : memref<320000xi32, #tpu.memory_space<hbm>> -> memref<10000xi32, #tpu.memory_space<hbm>>
      %dma_wait3A_55 = tpu.memref_slice %arg4[%mul3A_2] : memref<320000xi32, #tpu.memory_space<hbm>> -> memref<10000xi32, #tpu.memory_space<hbm>>
      tpu.wait_dma2 semaphore(%run_scoped3A : memref<!tpu.dma_semaphore, #tpu.memory_space<semaphore_mem>>) src(%dma_wait3A_55 : memref<10000xi32, #tpu.memory_space<hbm>>) dst(%arg7 : memref<10000xi32, #tpu.memory_space<vmem>>)
      tpu.yield
    }) : () -> ()
    %dma_start3A = arith.constant 0 : i32
    %dma_start3A_3 = tpu.memref_slice %arg6[%dma_start3A] : memref<10000xi32, #tpu.memory_space<vmem>> -> memref<80xi32, #tpu.memory_space<vmem>>
    %dma_start3A_4 = arith.constant 0 : i32
    %dma_start3A_5 = arith.constant 0 : i32
    %dma_start3A_6 = tpu.memref_slice %arg2[%dma_start3A_4, %dma_start3A_5] : memref<10000x128xf32, #tpu.memory_space<hbm>> -> memref<10000x128xf32, #tpu.memory_space<hbm>>
    tpu.enqueue_indirect_dma source(%dma_start3A_6 : memref<10000x128xf32, #tpu.memory_space<hbm>>) target(%arg8 : memref<80x128xf32, #tpu.memory_space<vmem>>) offsets(%dma_start3A_3 : memref<80xi32, #tpu.memory_space<vmem>>) semaphore(%arg17 : memref<!tpu.dma_semaphore, #tpu.memory_space<semaphore_mem>>)
    %dma_start3A_7 = arith.constant 0 : i32
    %dma_start3A_8 = tpu.memref_slice %arg7[%dma_start3A_7] : memref<10000xi32, #tpu.memory_space<vmem>> -> memref<80xi32, #tpu.memory_space<vmem>>
    %dma_start3A_9 = arith.constant 0 : i32
    %dma_start3A_10 = arith.constant 0 : i32
    %dma_start3A_11 = tpu.memref_slice %arg2[%dma_start3A_9, %dma_start3A_10] : memref<10000x128xf32, #tpu.memory_space<hbm>> -> memref<10000x128xf32, #tpu.memory_space<hbm>>
    tpu.enqueue_indirect_dma source(%dma_start3A_11 : memref<10000x128xf32, #tpu.memory_space<hbm>>) target(%arg12 : memref<80x128xf32, #tpu.memory_space<vmem>>) offsets(%dma_start3A_8 : memref<80xi32, #tpu.memory_space<vmem>>) semaphore(%arg21 : memref<!tpu.dma_semaphore, #tpu.memory_space<semaphore_mem>>)
    %dma_start3A_12 = arith.constant 80 : i32
    %dma_start3A_13 = tpu.memref_slice %arg6[%dma_start3A_12] : memref<10000xi32, #tpu.memory_space<vmem>> -> memref<80xi32, #tpu.memory_space<vmem>>
    %dma_start3A_14 = arith.constant 0 : i32
    %dma_start3A_15 = arith.constant 0 : i32
    %dma_start3A_16 = tpu.memref_slice %arg2[%dma_start3A_14, %dma_start3A_15] : memref<10000x128xf32, #tpu.memory_space<hbm>> -> memref<10000x128xf32, #tpu.memory_space<hbm>>
    tpu.enqueue_indirect_dma source(%dma_start3A_16 : memref<10000x128xf32, #tpu.memory_space<hbm>>) target(%arg9 : memref<80x128xf32, #tpu.memory_space<vmem>>) offsets(%dma_start3A_13 : memref<80xi32, #tpu.memory_space<vmem>>) semaphore(%arg18 : memref<!tpu.dma_semaphore, #tpu.memory_space<semaphore_mem>>)
    %dma_start3A_17 = arith.constant 80 : i32
    %dma_start3A_18 = tpu.memref_slice %arg7[%dma_start3A_17] : memref<10000xi32, #tpu.memory_space<vmem>> -> memref<80xi32, #tpu.memory_space<vmem>>
    %dma_start3A_19 = arith.constant 0 : i32
    %dma_start3A_20 = arith.constant 0 : i32
    %dma_start3A_21 = tpu.memref_slice %arg2[%dma_start3A_19, %dma_start3A_20] : memref<10000x128xf32, #tpu.memory_space<hbm>> -> memref<10000x128xf32, #tpu.memory_space<hbm>>
    tpu.enqueue_indirect_dma source(%dma_start3A_21 : memref<10000x128xf32, #tpu.memory_space<hbm>>) target(%arg13 : memref<80x128xf32, #tpu.memory_space<vmem>>) offsets(%dma_start3A_18 : memref<80xi32, #tpu.memory_space<vmem>>) semaphore(%arg22 : memref<!tpu.dma_semaphore, #tpu.memory_space<semaphore_mem>>)
    %dma_start3A_22 = arith.constant 160 : i32
    %dma_start3A_23 = tpu.memref_slice %arg6[%dma_start3A_22] : memref<10000xi32, #tpu.memory_space<vmem>> -> memref<80xi32, #tpu.memory_space<vmem>>
    %dma_start3A_24 = arith.constant 0 : i32
    %dma_start3A_25 = arith.constant 0 : i32
    %dma_start3A_26 = tpu.memref_slice %arg2[%dma_start3A_24, %dma_start3A_25] : memref<10000x128xf32, #tpu.memory_space<hbm>> -> memref<10000x128xf32, #tpu.memory_space<hbm>>
    tpu.enqueue_indirect_dma source(%dma_start3A_26 : memref<10000x128xf32, #tpu.memory_space<hbm>>) target(%arg10 : memref<80x128xf32, #tpu.memory_space<vmem>>) offsets(%dma_start3A_23 : memref<80xi32, #tpu.memory_space<vmem>>) semaphore(%arg19 : memref<!tpu.dma_semaphore, #tpu.memory_space<semaphore_mem>>)
    %dma_start3A_27 = arith.constant 160 : i32
    %dma_start3A_28 = tpu.memref_slice %arg7[%dma_start3A_27] : memref<10000xi32, #tpu.memory_space<vmem>> -> memref<80xi32, #tpu.memory_space<vmem>>
    %dma_start3A_29 = arith.constant 0 : i32
    %dma_start3A_30 = arith.constant 0 : i32
    %dma_start3A_31 = tpu.memref_slice %arg2[%dma_start3A_29, %dma_start3A_30] : memref<10000x128xf32, #tpu.memory_space<hbm>> -> memref<10000x128xf32, #tpu.memory_space<hbm>>
    tpu.enqueue_indirect_dma source(%dma_start3A_31 : memref<10000x128xf32, #tpu.memory_space<hbm>>) target(%arg14 : memref<80x128xf32, #tpu.memory_space<vmem>>) offsets(%dma_start3A_28 : memref<80xi32, #tpu.memory_space<vmem>>) semaphore(%arg23 : memref<!tpu.dma_semaphore, #tpu.memory_space<semaphore_mem>>)
    %scan3A = arith.constant 0 : i32
    %scan3A_32 = arith.constant 0 : i32
    %scan3A_33 = arith.constant 31 : i32
    %scan3A_34 = arith.addi %scan3A_32, %scan3A_33 : i32
    %scan3A_35 = arith.constant 1 : i32
    scf.for %scan3A_52 = %scan3A_32 to %scan3A_34 step %scan3A_35  : i32 {
      %mul3A_53 = arith.constant 4 : i32
      %mul3A_54 = arith.muli %scan3A_52, %mul3A_53 : i32
      %add3A_55 = arith.constant 0 : i32
      %add3A_56 = arith.addi %mul3A_54, %add3A_55 : i32
      %add3A_57 = arith.constant 4 : i32
      %add3A_58 = arith.addi %add3A_56, %add3A_57 : i32
      %sub3A = arith.constant 1 : i32
      %sub3A_59 = arith.subi %add3A_58, %sub3A : i32
      %lt3A = arith.constant 125 : i32
      %lt3A_60 = arith.cmpi slt, %sub3A_59, %lt3A : i32
      %convert_element_type3A = arith.extui %lt3A_60 : i1 to i32
      %cond3A = arith.constant 0 : i32
      %cond3A_61 = arith.cmpi ne, %convert_element_type3A, %cond3A : i32
      scf.if %cond3A_61 {
        %add3A_169 = arith.constant 4 : i32
        %add3A_170 = arith.addi %add3A_56, %add3A_169 : i32
        %sub3A_171 = arith.constant 1 : i32
        %sub3A_172 = arith.subi %add3A_170, %sub3A_171 : i32
        %mul3A_173 = arith.constant 80 : i32
        %mul3A_174 = arith.muli %sub3A_172, %mul3A_173 : i32
        %dma_start3A_175 = tpu.memref_slice %arg6[%mul3A_174] : memref<10000xi32, #tpu.memory_space<vmem>> -> memref<80xi32, #tpu.memory_space<vmem>>
        %dma_start3A_176 = arith.constant 0 : i32
        %dma_start3A_177 = arith.constant 0 : i32
        %dma_start3A_178 = tpu.memref_slice %arg2[%dma_start3A_176, %dma_start3A_177] : memref<10000x128xf32, #tpu.memory_space<hbm>> -> memref<10000x128xf32, #tpu.memory_space<hbm>>
        tpu.enqueue_indirect_dma source(%dma_start3A_178 : memref<10000x128xf32, #tpu.memory_space<hbm>>) target(%arg11 : memref<80x128xf32, #tpu.memory_space<vmem>>) offsets(%dma_start3A_175 : memref<80xi32, #tpu.memory_space<vmem>>) semaphore(%arg20 : memref<!tpu.dma_semaphore, #tpu.memory_space<semaphore_mem>>)
        %mul3A_179 = arith.constant 80 : i32
        %mul3A_180 = arith.muli %sub3A_172, %mul3A_179 : i32
        %dma_start3A_181 = tpu.memref_slice %arg7[%mul3A_180] : memref<10000xi32, #tpu.memory_space<vmem>> -> memref<80xi32, #tpu.memory_space<vmem>>
        %dma_start3A_182 = arith.constant 0 : i32
        %dma_start3A_183 = arith.constant 0 : i32
        %dma_start3A_184 = tpu.memref_slice %arg2[%dma_start3A_182, %dma_start3A_183] : memref<10000x128xf32, #tpu.memory_space<hbm>> -> memref<10000x128xf32, #tpu.memory_space<hbm>>
        tpu.enqueue_indirect_dma source(%dma_start3A_184 : memref<10000x128xf32, #tpu.memory_space<hbm>>) target(%arg15 : memref<80x128xf32, #tpu.memory_space<vmem>>) offsets(%dma_start3A_181 : memref<80xi32, #tpu.memory_space<vmem>>) semaphore(%arg24 : memref<!tpu.dma_semaphore, #tpu.memory_space<semaphore_mem>>)
      } else {
      }
      %dma_wait3A_62 = arith.constant 0 : i32
      %dma_wait3A_63 = tpu.memref_slice %arg6[%dma_wait3A_62] : memref<10000xi32, #tpu.memory_space<vmem>> -> memref<80xi32, #tpu.memory_space<vmem>>
      %dma_wait3A_64 = arith.constant 0 : i32
      %dma_wait3A_65 = arith.constant 0 : i32
      %dma_wait3A_66 = tpu.memref_slice %arg2[%dma_wait3A_64, %dma_wait3A_65] : memref<10000x128xf32, #tpu.memory_space<hbm>> -> memref<10000x128xf32, #tpu.memory_space<hbm>>
      tpu.wait_indirect_dma semaphore(%arg17 : memref<!tpu.dma_semaphore, #tpu.memory_space<semaphore_mem>>) src(%dma_wait3A_66 : memref<10000x128xf32, #tpu.memory_space<hbm>>) dst(%arg8 : memref<80x128xf32, #tpu.memory_space<vmem>>)
      %dma_wait3A_67 = arith.constant 0 : i32
      %dma_wait3A_68 = tpu.memref_slice %arg7[%dma_wait3A_67] : memref<10000xi32, #tpu.memory_space<vmem>> -> memref<80xi32, #tpu.memory_space<vmem>>
      %dma_wait3A_69 = arith.constant 0 : i32
      %dma_wait3A_70 = arith.constant 0 : i32
      %dma_wait3A_71 = tpu.memref_slice %arg2[%dma_wait3A_69, %dma_wait3A_70] : memref<10000x128xf32, #tpu.memory_space<hbm>> -> memref<10000x128xf32, #tpu.memory_space<hbm>>
      tpu.wait_indirect_dma semaphore(%arg21 : memref<!tpu.dma_semaphore, #tpu.memory_space<semaphore_mem>>) src(%dma_wait3A_71 : memref<10000x128xf32, #tpu.memory_space<hbm>>) dst(%arg12 : memref<80x128xf32, #tpu.memory_space<vmem>>)
      %iota3A_72 = tpu.iota {dimensions = array<i32: 0>} : vector<16xi32>
      %scan3A_73 = arith.constant 0 : i32
      %scan3A_74 = arith.constant 0 : i32
      %scan3A_75 = arith.constant 5 : i32
      %scan3A_76 = arith.addi %scan3A_74, %scan3A_75 : i32
      %scan3A_77 = arith.constant 1 : i32
      scf.for %scan3A_169 = %scan3A_74 to %scan3A_76 step %scan3A_77  : i32 {
        %mul3A_170 = arith.constant 16 : i32
        %mul3A_171 = arith.muli %scan3A_169, %mul3A_170 : i32
        %add3A_172 = vector.broadcast %mul3A_171 : i32 to vector<16xi32>
        %add3A_173 = arith.addi %add3A_172, %iota3A_72 : vector<16xi32>
        %broadcast_in_dim3A = arith.constant 0.000000e+00 : f32
        %broadcast_in_dim3A_174 = vector.broadcast %broadcast_in_dim3A : f32 to vector<16xf32>
        %scan3A_175 = arith.constant 0 : i32
        %scan3A_176 = arith.constant 128 : i32
        %scan3A_177 = arith.addi %scan3A_175, %scan3A_176 : i32
        %scan3A_178 = arith.constant 32 : i32
        %scan3A_179 = scf.for %scan3A_187 = %scan3A_175 to %scan3A_177 step %scan3A_178 iter_args(%scan3A_188 = %broadcast_in_dim3A_174) -> (vector<16xf32>)  : i32 {
          %add3A_189 = vector.broadcast %scan3A_187 : i32 to vector<16xi32>
          %add3A_190 = arith.addi %iota3A_72, %add3A_189 : vector<16xi32>
          %and3A = arith.constant 127 : i32
          %and3A_191 = vector.broadcast %and3A : i32 to vector<16xi32>
          %and3A_192 = arith.andi %add3A_190, %and3A_191 : vector<16xi32>
          %gather3A = tpu.vector_load_idx %arg8[%add3A_173, %and3A_192] : memref<80x128xf32, #tpu.memory_space<vmem>>[vector<16xi32>, vector<16xi32>], vector<16xf32>,
          %gather3A_193 = tpu.vector_load_idx %arg12[%add3A_173, %and3A_192] : memref<80x128xf32, #tpu.memory_space<vmem>>[vector<16xi32>, vector<16xi32>], vector<16xf32>,
          %mul3A_194 = arith.mulf %gather3A, %gather3A_193 : vector<16xf32>
          %add3A_195 = arith.addf %scan3A_188, %mul3A_194 : vector<16xf32>
          %scan3A_196 = arith.constant 1 : i32
          %scan3A_197 = arith.addi %scan3A_187, %scan3A_196 : i32
          %add3A_198 = vector.broadcast %scan3A_197 : i32 to vector<16xi32>
          %add3A_199 = arith.addi %iota3A_72, %add3A_198 : vector<16xi32>
          %and3A_200 = arith.constant 127 : i32
          %and3A_201 = vector.broadcast %and3A_200 : i32 to vector<16xi32>
          %and3A_202 = arith.andi %add3A_199, %and3A_201 : vector<16xi32>
          %gather3A_203 = tpu.vector_load_idx %arg8[%add3A_173, %and3A_202] : memref<80x128xf32, #tpu.memory_space<vmem>>[vector<16xi32>, vector<16xi32>], vector<16xf32>,
          %gather3A_204 = tpu.vector_load_idx %arg12[%add3A_173, %and3A_202] : memref<80x128xf32, #tpu.memory_space<vmem>>[vector<16xi32>, vector<16xi32>], vector<16xf32>,
          %mul3A_205 = arith.mulf %gather3A_203, %gather3A_204 : vector<16xf32>
          %add3A_206 = arith.addf %add3A_195, %mul3A_205 : vector<16xf32>
          %scan3A_207 = arith.constant 2 : i32
          %scan3A_208 = arith.addi %scan3A_187, %scan3A_207 : i32
          %add3A_209 = vector.broadcast %scan3A_208 : i32 to vector<16xi32>
          %add3A_210 = arith.addi %iota3A_72, %add3A_209 : vector<16xi32>
          %and3A_211 = arith.constant 127 : i32
          %and3A_212 = vector.broadcast %and3A_211 : i32 to vector<16xi32>
          %and3A_213 = arith.andi %add3A_210, %and3A_212 : vector<16xi32>
          %gather3A_214 = tpu.vector_load_idx %arg8[%add3A_173, %and3A_213] : memref<80x128xf32, #tpu.memory_space<vmem>>[vector<16xi32>, vector<16xi32>], vector<16xf32>,
          %gather3A_215 = tpu.vector_load_idx %arg12[%add3A_173, %and3A_213] : memref<80x128xf32, #tpu.memory_space<vmem>>[vector<16xi32>, vector<16xi32>], vector<16xf32>,
          %mul3A_216 = arith.mulf %gather3A_214, %gather3A_215 : vector<16xf32>
          %add3A_217 = arith.addf %add3A_206, %mul3A_216 : vector<16xf32>
          %scan3A_218 = arith.constant 3 : i32
          %scan3A_219 = arith.addi %scan3A_187, %scan3A_218 : i32
          %add3A_220 = vector.broadcast %scan3A_219 : i32 to vector<16xi32>
          %add3A_221 = arith.addi %iota3A_72, %add3A_220 : vector<16xi32>
          %and3A_222 = arith.constant 127 : i32
          %and3A_223 = vector.broadcast %and3A_222 : i32 to vector<16xi32>
          %and3A_224 = arith.andi %add3A_221, %and3A_223 : vector<16xi32>
          %gather3A_225 = tpu.vector_load_idx %arg8[%add3A_173, %and3A_224] : memref<80x128xf32, #tpu.memory_space<vmem>>[vector<16xi32>, vector<16xi32>], vector<16xf32>,
          %gather3A_226 = tpu.vector_load_idx %arg12[%add3A_173, %and3A_224] : memref<80x128xf32, #tpu.memory_space<vmem>>[vector<16xi32>, vector<16xi32>], vector<16xf32>,
          %mul3A_227 = arith.mulf %gather3A_225, %gather3A_226 : vector<16xf32>
          %add3A_228 = arith.addf %add3A_217, %mul3A_227 : vector<16xf32>
          %scan3A_229 = arith.constant 4 : i32
          %scan3A_230 = arith.addi %scan3A_187, %scan3A_229 : i32
          %add3A_231 = vector.broadcast %scan3A_230 : i32 to vector<16xi32>
          %add3A_232 = arith.addi %iota3A_72, %add3A_231 : vector<16xi32>
          %and3A_233 = arith.constant 127 : i32
          %and3A_234 = vector.broadcast %and3A_233 : i32 to vector<16xi32>
          %and3A_235 = arith.andi %add3A_232, %and3A_234 : vector<16xi32>
          %gather3A_236 = tpu.vector_load_idx %arg8[%add3A_173, %and3A_235] : memref<80x128xf32, #tpu.memory_space<vmem>>[vector<16xi32>, vector<16xi32>], vector<16xf32>,
          %gather3A_237 = tpu.vector_load_idx %arg12[%add3A_173, %and3A_235] : memref<80x128xf32, #tpu.memory_space<vmem>>[vector<16xi32>, vector<16xi32>], vector<16xf32>,
          %mul3A_238 = arith.mulf %gather3A_236, %gather3A_237 : vector<16xf32>
          %add3A_239 = arith.addf %add3A_228, %mul3A_238 : vector<16xf32>
          %scan3A_240 = arith.constant 5 : i32
          %scan3A_241 = arith.addi %scan3A_187, %scan3A_240 : i32
          %add3A_242 = vector.broadcast %scan3A_241 : i32 to vector<16xi32>
          %add3A_243 = arith.addi %iota3A_72, %add3A_242 : vector<16xi32>
          %and3A_244 = arith.constant 127 : i32
          %and3A_245 = vector.broadcast %and3A_244 : i32 to vector<16xi32>
          %and3A_246 = arith.andi %add3A_243, %and3A_245 : vector<16xi32>
          %gather3A_247 = tpu.vector_load_idx %arg8[%add3A_173, %and3A_246] : memref<80x128xf32, #tpu.memory_space<vmem>>[vector<16xi32>, vector<16xi32>], vector<16xf32>,
          %gather3A_248 = tpu.vector_load_idx %arg12[%add3A_173, %and3A_246] : memref<80x128xf32, #tpu.memory_space<vmem>>[vector<16xi32>, vector<16xi32>], vector<16xf32>,
          %mul3A_249 = arith.mulf %gather3A_247, %gather3A_248 : vector<16xf32>
          %add3A_250 = arith.addf %add3A_239, %mul3A_249 : vector<16xf32>
          %scan3A_251 = arith.constant 6 : i32
          %scan3A_252 = arith.addi %scan3A_187, %scan3A_251 : i32
          %add3A_253 = vector.broadcast %scan3A_252 : i32 to vector<16xi32>
          %add3A_254 = arith.addi %iota3A_72, %add3A_253 : vector<16xi32>
          %and3A_255 = arith.constant 127 : i32
          %and3A_256 = vector.broadcast %and3A_255 : i32 to vector<16xi32>
          %and3A_257 = arith.andi %add3A_254, %and3A_256 : vector<16xi32>
          %gather3A_258 = tpu.vector_load_idx %arg8[%add3A_173, %and3A_257] : memref<80x128xf32, #tpu.memory_space<vmem>>[vector<16xi32>, vector<16xi32>], vector<16xf32>,
          %gather3A_259 = tpu.vector_load_idx %arg12[%add3A_173, %and3A_257] : memref<80x128xf32, #tpu.memory_space<vmem>>[vector<16xi32>, vector<16xi32>], vector<16xf32>,
          %mul3A_260 = arith.mulf %gather3A_258, %gather3A_259 : vector<16xf32>
          %add3A_261 = arith.addf %add3A_250, %mul3A_260 : vector<16xf32>
          %scan3A_262 = arith.constant 7 : i32
          %scan3A_263 = arith.addi %scan3A_187, %scan3A_262 : i32
          %add3A_264 = vector.broadcast %scan3A_263 : i32 to vector<16xi32>
          %add3A_265 = arith.addi %iota3A_72, %add3A_264 : vector<16xi32>
          %and3A_266 = arith.constant 127 : i32
          %and3A_267 = vector.broadcast %and3A_266 : i32 to vector<16xi32>
          %and3A_268 = arith.andi %add3A_265, %and3A_267 : vector<16xi32>
          %gather3A_269 = tpu.vector_load_idx %arg8[%add3A_173, %and3A_268] : memref<80x128xf32, #tpu.memory_space<vmem>>[vector<16xi32>, vector<16xi32>], vector<16xf32>,
          %gather3A_270 = tpu.vector_load_idx %arg12[%add3A_173, %and3A_268] : memref<80x128xf32, #tpu.memory_space<vmem>>[vector<16xi32>, vector<16xi32>], vector<16xf32>,
          %mul3A_271 = arith.mulf %gather3A_269, %gather3A_270 : vector<16xf32>
          %add3A_272 = arith.addf %add3A_261, %mul3A_271 : vector<16xf32>
          %scan3A_273 = arith.constant 8 : i32
          %scan3A_274 = arith.addi %scan3A_187, %scan3A_273 : i32
          %add3A_275 = vector.broadcast %scan3A_274 : i32 to vector<16xi32>
          %add3A_276 = arith.addi %iota3A_72, %add3A_275 : vector<16xi32>
          %and3A_277 = arith.constant 127 : i32
          %and3A_278 = vector.broadcast %and3A_277 : i32 to vector<16xi32>
          %and3A_279 = arith.andi %add3A_276, %and3A_278 : vector<16xi32>
          %gather3A_280 = tpu.vector_load_idx %arg8[%add3A_173, %and3A_279] : memref<80x128xf32, #tpu.memory_space<vmem>>[vector<16xi32>, vector<16xi32>], vector<16xf32>,
          %gather3A_281 = tpu.vector_load_idx %arg12[%add3A_173, %and3A_279] : memref<80x128xf32, #tpu.memory_space<vmem>>[vector<16xi32>, vector<16xi32>], vector<16xf32>,
          %mul3A_282 = arith.mulf %gather3A_280, %gather3A_281 : vector<16xf32>
          %add3A_283 = arith.addf %add3A_272, %mul3A_282 : vector<16xf32>
          %scan3A_284 = arith.constant 9 : i32
          %scan3A_285 = arith.addi %scan3A_187, %scan3A_284 : i32
          %add3A_286 = vector.broadcast %scan3A_285 : i32 to vector<16xi32>
          %add3A_287 = arith.addi %iota3A_72, %add3A_286 : vector<16xi32>
          %and3A_288 = arith.constant 127 : i32
          %and3A_289 = vector.broadcast %and3A_288 : i32 to vector<16xi32>
          %and3A_290 = arith.andi %add3A_287, %and3A_289 : vector<16xi32>
          %gather3A_291 = tpu.vector_load_idx %arg8[%add3A_173, %and3A_290] : memref<80x128xf32, #tpu.memory_space<vmem>>[vector<16xi32>, vector<16xi32>], vector<16xf32>,
          %gather3A_292 = tpu.vector_load_idx %arg12[%add3A_173, %and3A_290] : memref<80x128xf32, #tpu.memory_space<vmem>>[vector<16xi32>, vector<16xi32>], vector<16xf32>,
          %mul3A_293 = arith.mulf %gather3A_291, %gather3A_292 : vector<16xf32>
          %add3A_294 = arith.addf %add3A_283, %mul3A_293 : vector<16xf32>
          %scan3A_295 = arith.constant 10 : i32
          %scan3A_296 = arith.addi %scan3A_187, %scan3A_295 : i32
          %add3A_297 = vector.broadcast %scan3A_296 : i32 to vector<16xi32>
          %add3A_298 = arith.addi %iota3A_72, %add3A_297 : vector<16xi32>
          %and3A_299 = arith.constant 127 : i32
          %and3A_300 = vector.broadcast %and3A_299 : i32 to vector<16xi32>
          %and3A_301 = arith.andi %add3A_298, %and3A_300 : vector<16xi32>
          %gather3A_302 = tpu.vector_load_idx %arg8[%add3A_173, %and3A_301] : memref<80x128xf32, #tpu.memory_space<vmem>>[vector<16xi32>, vector<16xi32>], vector<16xf32>,
          %gather3A_303 = tpu.vector_load_idx %arg12[%add3A_173, %and3A_301] : memref<80x128xf32, #tpu.memory_space<vmem>>[vector<16xi32>, vector<16xi32>], vector<16xf32>,
          %mul3A_304 = arith.mulf %gather3A_302, %gather3A_303 : vector<16xf32>
          %add3A_305 = arith.addf %add3A_294, %mul3A_304 : vector<16xf32>
          %scan3A_306 = arith.constant 11 : i32
          %scan3A_307 = arith.addi %scan3A_187, %scan3A_306 : i32
          %add3A_308 = vector.broadcast %scan3A_307 : i32 to vector<16xi32>
          %add3A_309 = arith.addi %iota3A_72, %add3A_308 : vector<16xi32>
          %and3A_310 = arith.constant 127 : i32
          %and3A_311 = vector.broadcast %and3A_310 : i32 to vector<16xi32>
          %and3A_312 = arith.andi %add3A_309, %and3A_311 : vector<16xi32>
          %gather3A_313 = tpu.vector_load_idx %arg8[%add3A_173, %and3A_312] : memref<80x128xf32, #tpu.memory_space<vmem>>[vector<16xi32>, vector<16xi32>], vector<16xf32>,
          %gather3A_314 = tpu.vector_load_idx %arg12[%add3A_173, %and3A_312] : memref<80x128xf32, #tpu.memory_space<vmem>>[vector<16xi32>, vector<16xi32>], vector<16xf32>,
          %mul3A_315 = arith.mulf %gather3A_313, %gather3A_314 : vector<16xf32>
          %add3A_316 = arith.addf %add3A_305, %mul3A_315 : vector<16xf32>
          %scan3A_317 = arith.constant 12 : i32
          %scan3A_318 = arith.addi %scan3A_187, %scan3A_317 : i32
          %add3A_319 = vector.broadcast %scan3A_318 : i32 to vector<16xi32>
          %add3A_320 = arith.addi %iota3A_72, %add3A_319 : vector<16xi32>
          %and3A_321 = arith.constant 127 : i32
          %and3A_322 = vector.broadcast %and3A_321 : i32 to vector<16xi32>
          %and3A_323 = arith.andi %add3A_320, %and3A_322 : vector<16xi32>
          %gather3A_324 = tpu.vector_load_idx %arg8[%add3A_173, %and3A_323] : memref<80x128xf32, #tpu.memory_space<vmem>>[vector<16xi32>, vector<16xi32>], vector<16xf32>,
          %gather3A_325 = tpu.vector_load_idx %arg12[%add3A_173, %and3A_323] : memref<80x128xf32, #tpu.memory_space<vmem>>[vector<16xi32>, vector<16xi32>], vector<16xf32>,
          %mul3A_326 = arith.mulf %gather3A_324, %gather3A_325 : vector<16xf32>
          %add3A_327 = arith.addf %add3A_316, %mul3A_326 : vector<16xf32>
          %scan3A_328 = arith.constant 13 : i32
          %scan3A_329 = arith.addi %scan3A_187, %scan3A_328 : i32
          %add3A_330 = vector.broadcast %scan3A_329 : i32 to vector<16xi32>
          %add3A_331 = arith.addi %iota3A_72, %add3A_330 : vector<16xi32>
          %and3A_332 = arith.constant 127 : i32
          %and3A_333 = vector.broadcast %and3A_332 : i32 to vector<16xi32>
          %and3A_334 = arith.andi %add3A_331, %and3A_333 : vector<16xi32>
          %gather3A_335 = tpu.vector_load_idx %arg8[%add3A_173, %and3A_334] : memref<80x128xf32, #tpu.memory_space<vmem>>[vector<16xi32>, vector<16xi32>], vector<16xf32>,
          %gather3A_336 = tpu.vector_load_idx %arg12[%add3A_173, %and3A_334] : memref<80x128xf32, #tpu.memory_space<vmem>>[vector<16xi32>, vector<16xi32>], vector<16xf32>,
          %mul3A_337 = arith.mulf %gather3A_335, %gather3A_336 : vector<16xf32>
          %add3A_338 = arith.addf %add3A_327, %mul3A_337 : vector<16xf32>
          %scan3A_339 = arith.constant 14 : i32
          %scan3A_340 = arith.addi %scan3A_187, %scan3A_339 : i32
          %add3A_341 = vector.broadcast %scan3A_340 : i32 to vector<16xi32>
          %add3A_342 = arith.addi %iota3A_72, %add3A_341 : vector<16xi32>
          %and3A_343 = arith.constant 127 : i32
          %and3A_344 = vector.broadcast %and3A_343 : i32 to vector<16xi32>
          %and3A_345 = arith.andi %add3A_342, %and3A_344 : vector<16xi32>
          %gather3A_346 = tpu.vector_load_idx %arg8[%add3A_173, %and3A_345] : memref<80x128xf32, #tpu.memory_space<vmem>>[vector<16xi32>, vector<16xi32>], vector<16xf32>,
          %gather3A_347 = tpu.vector_load_idx %arg12[%add3A_173, %and3A_345] : memref<80x128xf32, #tpu.memory_space<vmem>>[vector<16xi32>, vector<16xi32>], vector<16xf32>,
          %mul3A_348 = arith.mulf %gather3A_346, %gather3A_347 : vector<16xf32>
          %add3A_349 = arith.addf %add3A_338, %mul3A_348 : vector<16xf32>
          %scan3A_350 = arith.constant 15 : i32
          %scan3A_351 = arith.addi %scan3A_187, %scan3A_350 : i32
          %add3A_352 = vector.broadcast %scan3A_351 : i32 to vector<16xi32>
          %add3A_353 = arith.addi %iota3A_72, %add3A_352 : vector<16xi32>
          %and3A_354 = arith.constant 127 : i32
          %and3A_355 = vector.broadcast %and3A_354 : i32 to vector<16xi32>
          %and3A_356 = arith.andi %add3A_353, %and3A_355 : vector<16xi32>
          %gather3A_357 = tpu.vector_load_idx %arg8[%add3A_173, %and3A_356] : memref<80x128xf32, #tpu.memory_space<vmem>>[vector<16xi32>, vector<16xi32>], vector<16xf32>,
          %gather3A_358 = tpu.vector_load_idx %arg12[%add3A_173, %and3A_356] : memref<80x128xf32, #tpu.memory_space<vmem>>[vector<16xi32>, vector<16xi32>], vector<16xf32>,
          %mul3A_359 = arith.mulf %gather3A_357, %gather3A_358 : vector<16xf32>
          %add3A_360 = arith.addf %add3A_349, %mul3A_359 : vector<16xf32>
          %scan3A_361 = arith.constant 16 : i32
          %scan3A_362 = arith.addi %scan3A_187, %scan3A_361 : i32
          %add3A_363 = vector.broadcast %scan3A_362 : i32 to vector<16xi32>
          %add3A_364 = arith.addi %iota3A_72, %add3A_363 : vector<16xi32>
          %and3A_365 = arith.constant 127 : i32
          %and3A_366 = vector.broadcast %and3A_365 : i32 to vector<16xi32>
          %and3A_367 = arith.andi %add3A_364, %and3A_366 : vector<16xi32>
          %gather3A_368 = tpu.vector_load_idx %arg8[%add3A_173, %and3A_367] : memref<80x128xf32, #tpu.memory_space<vmem>>[vector<16xi32>, vector<16xi32>], vector<16xf32>,
          %gather3A_369 = tpu.vector_load_idx %arg12[%add3A_173, %and3A_367] : memref<80x128xf32, #tpu.memory_space<vmem>>[vector<16xi32>, vector<16xi32>], vector<16xf32>,
          %mul3A_370 = arith.mulf %gather3A_368, %gather3A_369 : vector<16xf32>
          %add3A_371 = arith.addf %add3A_360, %mul3A_370 : vector<16xf32>
          %scan3A_372 = arith.constant 17 : i32
          %scan3A_373 = arith.addi %scan3A_187, %scan3A_372 : i32
          %add3A_374 = vector.broadcast %scan3A_373 : i32 to vector<16xi32>
          %add3A_375 = arith.addi %iota3A_72, %add3A_374 : vector<16xi32>
          %and3A_376 = arith.constant 127 : i32
          %and3A_377 = vector.broadcast %and3A_376 : i32 to vector<16xi32>
          %and3A_378 = arith.andi %add3A_375, %and3A_377 : vector<16xi32>
          %gather3A_379 = tpu.vector_load_idx %arg8[%add3A_173, %and3A_378] : memref<80x128xf32, #tpu.memory_space<vmem>>[vector<16xi32>, vector<16xi32>], vector<16xf32>,
          %gather3A_380 = tpu.vector_load_idx %arg12[%add3A_173, %and3A_378] : memref<80x128xf32, #tpu.memory_space<vmem>>[vector<16xi32>, vector<16xi32>], vector<16xf32>,
          %mul3A_381 = arith.mulf %gather3A_379, %gather3A_380 : vector<16xf32>
          %add3A_382 = arith.addf %add3A_371, %mul3A_381 : vector<16xf32>
          %scan3A_383 = arith.constant 18 : i32
          %scan3A_384 = arith.addi %scan3A_187, %scan3A_383 : i32
          %add3A_385 = vector.broadcast %scan3A_384 : i32 to vector<16xi32>
          %add3A_386 = arith.addi %iota3A_72, %add3A_385 : vector<16xi32>
          %and3A_387 = arith.constant 127 : i32
          %and3A_388 = vector.broadcast %and3A_387 : i32 to vector<16xi32>
          %and3A_389 = arith.andi %add3A_386, %and3A_388 : vector<16xi32>
          %gather3A_390 = tpu.vector_load_idx %arg8[%add3A_173, %and3A_389] : memref<80x128xf32, #tpu.memory_space<vmem>>[vector<16xi32>, vector<16xi32>], vector<16xf32>,
          %gather3A_391 = tpu.vector_load_idx %arg12[%add3A_173, %and3A_389] : memref<80x128xf32, #tpu.memory_space<vmem>>[vector<16xi32>, vector<16xi32>], vector<16xf32>,
          %mul3A_392 = arith.mulf %gather3A_390, %gather3A_391 : vector<16xf32>
          %add3A_393 = arith.addf %add3A_382, %mul3A_392 : vector<16xf32>
          %scan3A_394 = arith.constant 19 : i32
          %scan3A_395 = arith.addi %scan3A_187, %scan3A_394 : i32
          %add3A_396 = vector.broadcast %scan3A_395 : i32 to vector<16xi32>
          %add3A_397 = arith.addi %iota3A_72, %add3A_396 : vector<16xi32>
          %and3A_398 = arith.constant 127 : i32
          %and3A_399 = vector.broadcast %and3A_398 : i32 to vector<16xi32>
          %and3A_400 = arith.andi %add3A_397, %and3A_399 : vector<16xi32>
          %gather3A_401 = tpu.vector_load_idx %arg8[%add3A_173, %and3A_400] : memref<80x128xf32, #tpu.memory_space<vmem>>[vector<16xi32>, vector<16xi32>], vector<16xf32>,
          %gather3A_402 = tpu.vector_load_idx %arg12[%add3A_173, %and3A_400] : memref<80x128xf32, #tpu.memory_space<vmem>>[vector<16xi32>, vector<16xi32>], vector<16xf32>,
          %mul3A_403 = arith.mulf %gather3A_401, %gather3A_402 : vector<16xf32>
          %add3A_404 = arith.addf %add3A_393, %mul3A_403 : vector<16xf32>
          %scan3A_405 = arith.constant 20 : i32
          %scan3A_406 = arith.addi %scan3A_187, %scan3A_405 : i32
          %add3A_407 = vector.broadcast %scan3A_406 : i32 to vector<16xi32>
          %add3A_408 = arith.addi %iota3A_72, %add3A_407 : vector<16xi32>
          %and3A_409 = arith.constant 127 : i32
          %and3A_410 = vector.broadcast %and3A_409 : i32 to vector<16xi32>
          %and3A_411 = arith.andi %add3A_408, %and3A_410 : vector<16xi32>
          %gather3A_412 = tpu.vector_load_idx %arg8[%add3A_173, %and3A_411] : memref<80x128xf32, #tpu.memory_space<vmem>>[vector<16xi32>, vector<16xi32>], vector<16xf32>,
          %gather3A_413 = tpu.vector_load_idx %arg12[%add3A_173, %and3A_411] : memref<80x128xf32, #tpu.memory_space<vmem>>[vector<16xi32>, vector<16xi32>], vector<16xf32>,
          %mul3A_414 = arith.mulf %gather3A_412, %gather3A_413 : vector<16xf32>
          %add3A_415 = arith.addf %add3A_404, %mul3A_414 : vector<16xf32>
          %scan3A_416 = arith.constant 21 : i32
          %scan3A_417 = arith.addi %scan3A_187, %scan3A_416 : i32
          %add3A_418 = vector.broadcast %scan3A_417 : i32 to vector<16xi32>
          %add3A_419 = arith.addi %iota3A_72, %add3A_418 : vector<16xi32>
          %and3A_420 = arith.constant 127 : i32
          %and3A_421 = vector.broadcast %and3A_420 : i32 to vector<16xi32>
          %and3A_422 = arith.andi %add3A_419, %and3A_421 : vector<16xi32>
          %gather3A_423 = tpu.vector_load_idx %arg8[%add3A_173, %and3A_422] : memref<80x128xf32, #tpu.memory_space<vmem>>[vector<16xi32>, vector<16xi32>], vector<16xf32>,
          %gather3A_424 = tpu.vector_load_idx %arg12[%add3A_173, %and3A_422] : memref<80x128xf32, #tpu.memory_space<vmem>>[vector<16xi32>, vector<16xi32>], vector<16xf32>,
          %mul3A_425 = arith.mulf %gather3A_423, %gather3A_424 : vector<16xf32>
          %add3A_426 = arith.addf %add3A_415, %mul3A_425 : vector<16xf32>
          %scan3A_427 = arith.constant 22 : i32
          %scan3A_428 = arith.addi %scan3A_187, %scan3A_427 : i32
          %add3A_429 = vector.broadcast %scan3A_428 : i32 to vector<16xi32>
          %add3A_430 = arith.addi %iota3A_72, %add3A_429 : vector<16xi32>
          %and3A_431 = arith.constant 127 : i32
          %and3A_432 = vector.broadcast %and3A_431 : i32 to vector<16xi32>
          %and3A_433 = arith.andi %add3A_430, %and3A_432 : vector<16xi32>
          %gather3A_434 = tpu.vector_load_idx %arg8[%add3A_173, %and3A_433] : memref<80x128xf32, #tpu.memory_space<vmem>>[vector<16xi32>, vector<16xi32>], vector<16xf32>,
          %gather3A_435 = tpu.vector_load_idx %arg12[%add3A_173, %and3A_433] : memref<80x128xf32, #tpu.memory_space<vmem>>[vector<16xi32>, vector<16xi32>], vector<16xf32>,
          %mul3A_436 = arith.mulf %gather3A_434, %gather3A_435 : vector<16xf32>
          %add3A_437 = arith.addf %add3A_426, %mul3A_436 : vector<16xf32>
          %scan3A_438 = arith.constant 23 : i32
          %scan3A_439 = arith.addi %scan3A_187, %scan3A_438 : i32
          %add3A_440 = vector.broadcast %scan3A_439 : i32 to vector<16xi32>
          %add3A_441 = arith.addi %iota3A_72, %add3A_440 : vector<16xi32>
          %and3A_442 = arith.constant 127 : i32
          %and3A_443 = vector.broadcast %and3A_442 : i32 to vector<16xi32>
          %and3A_444 = arith.andi %add3A_441, %and3A_443 : vector<16xi32>
          %gather3A_445 = tpu.vector_load_idx %arg8[%add3A_173, %and3A_444] : memref<80x128xf32, #tpu.memory_space<vmem>>[vector<16xi32>, vector<16xi32>], vector<16xf32>,
          %gather3A_446 = tpu.vector_load_idx %arg12[%add3A_173, %and3A_444] : memref<80x128xf32, #tpu.memory_space<vmem>>[vector<16xi32>, vector<16xi32>], vector<16xf32>,
          %mul3A_447 = arith.mulf %gather3A_445, %gather3A_446 : vector<16xf32>
          %add3A_448 = arith.addf %add3A_437, %mul3A_447 : vector<16xf32>
          %scan3A_449 = arith.constant 24 : i32
          %scan3A_450 = arith.addi %scan3A_187, %scan3A_449 : i32
          %add3A_451 = vector.broadcast %scan3A_450 : i32 to vector<16xi32>
          %add3A_452 = arith.addi %iota3A_72, %add3A_451 : vector<16xi32>
          %and3A_453 = arith.constant 127 : i32
          %and3A_454 = vector.broadcast %and3A_453 : i32 to vector<16xi32>
          %and3A_455 = arith.andi %add3A_452, %and3A_454 : vector<16xi32>
          %gather3A_456 = tpu.vector_load_idx %arg8[%add3A_173, %and3A_455] : memref<80x128xf32, #tpu.memory_space<vmem>>[vector<16xi32>, vector<16xi32>], vector<16xf32>,
          %gather3A_457 = tpu.vector_load_idx %arg12[%add3A_173, %and3A_455] : memref<80x128xf32, #tpu.memory_space<vmem>>[vector<16xi32>, vector<16xi32>], vector<16xf32>,
          %mul3A_458 = arith.mulf %gather3A_456, %gather3A_457 : vector<16xf32>
          %add3A_459 = arith.addf %add3A_448, %mul3A_458 : vector<16xf32>
          %scan3A_460 = arith.constant 25 : i32
          %scan3A_461 = arith.addi %scan3A_187, %scan3A_460 : i32
          %add3A_462 = vector.broadcast %scan3A_461 : i32 to vector<16xi32>
          %add3A_463 = arith.addi %iota3A_72, %add3A_462 : vector<16xi32>
          %and3A_464 = arith.constant 127 : i32
          %and3A_465 = vector.broadcast %and3A_464 : i32 to vector<16xi32>
          %and3A_466 = arith.andi %add3A_463, %and3A_465 : vector<16xi32>
          %gather3A_467 = tpu.vector_load_idx %arg8[%add3A_173, %and3A_466] : memref<80x128xf32, #tpu.memory_space<vmem>>[vector<16xi32>, vector<16xi32>], vector<16xf32>,
          %gather3A_468 = tpu.vector_load_idx %arg12[%add3A_173, %and3A_466] : memref<80x128xf32, #tpu.memory_space<vmem>>[vector<16xi32>, vector<16xi32>], vector<16xf32>,
          %mul3A_469 = arith.mulf %gather3A_467, %gather3A_468 : vector<16xf32>
          %add3A_470 = arith.addf %add3A_459, %mul3A_469 : vector<16xf32>
          %scan3A_471 = arith.constant 26 : i32
          %scan3A_472 = arith.addi %scan3A_187, %scan3A_471 : i32
          %add3A_473 = vector.broadcast %scan3A_472 : i32 to vector<16xi32>
          %add3A_474 = arith.addi %iota3A_72, %add3A_473 : vector<16xi32>
          %and3A_475 = arith.constant 127 : i32
          %and3A_476 = vector.broadcast %and3A_475 : i32 to vector<16xi32>
          %and3A_477 = arith.andi %add3A_474, %and3A_476 : vector<16xi32>
          %gather3A_478 = tpu.vector_load_idx %arg8[%add3A_173, %and3A_477] : memref<80x128xf32, #tpu.memory_space<vmem>>[vector<16xi32>, vector<16xi32>], vector<16xf32>,
          %gather3A_479 = tpu.vector_load_idx %arg12[%add3A_173, %and3A_477] : memref<80x128xf32, #tpu.memory_space<vmem>>[vector<16xi32>, vector<16xi32>], vector<16xf32>,
          %mul3A_480 = arith.mulf %gather3A_478, %gather3A_479 : vector<16xf32>
          %add3A_481 = arith.addf %add3A_470, %mul3A_480 : vector<16xf32>
          %scan3A_482 = arith.constant 27 : i32
          %scan3A_483 = arith.addi %scan3A_187, %scan3A_482 : i32
          %add3A_484 = vector.broadcast %scan3A_483 : i32 to vector<16xi32>
          %add3A_485 = arith.addi %iota3A_72, %add3A_484 : vector<16xi32>
          %and3A_486 = arith.constant 127 : i32
          %and3A_487 = vector.broadcast %and3A_486 : i32 to vector<16xi32>
          %and3A_488 = arith.andi %add3A_485, %and3A_487 : vector<16xi32>
          %gather3A_489 = tpu.vector_load_idx %arg8[%add3A_173, %and3A_488] : memref<80x128xf32, #tpu.memory_space<vmem>>[vector<16xi32>, vector<16xi32>], vector<16xf32>,
          %gather3A_490 = tpu.vector_load_idx %arg12[%add3A_173, %and3A_488] : memref<80x128xf32, #tpu.memory_space<vmem>>[vector<16xi32>, vector<16xi32>], vector<16xf32>,
          %mul3A_491 = arith.mulf %gather3A_489, %gather3A_490 : vector<16xf32>
          %add3A_492 = arith.addf %add3A_481, %mul3A_491 : vector<16xf32>
          %scan3A_493 = arith.constant 28 : i32
          %scan3A_494 = arith.addi %scan3A_187, %scan3A_493 : i32
          %add3A_495 = vector.broadcast %scan3A_494 : i32 to vector<16xi32>
          %add3A_496 = arith.addi %iota3A_72, %add3A_495 : vector<16xi32>
          %and3A_497 = arith.constant 127 : i32
          %and3A_498 = vector.broadcast %and3A_497 : i32 to vector<16xi32>
          %and3A_499 = arith.andi %add3A_496, %and3A_498 : vector<16xi32>
          %gather3A_500 = tpu.vector_load_idx %arg8[%add3A_173, %and3A_499] : memref<80x128xf32, #tpu.memory_space<vmem>>[vector<16xi32>, vector<16xi32>], vector<16xf32>,
          %gather3A_501 = tpu.vector_load_idx %arg12[%add3A_173, %and3A_499] : memref<80x128xf32, #tpu.memory_space<vmem>>[vector<16xi32>, vector<16xi32>], vector<16xf32>,
          %mul3A_502 = arith.mulf %gather3A_500, %gather3A_501 : vector<16xf32>
          %add3A_503 = arith.addf %add3A_492, %mul3A_502 : vector<16xf32>
          %scan3A_504 = arith.constant 29 : i32
          %scan3A_505 = arith.addi %scan3A_187, %scan3A_504 : i32
          %add3A_506 = vector.broadcast %scan3A_505 : i32 to vector<16xi32>
          %add3A_507 = arith.addi %iota3A_72, %add3A_506 : vector<16xi32>
          %and3A_508 = arith.constant 127 : i32
          %and3A_509 = vector.broadcast %and3A_508 : i32 to vector<16xi32>
          %and3A_510 = arith.andi %add3A_507, %and3A_509 : vector<16xi32>
          %gather3A_511 = tpu.vector_load_idx %arg8[%add3A_173, %and3A_510] : memref<80x128xf32, #tpu.memory_space<vmem>>[vector<16xi32>, vector<16xi32>], vector<16xf32>,
          %gather3A_512 = tpu.vector_load_idx %arg12[%add3A_173, %and3A_510] : memref<80x128xf32, #tpu.memory_space<vmem>>[vector<16xi32>, vector<16xi32>], vector<16xf32>,
          %mul3A_513 = arith.mulf %gather3A_511, %gather3A_512 : vector<16xf32>
          %add3A_514 = arith.addf %add3A_503, %mul3A_513 : vector<16xf32>
          %scan3A_515 = arith.constant 30 : i32
          %scan3A_516 = arith.addi %scan3A_187, %scan3A_515 : i32
          %add3A_517 = vector.broadcast %scan3A_516 : i32 to vector<16xi32>
          %add3A_518 = arith.addi %iota3A_72, %add3A_517 : vector<16xi32>
          %and3A_519 = arith.constant 127 : i32
          %and3A_520 = vector.broadcast %and3A_519 : i32 to vector<16xi32>
          %and3A_521 = arith.andi %add3A_518, %and3A_520 : vector<16xi32>
          %gather3A_522 = tpu.vector_load_idx %arg8[%add3A_173, %and3A_521] : memref<80x128xf32, #tpu.memory_space<vmem>>[vector<16xi32>, vector<16xi32>], vector<16xf32>,
          %gather3A_523 = tpu.vector_load_idx %arg12[%add3A_173, %and3A_521] : memref<80x128xf32, #tpu.memory_space<vmem>>[vector<16xi32>, vector<16xi32>], vector<16xf32>,
          %mul3A_524 = arith.mulf %gather3A_522, %gather3A_523 : vector<16xf32>
          %add3A_525 = arith.addf %add3A_514, %mul3A_524 : vector<16xf32>
          %scan3A_526 = arith.constant 31 : i32
          %scan3A_527 = arith.addi %scan3A_187, %scan3A_526 : i32
          %add3A_528 = vector.broadcast %scan3A_527 : i32 to vector<16xi32>
          %add3A_529 = arith.addi %iota3A_72, %add3A_528 : vector<16xi32>
          %and3A_530 = arith.constant 127 : i32
          %and3A_531 = vector.broadcast %and3A_530 : i32 to vector<16xi32>
          %and3A_532 = arith.andi %add3A_529, %and3A_531 : vector<16xi32>
          %gather3A_533 = tpu.vector_load_idx %arg8[%add3A_173, %and3A_532] : memref<80x128xf32, #tpu.memory_space<vmem>>[vector<16xi32>, vector<16xi32>], vector<16xf32>,
          %gather3A_534 = tpu.vector_load_idx %arg12[%add3A_173, %and3A_532] : memref<80x128xf32, #tpu.memory_space<vmem>>[vector<16xi32>, vector<16xi32>], vector<16xf32>,
          %mul3A_535 = arith.mulf %gather3A_533, %gather3A_534 : vector<16xf32>
          %add3A_536 = arith.addf %add3A_525, %mul3A_535 : vector<16xf32>
          scf.yield %add3A_536 : vector<16xf32>
        }
        %scan3A_180 = arith.constant 128 : i32
        %mul3A_181 = arith.constant 80 : i32
        %mul3A_182 = arith.muli %add3A_56, %mul3A_181 : i32
        %mul3A_183 = arith.constant 16 : i32
        %mul3A_184 = arith.muli %scan3A_169, %mul3A_183 : i32
        %add3A_185 = arith.addi %mul3A_182, %mul3A_184 : i32
        %swap3A = arith.index_cast %add3A_185 : i32 to index
        %swap3A_186 = tpu.vector_load %arg16[%swap3A] {strides = array<i32>} : memref<10000xf32, #tpu.memory_space<vmem>>, vector<16xf32>,
        tpu.vector_store %arg16[%swap3A], %scan3A_179 {strides = array<i32>} : memref<10000xf32, #tpu.memory_space<vmem>>, vector<16xf32>,
      }
      %scan3A_78 = arith.constant 5 : i32
      %mul3A_79 = arith.constant 4 : i32
      %mul3A_80 = arith.muli %scan3A_52, %mul3A_79 : i32
      %add3A_81 = arith.constant 1 : i32
      %add3A_82 = arith.addi %mul3A_80, %add3A_81 : i32
      %add3A_83 = arith.constant 4 : i32
      %add3A_84 = arith.addi %add3A_82, %add3A_83 : i32
      %sub3A_85 = arith.constant 1 : i32
      %sub3A_86 = arith.subi %add3A_84, %sub3A_85 : i32
      %lt3A_87 = arith.constant 125 : i32
      %lt3A_88 = arith.cmpi slt, %sub3A_86, %lt3A_87 : i32
      %convert_element_type3A_89 = arith.extui %lt3A_88 : i1 to i32
      %cond3A_90 = arith.constant 0 : i32
      %cond3A_91 = arith.cmpi ne, %convert_element_type3A_89, %cond3A_90 : i32
      scf.if %cond3A_91 {
        %add3A_169 = arith.constant 4 : i32
        %add3A_170 = arith.addi %add3A_82, %add3A_169 : i32
        %sub3A_171 = arith.constant 1 : i32
        %sub3A_172 = arith.subi %add3A_170, %sub3A_171 : i32
        %mul3A_173 = arith.constant 80 : i32
        %mul3A_174 = arith.muli %sub3A_172, %mul3A_173 : i32
        %dma_start3A_175 = tpu.memref_slice %arg6[%mul3A_174] : memref<10000xi32, #tpu.memory_space<vmem>> -> memref<80xi32, #tpu.memory_space<vmem>>
        %dma_start3A_176 = arith.constant 0 : i32
        %dma_start3A_177 = arith.constant 0 : i32
        %dma_start3A_178 = tpu.memref_slice %arg2[%dma_start3A_176, %dma_start3A_177] : memref<10000x128xf32, #tpu.memory_space<hbm>> -> memref<10000x128xf32, #tpu.memory_space<hbm>>
        tpu.enqueue_indirect_dma source(%dma_start3A_178 : memref<10000x128xf32, #tpu.memory_space<hbm>>) target(%arg8 : memref<80x128xf32, #tpu.memory_space<vmem>>) offsets(%dma_start3A_175 : memref<80xi32, #tpu.memory_space<vmem>>) semaphore(%arg17 : memref<!tpu.dma_semaphore, #tpu.memory_space<semaphore_mem>>)
        %mul3A_179 = arith.constant 80 : i32
        %mul3A_180 = arith.muli %sub3A_172, %mul3A_179 : i32
        %dma_start3A_181 = tpu.memref_slice %arg7[%mul3A_180] : memref<10000xi32, #tpu.memory_space<vmem>> -> memref<80xi32, #tpu.memory_space<vmem>>
        %dma_start3A_182 = arith.constant 0 : i32
        %dma_start3A_183 = arith.constant 0 : i32
        %dma_start3A_184 = tpu.memref_slice %arg2[%dma_start3A_182, %dma_start3A_183] : memref<10000x128xf32, #tpu.memory_space<hbm>> -> memref<10000x128xf32, #tpu.memory_space<hbm>>
        tpu.enqueue_indirect_dma source(%dma_start3A_184 : memref<10000x128xf32, #tpu.memory_space<hbm>>) target(%arg12 : memref<80x128xf32, #tpu.memory_space<vmem>>) offsets(%dma_start3A_181 : memref<80xi32, #tpu.memory_space<vmem>>) semaphore(%arg21 : memref<!tpu.dma_semaphore, #tpu.memory_space<semaphore_mem>>)
      } else {
      }
      %dma_wait3A_92 = arith.constant 0 : i32
      %dma_wait3A_93 = tpu.memref_slice %arg6[%dma_wait3A_92] : memref<10000xi32, #tpu.memory_space<vmem>> -> memref<80xi32, #tpu.memory_space<vmem>>
      %dma_wait3A_94 = arith.constant 0 : i32
      %dma_wait3A_95 = arith.constant 0 : i32
      %dma_wait3A_96 = tpu.memref_slice %arg2[%dma_wait3A_94, %dma_wait3A_95] : memref<10000x128xf32, #tpu.memory_space<hbm>> -> memref<10000x128xf32, #tpu.memory_space<hbm>>
      tpu.wait_indirect_dma semaphore(%arg18 : memref<!tpu.dma_semaphore, #tpu.memory_space<semaphore_mem>>) src(%dma_wait3A_96 : memref<10000x128xf32, #tpu.memory_space<hbm>>) dst(%arg9 : memref<80x128xf32, #tpu.memory_space<vmem>>)
      %dma_wait3A_97 = arith.constant 0 : i32
      %dma_wait3A_98 = tpu.memref_slice %arg7[%dma_wait3A_97] : memref<10000xi32, #tpu.memory_space<vmem>> -> memref<80xi32, #tpu.memory_space<vmem>>
      %dma_wait3A_99 = arith.constant 0 : i32
      %dma_wait3A_100 = arith.constant 0 : i32
      %dma_wait3A_101 = tpu.memref_slice %arg2[%dma_wait3A_99, %dma_wait3A_100] : memref<10000x128xf32, #tpu.memory_space<hbm>> -> memref<10000x128xf32, #tpu.memory_space<hbm>>
      tpu.wait_indirect_dma semaphore(%arg22 : memref<!tpu.dma_semaphore, #tpu.memory_space<semaphore_mem>>) src(%dma_wait3A_101 : memref<10000x128xf32, #tpu.memory_space<hbm>>) dst(%arg13 : memref<80x128xf32, #tpu.memory_space<vmem>>)
      %iota3A_102 = tpu.iota {dimensions = array<i32: 0>} : vector<16xi32>
      %scan3A_103 = arith.constant 0 : i32
      %scan3A_104 = arith.constant 0 : i32
      %scan3A_105 = arith.constant 5 : i32
      %scan3A_106 = arith.addi %scan3A_104, %scan3A_105 : i32
      %scan3A_107 = arith.constant 1 : i32
      scf.for %scan3A_169 = %scan3A_104 to %scan3A_106 step %scan3A_107  : i32 {
        %mul3A_170 = arith.constant 16 : i32
        %mul3A_171 = arith.muli %scan3A_169, %mul3A_170 : i32
        %add3A_172 = vector.broadcast %mul3A_171 : i32 to vector<16xi32>
        %add3A_173 = arith.addi %add3A_172, %iota3A_102 : vector<16xi32>
        %broadcast_in_dim3A = arith.constant 0.000000e+00 : f32
        %broadcast_in_dim3A_174 = vector.broadcast %broadcast_in_dim3A : f32 to vector<16xf32>
        %scan3A_175 = arith.constant 0 : i32
        %scan3A_176 = arith.constant 128 : i32
        %scan3A_177 = arith.addi %scan3A_175, %scan3A_176 : i32
        %scan3A_178 = arith.constant 32 : i32
        %scan3A_179 = scf.for %scan3A_187 = %scan3A_175 to %scan3A_177 step %scan3A_178 iter_args(%scan3A_188 = %broadcast_in_dim3A_174) -> (vector<16xf32>)  : i32 {
          %add3A_189 = vector.broadcast %scan3A_187 : i32 to vector<16xi32>
          %add3A_190 = arith.addi %iota3A_102, %add3A_189 : vector<16xi32>
          %and3A = arith.constant 127 : i32
          %and3A_191 = vector.broadcast %and3A : i32 to vector<16xi32>
          %and3A_192 = arith.andi %add3A_190, %and3A_191 : vector<16xi32>
          %gather3A = tpu.vector_load_idx %arg9[%add3A_173, %and3A_192] : memref<80x128xf32, #tpu.memory_space<vmem>>[vector<16xi32>, vector<16xi32>], vector<16xf32>,
          %gather3A_193 = tpu.vector_load_idx %arg13[%add3A_173, %and3A_192] : memref<80x128xf32, #tpu.memory_space<vmem>>[vector<16xi32>, vector<16xi32>], vector<16xf32>,
          %mul3A_194 = arith.mulf %gather3A, %gather3A_193 : vector<16xf32>
          %add3A_195 = arith.addf %scan3A_188, %mul3A_194 : vector<16xf32>
          %scan3A_196 = arith.constant 1 : i32
          %scan3A_197 = arith.addi %scan3A_187, %scan3A_196 : i32
          %add3A_198 = vector.broadcast %scan3A_197 : i32 to vector<16xi32>
          %add3A_199 = arith.addi %iota3A_102, %add3A_198 : vector<16xi32>
          %and3A_200 = arith.constant 127 : i32
          %and3A_201 = vector.broadcast %and3A_200 : i32 to vector<16xi32>
          %and3A_202 = arith.andi %add3A_199, %and3A_201 : vector<16xi32>
          %gather3A_203 = tpu.vector_load_idx %arg9[%add3A_173, %and3A_202] : memref<80x128xf32, #tpu.memory_space<vmem>>[vector<16xi32>, vector<16xi32>], vector<16xf32>,
          %gather3A_204 = tpu.vector_load_idx %arg13[%add3A_173, %and3A_202] : memref<80x128xf32, #tpu.memory_space<vmem>>[vector<16xi32>, vector<16xi32>], vector<16xf32>,
          %mul3A_205 = arith.mulf %gather3A_203, %gather3A_204 : vector<16xf32>
          %add3A_206 = arith.addf %add3A_195, %mul3A_205 : vector<16xf32>
          %scan3A_207 = arith.constant 2 : i32
          %scan3A_208 = arith.addi %scan3A_187, %scan3A_207 : i32
          %add3A_209 = vector.broadcast %scan3A_208 : i32 to vector<16xi32>
          %add3A_210 = arith.addi %iota3A_102, %add3A_209 : vector<16xi32>
          %and3A_211 = arith.constant 127 : i32
          %and3A_212 = vector.broadcast %and3A_211 : i32 to vector<16xi32>
          %and3A_213 = arith.andi %add3A_210, %and3A_212 : vector<16xi32>
          %gather3A_214 = tpu.vector_load_idx %arg9[%add3A_173, %and3A_213] : memref<80x128xf32, #tpu.memory_space<vmem>>[vector<16xi32>, vector<16xi32>], vector<16xf32>,
          %gather3A_215 = tpu.vector_load_idx %arg13[%add3A_173, %and3A_213] : memref<80x128xf32, #tpu.memory_space<vmem>>[vector<16xi32>, vector<16xi32>], vector<16xf32>,
          %mul3A_216 = arith.mulf %gather3A_214, %gather3A_215 : vector<16xf32>
          %add3A_217 = arith.addf %add3A_206, %mul3A_216 : vector<16xf32>
          %scan3A_218 = arith.constant 3 : i32
          %scan3A_219 = arith.addi %scan3A_187, %scan3A_218 : i32
          %add3A_220 = vector.broadcast %scan3A_219 : i32 to vector<16xi32>
          %add3A_221 = arith.addi %iota3A_102, %add3A_220 : vector<16xi32>
          %and3A_222 = arith.constant 127 : i32
          %and3A_223 = vector.broadcast %and3A_222 : i32 to vector<16xi32>
          %and3A_224 = arith.andi %add3A_221, %and3A_223 : vector<16xi32>
          %gather3A_225 = tpu.vector_load_idx %arg9[%add3A_173, %and3A_224] : memref<80x128xf32, #tpu.memory_space<vmem>>[vector<16xi32>, vector<16xi32>], vector<16xf32>,
          %gather3A_226 = tpu.vector_load_idx %arg13[%add3A_173, %and3A_224] : memref<80x128xf32, #tpu.memory_space<vmem>>[vector<16xi32>, vector<16xi32>], vector<16xf32>,
          %mul3A_227 = arith.mulf %gather3A_225, %gather3A_226 : vector<16xf32>
          %add3A_228 = arith.addf %add3A_217, %mul3A_227 : vector<16xf32>
          %scan3A_229 = arith.constant 4 : i32
          %scan3A_230 = arith.addi %scan3A_187, %scan3A_229 : i32
          %add3A_231 = vector.broadcast %scan3A_230 : i32 to vector<16xi32>
          %add3A_232 = arith.addi %iota3A_102, %add3A_231 : vector<16xi32>
          %and3A_233 = arith.constant 127 : i32
          %and3A_234 = vector.broadcast %and3A_233 : i32 to vector<16xi32>
          %and3A_235 = arith.andi %add3A_232, %and3A_234 : vector<16xi32>
          %gather3A_236 = tpu.vector_load_idx %arg9[%add3A_173, %and3A_235] : memref<80x128xf32, #tpu.memory_space<vmem>>[vector<16xi32>, vector<16xi32>], vector<16xf32>,
          %gather3A_237 = tpu.vector_load_idx %arg13[%add3A_173, %and3A_235] : memref<80x128xf32, #tpu.memory_space<vmem>>[vector<16xi32>, vector<16xi32>], vector<16xf32>,
          %mul3A_238 = arith.mulf %gather3A_236, %gather3A_237 : vector<16xf32>
          %add3A_239 = arith.addf %add3A_228, %mul3A_238 : vector<16xf32>
          %scan3A_240 = arith.constant 5 : i32
          %scan3A_241 = arith.addi %scan3A_187, %scan3A_240 : i32
          %add3A_242 = vector.broadcast %scan3A_241 : i32 to vector<16xi32>
          %add3A_243 = arith.addi %iota3A_102, %add3A_242 : vector<16xi32>
          %and3A_244 = arith.constant 127 : i32
          %and3A_245 = vector.broadcast %and3A_244 : i32 to vector<16xi32>
          %and3A_246 = arith.andi %add3A_243, %and3A_245 : vector<16xi32>
          %gather3A_247 = tpu.vector_load_idx %arg9[%add3A_173, %and3A_246] : memref<80x128xf32, #tpu.memory_space<vmem>>[vector<16xi32>, vector<16xi32>], vector<16xf32>,
          %gather3A_248 = tpu.vector_load_idx %arg13[%add3A_173, %and3A_246] : memref<80x128xf32, #tpu.memory_space<vmem>>[vector<16xi32>, vector<16xi32>], vector<16xf32>,
          %mul3A_249 = arith.mulf %gather3A_247, %gather3A_248 : vector<16xf32>
          %add3A_250 = arith.addf %add3A_239, %mul3A_249 : vector<16xf32>
          %scan3A_251 = arith.constant 6 : i32
          %scan3A_252 = arith.addi %scan3A_187, %scan3A_251 : i32
          %add3A_253 = vector.broadcast %scan3A_252 : i32 to vector<16xi32>
          %add3A_254 = arith.addi %iota3A_102, %add3A_253 : vector<16xi32>
          %and3A_255 = arith.constant 127 : i32
          %and3A_256 = vector.broadcast %and3A_255 : i32 to vector<16xi32>
          %and3A_257 = arith.andi %add3A_254, %and3A_256 : vector<16xi32>
          %gather3A_258 = tpu.vector_load_idx %arg9[%add3A_173, %and3A_257] : memref<80x128xf32, #tpu.memory_space<vmem>>[vector<16xi32>, vector<16xi32>], vector<16xf32>,
          %gather3A_259 = tpu.vector_load_idx %arg13[%add3A_173, %and3A_257] : memref<80x128xf32, #tpu.memory_space<vmem>>[vector<16xi32>, vector<16xi32>], vector<16xf32>,
          %mul3A_260 = arith.mulf %gather3A_258, %gather3A_259 : vector<16xf32>
          %add3A_261 = arith.addf %add3A_250, %mul3A_260 : vector<16xf32>
          %scan3A_262 = arith.constant 7 : i32
          %scan3A_263 = arith.addi %scan3A_187, %scan3A_262 : i32
          %add3A_264 = vector.broadcast %scan3A_263 : i32 to vector<16xi32>
          %add3A_265 = arith.addi %iota3A_102, %add3A_264 : vector<16xi32>
          %and3A_266 = arith.constant 127 : i32
          %and3A_267 = vector.broadcast %and3A_266 : i32 to vector<16xi32>
          %and3A_268 = arith.andi %add3A_265, %and3A_267 : vector<16xi32>
          %gather3A_269 = tpu.vector_load_idx %arg9[%add3A_173, %and3A_268] : memref<80x128xf32, #tpu.memory_space<vmem>>[vector<16xi32>, vector<16xi32>], vector<16xf32>,
          %gather3A_270 = tpu.vector_load_idx %arg13[%add3A_173, %and3A_268] : memref<80x128xf32, #tpu.memory_space<vmem>>[vector<16xi32>, vector<16xi32>], vector<16xf32>,
          %mul3A_271 = arith.mulf %gather3A_269, %gather3A_270 : vector<16xf32>
          %add3A_272 = arith.addf %add3A_261, %mul3A_271 : vector<16xf32>
          %scan3A_273 = arith.constant 8 : i32
          %scan3A_274 = arith.addi %scan3A_187, %scan3A_273 : i32
          %add3A_275 = vector.broadcast %scan3A_274 : i32 to vector<16xi32>
          %add3A_276 = arith.addi %iota3A_102, %add3A_275 : vector<16xi32>
          %and3A_277 = arith.constant 127 : i32
          %and3A_278 = vector.broadcast %and3A_277 : i32 to vector<16xi32>
          %and3A_279 = arith.andi %add3A_276, %and3A_278 : vector<16xi32>
          %gather3A_280 = tpu.vector_load_idx %arg9[%add3A_173, %and3A_279] : memref<80x128xf32, #tpu.memory_space<vmem>>[vector<16xi32>, vector<16xi32>], vector<16xf32>,
          %gather3A_281 = tpu.vector_load_idx %arg13[%add3A_173, %and3A_279] : memref<80x128xf32, #tpu.memory_space<vmem>>[vector<16xi32>, vector<16xi32>], vector<16xf32>,
          %mul3A_282 = arith.mulf %gather3A_280, %gather3A_281 : vector<16xf32>
          %add3A_283 = arith.addf %add3A_272, %mul3A_282 : vector<16xf32>
          %scan3A_284 = arith.constant 9 : i32
          %scan3A_285 = arith.addi %scan3A_187, %scan3A_284 : i32
          %add3A_286 = vector.broadcast %scan3A_285 : i32 to vector<16xi32>
          %add3A_287 = arith.addi %iota3A_102, %add3A_286 : vector<16xi32>
          %and3A_288 = arith.constant 127 : i32
          %and3A_289 = vector.broadcast %and3A_288 : i32 to vector<16xi32>
          %and3A_290 = arith.andi %add3A_287, %and3A_289 : vector<16xi32>
          %gather3A_291 = tpu.vector_load_idx %arg9[%add3A_173, %and3A_290] : memref<80x128xf32, #tpu.memory_space<vmem>>[vector<16xi32>, vector<16xi32>], vector<16xf32>,
          %gather3A_292 = tpu.vector_load_idx %arg13[%add3A_173, %and3A_290] : memref<80x128xf32, #tpu.memory_space<vmem>>[vector<16xi32>, vector<16xi32>], vector<16xf32>,
          %mul3A_293 = arith.mulf %gather3A_291, %gather3A_292 : vector<16xf32>
          %add3A_294 = arith.addf %add3A_283, %mul3A_293 : vector<16xf32>
          %scan3A_295 = arith.constant 10 : i32
          %scan3A_296 = arith.addi %scan3A_187, %scan3A_295 : i32
          %add3A_297 = vector.broadcast %scan3A_296 : i32 to vector<16xi32>
          %add3A_298 = arith.addi %iota3A_102, %add3A_297 : vector<16xi32>
          %and3A_299 = arith.constant 127 : i32
          %and3A_300 = vector.broadcast %and3A_299 : i32 to vector<16xi32>
          %and3A_301 = arith.andi %add3A_298, %and3A_300 : vector<16xi32>
          %gather3A_302 = tpu.vector_load_idx %arg9[%add3A_173, %and3A_301] : memref<80x128xf32, #tpu.memory_space<vmem>>[vector<16xi32>, vector<16xi32>], vector<16xf32>,
          %gather3A_303 = tpu.vector_load_idx %arg13[%add3A_173, %and3A_301] : memref<80x128xf32, #tpu.memory_space<vmem>>[vector<16xi32>, vector<16xi32>], vector<16xf32>,
          %mul3A_304 = arith.mulf %gather3A_302, %gather3A_303 : vector<16xf32>
          %add3A_305 = arith.addf %add3A_294, %mul3A_304 : vector<16xf32>
          %scan3A_306 = arith.constant 11 : i32
          %scan3A_307 = arith.addi %scan3A_187, %scan3A_306 : i32
          %add3A_308 = vector.broadcast %scan3A_307 : i32 to vector<16xi32>
          %add3A_309 = arith.addi %iota3A_102, %add3A_308 : vector<16xi32>
          %and3A_310 = arith.constant 127 : i32
          %and3A_311 = vector.broadcast %and3A_310 : i32 to vector<16xi32>
          %and3A_312 = arith.andi %add3A_309, %and3A_311 : vector<16xi32>
          %gather3A_313 = tpu.vector_load_idx %arg9[%add3A_173, %and3A_312] : memref<80x128xf32, #tpu.memory_space<vmem>>[vector<16xi32>, vector<16xi32>], vector<16xf32>,
          %gather3A_314 = tpu.vector_load_idx %arg13[%add3A_173, %and3A_312] : memref<80x128xf32, #tpu.memory_space<vmem>>[vector<16xi32>, vector<16xi32>], vector<16xf32>,
          %mul3A_315 = arith.mulf %gather3A_313, %gather3A_314 : vector<16xf32>
          %add3A_316 = arith.addf %add3A_305, %mul3A_315 : vector<16xf32>
          %scan3A_317 = arith.constant 12 : i32
          %scan3A_318 = arith.addi %scan3A_187, %scan3A_317 : i32
          %add3A_319 = vector.broadcast %scan3A_318 : i32 to vector<16xi32>
          %add3A_320 = arith.addi %iota3A_102, %add3A_319 : vector<16xi32>
          %and3A_321 = arith.constant 127 : i32
          %and3A_322 = vector.broadcast %and3A_321 : i32 to vector<16xi32>
          %and3A_323 = arith.andi %add3A_320, %and3A_322 : vector<16xi32>
          %gather3A_324 = tpu.vector_load_idx %arg9[%add3A_173, %and3A_323] : memref<80x128xf32, #tpu.memory_space<vmem>>[vector<16xi32>, vector<16xi32>], vector<16xf32>,
          %gather3A_325 = tpu.vector_load_idx %arg13[%add3A_173, %and3A_323] : memref<80x128xf32, #tpu.memory_space<vmem>>[vector<16xi32>, vector<16xi32>], vector<16xf32>,
          %mul3A_326 = arith.mulf %gather3A_324, %gather3A_325 : vector<16xf32>
          %add3A_327 = arith.addf %add3A_316, %mul3A_326 : vector<16xf32>
          %scan3A_328 = arith.constant 13 : i32
          %scan3A_329 = arith.addi %scan3A_187, %scan3A_328 : i32
          %add3A_330 = vector.broadcast %scan3A_329 : i32 to vector<16xi32>
          %add3A_331 = arith.addi %iota3A_102, %add3A_330 : vector<16xi32>
          %and3A_332 = arith.constant 127 : i32
          %and3A_333 = vector.broadcast %and3A_332 : i32 to vector<16xi32>
          %and3A_334 = arith.andi %add3A_331, %and3A_333 : vector<16xi32>
          %gather3A_335 = tpu.vector_load_idx %arg9[%add3A_173, %and3A_334] : memref<80x128xf32, #tpu.memory_space<vmem>>[vector<16xi32>, vector<16xi32>], vector<16xf32>,
          %gather3A_336 = tpu.vector_load_idx %arg13[%add3A_173, %and3A_334] : memref<80x128xf32, #tpu.memory_space<vmem>>[vector<16xi32>, vector<16xi32>], vector<16xf32>,
          %mul3A_337 = arith.mulf %gather3A_335, %gather3A_336 : vector<16xf32>
          %add3A_338 = arith.addf %add3A_327, %mul3A_337 : vector<16xf32>
          %scan3A_339 = arith.constant 14 : i32
          %scan3A_340 = arith.addi %scan3A_187, %scan3A_339 : i32
          %add3A_341 = vector.broadcast %scan3A_340 : i32 to vector<16xi32>
          %add3A_342 = arith.addi %iota3A_102, %add3A_341 : vector<16xi32>
          %and3A_343 = arith.constant 127 : i32
          %and3A_344 = vector.broadcast %and3A_343 : i32 to vector<16xi32>
          %and3A_345 = arith.andi %add3A_342, %and3A_344 : vector<16xi32>
          %gather3A_346 = tpu.vector_load_idx %arg9[%add3A_173, %and3A_345] : memref<80x128xf32, #tpu.memory_space<vmem>>[vector<16xi32>, vector<16xi32>], vector<16xf32>,
          %gather3A_347 = tpu.vector_load_idx %arg13[%add3A_173, %and3A_345] : memref<80x128xf32, #tpu.memory_space<vmem>>[vector<16xi32>, vector<16xi32>], vector<16xf32>,
          %mul3A_348 = arith.mulf %gather3A_346, %gather3A_347 : vector<16xf32>
          %add3A_349 = arith.addf %add3A_338, %mul3A_348 : vector<16xf32>
          %scan3A_350 = arith.constant 15 : i32
          %scan3A_351 = arith.addi %scan3A_187, %scan3A_350 : i32
          %add3A_352 = vector.broadcast %scan3A_351 : i32 to vector<16xi32>
          %add3A_353 = arith.addi %iota3A_102, %add3A_352 : vector<16xi32>
          %and3A_354 = arith.constant 127 : i32
          %and3A_355 = vector.broadcast %and3A_354 : i32 to vector<16xi32>
          %and3A_356 = arith.andi %add3A_353, %and3A_355 : vector<16xi32>
          %gather3A_357 = tpu.vector_load_idx %arg9[%add3A_173, %and3A_356] : memref<80x128xf32, #tpu.memory_space<vmem>>[vector<16xi32>, vector<16xi32>], vector<16xf32>,
          %gather3A_358 = tpu.vector_load_idx %arg13[%add3A_173, %and3A_356] : memref<80x128xf32, #tpu.memory_space<vmem>>[vector<16xi32>, vector<16xi32>], vector<16xf32>,
          %mul3A_359 = arith.mulf %gather3A_357, %gather3A_358 : vector<16xf32>
          %add3A_360 = arith.addf %add3A_349, %mul3A_359 : vector<16xf32>
          %scan3A_361 = arith.constant 16 : i32
          %scan3A_362 = arith.addi %scan3A_187, %scan3A_361 : i32
          %add3A_363 = vector.broadcast %scan3A_362 : i32 to vector<16xi32>
          %add3A_364 = arith.addi %iota3A_102, %add3A_363 : vector<16xi32>
          %and3A_365 = arith.constant 127 : i32
          %and3A_366 = vector.broadcast %and3A_365 : i32 to vector<16xi32>
          %and3A_367 = arith.andi %add3A_364, %and3A_366 : vector<16xi32>
          %gather3A_368 = tpu.vector_load_idx %arg9[%add3A_173, %and3A_367] : memref<80x128xf32, #tpu.memory_space<vmem>>[vector<16xi32>, vector<16xi32>], vector<16xf32>,
          %gather3A_369 = tpu.vector_load_idx %arg13[%add3A_173, %and3A_367] : memref<80x128xf32, #tpu.memory_space<vmem>>[vector<16xi32>, vector<16xi32>], vector<16xf32>,
          %mul3A_370 = arith.mulf %gather3A_368, %gather3A_369 : vector<16xf32>
          %add3A_371 = arith.addf %add3A_360, %mul3A_370 : vector<16xf32>
          %scan3A_372 = arith.constant 17 : i32
          %scan3A_373 = arith.addi %scan3A_187, %scan3A_372 : i32
          %add3A_374 = vector.broadcast %scan3A_373 : i32 to vector<16xi32>
          %add3A_375 = arith.addi %iota3A_102, %add3A_374 : vector<16xi32>
          %and3A_376 = arith.constant 127 : i32
          %and3A_377 = vector.broadcast %and3A_376 : i32 to vector<16xi32>
          %and3A_378 = arith.andi %add3A_375, %and3A_377 : vector<16xi32>
          %gather3A_379 = tpu.vector_load_idx %arg9[%add3A_173, %and3A_378] : memref<80x128xf32, #tpu.memory_space<vmem>>[vector<16xi32>, vector<16xi32>], vector<16xf32>,
          %gather3A_380 = tpu.vector_load_idx %arg13[%add3A_173, %and3A_378] : memref<80x128xf32, #tpu.memory_space<vmem>>[vector<16xi32>, vector<16xi32>], vector<16xf32>,
          %mul3A_381 = arith.mulf %gather3A_379, %gather3A_380 : vector<16xf32>
          %add3A_382 = arith.addf %add3A_371, %mul3A_381 : vector<16xf32>
          %scan3A_383 = arith.constant 18 : i32
          %scan3A_384 = arith.addi %scan3A_187, %scan3A_383 : i32
          %add3A_385 = vector.broadcast %scan3A_384 : i32 to vector<16xi32>
          %add3A_386 = arith.addi %iota3A_102, %add3A_385 : vector<16xi32>
          %and3A_387 = arith.constant 127 : i32
          %and3A_388 = vector.broadcast %and3A_387 : i32 to vector<16xi32>
          %and3A_389 = arith.andi %add3A_386, %and3A_388 : vector<16xi32>
          %gather3A_390 = tpu.vector_load_idx %arg9[%add3A_173, %and3A_389] : memref<80x128xf32, #tpu.memory_space<vmem>>[vector<16xi32>, vector<16xi32>], vector<16xf32>,
          %gather3A_391 = tpu.vector_load_idx %arg13[%add3A_173, %and3A_389] : memref<80x128xf32, #tpu.memory_space<vmem>>[vector<16xi32>, vector<16xi32>], vector<16xf32>,
          %mul3A_392 = arith.mulf %gather3A_390, %gather3A_391 : vector<16xf32>
          %add3A_393 = arith.addf %add3A_382, %mul3A_392 : vector<16xf32>
          %scan3A_394 = arith.constant 19 : i32
          %scan3A_395 = arith.addi %scan3A_187, %scan3A_394 : i32
          %add3A_396 = vector.broadcast %scan3A_395 : i32 to vector<16xi32>
          %add3A_397 = arith.addi %iota3A_102, %add3A_396 : vector<16xi32>
          %and3A_398 = arith.constant 127 : i32
          %and3A_399 = vector.broadcast %and3A_398 : i32 to vector<16xi32>
          %and3A_400 = arith.andi %add3A_397, %and3A_399 : vector<16xi32>
          %gather3A_401 = tpu.vector_load_idx %arg9[%add3A_173, %and3A_400] : memref<80x128xf32, #tpu.memory_space<vmem>>[vector<16xi32>, vector<16xi32>], vector<16xf32>,
          %gather3A_402 = tpu.vector_load_idx %arg13[%add3A_173, %and3A_400] : memref<80x128xf32, #tpu.memory_space<vmem>>[vector<16xi32>, vector<16xi32>], vector<16xf32>,
          %mul3A_403 = arith.mulf %gather3A_401, %gather3A_402 : vector<16xf32>
          %add3A_404 = arith.addf %add3A_393, %mul3A_403 : vector<16xf32>
          %scan3A_405 = arith.constant 20 : i32
          %scan3A_406 = arith.addi %scan3A_187, %scan3A_405 : i32
          %add3A_407 = vector.broadcast %scan3A_406 : i32 to vector<16xi32>
          %add3A_408 = arith.addi %iota3A_102, %add3A_407 : vector<16xi32>
          %and3A_409 = arith.constant 127 : i32
          %and3A_410 = vector.broadcast %and3A_409 : i32 to vector<16xi32>
          %and3A_411 = arith.andi %add3A_408, %and3A_410 : vector<16xi32>
          %gather3A_412 = tpu.vector_load_idx %arg9[%add3A_173, %and3A_411] : memref<80x128xf32, #tpu.memory_space<vmem>>[vector<16xi32>, vector<16xi32>], vector<16xf32>,
          %gather3A_413 = tpu.vector_load_idx %arg13[%add3A_173, %and3A_411] : memref<80x128xf32, #tpu.memory_space<vmem>>[vector<16xi32>, vector<16xi32>], vector<16xf32>,
          %mul3A_414 = arith.mulf %gather3A_412, %gather3A_413 : vector<16xf32>
          %add3A_415 = arith.addf %add3A_404, %mul3A_414 : vector<16xf32>
          %scan3A_416 = arith.constant 21 : i32
          %scan3A_417 = arith.addi %scan3A_187, %scan3A_416 : i32
          %add3A_418 = vector.broadcast %scan3A_417 : i32 to vector<16xi32>
          %add3A_419 = arith.addi %iota3A_102, %add3A_418 : vector<16xi32>
          %and3A_420 = arith.constant 127 : i32
          %and3A_421 = vector.broadcast %and3A_420 : i32 to vector<16xi32>
          %and3A_422 = arith.andi %add3A_419, %and3A_421 : vector<16xi32>
          %gather3A_423 = tpu.vector_load_idx %arg9[%add3A_173, %and3A_422] : memref<80x128xf32, #tpu.memory_space<vmem>>[vector<16xi32>, vector<16xi32>], vector<16xf32>,
          %gather3A_424 = tpu.vector_load_idx %arg13[%add3A_173, %and3A_422] : memref<80x128xf32, #tpu.memory_space<vmem>>[vector<16xi32>, vector<16xi32>], vector<16xf32>,
          %mul3A_425 = arith.mulf %gather3A_423, %gather3A_424 : vector<16xf32>
          %add3A_426 = arith.addf %add3A_415, %mul3A_425 : vector<16xf32>
          %scan3A_427 = arith.constant 22 : i32
          %scan3A_428 = arith.addi %scan3A_187, %scan3A_427 : i32
          %add3A_429 = vector.broadcast %scan3A_428 : i32 to vector<16xi32>
          %add3A_430 = arith.addi %iota3A_102, %add3A_429 : vector<16xi32>
          %and3A_431 = arith.constant 127 : i32
          %and3A_432 = vector.broadcast %and3A_431 : i32 to vector<16xi32>
          %and3A_433 = arith.andi %add3A_430, %and3A_432 : vector<16xi32>
          %gather3A_434 = tpu.vector_load_idx %arg9[%add3A_173, %and3A_433] : memref<80x128xf32, #tpu.memory_space<vmem>>[vector<16xi32>, vector<16xi32>], vector<16xf32>,
          %gather3A_435 = tpu.vector_load_idx %arg13[%add3A_173, %and3A_433] : memref<80x128xf32, #tpu.memory_space<vmem>>[vector<16xi32>, vector<16xi32>], vector<16xf32>,
          %mul3A_436 = arith.mulf %gather3A_434, %gather3A_435 : vector<16xf32>
          %add3A_437 = arith.addf %add3A_426, %mul3A_436 : vector<16xf32>
          %scan3A_438 = arith.constant 23 : i32
          %scan3A_439 = arith.addi %scan3A_187, %scan3A_438 : i32
          %add3A_440 = vector.broadcast %scan3A_439 : i32 to vector<16xi32>
          %add3A_441 = arith.addi %iota3A_102, %add3A_440 : vector<16xi32>
          %and3A_442 = arith.constant 127 : i32
          %and3A_443 = vector.broadcast %and3A_442 : i32 to vector<16xi32>
          %and3A_444 = arith.andi %add3A_441, %and3A_443 : vector<16xi32>
          %gather3A_445 = tpu.vector_load_idx %arg9[%add3A_173, %and3A_444] : memref<80x128xf32, #tpu.memory_space<vmem>>[vector<16xi32>, vector<16xi32>], vector<16xf32>,
          %gather3A_446 = tpu.vector_load_idx %arg13[%add3A_173, %and3A_444] : memref<80x128xf32, #tpu.memory_space<vmem>>[vector<16xi32>, vector<16xi32>], vector<16xf32>,
          %mul3A_447 = arith.mulf %gather3A_445, %gather3A_446 : vector<16xf32>
          %add3A_448 = arith.addf %add3A_437, %mul3A_447 : vector<16xf32>
          %scan3A_449 = arith.constant 24 : i32
          %scan3A_450 = arith.addi %scan3A_187, %scan3A_449 : i32
          %add3A_451 = vector.broadcast %scan3A_450 : i32 to vector<16xi32>
          %add3A_452 = arith.addi %iota3A_102, %add3A_451 : vector<16xi32>
          %and3A_453 = arith.constant 127 : i32
          %and3A_454 = vector.broadcast %and3A_453 : i32 to vector<16xi32>
          %and3A_455 = arith.andi %add3A_452, %and3A_454 : vector<16xi32>
          %gather3A_456 = tpu.vector_load_idx %arg9[%add3A_173, %and3A_455] : memref<80x128xf32, #tpu.memory_space<vmem>>[vector<16xi32>, vector<16xi32>], vector<16xf32>,
          %gather3A_457 = tpu.vector_load_idx %arg13[%add3A_173, %and3A_455] : memref<80x128xf32, #tpu.memory_space<vmem>>[vector<16xi32>, vector<16xi32>], vector<16xf32>,
          %mul3A_458 = arith.mulf %gather3A_456, %gather3A_457 : vector<16xf32>
          %add3A_459 = arith.addf %add3A_448, %mul3A_458 : vector<16xf32>
          %scan3A_460 = arith.constant 25 : i32
          %scan3A_461 = arith.addi %scan3A_187, %scan3A_460 : i32
          %add3A_462 = vector.broadcast %scan3A_461 : i32 to vector<16xi32>
          %add3A_463 = arith.addi %iota3A_102, %add3A_462 : vector<16xi32>
          %and3A_464 = arith.constant 127 : i32
          %and3A_465 = vector.broadcast %and3A_464 : i32 to vector<16xi32>
          %and3A_466 = arith.andi %add3A_463, %and3A_465 : vector<16xi32>
          %gather3A_467 = tpu.vector_load_idx %arg9[%add3A_173, %and3A_466] : memref<80x128xf32, #tpu.memory_space<vmem>>[vector<16xi32>, vector<16xi32>], vector<16xf32>,
          %gather3A_468 = tpu.vector_load_idx %arg13[%add3A_173, %and3A_466] : memref<80x128xf32, #tpu.memory_space<vmem>>[vector<16xi32>, vector<16xi32>], vector<16xf32>,
          %mul3A_469 = arith.mulf %gather3A_467, %gather3A_468 : vector<16xf32>
          %add3A_470 = arith.addf %add3A_459, %mul3A_469 : vector<16xf32>
          %scan3A_471 = arith.constant 26 : i32
          %scan3A_472 = arith.addi %scan3A_187, %scan3A_471 : i32
          %add3A_473 = vector.broadcast %scan3A_472 : i32 to vector<16xi32>
          %add3A_474 = arith.addi %iota3A_102, %add3A_473 : vector<16xi32>
          %and3A_475 = arith.constant 127 : i32
          %and3A_476 = vector.broadcast %and3A_475 : i32 to vector<16xi32>
          %and3A_477 = arith.andi %add3A_474, %and3A_476 : vector<16xi32>
          %gather3A_478 = tpu.vector_load_idx %arg9[%add3A_173, %and3A_477] : memref<80x128xf32, #tpu.memory_space<vmem>>[vector<16xi32>, vector<16xi32>], vector<16xf32>,
          %gather3A_479 = tpu.vector_load_idx %arg13[%add3A_173, %and3A_477] : memref<80x128xf32, #tpu.memory_space<vmem>>[vector<16xi32>, vector<16xi32>], vector<16xf32>,
          %mul3A_480 = arith.mulf %gather3A_478, %gather3A_479 : vector<16xf32>
          %add3A_481 = arith.addf %add3A_470, %mul3A_480 : vector<16xf32>
          %scan3A_482 = arith.constant 27 : i32
          %scan3A_483 = arith.addi %scan3A_187, %scan3A_482 : i32
          %add3A_484 = vector.broadcast %scan3A_483 : i32 to vector<16xi32>
          %add3A_485 = arith.addi %iota3A_102, %add3A_484 : vector<16xi32>
          %and3A_486 = arith.constant 127 : i32
          %and3A_487 = vector.broadcast %and3A_486 : i32 to vector<16xi32>
          %and3A_488 = arith.andi %add3A_485, %and3A_487 : vector<16xi32>
          %gather3A_489 = tpu.vector_load_idx %arg9[%add3A_173, %and3A_488] : memref<80x128xf32, #tpu.memory_space<vmem>>[vector<16xi32>, vector<16xi32>], vector<16xf32>,
          %gather3A_490 = tpu.vector_load_idx %arg13[%add3A_173, %and3A_488] : memref<80x128xf32, #tpu.memory_space<vmem>>[vector<16xi32>, vector<16xi32>], vector<16xf32>,
          %mul3A_491 = arith.mulf %gather3A_489, %gather3A_490 : vector<16xf32>
          %add3A_492 = arith.addf %add3A_481, %mul3A_491 : vector<16xf32>
          %scan3A_493 = arith.constant 28 : i32
          %scan3A_494 = arith.addi %scan3A_187, %scan3A_493 : i32
          %add3A_495 = vector.broadcast %scan3A_494 : i32 to vector<16xi32>
          %add3A_496 = arith.addi %iota3A_102, %add3A_495 : vector<16xi32>
          %and3A_497 = arith.constant 127 : i32
          %and3A_498 = vector.broadcast %and3A_497 : i32 to vector<16xi32>
          %and3A_499 = arith.andi %add3A_496, %and3A_498 : vector<16xi32>
          %gather3A_500 = tpu.vector_load_idx %arg9[%add3A_173, %and3A_499] : memref<80x128xf32, #tpu.memory_space<vmem>>[vector<16xi32>, vector<16xi32>], vector<16xf32>,
          %gather3A_501 = tpu.vector_load_idx %arg13[%add3A_173, %and3A_499] : memref<80x128xf32, #tpu.memory_space<vmem>>[vector<16xi32>, vector<16xi32>], vector<16xf32>,
          %mul3A_502 = arith.mulf %gather3A_500, %gather3A_501 : vector<16xf32>
          %add3A_503 = arith.addf %add3A_492, %mul3A_502 : vector<16xf32>
          %scan3A_504 = arith.constant 29 : i32
          %scan3A_505 = arith.addi %scan3A_187, %scan3A_504 : i32
          %add3A_506 = vector.broadcast %scan3A_505 : i32 to vector<16xi32>
          %add3A_507 = arith.addi %iota3A_102, %add3A_506 : vector<16xi32>
          %and3A_508 = arith.constant 127 : i32
          %and3A_509 = vector.broadcast %and3A_508 : i32 to vector<16xi32>
          %and3A_510 = arith.andi %add3A_507, %and3A_509 : vector<16xi32>
          %gather3A_511 = tpu.vector_load_idx %arg9[%add3A_173, %and3A_510] : memref<80x128xf32, #tpu.memory_space<vmem>>[vector<16xi32>, vector<16xi32>], vector<16xf32>,
          %gather3A_512 = tpu.vector_load_idx %arg13[%add3A_173, %and3A_510] : memref<80x128xf32, #tpu.memory_space<vmem>>[vector<16xi32>, vector<16xi32>], vector<16xf32>,
          %mul3A_513 = arith.mulf %gather3A_511, %gather3A_512 : vector<16xf32>
          %add3A_514 = arith.addf %add3A_503, %mul3A_513 : vector<16xf32>
          %scan3A_515 = arith.constant 30 : i32
          %scan3A_516 = arith.addi %scan3A_187, %scan3A_515 : i32
          %add3A_517 = vector.broadcast %scan3A_516 : i32 to vector<16xi32>
          %add3A_518 = arith.addi %iota3A_102, %add3A_517 : vector<16xi32>
          %and3A_519 = arith.constant 127 : i32
          %and3A_520 = vector.broadcast %and3A_519 : i32 to vector<16xi32>
          %and3A_521 = arith.andi %add3A_518, %and3A_520 : vector<16xi32>
          %gather3A_522 = tpu.vector_load_idx %arg9[%add3A_173, %and3A_521] : memref<80x128xf32, #tpu.memory_space<vmem>>[vector<16xi32>, vector<16xi32>], vector<16xf32>,
          %gather3A_523 = tpu.vector_load_idx %arg13[%add3A_173, %and3A_521] : memref<80x128xf32, #tpu.memory_space<vmem>>[vector<16xi32>, vector<16xi32>], vector<16xf32>,
          %mul3A_524 = arith.mulf %gather3A_522, %gather3A_523 : vector<16xf32>
          %add3A_525 = arith.addf %add3A_514, %mul3A_524 : vector<16xf32>
          %scan3A_526 = arith.constant 31 : i32
          %scan3A_527 = arith.addi %scan3A_187, %scan3A_526 : i32
          %add3A_528 = vector.broadcast %scan3A_527 : i32 to vector<16xi32>
          %add3A_529 = arith.addi %iota3A_102, %add3A_528 : vector<16xi32>
          %and3A_530 = arith.constant 127 : i32
          %and3A_531 = vector.broadcast %and3A_530 : i32 to vector<16xi32>
          %and3A_532 = arith.andi %add3A_529, %and3A_531 : vector<16xi32>
          %gather3A_533 = tpu.vector_load_idx %arg9[%add3A_173, %and3A_532] : memref<80x128xf32, #tpu.memory_space<vmem>>[vector<16xi32>, vector<16xi32>], vector<16xf32>,
          %gather3A_534 = tpu.vector_load_idx %arg13[%add3A_173, %and3A_532] : memref<80x128xf32, #tpu.memory_space<vmem>>[vector<16xi32>, vector<16xi32>], vector<16xf32>,
          %mul3A_535 = arith.mulf %gather3A_533, %gather3A_534 : vector<16xf32>
          %add3A_536 = arith.addf %add3A_525, %mul3A_535 : vector<16xf32>
          scf.yield %add3A_536 : vector<16xf32>
        }
        %scan3A_180 = arith.constant 128 : i32
        %mul3A_181 = arith.constant 80 : i32
        %mul3A_182 = arith.muli %add3A_82, %mul3A_181 : i32
        %mul3A_183 = arith.constant 16 : i32
        %mul3A_184 = arith.muli %scan3A_169, %mul3A_183 : i32
        %add3A_185 = arith.addi %mul3A_182, %mul3A_184 : i32
        %swap3A = arith.index_cast %add3A_185 : i32 to index
        %swap3A_186 = tpu.vector_load %arg16[%swap3A] {strides = array<i32>} : memref<10000xf32, #tpu.memory_space<vmem>>, vector<16xf32>,
        tpu.vector_store %arg16[%swap3A], %scan3A_179 {strides = array<i32>} : memref<10000xf32, #tpu.memory_space<vmem>>, vector<16xf32>,
      }
      %scan3A_108 = arith.constant 5 : i32
      %mul3A_109 = arith.constant 4 : i32
      %mul3A_110 = arith.muli %scan3A_52, %mul3A_109 : i32
      %add3A_111 = arith.constant 2 : i32
      %add3A_112 = arith.addi %mul3A_110, %add3A_111 : i32
      %add3A_113 = arith.constant 4 : i32
      %add3A_114 = arith.addi %add3A_112, %add3A_113 : i32
      %sub3A_115 = arith.constant 1 : i32
      %sub3A_116 = arith.subi %add3A_114, %sub3A_115 : i32
      %lt3A_117 = arith.constant 125 : i32
      %lt3A_118 = arith.cmpi slt, %sub3A_116, %lt3A_117 : i32
      %convert_element_type3A_119 = arith.extui %lt3A_118 : i1 to i32
      %cond3A_120 = arith.constant 0 : i32
      %cond3A_121 = arith.cmpi ne, %convert_element_type3A_119, %cond3A_120 : i32
      scf.if %cond3A_121 {
        %add3A_169 = arith.constant 4 : i32
        %add3A_170 = arith.addi %add3A_112, %add3A_169 : i32
        %sub3A_171 = arith.constant 1 : i32
        %sub3A_172 = arith.subi %add3A_170, %sub3A_171 : i32
        %mul3A_173 = arith.constant 80 : i32
        %mul3A_174 = arith.muli %sub3A_172, %mul3A_173 : i32
        %dma_start3A_175 = tpu.memref_slice %arg6[%mul3A_174] : memref<10000xi32, #tpu.memory_space<vmem>> -> memref<80xi32, #tpu.memory_space<vmem>>
        %dma_start3A_176 = arith.constant 0 : i32
        %dma_start3A_177 = arith.constant 0 : i32
        %dma_start3A_178 = tpu.memref_slice %arg2[%dma_start3A_176, %dma_start3A_177] : memref<10000x128xf32, #tpu.memory_space<hbm>> -> memref<10000x128xf32, #tpu.memory_space<hbm>>
        tpu.enqueue_indirect_dma source(%dma_start3A_178 : memref<10000x128xf32, #tpu.memory_space<hbm>>) target(%arg9 : memref<80x128xf32, #tpu.memory_space<vmem>>) offsets(%dma_start3A_175 : memref<80xi32, #tpu.memory_space<vmem>>) semaphore(%arg18 : memref<!tpu.dma_semaphore, #tpu.memory_space<semaphore_mem>>)
        %mul3A_179 = arith.constant 80 : i32
        %mul3A_180 = arith.muli %sub3A_172, %mul3A_179 : i32
        %dma_start3A_181 = tpu.memref_slice %arg7[%mul3A_180] : memref<10000xi32, #tpu.memory_space<vmem>> -> memref<80xi32, #tpu.memory_space<vmem>>
        %dma_start3A_182 = arith.constant 0 : i32
        %dma_start3A_183 = arith.constant 0 : i32
        %dma_start3A_184 = tpu.memref_slice %arg2[%dma_start3A_182, %dma_start3A_183] : memref<10000x128xf32, #tpu.memory_space<hbm>> -> memref<10000x128xf32, #tpu.memory_space<hbm>>
        tpu.enqueue_indirect_dma source(%dma_start3A_184 : memref<10000x128xf32, #tpu.memory_space<hbm>>) target(%arg13 : memref<80x128xf32, #tpu.memory_space<vmem>>) offsets(%dma_start3A_181 : memref<80xi32, #tpu.memory_space<vmem>>) semaphore(%arg22 : memref<!tpu.dma_semaphore, #tpu.memory_space<semaphore_mem>>)
      } else {
      }
      %dma_wait3A_122 = arith.constant 0 : i32
      %dma_wait3A_123 = tpu.memref_slice %arg6[%dma_wait3A_122] : memref<10000xi32, #tpu.memory_space<vmem>> -> memref<80xi32, #tpu.memory_space<vmem>>
      %dma_wait3A_124 = arith.constant 0 : i32
      %dma_wait3A_125 = arith.constant 0 : i32
      %dma_wait3A_126 = tpu.memref_slice %arg2[%dma_wait3A_124, %dma_wait3A_125] : memref<10000x128xf32, #tpu.memory_space<hbm>> -> memref<10000x128xf32, #tpu.memory_space<hbm>>
      tpu.wait_indirect_dma semaphore(%arg19 : memref<!tpu.dma_semaphore, #tpu.memory_space<semaphore_mem>>) src(%dma_wait3A_126 : memref<10000x128xf32, #tpu.memory_space<hbm>>) dst(%arg10 : memref<80x128xf32, #tpu.memory_space<vmem>>)
      %dma_wait3A_127 = arith.constant 0 : i32
      %dma_wait3A_128 = tpu.memref_slice %arg7[%dma_wait3A_127] : memref<10000xi32, #tpu.memory_space<vmem>> -> memref<80xi32, #tpu.memory_space<vmem>>
      %dma_wait3A_129 = arith.constant 0 : i32
      %dma_wait3A_130 = arith.constant 0 : i32
      %dma_wait3A_131 = tpu.memref_slice %arg2[%dma_wait3A_129, %dma_wait3A_130] : memref<10000x128xf32, #tpu.memory_space<hbm>> -> memref<10000x128xf32, #tpu.memory_space<hbm>>
      tpu.wait_indirect_dma semaphore(%arg23 : memref<!tpu.dma_semaphore, #tpu.memory_space<semaphore_mem>>) src(%dma_wait3A_131 : memref<10000x128xf32, #tpu.memory_space<hbm>>) dst(%arg14 : memref<80x128xf32, #tpu.memory_space<vmem>>)
      %iota3A_132 = tpu.iota {dimensions = array<i32: 0>} : vector<16xi32>
      %scan3A_133 = arith.constant 0 : i32
      %scan3A_134 = arith.constant 0 : i32
      %scan3A_135 = arith.constant 5 : i32
      %scan3A_136 = arith.addi %scan3A_134, %scan3A_135 : i32
      %scan3A_137 = arith.constant 1 : i32
      scf.for %scan3A_169 = %scan3A_134 to %scan3A_136 step %scan3A_137  : i32 {
        %mul3A_170 = arith.constant 16 : i32
        %mul3A_171 = arith.muli %scan3A_169, %mul3A_170 : i32
        %add3A_172 = vector.broadcast %mul3A_171 : i32 to vector<16xi32>
        %add3A_173 = arith.addi %add3A_172, %iota3A_132 : vector<16xi32>
        %broadcast_in_dim3A = arith.constant 0.000000e+00 : f32
        %broadcast_in_dim3A_174 = vector.broadcast %broadcast_in_dim3A : f32 to vector<16xf32>
        %scan3A_175 = arith.constant 0 : i32
        %scan3A_176 = arith.constant 128 : i32
        %scan3A_177 = arith.addi %scan3A_175, %scan3A_176 : i32
        %scan3A_178 = arith.constant 32 : i32
        %scan3A_179 = scf.for %scan3A_187 = %scan3A_175 to %scan3A_177 step %scan3A_178 iter_args(%scan3A_188 = %broadcast_in_dim3A_174) -> (vector<16xf32>)  : i32 {
          %add3A_189 = vector.broadcast %scan3A_187 : i32 to vector<16xi32>
          %add3A_190 = arith.addi %iota3A_132, %add3A_189 : vector<16xi32>
          %and3A = arith.constant 127 : i32
          %and3A_191 = vector.broadcast %and3A : i32 to vector<16xi32>
          %and3A_192 = arith.andi %add3A_190, %and3A_191 : vector<16xi32>
          %gather3A = tpu.vector_load_idx %arg10[%add3A_173, %and3A_192] : memref<80x128xf32, #tpu.memory_space<vmem>>[vector<16xi32>, vector<16xi32>], vector<16xf32>,
          %gather3A_193 = tpu.vector_load_idx %arg14[%add3A_173, %and3A_192] : memref<80x128xf32, #tpu.memory_space<vmem>>[vector<16xi32>, vector<16xi32>], vector<16xf32>,
          %mul3A_194 = arith.mulf %gather3A, %gather3A_193 : vector<16xf32>
          %add3A_195 = arith.addf %scan3A_188, %mul3A_194 : vector<16xf32>
          %scan3A_196 = arith.constant 1 : i32
          %scan3A_197 = arith.addi %scan3A_187, %scan3A_196 : i32
          %add3A_198 = vector.broadcast %scan3A_197 : i32 to vector<16xi32>
          %add3A_199 = arith.addi %iota3A_132, %add3A_198 : vector<16xi32>
          %and3A_200 = arith.constant 127 : i32
          %and3A_201 = vector.broadcast %and3A_200 : i32 to vector<16xi32>
          %and3A_202 = arith.andi %add3A_199, %and3A_201 : vector<16xi32>
          %gather3A_203 = tpu.vector_load_idx %arg10[%add3A_173, %and3A_202] : memref<80x128xf32, #tpu.memory_space<vmem>>[vector<16xi32>, vector<16xi32>], vector<16xf32>,
          %gather3A_204 = tpu.vector_load_idx %arg14[%add3A_173, %and3A_202] : memref<80x128xf32, #tpu.memory_space<vmem>>[vector<16xi32>, vector<16xi32>], vector<16xf32>,
          %mul3A_205 = arith.mulf %gather3A_203, %gather3A_204 : vector<16xf32>
          %add3A_206 = arith.addf %add3A_195, %mul3A_205 : vector<16xf32>
          %scan3A_207 = arith.constant 2 : i32
          %scan3A_208 = arith.addi %scan3A_187, %scan3A_207 : i32
          %add3A_209 = vector.broadcast %scan3A_208 : i32 to vector<16xi32>
          %add3A_210 = arith.addi %iota3A_132, %add3A_209 : vector<16xi32>
          %and3A_211 = arith.constant 127 : i32
          %and3A_212 = vector.broadcast %and3A_211 : i32 to vector<16xi32>
          %and3A_213 = arith.andi %add3A_210, %and3A_212 : vector<16xi32>
          %gather3A_214 = tpu.vector_load_idx %arg10[%add3A_173, %and3A_213] : memref<80x128xf32, #tpu.memory_space<vmem>>[vector<16xi32>, vector<16xi32>], vector<16xf32>,
          %gather3A_215 = tpu.vector_load_idx %arg14[%add3A_173, %and3A_213] : memref<80x128xf32, #tpu.memory_space<vmem>>[vector<16xi32>, vector<16xi32>], vector<16xf32>,
          %mul3A_216 = arith.mulf %gather3A_214, %gather3A_215 : vector<16xf32>
          %add3A_217 = arith.addf %add3A_206, %mul3A_216 : vector<16xf32>
          %scan3A_218 = arith.constant 3 : i32
          %scan3A_219 = arith.addi %scan3A_187, %scan3A_218 : i32
          %add3A_220 = vector.broadcast %scan3A_219 : i32 to vector<16xi32>
          %add3A_221 = arith.addi %iota3A_132, %add3A_220 : vector<16xi32>
          %and3A_222 = arith.constant 127 : i32
          %and3A_223 = vector.broadcast %and3A_222 : i32 to vector<16xi32>
          %and3A_224 = arith.andi %add3A_221, %and3A_223 : vector<16xi32>
          %gather3A_225 = tpu.vector_load_idx %arg10[%add3A_173, %and3A_224] : memref<80x128xf32, #tpu.memory_space<vmem>>[vector<16xi32>, vector<16xi32>], vector<16xf32>,
          %gather3A_226 = tpu.vector_load_idx %arg14[%add3A_173, %and3A_224] : memref<80x128xf32, #tpu.memory_space<vmem>>[vector<16xi32>, vector<16xi32>], vector<16xf32>,
          %mul3A_227 = arith.mulf %gather3A_225, %gather3A_226 : vector<16xf32>
          %add3A_228 = arith.addf %add3A_217, %mul3A_227 : vector<16xf32>
          %scan3A_229 = arith.constant 4 : i32
          %scan3A_230 = arith.addi %scan3A_187, %scan3A_229 : i32
          %add3A_231 = vector.broadcast %scan3A_230 : i32 to vector<16xi32>
          %add3A_232 = arith.addi %iota3A_132, %add3A_231 : vector<16xi32>
          %and3A_233 = arith.constant 127 : i32
          %and3A_234 = vector.broadcast %and3A_233 : i32 to vector<16xi32>
          %and3A_235 = arith.andi %add3A_232, %and3A_234 : vector<16xi32>
          %gather3A_236 = tpu.vector_load_idx %arg10[%add3A_173, %and3A_235] : memref<80x128xf32, #tpu.memory_space<vmem>>[vector<16xi32>, vector<16xi32>], vector<16xf32>,
          %gather3A_237 = tpu.vector_load_idx %arg14[%add3A_173, %and3A_235] : memref<80x128xf32, #tpu.memory_space<vmem>>[vector<16xi32>, vector<16xi32>], vector<16xf32>,
          %mul3A_238 = arith.mulf %gather3A_236, %gather3A_237 : vector<16xf32>
          %add3A_239 = arith.addf %add3A_228, %mul3A_238 : vector<16xf32>
          %scan3A_240 = arith.constant 5 : i32
          %scan3A_241 = arith.addi %scan3A_187, %scan3A_240 : i32
          %add3A_242 = vector.broadcast %scan3A_241 : i32 to vector<16xi32>
          %add3A_243 = arith.addi %iota3A_132, %add3A_242 : vector<16xi32>
          %and3A_244 = arith.constant 127 : i32
          %and3A_245 = vector.broadcast %and3A_244 : i32 to vector<16xi32>
          %and3A_246 = arith.andi %add3A_243, %and3A_245 : vector<16xi32>
          %gather3A_247 = tpu.vector_load_idx %arg10[%add3A_173, %and3A_246] : memref<80x128xf32, #tpu.memory_space<vmem>>[vector<16xi32>, vector<16xi32>], vector<16xf32>,
          %gather3A_248 = tpu.vector_load_idx %arg14[%add3A_173, %and3A_246] : memref<80x128xf32, #tpu.memory_space<vmem>>[vector<16xi32>, vector<16xi32>], vector<16xf32>,
          %mul3A_249 = arith.mulf %gather3A_247, %gather3A_248 : vector<16xf32>
          %add3A_250 = arith.addf %add3A_239, %mul3A_249 : vector<16xf32>
          %scan3A_251 = arith.constant 6 : i32
          %scan3A_252 = arith.addi %scan3A_187, %scan3A_251 : i32
          %add3A_253 = vector.broadcast %scan3A_252 : i32 to vector<16xi32>
          %add3A_254 = arith.addi %iota3A_132, %add3A_253 : vector<16xi32>
          %and3A_255 = arith.constant 127 : i32
          %and3A_256 = vector.broadcast %and3A_255 : i32 to vector<16xi32>
          %and3A_257 = arith.andi %add3A_254, %and3A_256 : vector<16xi32>
          %gather3A_258 = tpu.vector_load_idx %arg10[%add3A_173, %and3A_257] : memref<80x128xf32, #tpu.memory_space<vmem>>[vector<16xi32>, vector<16xi32>], vector<16xf32>,
          %gather3A_259 = tpu.vector_load_idx %arg14[%add3A_173, %and3A_257] : memref<80x128xf32, #tpu.memory_space<vmem>>[vector<16xi32>, vector<16xi32>], vector<16xf32>,
          %mul3A_260 = arith.mulf %gather3A_258, %gather3A_259 : vector<16xf32>
          %add3A_261 = arith.addf %add3A_250, %mul3A_260 : vector<16xf32>
          %scan3A_262 = arith.constant 7 : i32
          %scan3A_263 = arith.addi %scan3A_187, %scan3A_262 : i32
          %add3A_264 = vector.broadcast %scan3A_263 : i32 to vector<16xi32>
          %add3A_265 = arith.addi %iota3A_132, %add3A_264 : vector<16xi32>
          %and3A_266 = arith.constant 127 : i32
          %and3A_267 = vector.broadcast %and3A_266 : i32 to vector<16xi32>
          %and3A_268 = arith.andi %add3A_265, %and3A_267 : vector<16xi32>
          %gather3A_269 = tpu.vector_load_idx %arg10[%add3A_173, %and3A_268] : memref<80x128xf32, #tpu.memory_space<vmem>>[vector<16xi32>, vector<16xi32>], vector<16xf32>,
          %gather3A_270 = tpu.vector_load_idx %arg14[%add3A_173, %and3A_268] : memref<80x128xf32, #tpu.memory_space<vmem>>[vector<16xi32>, vector<16xi32>], vector<16xf32>,
          %mul3A_271 = arith.mulf %gather3A_269, %gather3A_270 : vector<16xf32>
          %add3A_272 = arith.addf %add3A_261, %mul3A_271 : vector<16xf32>
          %scan3A_273 = arith.constant 8 : i32
          %scan3A_274 = arith.addi %scan3A_187, %scan3A_273 : i32
          %add3A_275 = vector.broadcast %scan3A_274 : i32 to vector<16xi32>
          %add3A_276 = arith.addi %iota3A_132, %add3A_275 : vector<16xi32>
          %and3A_277 = arith.constant 127 : i32
          %and3A_278 = vector.broadcast %and3A_277 : i32 to vector<16xi32>
          %and3A_279 = arith.andi %add3A_276, %and3A_278 : vector<16xi32>
          %gather3A_280 = tpu.vector_load_idx %arg10[%add3A_173, %and3A_279] : memref<80x128xf32, #tpu.memory_space<vmem>>[vector<16xi32>, vector<16xi32>], vector<16xf32>,
          %gather3A_281 = tpu.vector_load_idx %arg14[%add3A_173, %and3A_279] : memref<80x128xf32, #tpu.memory_space<vmem>>[vector<16xi32>, vector<16xi32>], vector<16xf32>,
          %mul3A_282 = arith.mulf %gather3A_280, %gather3A_281 : vector<16xf32>
          %add3A_283 = arith.addf %add3A_272, %mul3A_282 : vector<16xf32>
          %scan3A_284 = arith.constant 9 : i32
          %scan3A_285 = arith.addi %scan3A_187, %scan3A_284 : i32
          %add3A_286 = vector.broadcast %scan3A_285 : i32 to vector<16xi32>
          %add3A_287 = arith.addi %iota3A_132, %add3A_286 : vector<16xi32>
          %and3A_288 = arith.constant 127 : i32
          %and3A_289 = vector.broadcast %and3A_288 : i32 to vector<16xi32>
          %and3A_290 = arith.andi %add3A_287, %and3A_289 : vector<16xi32>
          %gather3A_291 = tpu.vector_load_idx %arg10[%add3A_173, %and3A_290] : memref<80x128xf32, #tpu.memory_space<vmem>>[vector<16xi32>, vector<16xi32>], vector<16xf32>,
          %gather3A_292 = tpu.vector_load_idx %arg14[%add3A_173, %and3A_290] : memref<80x128xf32, #tpu.memory_space<vmem>>[vector<16xi32>, vector<16xi32>], vector<16xf32>,
          %mul3A_293 = arith.mulf %gather3A_291, %gather3A_292 : vector<16xf32>
          %add3A_294 = arith.addf %add3A_283, %mul3A_293 : vector<16xf32>
          %scan3A_295 = arith.constant 10 : i32
          %scan3A_296 = arith.addi %scan3A_187, %scan3A_295 : i32
          %add3A_297 = vector.broadcast %scan3A_296 : i32 to vector<16xi32>
          %add3A_298 = arith.addi %iota3A_132, %add3A_297 : vector<16xi32>
          %and3A_299 = arith.constant 127 : i32
          %and3A_300 = vector.broadcast %and3A_299 : i32 to vector<16xi32>
          %and3A_301 = arith.andi %add3A_298, %and3A_300 : vector<16xi32>
          %gather3A_302 = tpu.vector_load_idx %arg10[%add3A_173, %and3A_301] : memref<80x128xf32, #tpu.memory_space<vmem>>[vector<16xi32>, vector<16xi32>], vector<16xf32>,
          %gather3A_303 = tpu.vector_load_idx %arg14[%add3A_173, %and3A_301] : memref<80x128xf32, #tpu.memory_space<vmem>>[vector<16xi32>, vector<16xi32>], vector<16xf32>,
          %mul3A_304 = arith.mulf %gather3A_302, %gather3A_303 : vector<16xf32>
          %add3A_305 = arith.addf %add3A_294, %mul3A_304 : vector<16xf32>
          %scan3A_306 = arith.constant 11 : i32
          %scan3A_307 = arith.addi %scan3A_187, %scan3A_306 : i32
          %add3A_308 = vector.broadcast %scan3A_307 : i32 to vector<16xi32>
          %add3A_309 = arith.addi %iota3A_132, %add3A_308 : vector<16xi32>
          %and3A_310 = arith.constant 127 : i32
          %and3A_311 = vector.broadcast %and3A_310 : i32 to vector<16xi32>
          %and3A_312 = arith.andi %add3A_309, %and3A_311 : vector<16xi32>
          %gather3A_313 = tpu.vector_load_idx %arg10[%add3A_173, %and3A_312] : memref<80x128xf32, #tpu.memory_space<vmem>>[vector<16xi32>, vector<16xi32>], vector<16xf32>,
          %gather3A_314 = tpu.vector_load_idx %arg14[%add3A_173, %and3A_312] : memref<80x128xf32, #tpu.memory_space<vmem>>[vector<16xi32>, vector<16xi32>], vector<16xf32>,
          %mul3A_315 = arith.mulf %gather3A_313, %gather3A_314 : vector<16xf32>
          %add3A_316 = arith.addf %add3A_305, %mul3A_315 : vector<16xf32>
          %scan3A_317 = arith.constant 12 : i32
          %scan3A_318 = arith.addi %scan3A_187, %scan3A_317 : i32
          %add3A_319 = vector.broadcast %scan3A_318 : i32 to vector<16xi32>
          %add3A_320 = arith.addi %iota3A_132, %add3A_319 : vector<16xi32>
          %and3A_321 = arith.constant 127 : i32
          %and3A_322 = vector.broadcast %and3A_321 : i32 to vector<16xi32>
          %and3A_323 = arith.andi %add3A_320, %and3A_322 : vector<16xi32>
          %gather3A_324 = tpu.vector_load_idx %arg10[%add3A_173, %and3A_323] : memref<80x128xf32, #tpu.memory_space<vmem>>[vector<16xi32>, vector<16xi32>], vector<16xf32>,
          %gather3A_325 = tpu.vector_load_idx %arg14[%add3A_173, %and3A_323] : memref<80x128xf32, #tpu.memory_space<vmem>>[vector<16xi32>, vector<16xi32>], vector<16xf32>,
          %mul3A_326 = arith.mulf %gather3A_324, %gather3A_325 : vector<16xf32>
          %add3A_327 = arith.addf %add3A_316, %mul3A_326 : vector<16xf32>
          %scan3A_328 = arith.constant 13 : i32
          %scan3A_329 = arith.addi %scan3A_187, %scan3A_328 : i32
          %add3A_330 = vector.broadcast %scan3A_329 : i32 to vector<16xi32>
          %add3A_331 = arith.addi %iota3A_132, %add3A_330 : vector<16xi32>
          %and3A_332 = arith.constant 127 : i32
          %and3A_333 = vector.broadcast %and3A_332 : i32 to vector<16xi32>
          %and3A_334 = arith.andi %add3A_331, %and3A_333 : vector<16xi32>
          %gather3A_335 = tpu.vector_load_idx %arg10[%add3A_173, %and3A_334] : memref<80x128xf32, #tpu.memory_space<vmem>>[vector<16xi32>, vector<16xi32>], vector<16xf32>,
          %gather3A_336 = tpu.vector_load_idx %arg14[%add3A_173, %and3A_334] : memref<80x128xf32, #tpu.memory_space<vmem>>[vector<16xi32>, vector<16xi32>], vector<16xf32>,
          %mul3A_337 = arith.mulf %gather3A_335, %gather3A_336 : vector<16xf32>
          %add3A_338 = arith.addf %add3A_327, %mul3A_337 : vector<16xf32>
          %scan3A_339 = arith.constant 14 : i32
          %scan3A_340 = arith.addi %scan3A_187, %scan3A_339 : i32
          %add3A_341 = vector.broadcast %scan3A_340 : i32 to vector<16xi32>
          %add3A_342 = arith.addi %iota3A_132, %add3A_341 : vector<16xi32>
          %and3A_343 = arith.constant 127 : i32
          %and3A_344 = vector.broadcast %and3A_343 : i32 to vector<16xi32>
          %and3A_345 = arith.andi %add3A_342, %and3A_344 : vector<16xi32>
          %gather3A_346 = tpu.vector_load_idx %arg10[%add3A_173, %and3A_345] : memref<80x128xf32, #tpu.memory_space<vmem>>[vector<16xi32>, vector<16xi32>], vector<16xf32>,
          %gather3A_347 = tpu.vector_load_idx %arg14[%add3A_173, %and3A_345] : memref<80x128xf32, #tpu.memory_space<vmem>>[vector<16xi32>, vector<16xi32>], vector<16xf32>,
          %mul3A_348 = arith.mulf %gather3A_346, %gather3A_347 : vector<16xf32>
          %add3A_349 = arith.addf %add3A_338, %mul3A_348 : vector<16xf32>
          %scan3A_350 = arith.constant 15 : i32
          %scan3A_351 = arith.addi %scan3A_187, %scan3A_350 : i32
          %add3A_352 = vector.broadcast %scan3A_351 : i32 to vector<16xi32>
          %add3A_353 = arith.addi %iota3A_132, %add3A_352 : vector<16xi32>
          %and3A_354 = arith.constant 127 : i32
          %and3A_355 = vector.broadcast %and3A_354 : i32 to vector<16xi32>
          %and3A_356 = arith.andi %add3A_353, %and3A_355 : vector<16xi32>
          %gather3A_357 = tpu.vector_load_idx %arg10[%add3A_173, %and3A_356] : memref<80x128xf32, #tpu.memory_space<vmem>>[vector<16xi32>, vector<16xi32>], vector<16xf32>,
          %gather3A_358 = tpu.vector_load_idx %arg14[%add3A_173, %and3A_356] : memref<80x128xf32, #tpu.memory_space<vmem>>[vector<16xi32>, vector<16xi32>], vector<16xf32>,
          %mul3A_359 = arith.mulf %gather3A_357, %gather3A_358 : vector<16xf32>
          %add3A_360 = arith.addf %add3A_349, %mul3A_359 : vector<16xf32>
          %scan3A_361 = arith.constant 16 : i32
          %scan3A_362 = arith.addi %scan3A_187, %scan3A_361 : i32
          %add3A_363 = vector.broadcast %scan3A_362 : i32 to vector<16xi32>
          %add3A_364 = arith.addi %iota3A_132, %add3A_363 : vector<16xi32>
          %and3A_365 = arith.constant 127 : i32
          %and3A_366 = vector.broadcast %and3A_365 : i32 to vector<16xi32>
          %and3A_367 = arith.andi %add3A_364, %and3A_366 : vector<16xi32>
          %gather3A_368 = tpu.vector_load_idx %arg10[%add3A_173, %and3A_367] : memref<80x128xf32, #tpu.memory_space<vmem>>[vector<16xi32>, vector<16xi32>], vector<16xf32>,
          %gather3A_369 = tpu.vector_load_idx %arg14[%add3A_173, %and3A_367] : memref<80x128xf32, #tpu.memory_space<vmem>>[vector<16xi32>, vector<16xi32>], vector<16xf32>,
          %mul3A_370 = arith.mulf %gather3A_368, %gather3A_369 : vector<16xf32>
          %add3A_371 = arith.addf %add3A_360, %mul3A_370 : vector<16xf32>
          %scan3A_372 = arith.constant 17 : i32
          %scan3A_373 = arith.addi %scan3A_187, %scan3A_372 : i32
          %add3A_374 = vector.broadcast %scan3A_373 : i32 to vector<16xi32>
          %add3A_375 = arith.addi %iota3A_132, %add3A_374 : vector<16xi32>
          %and3A_376 = arith.constant 127 : i32
          %and3A_377 = vector.broadcast %and3A_376 : i32 to vector<16xi32>
          %and3A_378 = arith.andi %add3A_375, %and3A_377 : vector<16xi32>
          %gather3A_379 = tpu.vector_load_idx %arg10[%add3A_173, %and3A_378] : memref<80x128xf32, #tpu.memory_space<vmem>>[vector<16xi32>, vector<16xi32>], vector<16xf32>,
          %gather3A_380 = tpu.vector_load_idx %arg14[%add3A_173, %and3A_378] : memref<80x128xf32, #tpu.memory_space<vmem>>[vector<16xi32>, vector<16xi32>], vector<16xf32>,
          %mul3A_381 = arith.mulf %gather3A_379, %gather3A_380 : vector<16xf32>
          %add3A_382 = arith.addf %add3A_371, %mul3A_381 : vector<16xf32>
          %scan3A_383 = arith.constant 18 : i32
          %scan3A_384 = arith.addi %scan3A_187, %scan3A_383 : i32
          %add3A_385 = vector.broadcast %scan3A_384 : i32 to vector<16xi32>
          %add3A_386 = arith.addi %iota3A_132, %add3A_385 : vector<16xi32>
          %and3A_387 = arith.constant 127 : i32
          %and3A_388 = vector.broadcast %and3A_387 : i32 to vector<16xi32>
          %and3A_389 = arith.andi %add3A_386, %and3A_388 : vector<16xi32>
          %gather3A_390 = tpu.vector_load_idx %arg10[%add3A_173, %and3A_389] : memref<80x128xf32, #tpu.memory_space<vmem>>[vector<16xi32>, vector<16xi32>], vector<16xf32>,
          %gather3A_391 = tpu.vector_load_idx %arg14[%add3A_173, %and3A_389] : memref<80x128xf32, #tpu.memory_space<vmem>>[vector<16xi32>, vector<16xi32>], vector<16xf32>,
          %mul3A_392 = arith.mulf %gather3A_390, %gather3A_391 : vector<16xf32>
          %add3A_393 = arith.addf %add3A_382, %mul3A_392 : vector<16xf32>
          %scan3A_394 = arith.constant 19 : i32
          %scan3A_395 = arith.addi %scan3A_187, %scan3A_394 : i32
          %add3A_396 = vector.broadcast %scan3A_395 : i32 to vector<16xi32>
          %add3A_397 = arith.addi %iota3A_132, %add3A_396 : vector<16xi32>
          %and3A_398 = arith.constant 127 : i32
          %and3A_399 = vector.broadcast %and3A_398 : i32 to vector<16xi32>
          %and3A_400 = arith.andi %add3A_397, %and3A_399 : vector<16xi32>
          %gather3A_401 = tpu.vector_load_idx %arg10[%add3A_173, %and3A_400] : memref<80x128xf32, #tpu.memory_space<vmem>>[vector<16xi32>, vector<16xi32>], vector<16xf32>,
          %gather3A_402 = tpu.vector_load_idx %arg14[%add3A_173, %and3A_400] : memref<80x128xf32, #tpu.memory_space<vmem>>[vector<16xi32>, vector<16xi32>], vector<16xf32>,
          %mul3A_403 = arith.mulf %gather3A_401, %gather3A_402 : vector<16xf32>
          %add3A_404 = arith.addf %add3A_393, %mul3A_403 : vector<16xf32>
          %scan3A_405 = arith.constant 20 : i32
          %scan3A_406 = arith.addi %scan3A_187, %scan3A_405 : i32
          %add3A_407 = vector.broadcast %scan3A_406 : i32 to vector<16xi32>
          %add3A_408 = arith.addi %iota3A_132, %add3A_407 : vector<16xi32>
          %and3A_409 = arith.constant 127 : i32
          %and3A_410 = vector.broadcast %and3A_409 : i32 to vector<16xi32>
          %and3A_411 = arith.andi %add3A_408, %and3A_410 : vector<16xi32>
          %gather3A_412 = tpu.vector_load_idx %arg10[%add3A_173, %and3A_411] : memref<80x128xf32, #tpu.memory_space<vmem>>[vector<16xi32>, vector<16xi32>], vector<16xf32>,
          %gather3A_413 = tpu.vector_load_idx %arg14[%add3A_173, %and3A_411] : memref<80x128xf32, #tpu.memory_space<vmem>>[vector<16xi32>, vector<16xi32>], vector<16xf32>,
          %mul3A_414 = arith.mulf %gather3A_412, %gather3A_413 : vector<16xf32>
          %add3A_415 = arith.addf %add3A_404, %mul3A_414 : vector<16xf32>
          %scan3A_416 = arith.constant 21 : i32
          %scan3A_417 = arith.addi %scan3A_187, %scan3A_416 : i32
          %add3A_418 = vector.broadcast %scan3A_417 : i32 to vector<16xi32>
          %add3A_419 = arith.addi %iota3A_132, %add3A_418 : vector<16xi32>
          %and3A_420 = arith.constant 127 : i32
          %and3A_421 = vector.broadcast %and3A_420 : i32 to vector<16xi32>
          %and3A_422 = arith.andi %add3A_419, %and3A_421 : vector<16xi32>
          %gather3A_423 = tpu.vector_load_idx %arg10[%add3A_173, %and3A_422] : memref<80x128xf32, #tpu.memory_space<vmem>>[vector<16xi32>, vector<16xi32>], vector<16xf32>,
          %gather3A_424 = tpu.vector_load_idx %arg14[%add3A_173, %and3A_422] : memref<80x128xf32, #tpu.memory_space<vmem>>[vector<16xi32>, vector<16xi32>], vector<16xf32>,
          %mul3A_425 = arith.mulf %gather3A_423, %gather3A_424 : vector<16xf32>
          %add3A_426 = arith.addf %add3A_415, %mul3A_425 : vector<16xf32>
          %scan3A_427 = arith.constant 22 : i32
          %scan3A_428 = arith.addi %scan3A_187, %scan3A_427 : i32
          %add3A_429 = vector.broadcast %scan3A_428 : i32 to vector<16xi32>
          %add3A_430 = arith.addi %iota3A_132, %add3A_429 : vector<16xi32>
          %and3A_431 = arith.constant 127 : i32
          %and3A_432 = vector.broadcast %and3A_431 : i32 to vector<16xi32>
          %and3A_433 = arith.andi %add3A_430, %and3A_432 : vector<16xi32>
          %gather3A_434 = tpu.vector_load_idx %arg10[%add3A_173, %and3A_433] : memref<80x128xf32, #tpu.memory_space<vmem>>[vector<16xi32>, vector<16xi32>], vector<16xf32>,
          %gather3A_435 = tpu.vector_load_idx %arg14[%add3A_173, %and3A_433] : memref<80x128xf32, #tpu.memory_space<vmem>>[vector<16xi32>, vector<16xi32>], vector<16xf32>,
          %mul3A_436 = arith.mulf %gather3A_434, %gather3A_435 : vector<16xf32>
          %add3A_437 = arith.addf %add3A_426, %mul3A_436 : vector<16xf32>
          %scan3A_438 = arith.constant 23 : i32
          %scan3A_439 = arith.addi %scan3A_187, %scan3A_438 : i32
          %add3A_440 = vector.broadcast %scan3A_439 : i32 to vector<16xi32>
          %add3A_441 = arith.addi %iota3A_132, %add3A_440 : vector<16xi32>
          %and3A_442 = arith.constant 127 : i32
          %and3A_443 = vector.broadcast %and3A_442 : i32 to vector<16xi32>
          %and3A_444 = arith.andi %add3A_441, %and3A_443 : vector<16xi32>
          %gather3A_445 = tpu.vector_load_idx %arg10[%add3A_173, %and3A_444] : memref<80x128xf32, #tpu.memory_space<vmem>>[vector<16xi32>, vector<16xi32>], vector<16xf32>,
          %gather3A_446 = tpu.vector_load_idx %arg14[%add3A_173, %and3A_444] : memref<80x128xf32, #tpu.memory_space<vmem>>[vector<16xi32>, vector<16xi32>], vector<16xf32>,
          %mul3A_447 = arith.mulf %gather3A_445, %gather3A_446 : vector<16xf32>
          %add3A_448 = arith.addf %add3A_437, %mul3A_447 : vector<16xf32>
          %scan3A_449 = arith.constant 24 : i32
          %scan3A_450 = arith.addi %scan3A_187, %scan3A_449 : i32
          %add3A_451 = vector.broadcast %scan3A_450 : i32 to vector<16xi32>
          %add3A_452 = arith.addi %iota3A_132, %add3A_451 : vector<16xi32>
          %and3A_453 = arith.constant 127 : i32
          %and3A_454 = vector.broadcast %and3A_453 : i32 to vector<16xi32>
          %and3A_455 = arith.andi %add3A_452, %and3A_454 : vector<16xi32>
          %gather3A_456 = tpu.vector_load_idx %arg10[%add3A_173, %and3A_455] : memref<80x128xf32, #tpu.memory_space<vmem>>[vector<16xi32>, vector<16xi32>], vector<16xf32>,
          %gather3A_457 = tpu.vector_load_idx %arg14[%add3A_173, %and3A_455] : memref<80x128xf32, #tpu.memory_space<vmem>>[vector<16xi32>, vector<16xi32>], vector<16xf32>,
          %mul3A_458 = arith.mulf %gather3A_456, %gather3A_457 : vector<16xf32>
          %add3A_459 = arith.addf %add3A_448, %mul3A_458 : vector<16xf32>
          %scan3A_460 = arith.constant 25 : i32
          %scan3A_461 = arith.addi %scan3A_187, %scan3A_460 : i32
          %add3A_462 = vector.broadcast %scan3A_461 : i32 to vector<16xi32>
          %add3A_463 = arith.addi %iota3A_132, %add3A_462 : vector<16xi32>
          %and3A_464 = arith.constant 127 : i32
          %and3A_465 = vector.broadcast %and3A_464 : i32 to vector<16xi32>
          %and3A_466 = arith.andi %add3A_463, %and3A_465 : vector<16xi32>
          %gather3A_467 = tpu.vector_load_idx %arg10[%add3A_173, %and3A_466] : memref<80x128xf32, #tpu.memory_space<vmem>>[vector<16xi32>, vector<16xi32>], vector<16xf32>,
          %gather3A_468 = tpu.vector_load_idx %arg14[%add3A_173, %and3A_466] : memref<80x128xf32, #tpu.memory_space<vmem>>[vector<16xi32>, vector<16xi32>], vector<16xf32>,
          %mul3A_469 = arith.mulf %gather3A_467, %gather3A_468 : vector<16xf32>
          %add3A_470 = arith.addf %add3A_459, %mul3A_469 : vector<16xf32>
          %scan3A_471 = arith.constant 26 : i32
          %scan3A_472 = arith.addi %scan3A_187, %scan3A_471 : i32
          %add3A_473 = vector.broadcast %scan3A_472 : i32 to vector<16xi32>
          %add3A_474 = arith.addi %iota3A_132, %add3A_473 : vector<16xi32>
          %and3A_475 = arith.constant 127 : i32
          %and3A_476 = vector.broadcast %and3A_475 : i32 to vector<16xi32>
          %and3A_477 = arith.andi %add3A_474, %and3A_476 : vector<16xi32>
          %gather3A_478 = tpu.vector_load_idx %arg10[%add3A_173, %and3A_477] : memref<80x128xf32, #tpu.memory_space<vmem>>[vector<16xi32>, vector<16xi32>], vector<16xf32>,
          %gather3A_479 = tpu.vector_load_idx %arg14[%add3A_173, %and3A_477] : memref<80x128xf32, #tpu.memory_space<vmem>>[vector<16xi32>, vector<16xi32>], vector<16xf32>,
          %mul3A_480 = arith.mulf %gather3A_478, %gather3A_479 : vector<16xf32>
          %add3A_481 = arith.addf %add3A_470, %mul3A_480 : vector<16xf32>
          %scan3A_482 = arith.constant 27 : i32
          %scan3A_483 = arith.addi %scan3A_187, %scan3A_482 : i32
          %add3A_484 = vector.broadcast %scan3A_483 : i32 to vector<16xi32>
          %add3A_485 = arith.addi %iota3A_132, %add3A_484 : vector<16xi32>
          %and3A_486 = arith.constant 127 : i32
          %and3A_487 = vector.broadcast %and3A_486 : i32 to vector<16xi32>
          %and3A_488 = arith.andi %add3A_485, %and3A_487 : vector<16xi32>
          %gather3A_489 = tpu.vector_load_idx %arg10[%add3A_173, %and3A_488] : memref<80x128xf32, #tpu.memory_space<vmem>>[vector<16xi32>, vector<16xi32>], vector<16xf32>,
          %gather3A_490 = tpu.vector_load_idx %arg14[%add3A_173, %and3A_488] : memref<80x128xf32, #tpu.memory_space<vmem>>[vector<16xi32>, vector<16xi32>], vector<16xf32>,
          %mul3A_491 = arith.mulf %gather3A_489, %gather3A_490 : vector<16xf32>
          %add3A_492 = arith.addf %add3A_481, %mul3A_491 : vector<16xf32>
          %scan3A_493 = arith.constant 28 : i32
          %scan3A_494 = arith.addi %scan3A_187, %scan3A_493 : i32
          %add3A_495 = vector.broadcast %scan3A_494 : i32 to vector<16xi32>
          %add3A_496 = arith.addi %iota3A_132, %add3A_495 : vector<16xi32>
          %and3A_497 = arith.constant 127 : i32
          %and3A_498 = vector.broadcast %and3A_497 : i32 to vector<16xi32>
          %and3A_499 = arith.andi %add3A_496, %and3A_498 : vector<16xi32>
          %gather3A_500 = tpu.vector_load_idx %arg10[%add3A_173, %and3A_499] : memref<80x128xf32, #tpu.memory_space<vmem>>[vector<16xi32>, vector<16xi32>], vector<16xf32>,
          %gather3A_501 = tpu.vector_load_idx %arg14[%add3A_173, %and3A_499] : memref<80x128xf32, #tpu.memory_space<vmem>>[vector<16xi32>, vector<16xi32>], vector<16xf32>,
          %mul3A_502 = arith.mulf %gather3A_500, %gather3A_501 : vector<16xf32>
          %add3A_503 = arith.addf %add3A_492, %mul3A_502 : vector<16xf32>
          %scan3A_504 = arith.constant 29 : i32
          %scan3A_505 = arith.addi %scan3A_187, %scan3A_504 : i32
          %add3A_506 = vector.broadcast %scan3A_505 : i32 to vector<16xi32>
          %add3A_507 = arith.addi %iota3A_132, %add3A_506 : vector<16xi32>
          %and3A_508 = arith.constant 127 : i32
          %and3A_509 = vector.broadcast %and3A_508 : i32 to vector<16xi32>
          %and3A_510 = arith.andi %add3A_507, %and3A_509 : vector<16xi32>
          %gather3A_511 = tpu.vector_load_idx %arg10[%add3A_173, %and3A_510] : memref<80x128xf32, #tpu.memory_space<vmem>>[vector<16xi32>, vector<16xi32>], vector<16xf32>,
          %gather3A_512 = tpu.vector_load_idx %arg14[%add3A_173, %and3A_510] : memref<80x128xf32, #tpu.memory_space<vmem>>[vector<16xi32>, vector<16xi32>], vector<16xf32>,
          %mul3A_513 = arith.mulf %gather3A_511, %gather3A_512 : vector<16xf32>
          %add3A_514 = arith.addf %add3A_503, %mul3A_513 : vector<16xf32>
          %scan3A_515 = arith.constant 30 : i32
          %scan3A_516 = arith.addi %scan3A_187, %scan3A_515 : i32
          %add3A_517 = vector.broadcast %scan3A_516 : i32 to vector<16xi32>
          %add3A_518 = arith.addi %iota3A_132, %add3A_517 : vector<16xi32>
          %and3A_519 = arith.constant 127 : i32
          %and3A_520 = vector.broadcast %and3A_519 : i32 to vector<16xi32>
          %and3A_521 = arith.andi %add3A_518, %and3A_520 : vector<16xi32>
          %gather3A_522 = tpu.vector_load_idx %arg10[%add3A_173, %and3A_521] : memref<80x128xf32, #tpu.memory_space<vmem>>[vector<16xi32>, vector<16xi32>], vector<16xf32>,
          %gather3A_523 = tpu.vector_load_idx %arg14[%add3A_173, %and3A_521] : memref<80x128xf32, #tpu.memory_space<vmem>>[vector<16xi32>, vector<16xi32>], vector<16xf32>,
          %mul3A_524 = arith.mulf %gather3A_522, %gather3A_523 : vector<16xf32>
          %add3A_525 = arith.addf %add3A_514, %mul3A_524 : vector<16xf32>
          %scan3A_526 = arith.constant 31 : i32
          %scan3A_527 = arith.addi %scan3A_187, %scan3A_526 : i32
          %add3A_528 = vector.broadcast %scan3A_527 : i32 to vector<16xi32>
          %add3A_529 = arith.addi %iota3A_132, %add3A_528 : vector<16xi32>
          %and3A_530 = arith.constant 127 : i32
          %and3A_531 = vector.broadcast %and3A_530 : i32 to vector<16xi32>
          %and3A_532 = arith.andi %add3A_529, %and3A_531 : vector<16xi32>
          %gather3A_533 = tpu.vector_load_idx %arg10[%add3A_173, %and3A_532] : memref<80x128xf32, #tpu.memory_space<vmem>>[vector<16xi32>, vector<16xi32>], vector<16xf32>,
          %gather3A_534 = tpu.vector_load_idx %arg14[%add3A_173, %and3A_532] : memref<80x128xf32, #tpu.memory_space<vmem>>[vector<16xi32>, vector<16xi32>], vector<16xf32>,
          %mul3A_535 = arith.mulf %gather3A_533, %gather3A_534 : vector<16xf32>
          %add3A_536 = arith.addf %add3A_525, %mul3A_535 : vector<16xf32>
          scf.yield %add3A_536 : vector<16xf32>
        }
        %scan3A_180 = arith.constant 128 : i32
        %mul3A_181 = arith.constant 80 : i32
        %mul3A_182 = arith.muli %add3A_112, %mul3A_181 : i32
        %mul3A_183 = arith.constant 16 : i32
        %mul3A_184 = arith.muli %scan3A_169, %mul3A_183 : i32
        %add3A_185 = arith.addi %mul3A_182, %mul3A_184 : i32
        %swap3A = arith.index_cast %add3A_185 : i32 to index
        %swap3A_186 = tpu.vector_load %arg16[%swap3A] {strides = array<i32>} : memref<10000xf32, #tpu.memory_space<vmem>>, vector<16xf32>,
        tpu.vector_store %arg16[%swap3A], %scan3A_179 {strides = array<i32>} : memref<10000xf32, #tpu.memory_space<vmem>>, vector<16xf32>,
      }
      %scan3A_138 = arith.constant 5 : i32
      %mul3A_139 = arith.constant 4 : i32
      %mul3A_140 = arith.muli %scan3A_52, %mul3A_139 : i32
      %add3A_141 = arith.constant 3 : i32
      %add3A_142 = arith.addi %mul3A_140, %add3A_141 : i32
      %add3A_143 = arith.constant 4 : i32
      %add3A_144 = arith.addi %add3A_142, %add3A_143 : i32
      %sub3A_145 = arith.constant 1 : i32
      %sub3A_146 = arith.subi %add3A_144, %sub3A_145 : i32
      %lt3A_147 = arith.constant 125 : i32
      %lt3A_148 = arith.cmpi slt, %sub3A_146, %lt3A_147 : i32
      %convert_element_type3A_149 = arith.extui %lt3A_148 : i1 to i32
      %cond3A_150 = arith.constant 0 : i32
      %cond3A_151 = arith.cmpi ne, %convert_element_type3A_149, %cond3A_150 : i32
      scf.if %cond3A_151 {
        %add3A_169 = arith.constant 4 : i32
        %add3A_170 = arith.addi %add3A_142, %add3A_169 : i32
        %sub3A_171 = arith.constant 1 : i32
        %sub3A_172 = arith.subi %add3A_170, %sub3A_171 : i32
        %mul3A_173 = arith.constant 80 : i32
        %mul3A_174 = arith.muli %sub3A_172, %mul3A_173 : i32
        %dma_start3A_175 = tpu.memref_slice %arg6[%mul3A_174] : memref<10000xi32, #tpu.memory_space<vmem>> -> memref<80xi32, #tpu.memory_space<vmem>>
        %dma_start3A_176 = arith.constant 0 : i32
        %dma_start3A_177 = arith.constant 0 : i32
        %dma_start3A_178 = tpu.memref_slice %arg2[%dma_start3A_176, %dma_start3A_177] : memref<10000x128xf32, #tpu.memory_space<hbm>> -> memref<10000x128xf32, #tpu.memory_space<hbm>>
        tpu.enqueue_indirect_dma source(%dma_start3A_178 : memref<10000x128xf32, #tpu.memory_space<hbm>>) target(%arg10 : memref<80x128xf32, #tpu.memory_space<vmem>>) offsets(%dma_start3A_175 : memref<80xi32, #tpu.memory_space<vmem>>) semaphore(%arg19 : memref<!tpu.dma_semaphore, #tpu.memory_space<semaphore_mem>>)
        %mul3A_179 = arith.constant 80 : i32
        %mul3A_180 = arith.muli %sub3A_172, %mul3A_179 : i32
        %dma_start3A_181 = tpu.memref_slice %arg7[%mul3A_180] : memref<10000xi32, #tpu.memory_space<vmem>> -> memref<80xi32, #tpu.memory_space<vmem>>
        %dma_start3A_182 = arith.constant 0 : i32
        %dma_start3A_183 = arith.constant 0 : i32
        %dma_start3A_184 = tpu.memref_slice %arg2[%dma_start3A_182, %dma_start3A_183] : memref<10000x128xf32, #tpu.memory_space<hbm>> -> memref<10000x128xf32, #tpu.memory_space<hbm>>
        tpu.enqueue_indirect_dma source(%dma_start3A_184 : memref<10000x128xf32, #tpu.memory_space<hbm>>) target(%arg14 : memref<80x128xf32, #tpu.memory_space<vmem>>) offsets(%dma_start3A_181 : memref<80xi32, #tpu.memory_space<vmem>>) semaphore(%arg23 : memref<!tpu.dma_semaphore, #tpu.memory_space<semaphore_mem>>)
      } else {
      }
      %dma_wait3A_152 = arith.constant 0 : i32
      %dma_wait3A_153 = tpu.memref_slice %arg6[%dma_wait3A_152] : memref<10000xi32, #tpu.memory_space<vmem>> -> memref<80xi32, #tpu.memory_space<vmem>>
      %dma_wait3A_154 = arith.constant 0 : i32
      %dma_wait3A_155 = arith.constant 0 : i32
      %dma_wait3A_156 = tpu.memref_slice %arg2[%dma_wait3A_154, %dma_wait3A_155] : memref<10000x128xf32, #tpu.memory_space<hbm>> -> memref<10000x128xf32, #tpu.memory_space<hbm>>
      tpu.wait_indirect_dma semaphore(%arg20 : memref<!tpu.dma_semaphore, #tpu.memory_space<semaphore_mem>>) src(%dma_wait3A_156 : memref<10000x128xf32, #tpu.memory_space<hbm>>) dst(%arg11 : memref<80x128xf32, #tpu.memory_space<vmem>>)
      %dma_wait3A_157 = arith.constant 0 : i32
      %dma_wait3A_158 = tpu.memref_slice %arg7[%dma_wait3A_157] : memref<10000xi32, #tpu.memory_space<vmem>> -> memref<80xi32, #tpu.memory_space<vmem>>
      %dma_wait3A_159 = arith.constant 0 : i32
      %dma_wait3A_160 = arith.constant 0 : i32
      %dma_wait3A_161 = tpu.memref_slice %arg2[%dma_wait3A_159, %dma_wait3A_160] : memref<10000x128xf32, #tpu.memory_space<hbm>> -> memref<10000x128xf32, #tpu.memory_space<hbm>>
      tpu.wait_indirect_dma semaphore(%arg24 : memref<!tpu.dma_semaphore, #tpu.memory_space<semaphore_mem>>) src(%dma_wait3A_161 : memref<10000x128xf32, #tpu.memory_space<hbm>>) dst(%arg15 : memref<80x128xf32, #tpu.memory_space<vmem>>)
      %iota3A_162 = tpu.iota {dimensions = array<i32: 0>} : vector<16xi32>
      %scan3A_163 = arith.constant 0 : i32
      %scan3A_164 = arith.constant 0 : i32
      %scan3A_165 = arith.constant 5 : i32
      %scan3A_166 = arith.addi %scan3A_164, %scan3A_165 : i32
      %scan3A_167 = arith.constant 1 : i32
      scf.for %scan3A_169 = %scan3A_164 to %scan3A_166 step %scan3A_167  : i32 {
        %mul3A_170 = arith.constant 16 : i32
        %mul3A_171 = arith.muli %scan3A_169, %mul3A_170 : i32
        %add3A_172 = vector.broadcast %mul3A_171 : i32 to vector<16xi32>
        %add3A_173 = arith.addi %add3A_172, %iota3A_162 : vector<16xi32>
        %broadcast_in_dim3A = arith.constant 0.000000e+00 : f32
        %broadcast_in_dim3A_174 = vector.broadcast %broadcast_in_dim3A : f32 to vector<16xf32>
        %scan3A_175 = arith.constant 0 : i32
        %scan3A_176 = arith.constant 128 : i32
        %scan3A_177 = arith.addi %scan3A_175, %scan3A_176 : i32
        %scan3A_178 = arith.constant 32 : i32
        %scan3A_179 = scf.for %scan3A_187 = %scan3A_175 to %scan3A_177 step %scan3A_178 iter_args(%scan3A_188 = %broadcast_in_dim3A_174) -> (vector<16xf32>)  : i32 {
          %add3A_189 = vector.broadcast %scan3A_187 : i32 to vector<16xi32>
          %add3A_190 = arith.addi %iota3A_162, %add3A_189 : vector<16xi32>
          %and3A = arith.constant 127 : i32
          %and3A_191 = vector.broadcast %and3A : i32 to vector<16xi32>
          %and3A_192 = arith.andi %add3A_190, %and3A_191 : vector<16xi32>
          %gather3A = tpu.vector_load_idx %arg11[%add3A_173, %and3A_192] : memref<80x128xf32, #tpu.memory_space<vmem>>[vector<16xi32>, vector<16xi32>], vector<16xf32>,
          %gather3A_193 = tpu.vector_load_idx %arg15[%add3A_173, %and3A_192] : memref<80x128xf32, #tpu.memory_space<vmem>>[vector<16xi32>, vector<16xi32>], vector<16xf32>,
          %mul3A_194 = arith.mulf %gather3A, %gather3A_193 : vector<16xf32>
          %add3A_195 = arith.addf %scan3A_188, %mul3A_194 : vector<16xf32>
          %scan3A_196 = arith.constant 1 : i32
          %scan3A_197 = arith.addi %scan3A_187, %scan3A_196 : i32
          %add3A_198 = vector.broadcast %scan3A_197 : i32 to vector<16xi32>
          %add3A_199 = arith.addi %iota3A_162, %add3A_198 : vector<16xi32>
          %and3A_200 = arith.constant 127 : i32
          %and3A_201 = vector.broadcast %and3A_200 : i32 to vector<16xi32>
          %and3A_202 = arith.andi %add3A_199, %and3A_201 : vector<16xi32>
          %gather3A_203 = tpu.vector_load_idx %arg11[%add3A_173, %and3A_202] : memref<80x128xf32, #tpu.memory_space<vmem>>[vector<16xi32>, vector<16xi32>], vector<16xf32>,
          %gather3A_204 = tpu.vector_load_idx %arg15[%add3A_173, %and3A_202] : memref<80x128xf32, #tpu.memory_space<vmem>>[vector<16xi32>, vector<16xi32>], vector<16xf32>,
          %mul3A_205 = arith.mulf %gather3A_203, %gather3A_204 : vector<16xf32>
          %add3A_206 = arith.addf %add3A_195, %mul3A_205 : vector<16xf32>
          %scan3A_207 = arith.constant 2 : i32
          %scan3A_208 = arith.addi %scan3A_187, %scan3A_207 : i32
          %add3A_209 = vector.broadcast %scan3A_208 : i32 to vector<16xi32>
          %add3A_210 = arith.addi %iota3A_162, %add3A_209 : vector<16xi32>
          %and3A_211 = arith.constant 127 : i32
          %and3A_212 = vector.broadcast %and3A_211 : i32 to vector<16xi32>
          %and3A_213 = arith.andi %add3A_210, %and3A_212 : vector<16xi32>
          %gather3A_214 = tpu.vector_load_idx %arg11[%add3A_173, %and3A_213] : memref<80x128xf32, #tpu.memory_space<vmem>>[vector<16xi32>, vector<16xi32>], vector<16xf32>,
          %gather3A_215 = tpu.vector_load_idx %arg15[%add3A_173, %and3A_213] : memref<80x128xf32, #tpu.memory_space<vmem>>[vector<16xi32>, vector<16xi32>], vector<16xf32>,
          %mul3A_216 = arith.mulf %gather3A_214, %gather3A_215 : vector<16xf32>
          %add3A_217 = arith.addf %add3A_206, %mul3A_216 : vector<16xf32>
          %scan3A_218 = arith.constant 3 : i32
          %scan3A_219 = arith.addi %scan3A_187, %scan3A_218 : i32
          %add3A_220 = vector.broadcast %scan3A_219 : i32 to vector<16xi32>
          %add3A_221 = arith.addi %iota3A_162, %add3A_220 : vector<16xi32>
          %and3A_222 = arith.constant 127 : i32
          %and3A_223 = vector.broadcast %and3A_222 : i32 to vector<16xi32>
          %and3A_224 = arith.andi %add3A_221, %and3A_223 : vector<16xi32>
          %gather3A_225 = tpu.vector_load_idx %arg11[%add3A_173, %and3A_224] : memref<80x128xf32, #tpu.memory_space<vmem>>[vector<16xi32>, vector<16xi32>], vector<16xf32>,
          %gather3A_226 = tpu.vector_load_idx %arg15[%add3A_173, %and3A_224] : memref<80x128xf32, #tpu.memory_space<vmem>>[vector<16xi32>, vector<16xi32>], vector<16xf32>,
          %mul3A_227 = arith.mulf %gather3A_225, %gather3A_226 : vector<16xf32>
          %add3A_228 = arith.addf %add3A_217, %mul3A_227 : vector<16xf32>
          %scan3A_229 = arith.constant 4 : i32
          %scan3A_230 = arith.addi %scan3A_187, %scan3A_229 : i32
          %add3A_231 = vector.broadcast %scan3A_230 : i32 to vector<16xi32>
          %add3A_232 = arith.addi %iota3A_162, %add3A_231 : vector<16xi32>
          %and3A_233 = arith.constant 127 : i32
          %and3A_234 = vector.broadcast %and3A_233 : i32 to vector<16xi32>
          %and3A_235 = arith.andi %add3A_232, %and3A_234 : vector<16xi32>
          %gather3A_236 = tpu.vector_load_idx %arg11[%add3A_173, %and3A_235] : memref<80x128xf32, #tpu.memory_space<vmem>>[vector<16xi32>, vector<16xi32>], vector<16xf32>,
          %gather3A_237 = tpu.vector_load_idx %arg15[%add3A_173, %and3A_235] : memref<80x128xf32, #tpu.memory_space<vmem>>[vector<16xi32>, vector<16xi32>], vector<16xf32>,
          %mul3A_238 = arith.mulf %gather3A_236, %gather3A_237 : vector<16xf32>
          %add3A_239 = arith.addf %add3A_228, %mul3A_238 : vector<16xf32>
          %scan3A_240 = arith.constant 5 : i32
          %scan3A_241 = arith.addi %scan3A_187, %scan3A_240 : i32
          %add3A_242 = vector.broadcast %scan3A_241 : i32 to vector<16xi32>
          %add3A_243 = arith.addi %iota3A_162, %add3A_242 : vector<16xi32>
          %and3A_244 = arith.constant 127 : i32
          %and3A_245 = vector.broadcast %and3A_244 : i32 to vector<16xi32>
          %and3A_246 = arith.andi %add3A_243, %and3A_245 : vector<16xi32>
          %gather3A_247 = tpu.vector_load_idx %arg11[%add3A_173, %and3A_246] : memref<80x128xf32, #tpu.memory_space<vmem>>[vector<16xi32>, vector<16xi32>], vector<16xf32>,
          %gather3A_248 = tpu.vector_load_idx %arg15[%add3A_173, %and3A_246] : memref<80x128xf32, #tpu.memory_space<vmem>>[vector<16xi32>, vector<16xi32>], vector<16xf32>,
          %mul3A_249 = arith.mulf %gather3A_247, %gather3A_248 : vector<16xf32>
          %add3A_250 = arith.addf %add3A_239, %mul3A_249 : vector<16xf32>
          %scan3A_251 = arith.constant 6 : i32
          %scan3A_252 = arith.addi %scan3A_187, %scan3A_251 : i32
          %add3A_253 = vector.broadcast %scan3A_252 : i32 to vector<16xi32>
          %add3A_254 = arith.addi %iota3A_162, %add3A_253 : vector<16xi32>
          %and3A_255 = arith.constant 127 : i32
          %and3A_256 = vector.broadcast %and3A_255 : i32 to vector<16xi32>
          %and3A_257 = arith.andi %add3A_254, %and3A_256 : vector<16xi32>
          %gather3A_258 = tpu.vector_load_idx %arg11[%add3A_173, %and3A_257] : memref<80x128xf32, #tpu.memory_space<vmem>>[vector<16xi32>, vector<16xi32>], vector<16xf32>,
          %gather3A_259 = tpu.vector_load_idx %arg15[%add3A_173, %and3A_257] : memref<80x128xf32, #tpu.memory_space<vmem>>[vector<16xi32>, vector<16xi32>], vector<16xf32>,
          %mul3A_260 = arith.mulf %gather3A_258, %gather3A_259 : vector<16xf32>
          %add3A_261 = arith.addf %add3A_250, %mul3A_260 : vector<16xf32>
          %scan3A_262 = arith.constant 7 : i32
          %scan3A_263 = arith.addi %scan3A_187, %scan3A_262 : i32
          %add3A_264 = vector.broadcast %scan3A_263 : i32 to vector<16xi32>
          %add3A_265 = arith.addi %iota3A_162, %add3A_264 : vector<16xi32>
          %and3A_266 = arith.constant 127 : i32
          %and3A_267 = vector.broadcast %and3A_266 : i32 to vector<16xi32>
          %and3A_268 = arith.andi %add3A_265, %and3A_267 : vector<16xi32>
          %gather3A_269 = tpu.vector_load_idx %arg11[%add3A_173, %and3A_268] : memref<80x128xf32, #tpu.memory_space<vmem>>[vector<16xi32>, vector<16xi32>], vector<16xf32>,
          %gather3A_270 = tpu.vector_load_idx %arg15[%add3A_173, %and3A_268] : memref<80x128xf32, #tpu.memory_space<vmem>>[vector<16xi32>, vector<16xi32>], vector<16xf32>,
          %mul3A_271 = arith.mulf %gather3A_269, %gather3A_270 : vector<16xf32>
          %add3A_272 = arith.addf %add3A_261, %mul3A_271 : vector<16xf32>
          %scan3A_273 = arith.constant 8 : i32
          %scan3A_274 = arith.addi %scan3A_187, %scan3A_273 : i32
          %add3A_275 = vector.broadcast %scan3A_274 : i32 to vector<16xi32>
          %add3A_276 = arith.addi %iota3A_162, %add3A_275 : vector<16xi32>
          %and3A_277 = arith.constant 127 : i32
          %and3A_278 = vector.broadcast %and3A_277 : i32 to vector<16xi32>
          %and3A_279 = arith.andi %add3A_276, %and3A_278 : vector<16xi32>
          %gather3A_280 = tpu.vector_load_idx %arg11[%add3A_173, %and3A_279] : memref<80x128xf32, #tpu.memory_space<vmem>>[vector<16xi32>, vector<16xi32>], vector<16xf32>,
          %gather3A_281 = tpu.vector_load_idx %arg15[%add3A_173, %and3A_279] : memref<80x128xf32, #tpu.memory_space<vmem>>[vector<16xi32>, vector<16xi32>], vector<16xf32>,
          %mul3A_282 = arith.mulf %gather3A_280, %gather3A_281 : vector<16xf32>
          %add3A_283 = arith.addf %add3A_272, %mul3A_282 : vector<16xf32>
          %scan3A_284 = arith.constant 9 : i32
          %scan3A_285 = arith.addi %scan3A_187, %scan3A_284 : i32
          %add3A_286 = vector.broadcast %scan3A_285 : i32 to vector<16xi32>
          %add3A_287 = arith.addi %iota3A_162, %add3A_286 : vector<16xi32>
          %and3A_288 = arith.constant 127 : i32
          %and3A_289 = vector.broadcast %and3A_288 : i32 to vector<16xi32>
          %and3A_290 = arith.andi %add3A_287, %and3A_289 : vector<16xi32>
          %gather3A_291 = tpu.vector_load_idx %arg11[%add3A_173, %and3A_290] : memref<80x128xf32, #tpu.memory_space<vmem>>[vector<16xi32>, vector<16xi32>], vector<16xf32>,
          %gather3A_292 = tpu.vector_load_idx %arg15[%add3A_173, %and3A_290] : memref<80x128xf32, #tpu.memory_space<vmem>>[vector<16xi32>, vector<16xi32>], vector<16xf32>,
          %mul3A_293 = arith.mulf %gather3A_291, %gather3A_292 : vector<16xf32>
          %add3A_294 = arith.addf %add3A_283, %mul3A_293 : vector<16xf32>
          %scan3A_295 = arith.constant 10 : i32
          %scan3A_296 = arith.addi %scan3A_187, %scan3A_295 : i32
          %add3A_297 = vector.broadcast %scan3A_296 : i32 to vector<16xi32>
          %add3A_298 = arith.addi %iota3A_162, %add3A_297 : vector<16xi32>
          %and3A_299 = arith.constant 127 : i32
          %and3A_300 = vector.broadcast %and3A_299 : i32 to vector<16xi32>
          %and3A_301 = arith.andi %add3A_298, %and3A_300 : vector<16xi32>
          %gather3A_302 = tpu.vector_load_idx %arg11[%add3A_173, %and3A_301] : memref<80x128xf32, #tpu.memory_space<vmem>>[vector<16xi32>, vector<16xi32>], vector<16xf32>,
          %gather3A_303 = tpu.vector_load_idx %arg15[%add3A_173, %and3A_301] : memref<80x128xf32, #tpu.memory_space<vmem>>[vector<16xi32>, vector<16xi32>], vector<16xf32>,
          %mul3A_304 = arith.mulf %gather3A_302, %gather3A_303 : vector<16xf32>
          %add3A_305 = arith.addf %add3A_294, %mul3A_304 : vector<16xf32>
          %scan3A_306 = arith.constant 11 : i32
          %scan3A_307 = arith.addi %scan3A_187, %scan3A_306 : i32
          %add3A_308 = vector.broadcast %scan3A_307 : i32 to vector<16xi32>
          %add3A_309 = arith.addi %iota3A_162, %add3A_308 : vector<16xi32>
          %and3A_310 = arith.constant 127 : i32
          %and3A_311 = vector.broadcast %and3A_310 : i32 to vector<16xi32>
          %and3A_312 = arith.andi %add3A_309, %and3A_311 : vector<16xi32>
          %gather3A_313 = tpu.vector_load_idx %arg11[%add3A_173, %and3A_312] : memref<80x128xf32, #tpu.memory_space<vmem>>[vector<16xi32>, vector<16xi32>], vector<16xf32>,
          %gather3A_314 = tpu.vector_load_idx %arg15[%add3A_173, %and3A_312] : memref<80x128xf32, #tpu.memory_space<vmem>>[vector<16xi32>, vector<16xi32>], vector<16xf32>,
          %mul3A_315 = arith.mulf %gather3A_313, %gather3A_314 : vector<16xf32>
          %add3A_316 = arith.addf %add3A_305, %mul3A_315 : vector<16xf32>
          %scan3A_317 = arith.constant 12 : i32
          %scan3A_318 = arith.addi %scan3A_187, %scan3A_317 : i32
          %add3A_319 = vector.broadcast %scan3A_318 : i32 to vector<16xi32>
          %add3A_320 = arith.addi %iota3A_162, %add3A_319 : vector<16xi32>
          %and3A_321 = arith.constant 127 : i32
          %and3A_322 = vector.broadcast %and3A_321 : i32 to vector<16xi32>
          %and3A_323 = arith.andi %add3A_320, %and3A_322 : vector<16xi32>
          %gather3A_324 = tpu.vector_load_idx %arg11[%add3A_173, %and3A_323] : memref<80x128xf32, #tpu.memory_space<vmem>>[vector<16xi32>, vector<16xi32>], vector<16xf32>,
          %gather3A_325 = tpu.vector_load_idx %arg15[%add3A_173, %and3A_323] : memref<80x128xf32, #tpu.memory_space<vmem>>[vector<16xi32>, vector<16xi32>], vector<16xf32>,
          %mul3A_326 = arith.mulf %gather3A_324, %gather3A_325 : vector<16xf32>
          %add3A_327 = arith.addf %add3A_316, %mul3A_326 : vector<16xf32>
          %scan3A_328 = arith.constant 13 : i32
          %scan3A_329 = arith.addi %scan3A_187, %scan3A_328 : i32
          %add3A_330 = vector.broadcast %scan3A_329 : i32 to vector<16xi32>
          %add3A_331 = arith.addi %iota3A_162, %add3A_330 : vector<16xi32>
          %and3A_332 = arith.constant 127 : i32
          %and3A_333 = vector.broadcast %and3A_332 : i32 to vector<16xi32>
          %and3A_334 = arith.andi %add3A_331, %and3A_333 : vector<16xi32>
          %gather3A_335 = tpu.vector_load_idx %arg11[%add3A_173, %and3A_334] : memref<80x128xf32, #tpu.memory_space<vmem>>[vector<16xi32>, vector<16xi32>], vector<16xf32>,
          %gather3A_336 = tpu.vector_load_idx %arg15[%add3A_173, %and3A_334] : memref<80x128xf32, #tpu.memory_space<vmem>>[vector<16xi32>, vector<16xi32>], vector<16xf32>,
          %mul3A_337 = arith.mulf %gather3A_335, %gather3A_336 : vector<16xf32>
          %add3A_338 = arith.addf %add3A_327, %mul3A_337 : vector<16xf32>
          %scan3A_339 = arith.constant 14 : i32
          %scan3A_340 = arith.addi %scan3A_187, %scan3A_339 : i32
          %add3A_341 = vector.broadcast %scan3A_340 : i32 to vector<16xi32>
          %add3A_342 = arith.addi %iota3A_162, %add3A_341 : vector<16xi32>
          %and3A_343 = arith.constant 127 : i32
          %and3A_344 = vector.broadcast %and3A_343 : i32 to vector<16xi32>
          %and3A_345 = arith.andi %add3A_342, %and3A_344 : vector<16xi32>
          %gather3A_346 = tpu.vector_load_idx %arg11[%add3A_173, %and3A_345] : memref<80x128xf32, #tpu.memory_space<vmem>>[vector<16xi32>, vector<16xi32>], vector<16xf32>,
          %gather3A_347 = tpu.vector_load_idx %arg15[%add3A_173, %and3A_345] : memref<80x128xf32, #tpu.memory_space<vmem>>[vector<16xi32>, vector<16xi32>], vector<16xf32>,
          %mul3A_348 = arith.mulf %gather3A_346, %gather3A_347 : vector<16xf32>
          %add3A_349 = arith.addf %add3A_338, %mul3A_348 : vector<16xf32>
          %scan3A_350 = arith.constant 15 : i32
          %scan3A_351 = arith.addi %scan3A_187, %scan3A_350 : i32
          %add3A_352 = vector.broadcast %scan3A_351 : i32 to vector<16xi32>
          %add3A_353 = arith.addi %iota3A_162, %add3A_352 : vector<16xi32>
          %and3A_354 = arith.constant 127 : i32
          %and3A_355 = vector.broadcast %and3A_354 : i32 to vector<16xi32>
          %and3A_356 = arith.andi %add3A_353, %and3A_355 : vector<16xi32>
          %gather3A_357 = tpu.vector_load_idx %arg11[%add3A_173, %and3A_356] : memref<80x128xf32, #tpu.memory_space<vmem>>[vector<16xi32>, vector<16xi32>], vector<16xf32>,
          %gather3A_358 = tpu.vector_load_idx %arg15[%add3A_173, %and3A_356] : memref<80x128xf32, #tpu.memory_space<vmem>>[vector<16xi32>, vector<16xi32>], vector<16xf32>,
          %mul3A_359 = arith.mulf %gather3A_357, %gather3A_358 : vector<16xf32>
          %add3A_360 = arith.addf %add3A_349, %mul3A_359 : vector<16xf32>
          %scan3A_361 = arith.constant 16 : i32
          %scan3A_362 = arith.addi %scan3A_187, %scan3A_361 : i32
          %add3A_363 = vector.broadcast %scan3A_362 : i32 to vector<16xi32>
          %add3A_364 = arith.addi %iota3A_162, %add3A_363 : vector<16xi32>
          %and3A_365 = arith.constant 127 : i32
          %and3A_366 = vector.broadcast %and3A_365 : i32 to vector<16xi32>
          %and3A_367 = arith.andi %add3A_364, %and3A_366 : vector<16xi32>
          %gather3A_368 = tpu.vector_load_idx %arg11[%add3A_173, %and3A_367] : memref<80x128xf32, #tpu.memory_space<vmem>>[vector<16xi32>, vector<16xi32>], vector<16xf32>,
          %gather3A_369 = tpu.vector_load_idx %arg15[%add3A_173, %and3A_367] : memref<80x128xf32, #tpu.memory_space<vmem>>[vector<16xi32>, vector<16xi32>], vector<16xf32>,
          %mul3A_370 = arith.mulf %gather3A_368, %gather3A_369 : vector<16xf32>
          %add3A_371 = arith.addf %add3A_360, %mul3A_370 : vector<16xf32>
          %scan3A_372 = arith.constant 17 : i32
          %scan3A_373 = arith.addi %scan3A_187, %scan3A_372 : i32
          %add3A_374 = vector.broadcast %scan3A_373 : i32 to vector<16xi32>
          %add3A_375 = arith.addi %iota3A_162, %add3A_374 : vector<16xi32>
          %and3A_376 = arith.constant 127 : i32
          %and3A_377 = vector.broadcast %and3A_376 : i32 to vector<16xi32>
          %and3A_378 = arith.andi %add3A_375, %and3A_377 : vector<16xi32>
          %gather3A_379 = tpu.vector_load_idx %arg11[%add3A_173, %and3A_378] : memref<80x128xf32, #tpu.memory_space<vmem>>[vector<16xi32>, vector<16xi32>], vector<16xf32>,
          %gather3A_380 = tpu.vector_load_idx %arg15[%add3A_173, %and3A_378] : memref<80x128xf32, #tpu.memory_space<vmem>>[vector<16xi32>, vector<16xi32>], vector<16xf32>,
          %mul3A_381 = arith.mulf %gather3A_379, %gather3A_380 : vector<16xf32>
          %add3A_382 = arith.addf %add3A_371, %mul3A_381 : vector<16xf32>
          %scan3A_383 = arith.constant 18 : i32
          %scan3A_384 = arith.addi %scan3A_187, %scan3A_383 : i32
          %add3A_385 = vector.broadcast %scan3A_384 : i32 to vector<16xi32>
          %add3A_386 = arith.addi %iota3A_162, %add3A_385 : vector<16xi32>
          %and3A_387 = arith.constant 127 : i32
          %and3A_388 = vector.broadcast %and3A_387 : i32 to vector<16xi32>
          %and3A_389 = arith.andi %add3A_386, %and3A_388 : vector<16xi32>
          %gather3A_390 = tpu.vector_load_idx %arg11[%add3A_173, %and3A_389] : memref<80x128xf32, #tpu.memory_space<vmem>>[vector<16xi32>, vector<16xi32>], vector<16xf32>,
          %gather3A_391 = tpu.vector_load_idx %arg15[%add3A_173, %and3A_389] : memref<80x128xf32, #tpu.memory_space<vmem>>[vector<16xi32>, vector<16xi32>], vector<16xf32>,
          %mul3A_392 = arith.mulf %gather3A_390, %gather3A_391 : vector<16xf32>
          %add3A_393 = arith.addf %add3A_382, %mul3A_392 : vector<16xf32>
          %scan3A_394 = arith.constant 19 : i32
          %scan3A_395 = arith.addi %scan3A_187, %scan3A_394 : i32
          %add3A_396 = vector.broadcast %scan3A_395 : i32 to vector<16xi32>
          %add3A_397 = arith.addi %iota3A_162, %add3A_396 : vector<16xi32>
          %and3A_398 = arith.constant 127 : i32
          %and3A_399 = vector.broadcast %and3A_398 : i32 to vector<16xi32>
          %and3A_400 = arith.andi %add3A_397, %and3A_399 : vector<16xi32>
          %gather3A_401 = tpu.vector_load_idx %arg11[%add3A_173, %and3A_400] : memref<80x128xf32, #tpu.memory_space<vmem>>[vector<16xi32>, vector<16xi32>], vector<16xf32>,
          %gather3A_402 = tpu.vector_load_idx %arg15[%add3A_173, %and3A_400] : memref<80x128xf32, #tpu.memory_space<vmem>>[vector<16xi32>, vector<16xi32>], vector<16xf32>,
          %mul3A_403 = arith.mulf %gather3A_401, %gather3A_402 : vector<16xf32>
          %add3A_404 = arith.addf %add3A_393, %mul3A_403 : vector<16xf32>
          %scan3A_405 = arith.constant 20 : i32
          %scan3A_406 = arith.addi %scan3A_187, %scan3A_405 : i32
          %add3A_407 = vector.broadcast %scan3A_406 : i32 to vector<16xi32>
          %add3A_408 = arith.addi %iota3A_162, %add3A_407 : vector<16xi32>
          %and3A_409 = arith.constant 127 : i32
          %and3A_410 = vector.broadcast %and3A_409 : i32 to vector<16xi32>
          %and3A_411 = arith.andi %add3A_408, %and3A_410 : vector<16xi32>
          %gather3A_412 = tpu.vector_load_idx %arg11[%add3A_173, %and3A_411] : memref<80x128xf32, #tpu.memory_space<vmem>>[vector<16xi32>, vector<16xi32>], vector<16xf32>,
          %gather3A_413 = tpu.vector_load_idx %arg15[%add3A_173, %and3A_411] : memref<80x128xf32, #tpu.memory_space<vmem>>[vector<16xi32>, vector<16xi32>], vector<16xf32>,
          %mul3A_414 = arith.mulf %gather3A_412, %gather3A_413 : vector<16xf32>
          %add3A_415 = arith.addf %add3A_404, %mul3A_414 : vector<16xf32>
          %scan3A_416 = arith.constant 21 : i32
          %scan3A_417 = arith.addi %scan3A_187, %scan3A_416 : i32
          %add3A_418 = vector.broadcast %scan3A_417 : i32 to vector<16xi32>
          %add3A_419 = arith.addi %iota3A_162, %add3A_418 : vector<16xi32>
          %and3A_420 = arith.constant 127 : i32
          %and3A_421 = vector.broadcast %and3A_420 : i32 to vector<16xi32>
          %and3A_422 = arith.andi %add3A_419, %and3A_421 : vector<16xi32>
          %gather3A_423 = tpu.vector_load_idx %arg11[%add3A_173, %and3A_422] : memref<80x128xf32, #tpu.memory_space<vmem>>[vector<16xi32>, vector<16xi32>], vector<16xf32>,
          %gather3A_424 = tpu.vector_load_idx %arg15[%add3A_173, %and3A_422] : memref<80x128xf32, #tpu.memory_space<vmem>>[vector<16xi32>, vector<16xi32>], vector<16xf32>,
          %mul3A_425 = arith.mulf %gather3A_423, %gather3A_424 : vector<16xf32>
          %add3A_426 = arith.addf %add3A_415, %mul3A_425 : vector<16xf32>
          %scan3A_427 = arith.constant 22 : i32
          %scan3A_428 = arith.addi %scan3A_187, %scan3A_427 : i32
          %add3A_429 = vector.broadcast %scan3A_428 : i32 to vector<16xi32>
          %add3A_430 = arith.addi %iota3A_162, %add3A_429 : vector<16xi32>
          %and3A_431 = arith.constant 127 : i32
          %and3A_432 = vector.broadcast %and3A_431 : i32 to vector<16xi32>
          %and3A_433 = arith.andi %add3A_430, %and3A_432 : vector<16xi32>
          %gather3A_434 = tpu.vector_load_idx %arg11[%add3A_173, %and3A_433] : memref<80x128xf32, #tpu.memory_space<vmem>>[vector<16xi32>, vector<16xi32>], vector<16xf32>,
          %gather3A_435 = tpu.vector_load_idx %arg15[%add3A_173, %and3A_433] : memref<80x128xf32, #tpu.memory_space<vmem>>[vector<16xi32>, vector<16xi32>], vector<16xf32>,
          %mul3A_436 = arith.mulf %gather3A_434, %gather3A_435 : vector<16xf32>
          %add3A_437 = arith.addf %add3A_426, %mul3A_436 : vector<16xf32>
          %scan3A_438 = arith.constant 23 : i32
          %scan3A_439 = arith.addi %scan3A_187, %scan3A_438 : i32
          %add3A_440 = vector.broadcast %scan3A_439 : i32 to vector<16xi32>
          %add3A_441 = arith.addi %iota3A_162, %add3A_440 : vector<16xi32>
          %and3A_442 = arith.constant 127 : i32
          %and3A_443 = vector.broadcast %and3A_442 : i32 to vector<16xi32>
          %and3A_444 = arith.andi %add3A_441, %and3A_443 : vector<16xi32>
          %gather3A_445 = tpu.vector_load_idx %arg11[%add3A_173, %and3A_444] : memref<80x128xf32, #tpu.memory_space<vmem>>[vector<16xi32>, vector<16xi32>], vector<16xf32>,
          %gather3A_446 = tpu.vector_load_idx %arg15[%add3A_173, %and3A_444] : memref<80x128xf32, #tpu.memory_space<vmem>>[vector<16xi32>, vector<16xi32>], vector<16xf32>,
          %mul3A_447 = arith.mulf %gather3A_445, %gather3A_446 : vector<16xf32>
          %add3A_448 = arith.addf %add3A_437, %mul3A_447 : vector<16xf32>
          %scan3A_449 = arith.constant 24 : i32
          %scan3A_450 = arith.addi %scan3A_187, %scan3A_449 : i32
          %add3A_451 = vector.broadcast %scan3A_450 : i32 to vector<16xi32>
          %add3A_452 = arith.addi %iota3A_162, %add3A_451 : vector<16xi32>
          %and3A_453 = arith.constant 127 : i32
          %and3A_454 = vector.broadcast %and3A_453 : i32 to vector<16xi32>
          %and3A_455 = arith.andi %add3A_452, %and3A_454 : vector<16xi32>
          %gather3A_456 = tpu.vector_load_idx %arg11[%add3A_173, %and3A_455] : memref<80x128xf32, #tpu.memory_space<vmem>>[vector<16xi32>, vector<16xi32>], vector<16xf32>,
          %gather3A_457 = tpu.vector_load_idx %arg15[%add3A_173, %and3A_455] : memref<80x128xf32, #tpu.memory_space<vmem>>[vector<16xi32>, vector<16xi32>], vector<16xf32>,
          %mul3A_458 = arith.mulf %gather3A_456, %gather3A_457 : vector<16xf32>
          %add3A_459 = arith.addf %add3A_448, %mul3A_458 : vector<16xf32>
          %scan3A_460 = arith.constant 25 : i32
          %scan3A_461 = arith.addi %scan3A_187, %scan3A_460 : i32
          %add3A_462 = vector.broadcast %scan3A_461 : i32 to vector<16xi32>
          %add3A_463 = arith.addi %iota3A_162, %add3A_462 : vector<16xi32>
          %and3A_464 = arith.constant 127 : i32
          %and3A_465 = vector.broadcast %and3A_464 : i32 to vector<16xi32>
          %and3A_466 = arith.andi %add3A_463, %and3A_465 : vector<16xi32>
          %gather3A_467 = tpu.vector_load_idx %arg11[%add3A_173, %and3A_466] : memref<80x128xf32, #tpu.memory_space<vmem>>[vector<16xi32>, vector<16xi32>], vector<16xf32>,
          %gather3A_468 = tpu.vector_load_idx %arg15[%add3A_173, %and3A_466] : memref<80x128xf32, #tpu.memory_space<vmem>>[vector<16xi32>, vector<16xi32>], vector<16xf32>,
          %mul3A_469 = arith.mulf %gather3A_467, %gather3A_468 : vector<16xf32>
          %add3A_470 = arith.addf %add3A_459, %mul3A_469 : vector<16xf32>
          %scan3A_471 = arith.constant 26 : i32
          %scan3A_472 = arith.addi %scan3A_187, %scan3A_471 : i32
          %add3A_473 = vector.broadcast %scan3A_472 : i32 to vector<16xi32>
          %add3A_474 = arith.addi %iota3A_162, %add3A_473 : vector<16xi32>
          %and3A_475 = arith.constant 127 : i32
          %and3A_476 = vector.broadcast %and3A_475 : i32 to vector<16xi32>
          %and3A_477 = arith.andi %add3A_474, %and3A_476 : vector<16xi32>
          %gather3A_478 = tpu.vector_load_idx %arg11[%add3A_173, %and3A_477] : memref<80x128xf32, #tpu.memory_space<vmem>>[vector<16xi32>, vector<16xi32>], vector<16xf32>,
          %gather3A_479 = tpu.vector_load_idx %arg15[%add3A_173, %and3A_477] : memref<80x128xf32, #tpu.memory_space<vmem>>[vector<16xi32>, vector<16xi32>], vector<16xf32>,
          %mul3A_480 = arith.mulf %gather3A_478, %gather3A_479 : vector<16xf32>
          %add3A_481 = arith.addf %add3A_470, %mul3A_480 : vector<16xf32>
          %scan3A_482 = arith.constant 27 : i32
          %scan3A_483 = arith.addi %scan3A_187, %scan3A_482 : i32
          %add3A_484 = vector.broadcast %scan3A_483 : i32 to vector<16xi32>
          %add3A_485 = arith.addi %iota3A_162, %add3A_484 : vector<16xi32>
          %and3A_486 = arith.constant 127 : i32
          %and3A_487 = vector.broadcast %and3A_486 : i32 to vector<16xi32>
          %and3A_488 = arith.andi %add3A_485, %and3A_487 : vector<16xi32>
          %gather3A_489 = tpu.vector_load_idx %arg11[%add3A_173, %and3A_488] : memref<80x128xf32, #tpu.memory_space<vmem>>[vector<16xi32>, vector<16xi32>], vector<16xf32>,
          %gather3A_490 = tpu.vector_load_idx %arg15[%add3A_173, %and3A_488] : memref<80x128xf32, #tpu.memory_space<vmem>>[vector<16xi32>, vector<16xi32>], vector<16xf32>,
          %mul3A_491 = arith.mulf %gather3A_489, %gather3A_490 : vector<16xf32>
          %add3A_492 = arith.addf %add3A_481, %mul3A_491 : vector<16xf32>
          %scan3A_493 = arith.constant 28 : i32
          %scan3A_494 = arith.addi %scan3A_187, %scan3A_493 : i32
          %add3A_495 = vector.broadcast %scan3A_494 : i32 to vector<16xi32>
          %add3A_496 = arith.addi %iota3A_162, %add3A_495 : vector<16xi32>
          %and3A_497 = arith.constant 127 : i32
          %and3A_498 = vector.broadcast %and3A_497 : i32 to vector<16xi32>
          %and3A_499 = arith.andi %add3A_496, %and3A_498 : vector<16xi32>
          %gather3A_500 = tpu.vector_load_idx %arg11[%add3A_173, %and3A_499] : memref<80x128xf32, #tpu.memory_space<vmem>>[vector<16xi32>, vector<16xi32>], vector<16xf32>,
          %gather3A_501 = tpu.vector_load_idx %arg15[%add3A_173, %and3A_499] : memref<80x128xf32, #tpu.memory_space<vmem>>[vector<16xi32>, vector<16xi32>], vector<16xf32>,
          %mul3A_502 = arith.mulf %gather3A_500, %gather3A_501 : vector<16xf32>
          %add3A_503 = arith.addf %add3A_492, %mul3A_502 : vector<16xf32>
          %scan3A_504 = arith.constant 29 : i32
          %scan3A_505 = arith.addi %scan3A_187, %scan3A_504 : i32
          %add3A_506 = vector.broadcast %scan3A_505 : i32 to vector<16xi32>
          %add3A_507 = arith.addi %iota3A_162, %add3A_506 : vector<16xi32>
          %and3A_508 = arith.constant 127 : i32
          %and3A_509 = vector.broadcast %and3A_508 : i32 to vector<16xi32>
          %and3A_510 = arith.andi %add3A_507, %and3A_509 : vector<16xi32>
          %gather3A_511 = tpu.vector_load_idx %arg11[%add3A_173, %and3A_510] : memref<80x128xf32, #tpu.memory_space<vmem>>[vector<16xi32>, vector<16xi32>], vector<16xf32>,
          %gather3A_512 = tpu.vector_load_idx %arg15[%add3A_173, %and3A_510] : memref<80x128xf32, #tpu.memory_space<vmem>>[vector<16xi32>, vector<16xi32>], vector<16xf32>,
          %mul3A_513 = arith.mulf %gather3A_511, %gather3A_512 : vector<16xf32>
          %add3A_514 = arith.addf %add3A_503, %mul3A_513 : vector<16xf32>
          %scan3A_515 = arith.constant 30 : i32
          %scan3A_516 = arith.addi %scan3A_187, %scan3A_515 : i32
          %add3A_517 = vector.broadcast %scan3A_516 : i32 to vector<16xi32>
          %add3A_518 = arith.addi %iota3A_162, %add3A_517 : vector<16xi32>
          %and3A_519 = arith.constant 127 : i32
          %and3A_520 = vector.broadcast %and3A_519 : i32 to vector<16xi32>
          %and3A_521 = arith.andi %add3A_518, %and3A_520 : vector<16xi32>
          %gather3A_522 = tpu.vector_load_idx %arg11[%add3A_173, %and3A_521] : memref<80x128xf32, #tpu.memory_space<vmem>>[vector<16xi32>, vector<16xi32>], vector<16xf32>,
          %gather3A_523 = tpu.vector_load_idx %arg15[%add3A_173, %and3A_521] : memref<80x128xf32, #tpu.memory_space<vmem>>[vector<16xi32>, vector<16xi32>], vector<16xf32>,
          %mul3A_524 = arith.mulf %gather3A_522, %gather3A_523 : vector<16xf32>
          %add3A_525 = arith.addf %add3A_514, %mul3A_524 : vector<16xf32>
          %scan3A_526 = arith.constant 31 : i32
          %scan3A_527 = arith.addi %scan3A_187, %scan3A_526 : i32
          %add3A_528 = vector.broadcast %scan3A_527 : i32 to vector<16xi32>
          %add3A_529 = arith.addi %iota3A_162, %add3A_528 : vector<16xi32>
          %and3A_530 = arith.constant 127 : i32
          %and3A_531 = vector.broadcast %and3A_530 : i32 to vector<16xi32>
          %and3A_532 = arith.andi %add3A_529, %and3A_531 : vector<16xi32>
          %gather3A_533 = tpu.vector_load_idx %arg11[%add3A_173, %and3A_532] : memref<80x128xf32, #tpu.memory_space<vmem>>[vector<16xi32>, vector<16xi32>], vector<16xf32>,
          %gather3A_534 = tpu.vector_load_idx %arg15[%add3A_173, %and3A_532] : memref<80x128xf32, #tpu.memory_space<vmem>>[vector<16xi32>, vector<16xi32>], vector<16xf32>,
          %mul3A_535 = arith.mulf %gather3A_533, %gather3A_534 : vector<16xf32>
          %add3A_536 = arith.addf %add3A_525, %mul3A_535 : vector<16xf32>
          scf.yield %add3A_536 : vector<16xf32>
        }
        %scan3A_180 = arith.constant 128 : i32
        %mul3A_181 = arith.constant 80 : i32
        %mul3A_182 = arith.muli %add3A_142, %mul3A_181 : i32
        %mul3A_183 = arith.constant 16 : i32
        %mul3A_184 = arith.muli %scan3A_169, %mul3A_183 : i32
        %add3A_185 = arith.addi %mul3A_182, %mul3A_184 : i32
        %swap3A = arith.index_cast %add3A_185 : i32 to index
        %swap3A_186 = tpu.vector_load %arg16[%swap3A] {strides = array<i32>} : memref<10000xf32, #tpu.memory_space<vmem>>, vector<16xf32>,
        tpu.vector_store %arg16[%swap3A], %scan3A_179 {strides = array<i32>} : memref<10000xf32, #tpu.memory_space<vmem>>, vector<16xf32>,
      }
      %scan3A_168 = arith.constant 5 : i32
    }
    %scan3A_36 = arith.constant 31 : i32
    %dma_wait3A = arith.constant 0 : i32
    %dma_wait3A_37 = tpu.memref_slice %arg6[%dma_wait3A] : memref<10000xi32, #tpu.memory_space<vmem>> -> memref<80xi32, #tpu.memory_space<vmem>>
    %dma_wait3A_38 = arith.constant 0 : i32
    %dma_wait3A_39 = arith.constant 0 : i32
    %dma_wait3A_40 = tpu.memref_slice %arg2[%dma_wait3A_38, %dma_wait3A_39] : memref<10000x128xf32, #tpu.memory_space<hbm>> -> memref<10000x128xf32, #tpu.memory_space<hbm>>
    tpu.wait_indirect_dma semaphore(%arg17 : memref<!tpu.dma_semaphore, #tpu.memory_space<semaphore_mem>>) src(%dma_wait3A_40 : memref<10000x128xf32, #tpu.memory_space<hbm>>) dst(%arg8 : memref<80x128xf32, #tpu.memory_space<vmem>>)
    %dma_wait3A_41 = arith.constant 0 : i32
    %dma_wait3A_42 = tpu.memref_slice %arg7[%dma_wait3A_41] : memref<10000xi32, #tpu.memory_space<vmem>> -> memref<80xi32, #tpu.memory_space<vmem>>
    %dma_wait3A_43 = arith.constant 0 : i32
    %dma_wait3A_44 = arith.constant 0 : i32
    %dma_wait3A_45 = tpu.memref_slice %arg2[%dma_wait3A_43, %dma_wait3A_44] : memref<10000x128xf32, #tpu.memory_space<hbm>> -> memref<10000x128xf32, #tpu.memory_space<hbm>>
    tpu.wait_indirect_dma semaphore(%arg21 : memref<!tpu.dma_semaphore, #tpu.memory_space<semaphore_mem>>) src(%dma_wait3A_45 : memref<10000x128xf32, #tpu.memory_space<hbm>>) dst(%arg12 : memref<80x128xf32, #tpu.memory_space<vmem>>)
    %iota3A = tpu.iota {dimensions = array<i32: 0>} : vector<16xi32>
    %scan3A_46 = arith.constant 0 : i32
    %scan3A_47 = arith.constant 0 : i32
    %scan3A_48 = arith.constant 5 : i32
    %scan3A_49 = arith.addi %scan3A_47, %scan3A_48 : i32
    %scan3A_50 = arith.constant 1 : i32
    scf.for %scan3A_52 = %scan3A_47 to %scan3A_49 step %scan3A_50  : i32 {
      %mul3A_53 = arith.constant 16 : i32
      %mul3A_54 = arith.muli %scan3A_52, %mul3A_53 : i32
      %add3A_55 = vector.broadcast %mul3A_54 : i32 to vector<16xi32>
      %add3A_56 = arith.addi %add3A_55, %iota3A : vector<16xi32>
      %broadcast_in_dim3A = arith.constant 0.000000e+00 : f32
      %broadcast_in_dim3A_57 = vector.broadcast %broadcast_in_dim3A : f32 to vector<16xf32>
      %scan3A_58 = arith.constant 0 : i32
      %scan3A_59 = arith.constant 128 : i32
      %scan3A_60 = arith.addi %scan3A_58, %scan3A_59 : i32
      %scan3A_61 = arith.constant 32 : i32
      %scan3A_62 = scf.for %scan3A_69 = %scan3A_58 to %scan3A_60 step %scan3A_61 iter_args(%scan3A_70 = %broadcast_in_dim3A_57) -> (vector<16xf32>)  : i32 {
        %add3A_71 = vector.broadcast %scan3A_69 : i32 to vector<16xi32>
        %add3A_72 = arith.addi %iota3A, %add3A_71 : vector<16xi32>
        %and3A = arith.constant 127 : i32
        %and3A_73 = vector.broadcast %and3A : i32 to vector<16xi32>
        %and3A_74 = arith.andi %add3A_72, %and3A_73 : vector<16xi32>
        %gather3A = tpu.vector_load_idx %arg8[%add3A_56, %and3A_74] : memref<80x128xf32, #tpu.memory_space<vmem>>[vector<16xi32>, vector<16xi32>], vector<16xf32>,
        %gather3A_75 = tpu.vector_load_idx %arg12[%add3A_56, %and3A_74] : memref<80x128xf32, #tpu.memory_space<vmem>>[vector<16xi32>, vector<16xi32>], vector<16xf32>,
        %mul3A_76 = arith.mulf %gather3A, %gather3A_75 : vector<16xf32>
        %add3A_77 = arith.addf %scan3A_70, %mul3A_76 : vector<16xf32>
        %scan3A_78 = arith.constant 1 : i32
        %scan3A_79 = arith.addi %scan3A_69, %scan3A_78 : i32
        %add3A_80 = vector.broadcast %scan3A_79 : i32 to vector<16xi32>
        %add3A_81 = arith.addi %iota3A, %add3A_80 : vector<16xi32>
        %and3A_82 = arith.constant 127 : i32
        %and3A_83 = vector.broadcast %and3A_82 : i32 to vector<16xi32>
        %and3A_84 = arith.andi %add3A_81, %and3A_83 : vector<16xi32>
        %gather3A_85 = tpu.vector_load_idx %arg8[%add3A_56, %and3A_84] : memref<80x128xf32, #tpu.memory_space<vmem>>[vector<16xi32>, vector<16xi32>], vector<16xf32>,
        %gather3A_86 = tpu.vector_load_idx %arg12[%add3A_56, %and3A_84] : memref<80x128xf32, #tpu.memory_space<vmem>>[vector<16xi32>, vector<16xi32>], vector<16xf32>,
        %mul3A_87 = arith.mulf %gather3A_85, %gather3A_86 : vector<16xf32>
        %add3A_88 = arith.addf %add3A_77, %mul3A_87 : vector<16xf32>
        %scan3A_89 = arith.constant 2 : i32
        %scan3A_90 = arith.addi %scan3A_69, %scan3A_89 : i32
        %add3A_91 = vector.broadcast %scan3A_90 : i32 to vector<16xi32>
        %add3A_92 = arith.addi %iota3A, %add3A_91 : vector<16xi32>
        %and3A_93 = arith.constant 127 : i32
        %and3A_94 = vector.broadcast %and3A_93 : i32 to vector<16xi32>
        %and3A_95 = arith.andi %add3A_92, %and3A_94 : vector<16xi32>
        %gather3A_96 = tpu.vector_load_idx %arg8[%add3A_56, %and3A_95] : memref<80x128xf32, #tpu.memory_space<vmem>>[vector<16xi32>, vector<16xi32>], vector<16xf32>,
        %gather3A_97 = tpu.vector_load_idx %arg12[%add3A_56, %and3A_95] : memref<80x128xf32, #tpu.memory_space<vmem>>[vector<16xi32>, vector<16xi32>], vector<16xf32>,
        %mul3A_98 = arith.mulf %gather3A_96, %gather3A_97 : vector<16xf32>
        %add3A_99 = arith.addf %add3A_88, %mul3A_98 : vector<16xf32>
        %scan3A_100 = arith.constant 3 : i32
        %scan3A_101 = arith.addi %scan3A_69, %scan3A_100 : i32
        %add3A_102 = vector.broadcast %scan3A_101 : i32 to vector<16xi32>
        %add3A_103 = arith.addi %iota3A, %add3A_102 : vector<16xi32>
        %and3A_104 = arith.constant 127 : i32
        %and3A_105 = vector.broadcast %and3A_104 : i32 to vector<16xi32>
        %and3A_106 = arith.andi %add3A_103, %and3A_105 : vector<16xi32>
        %gather3A_107 = tpu.vector_load_idx %arg8[%add3A_56, %and3A_106] : memref<80x128xf32, #tpu.memory_space<vmem>>[vector<16xi32>, vector<16xi32>], vector<16xf32>,
        %gather3A_108 = tpu.vector_load_idx %arg12[%add3A_56, %and3A_106] : memref<80x128xf32, #tpu.memory_space<vmem>>[vector<16xi32>, vector<16xi32>], vector<16xf32>,
        %mul3A_109 = arith.mulf %gather3A_107, %gather3A_108 : vector<16xf32>
        %add3A_110 = arith.addf %add3A_99, %mul3A_109 : vector<16xf32>
        %scan3A_111 = arith.constant 4 : i32
        %scan3A_112 = arith.addi %scan3A_69, %scan3A_111 : i32
        %add3A_113 = vector.broadcast %scan3A_112 : i32 to vector<16xi32>
        %add3A_114 = arith.addi %iota3A, %add3A_113 : vector<16xi32>
        %and3A_115 = arith.constant 127 : i32
        %and3A_116 = vector.broadcast %and3A_115 : i32 to vector<16xi32>
        %and3A_117 = arith.andi %add3A_114, %and3A_116 : vector<16xi32>
        %gather3A_118 = tpu.vector_load_idx %arg8[%add3A_56, %and3A_117] : memref<80x128xf32, #tpu.memory_space<vmem>>[vector<16xi32>, vector<16xi32>], vector<16xf32>,
        %gather3A_119 = tpu.vector_load_idx %arg12[%add3A_56, %and3A_117] : memref<80x128xf32, #tpu.memory_space<vmem>>[vector<16xi32>, vector<16xi32>], vector<16xf32>,
        %mul3A_120 = arith.mulf %gather3A_118, %gather3A_119 : vector<16xf32>
        %add3A_121 = arith.addf %add3A_110, %mul3A_120 : vector<16xf32>
        %scan3A_122 = arith.constant 5 : i32
        %scan3A_123 = arith.addi %scan3A_69, %scan3A_122 : i32
        %add3A_124 = vector.broadcast %scan3A_123 : i32 to vector<16xi32>
        %add3A_125 = arith.addi %iota3A, %add3A_124 : vector<16xi32>
        %and3A_126 = arith.constant 127 : i32
        %and3A_127 = vector.broadcast %and3A_126 : i32 to vector<16xi32>
        %and3A_128 = arith.andi %add3A_125, %and3A_127 : vector<16xi32>
        %gather3A_129 = tpu.vector_load_idx %arg8[%add3A_56, %and3A_128] : memref<80x128xf32, #tpu.memory_space<vmem>>[vector<16xi32>, vector<16xi32>], vector<16xf32>,
        %gather3A_130 = tpu.vector_load_idx %arg12[%add3A_56, %and3A_128] : memref<80x128xf32, #tpu.memory_space<vmem>>[vector<16xi32>, vector<16xi32>], vector<16xf32>,
        %mul3A_131 = arith.mulf %gather3A_129, %gather3A_130 : vector<16xf32>
        %add3A_132 = arith.addf %add3A_121, %mul3A_131 : vector<16xf32>
        %scan3A_133 = arith.constant 6 : i32
        %scan3A_134 = arith.addi %scan3A_69, %scan3A_133 : i32
        %add3A_135 = vector.broadcast %scan3A_134 : i32 to vector<16xi32>
        %add3A_136 = arith.addi %iota3A, %add3A_135 : vector<16xi32>
        %and3A_137 = arith.constant 127 : i32
        %and3A_138 = vector.broadcast %and3A_137 : i32 to vector<16xi32>
        %and3A_139 = arith.andi %add3A_136, %and3A_138 : vector<16xi32>
        %gather3A_140 = tpu.vector_load_idx %arg8[%add3A_56, %and3A_139] : memref<80x128xf32, #tpu.memory_space<vmem>>[vector<16xi32>, vector<16xi32>], vector<16xf32>,
        %gather3A_141 = tpu.vector_load_idx %arg12[%add3A_56, %and3A_139] : memref<80x128xf32, #tpu.memory_space<vmem>>[vector<16xi32>, vector<16xi32>], vector<16xf32>,
        %mul3A_142 = arith.mulf %gather3A_140, %gather3A_141 : vector<16xf32>
        %add3A_143 = arith.addf %add3A_132, %mul3A_142 : vector<16xf32>
        %scan3A_144 = arith.constant 7 : i32
        %scan3A_145 = arith.addi %scan3A_69, %scan3A_144 : i32
        %add3A_146 = vector.broadcast %scan3A_145 : i32 to vector<16xi32>
        %add3A_147 = arith.addi %iota3A, %add3A_146 : vector<16xi32>
        %and3A_148 = arith.constant 127 : i32
        %and3A_149 = vector.broadcast %and3A_148 : i32 to vector<16xi32>
        %and3A_150 = arith.andi %add3A_147, %and3A_149 : vector<16xi32>
        %gather3A_151 = tpu.vector_load_idx %arg8[%add3A_56, %and3A_150] : memref<80x128xf32, #tpu.memory_space<vmem>>[vector<16xi32>, vector<16xi32>], vector<16xf32>,
        %gather3A_152 = tpu.vector_load_idx %arg12[%add3A_56, %and3A_150] : memref<80x128xf32, #tpu.memory_space<vmem>>[vector<16xi32>, vector<16xi32>], vector<16xf32>,
        %mul3A_153 = arith.mulf %gather3A_151, %gather3A_152 : vector<16xf32>
        %add3A_154 = arith.addf %add3A_143, %mul3A_153 : vector<16xf32>
        %scan3A_155 = arith.constant 8 : i32
        %scan3A_156 = arith.addi %scan3A_69, %scan3A_155 : i32
        %add3A_157 = vector.broadcast %scan3A_156 : i32 to vector<16xi32>
        %add3A_158 = arith.addi %iota3A, %add3A_157 : vector<16xi32>
        %and3A_159 = arith.constant 127 : i32
        %and3A_160 = vector.broadcast %and3A_159 : i32 to vector<16xi32>
        %and3A_161 = arith.andi %add3A_158, %and3A_160 : vector<16xi32>
        %gather3A_162 = tpu.vector_load_idx %arg8[%add3A_56, %and3A_161] : memref<80x128xf32, #tpu.memory_space<vmem>>[vector<16xi32>, vector<16xi32>], vector<16xf32>,
        %gather3A_163 = tpu.vector_load_idx %arg12[%add3A_56, %and3A_161] : memref<80x128xf32, #tpu.memory_space<vmem>>[vector<16xi32>, vector<16xi32>], vector<16xf32>,
        %mul3A_164 = arith.mulf %gather3A_162, %gather3A_163 : vector<16xf32>
        %add3A_165 = arith.addf %add3A_154, %mul3A_164 : vector<16xf32>
        %scan3A_166 = arith.constant 9 : i32
        %scan3A_167 = arith.addi %scan3A_69, %scan3A_166 : i32
        %add3A_168 = vector.broadcast %scan3A_167 : i32 to vector<16xi32>
        %add3A_169 = arith.addi %iota3A, %add3A_168 : vector<16xi32>
        %and3A_170 = arith.constant 127 : i32
        %and3A_171 = vector.broadcast %and3A_170 : i32 to vector<16xi32>
        %and3A_172 = arith.andi %add3A_169, %and3A_171 : vector<16xi32>
        %gather3A_173 = tpu.vector_load_idx %arg8[%add3A_56, %and3A_172] : memref<80x128xf32, #tpu.memory_space<vmem>>[vector<16xi32>, vector<16xi32>], vector<16xf32>,
        %gather3A_174 = tpu.vector_load_idx %arg12[%add3A_56, %and3A_172] : memref<80x128xf32, #tpu.memory_space<vmem>>[vector<16xi32>, vector<16xi32>], vector<16xf32>,
        %mul3A_175 = arith.mulf %gather3A_173, %gather3A_174 : vector<16xf32>
        %add3A_176 = arith.addf %add3A_165, %mul3A_175 : vector<16xf32>
        %scan3A_177 = arith.constant 10 : i32
        %scan3A_178 = arith.addi %scan3A_69, %scan3A_177 : i32
        %add3A_179 = vector.broadcast %scan3A_178 : i32 to vector<16xi32>
        %add3A_180 = arith.addi %iota3A, %add3A_179 : vector<16xi32>
        %and3A_181 = arith.constant 127 : i32
        %and3A_182 = vector.broadcast %and3A_181 : i32 to vector<16xi32>
        %and3A_183 = arith.andi %add3A_180, %and3A_182 : vector<16xi32>
        %gather3A_184 = tpu.vector_load_idx %arg8[%add3A_56, %and3A_183] : memref<80x128xf32, #tpu.memory_space<vmem>>[vector<16xi32>, vector<16xi32>], vector<16xf32>,
        %gather3A_185 = tpu.vector_load_idx %arg12[%add3A_56, %and3A_183] : memref<80x128xf32, #tpu.memory_space<vmem>>[vector<16xi32>, vector<16xi32>], vector<16xf32>,
        %mul3A_186 = arith.mulf %gather3A_184, %gather3A_185 : vector<16xf32>
        %add3A_187 = arith.addf %add3A_176, %mul3A_186 : vector<16xf32>
        %scan3A_188 = arith.constant 11 : i32
        %scan3A_189 = arith.addi %scan3A_69, %scan3A_188 : i32
        %add3A_190 = vector.broadcast %scan3A_189 : i32 to vector<16xi32>
        %add3A_191 = arith.addi %iota3A, %add3A_190 : vector<16xi32>
        %and3A_192 = arith.constant 127 : i32
        %and3A_193 = vector.broadcast %and3A_192 : i32 to vector<16xi32>
        %and3A_194 = arith.andi %add3A_191, %and3A_193 : vector<16xi32>
        %gather3A_195 = tpu.vector_load_idx %arg8[%add3A_56, %and3A_194] : memref<80x128xf32, #tpu.memory_space<vmem>>[vector<16xi32>, vector<16xi32>], vector<16xf32>,
        %gather3A_196 = tpu.vector_load_idx %arg12[%add3A_56, %and3A_194] : memref<80x128xf32, #tpu.memory_space<vmem>>[vector<16xi32>, vector<16xi32>], vector<16xf32>,
        %mul3A_197 = arith.mulf %gather3A_195, %gather3A_196 : vector<16xf32>
        %add3A_198 = arith.addf %add3A_187, %mul3A_197 : vector<16xf32>
        %scan3A_199 = arith.constant 12 : i32
        %scan3A_200 = arith.addi %scan3A_69, %scan3A_199 : i32
        %add3A_201 = vector.broadcast %scan3A_200 : i32 to vector<16xi32>
        %add3A_202 = arith.addi %iota3A, %add3A_201 : vector<16xi32>
        %and3A_203 = arith.constant 127 : i32
        %and3A_204 = vector.broadcast %and3A_203 : i32 to vector<16xi32>
        %and3A_205 = arith.andi %add3A_202, %and3A_204 : vector<16xi32>
        %gather3A_206 = tpu.vector_load_idx %arg8[%add3A_56, %and3A_205] : memref<80x128xf32, #tpu.memory_space<vmem>>[vector<16xi32>, vector<16xi32>], vector<16xf32>,
        %gather3A_207 = tpu.vector_load_idx %arg12[%add3A_56, %and3A_205] : memref<80x128xf32, #tpu.memory_space<vmem>>[vector<16xi32>, vector<16xi32>], vector<16xf32>,
        %mul3A_208 = arith.mulf %gather3A_206, %gather3A_207 : vector<16xf32>
        %add3A_209 = arith.addf %add3A_198, %mul3A_208 : vector<16xf32>
        %scan3A_210 = arith.constant 13 : i32
        %scan3A_211 = arith.addi %scan3A_69, %scan3A_210 : i32
        %add3A_212 = vector.broadcast %scan3A_211 : i32 to vector<16xi32>
        %add3A_213 = arith.addi %iota3A, %add3A_212 : vector<16xi32>
        %and3A_214 = arith.constant 127 : i32
        %and3A_215 = vector.broadcast %and3A_214 : i32 to vector<16xi32>
        %and3A_216 = arith.andi %add3A_213, %and3A_215 : vector<16xi32>
        %gather3A_217 = tpu.vector_load_idx %arg8[%add3A_56, %and3A_216] : memref<80x128xf32, #tpu.memory_space<vmem>>[vector<16xi32>, vector<16xi32>], vector<16xf32>,
        %gather3A_218 = tpu.vector_load_idx %arg12[%add3A_56, %and3A_216] : memref<80x128xf32, #tpu.memory_space<vmem>>[vector<16xi32>, vector<16xi32>], vector<16xf32>,
        %mul3A_219 = arith.mulf %gather3A_217, %gather3A_218 : vector<16xf32>
        %add3A_220 = arith.addf %add3A_209, %mul3A_219 : vector<16xf32>
        %scan3A_221 = arith.constant 14 : i32
        %scan3A_222 = arith.addi %scan3A_69, %scan3A_221 : i32
        %add3A_223 = vector.broadcast %scan3A_222 : i32 to vector<16xi32>
        %add3A_224 = arith.addi %iota3A, %add3A_223 : vector<16xi32>
        %and3A_225 = arith.constant 127 : i32
        %and3A_226 = vector.broadcast %and3A_225 : i32 to vector<16xi32>
        %and3A_227 = arith.andi %add3A_224, %and3A_226 : vector<16xi32>
        %gather3A_228 = tpu.vector_load_idx %arg8[%add3A_56, %and3A_227] : memref<80x128xf32, #tpu.memory_space<vmem>>[vector<16xi32>, vector<16xi32>], vector<16xf32>,
        %gather3A_229 = tpu.vector_load_idx %arg12[%add3A_56, %and3A_227] : memref<80x128xf32, #tpu.memory_space<vmem>>[vector<16xi32>, vector<16xi32>], vector<16xf32>,
        %mul3A_230 = arith.mulf %gather3A_228, %gather3A_229 : vector<16xf32>
        %add3A_231 = arith.addf %add3A_220, %mul3A_230 : vector<16xf32>
        %scan3A_232 = arith.constant 15 : i32
        %scan3A_233 = arith.addi %scan3A_69, %scan3A_232 : i32
        %add3A_234 = vector.broadcast %scan3A_233 : i32 to vector<16xi32>
        %add3A_235 = arith.addi %iota3A, %add3A_234 : vector<16xi32>
        %and3A_236 = arith.constant 127 : i32
        %and3A_237 = vector.broadcast %and3A_236 : i32 to vector<16xi32>
        %and3A_238 = arith.andi %add3A_235, %and3A_237 : vector<16xi32>
        %gather3A_239 = tpu.vector_load_idx %arg8[%add3A_56, %and3A_238] : memref<80x128xf32, #tpu.memory_space<vmem>>[vector<16xi32>, vector<16xi32>], vector<16xf32>,
        %gather3A_240 = tpu.vector_load_idx %arg12[%add3A_56, %and3A_238] : memref<80x128xf32, #tpu.memory_space<vmem>>[vector<16xi32>, vector<16xi32>], vector<16xf32>,
        %mul3A_241 = arith.mulf %gather3A_239, %gather3A_240 : vector<16xf32>
        %add3A_242 = arith.addf %add3A_231, %mul3A_241 : vector<16xf32>
        %scan3A_243 = arith.constant 16 : i32
        %scan3A_244 = arith.addi %scan3A_69, %scan3A_243 : i32
        %add3A_245 = vector.broadcast %scan3A_244 : i32 to vector<16xi32>
        %add3A_246 = arith.addi %iota3A, %add3A_245 : vector<16xi32>
        %and3A_247 = arith.constant 127 : i32
        %and3A_248 = vector.broadcast %and3A_247 : i32 to vector<16xi32>
        %and3A_249 = arith.andi %add3A_246, %and3A_248 : vector<16xi32>
        %gather3A_250 = tpu.vector_load_idx %arg8[%add3A_56, %and3A_249] : memref<80x128xf32, #tpu.memory_space<vmem>>[vector<16xi32>, vector<16xi32>], vector<16xf32>,
        %gather3A_251 = tpu.vector_load_idx %arg12[%add3A_56, %and3A_249] : memref<80x128xf32, #tpu.memory_space<vmem>>[vector<16xi32>, vector<16xi32>], vector<16xf32>,
        %mul3A_252 = arith.mulf %gather3A_250, %gather3A_251 : vector<16xf32>
        %add3A_253 = arith.addf %add3A_242, %mul3A_252 : vector<16xf32>
        %scan3A_254 = arith.constant 17 : i32
        %scan3A_255 = arith.addi %scan3A_69, %scan3A_254 : i32
        %add3A_256 = vector.broadcast %scan3A_255 : i32 to vector<16xi32>
        %add3A_257 = arith.addi %iota3A, %add3A_256 : vector<16xi32>
        %and3A_258 = arith.constant 127 : i32
        %and3A_259 = vector.broadcast %and3A_258 : i32 to vector<16xi32>
        %and3A_260 = arith.andi %add3A_257, %and3A_259 : vector<16xi32>
        %gather3A_261 = tpu.vector_load_idx %arg8[%add3A_56, %and3A_260] : memref<80x128xf32, #tpu.memory_space<vmem>>[vector<16xi32>, vector<16xi32>], vector<16xf32>,
        %gather3A_262 = tpu.vector_load_idx %arg12[%add3A_56, %and3A_260] : memref<80x128xf32, #tpu.memory_space<vmem>>[vector<16xi32>, vector<16xi32>], vector<16xf32>,
        %mul3A_263 = arith.mulf %gather3A_261, %gather3A_262 : vector<16xf32>
        %add3A_264 = arith.addf %add3A_253, %mul3A_263 : vector<16xf32>
        %scan3A_265 = arith.constant 18 : i32
        %scan3A_266 = arith.addi %scan3A_69, %scan3A_265 : i32
        %add3A_267 = vector.broadcast %scan3A_266 : i32 to vector<16xi32>
        %add3A_268 = arith.addi %iota3A, %add3A_267 : vector<16xi32>
        %and3A_269 = arith.constant 127 : i32
        %and3A_270 = vector.broadcast %and3A_269 : i32 to vector<16xi32>
        %and3A_271 = arith.andi %add3A_268, %and3A_270 : vector<16xi32>
        %gather3A_272 = tpu.vector_load_idx %arg8[%add3A_56, %and3A_271] : memref<80x128xf32, #tpu.memory_space<vmem>>[vector<16xi32>, vector<16xi32>], vector<16xf32>,
        %gather3A_273 = tpu.vector_load_idx %arg12[%add3A_56, %and3A_271] : memref<80x128xf32, #tpu.memory_space<vmem>>[vector<16xi32>, vector<16xi32>], vector<16xf32>,
        %mul3A_274 = arith.mulf %gather3A_272, %gather3A_273 : vector<16xf32>
        %add3A_275 = arith.addf %add3A_264, %mul3A_274 : vector<16xf32>
        %scan3A_276 = arith.constant 19 : i32
        %scan3A_277 = arith.addi %scan3A_69, %scan3A_276 : i32
        %add3A_278 = vector.broadcast %scan3A_277 : i32 to vector<16xi32>
        %add3A_279 = arith.addi %iota3A, %add3A_278 : vector<16xi32>
        %and3A_280 = arith.constant 127 : i32
        %and3A_281 = vector.broadcast %and3A_280 : i32 to vector<16xi32>
        %and3A_282 = arith.andi %add3A_279, %and3A_281 : vector<16xi32>
        %gather3A_283 = tpu.vector_load_idx %arg8[%add3A_56, %and3A_282] : memref<80x128xf32, #tpu.memory_space<vmem>>[vector<16xi32>, vector<16xi32>], vector<16xf32>,
        %gather3A_284 = tpu.vector_load_idx %arg12[%add3A_56, %and3A_282] : memref<80x128xf32, #tpu.memory_space<vmem>>[vector<16xi32>, vector<16xi32>], vector<16xf32>,
        %mul3A_285 = arith.mulf %gather3A_283, %gather3A_284 : vector<16xf32>
        %add3A_286 = arith.addf %add3A_275, %mul3A_285 : vector<16xf32>
        %scan3A_287 = arith.constant 20 : i32
        %scan3A_288 = arith.addi %scan3A_69, %scan3A_287 : i32
        %add3A_289 = vector.broadcast %scan3A_288 : i32 to vector<16xi32>
        %add3A_290 = arith.addi %iota3A, %add3A_289 : vector<16xi32>
        %and3A_291 = arith.constant 127 : i32
        %and3A_292 = vector.broadcast %and3A_291 : i32 to vector<16xi32>
        %and3A_293 = arith.andi %add3A_290, %and3A_292 : vector<16xi32>
        %gather3A_294 = tpu.vector_load_idx %arg8[%add3A_56, %and3A_293] : memref<80x128xf32, #tpu.memory_space<vmem>>[vector<16xi32>, vector<16xi32>], vector<16xf32>,
        %gather3A_295 = tpu.vector_load_idx %arg12[%add3A_56, %and3A_293] : memref<80x128xf32, #tpu.memory_space<vmem>>[vector<16xi32>, vector<16xi32>], vector<16xf32>,
        %mul3A_296 = arith.mulf %gather3A_294, %gather3A_295 : vector<16xf32>
        %add3A_297 = arith.addf %add3A_286, %mul3A_296 : vector<16xf32>
        %scan3A_298 = arith.constant 21 : i32
        %scan3A_299 = arith.addi %scan3A_69, %scan3A_298 : i32
        %add3A_300 = vector.broadcast %scan3A_299 : i32 to vector<16xi32>
        %add3A_301 = arith.addi %iota3A, %add3A_300 : vector<16xi32>
        %and3A_302 = arith.constant 127 : i32
        %and3A_303 = vector.broadcast %and3A_302 : i32 to vector<16xi32>
        %and3A_304 = arith.andi %add3A_301, %and3A_303 : vector<16xi32>
        %gather3A_305 = tpu.vector_load_idx %arg8[%add3A_56, %and3A_304] : memref<80x128xf32, #tpu.memory_space<vmem>>[vector<16xi32>, vector<16xi32>], vector<16xf32>,
        %gather3A_306 = tpu.vector_load_idx %arg12[%add3A_56, %and3A_304] : memref<80x128xf32, #tpu.memory_space<vmem>>[vector<16xi32>, vector<16xi32>], vector<16xf32>,
        %mul3A_307 = arith.mulf %gather3A_305, %gather3A_306 : vector<16xf32>
        %add3A_308 = arith.addf %add3A_297, %mul3A_307 : vector<16xf32>
        %scan3A_309 = arith.constant 22 : i32
        %scan3A_310 = arith.addi %scan3A_69, %scan3A_309 : i32
        %add3A_311 = vector.broadcast %scan3A_310 : i32 to vector<16xi32>
        %add3A_312 = arith.addi %iota3A, %add3A_311 : vector<16xi32>
        %and3A_313 = arith.constant 127 : i32
        %and3A_314 = vector.broadcast %and3A_313 : i32 to vector<16xi32>
        %and3A_315 = arith.andi %add3A_312, %and3A_314 : vector<16xi32>
        %gather3A_316 = tpu.vector_load_idx %arg8[%add3A_56, %and3A_315] : memref<80x128xf32, #tpu.memory_space<vmem>>[vector<16xi32>, vector<16xi32>], vector<16xf32>,
        %gather3A_317 = tpu.vector_load_idx %arg12[%add3A_56, %and3A_315] : memref<80x128xf32, #tpu.memory_space<vmem>>[vector<16xi32>, vector<16xi32>], vector<16xf32>,
        %mul3A_318 = arith.mulf %gather3A_316, %gather3A_317 : vector<16xf32>
        %add3A_319 = arith.addf %add3A_308, %mul3A_318 : vector<16xf32>
        %scan3A_320 = arith.constant 23 : i32
        %scan3A_321 = arith.addi %scan3A_69, %scan3A_320 : i32
        %add3A_322 = vector.broadcast %scan3A_321 : i32 to vector<16xi32>
        %add3A_323 = arith.addi %iota3A, %add3A_322 : vector<16xi32>
        %and3A_324 = arith.constant 127 : i32
        %and3A_325 = vector.broadcast %and3A_324 : i32 to vector<16xi32>
        %and3A_326 = arith.andi %add3A_323, %and3A_325 : vector<16xi32>
        %gather3A_327 = tpu.vector_load_idx %arg8[%add3A_56, %and3A_326] : memref<80x128xf32, #tpu.memory_space<vmem>>[vector<16xi32>, vector<16xi32>], vector<16xf32>,
        %gather3A_328 = tpu.vector_load_idx %arg12[%add3A_56, %and3A_326] : memref<80x128xf32, #tpu.memory_space<vmem>>[vector<16xi32>, vector<16xi32>], vector<16xf32>,
        %mul3A_329 = arith.mulf %gather3A_327, %gather3A_328 : vector<16xf32>
        %add3A_330 = arith.addf %add3A_319, %mul3A_329 : vector<16xf32>
        %scan3A_331 = arith.constant 24 : i32
        %scan3A_332 = arith.addi %scan3A_69, %scan3A_331 : i32
        %add3A_333 = vector.broadcast %scan3A_332 : i32 to vector<16xi32>
        %add3A_334 = arith.addi %iota3A, %add3A_333 : vector<16xi32>
        %and3A_335 = arith.constant 127 : i32
        %and3A_336 = vector.broadcast %and3A_335 : i32 to vector<16xi32>
        %and3A_337 = arith.andi %add3A_334, %and3A_336 : vector<16xi32>
        %gather3A_338 = tpu.vector_load_idx %arg8[%add3A_56, %and3A_337] : memref<80x128xf32, #tpu.memory_space<vmem>>[vector<16xi32>, vector<16xi32>], vector<16xf32>,
        %gather3A_339 = tpu.vector_load_idx %arg12[%add3A_56, %and3A_337] : memref<80x128xf32, #tpu.memory_space<vmem>>[vector<16xi32>, vector<16xi32>], vector<16xf32>,
        %mul3A_340 = arith.mulf %gather3A_338, %gather3A_339 : vector<16xf32>
        %add3A_341 = arith.addf %add3A_330, %mul3A_340 : vector<16xf32>
        %scan3A_342 = arith.constant 25 : i32
        %scan3A_343 = arith.addi %scan3A_69, %scan3A_342 : i32
        %add3A_344 = vector.broadcast %scan3A_343 : i32 to vector<16xi32>
        %add3A_345 = arith.addi %iota3A, %add3A_344 : vector<16xi32>
        %and3A_346 = arith.constant 127 : i32
        %and3A_347 = vector.broadcast %and3A_346 : i32 to vector<16xi32>
        %and3A_348 = arith.andi %add3A_345, %and3A_347 : vector<16xi32>
        %gather3A_349 = tpu.vector_load_idx %arg8[%add3A_56, %and3A_348] : memref<80x128xf32, #tpu.memory_space<vmem>>[vector<16xi32>, vector<16xi32>], vector<16xf32>,
        %gather3A_350 = tpu.vector_load_idx %arg12[%add3A_56, %and3A_348] : memref<80x128xf32, #tpu.memory_space<vmem>>[vector<16xi32>, vector<16xi32>], vector<16xf32>,
        %mul3A_351 = arith.mulf %gather3A_349, %gather3A_350 : vector<16xf32>
        %add3A_352 = arith.addf %add3A_341, %mul3A_351 : vector<16xf32>
        %scan3A_353 = arith.constant 26 : i32
        %scan3A_354 = arith.addi %scan3A_69, %scan3A_353 : i32
        %add3A_355 = vector.broadcast %scan3A_354 : i32 to vector<16xi32>
        %add3A_356 = arith.addi %iota3A, %add3A_355 : vector<16xi32>
        %and3A_357 = arith.constant 127 : i32
        %and3A_358 = vector.broadcast %and3A_357 : i32 to vector<16xi32>
        %and3A_359 = arith.andi %add3A_356, %and3A_358 : vector<16xi32>
        %gather3A_360 = tpu.vector_load_idx %arg8[%add3A_56, %and3A_359] : memref<80x128xf32, #tpu.memory_space<vmem>>[vector<16xi32>, vector<16xi32>], vector<16xf32>,
        %gather3A_361 = tpu.vector_load_idx %arg12[%add3A_56, %and3A_359] : memref<80x128xf32, #tpu.memory_space<vmem>>[vector<16xi32>, vector<16xi32>], vector<16xf32>,
        %mul3A_362 = arith.mulf %gather3A_360, %gather3A_361 : vector<16xf32>
        %add3A_363 = arith.addf %add3A_352, %mul3A_362 : vector<16xf32>
        %scan3A_364 = arith.constant 27 : i32
        %scan3A_365 = arith.addi %scan3A_69, %scan3A_364 : i32
        %add3A_366 = vector.broadcast %scan3A_365 : i32 to vector<16xi32>
        %add3A_367 = arith.addi %iota3A, %add3A_366 : vector<16xi32>
        %and3A_368 = arith.constant 127 : i32
        %and3A_369 = vector.broadcast %and3A_368 : i32 to vector<16xi32>
        %and3A_370 = arith.andi %add3A_367, %and3A_369 : vector<16xi32>
        %gather3A_371 = tpu.vector_load_idx %arg8[%add3A_56, %and3A_370] : memref<80x128xf32, #tpu.memory_space<vmem>>[vector<16xi32>, vector<16xi32>], vector<16xf32>,
        %gather3A_372 = tpu.vector_load_idx %arg12[%add3A_56, %and3A_370] : memref<80x128xf32, #tpu.memory_space<vmem>>[vector<16xi32>, vector<16xi32>], vector<16xf32>,
        %mul3A_373 = arith.mulf %gather3A_371, %gather3A_372 : vector<16xf32>
        %add3A_374 = arith.addf %add3A_363, %mul3A_373 : vector<16xf32>
        %scan3A_375 = arith.constant 28 : i32
        %scan3A_376 = arith.addi %scan3A_69, %scan3A_375 : i32
        %add3A_377 = vector.broadcast %scan3A_376 : i32 to vector<16xi32>
        %add3A_378 = arith.addi %iota3A, %add3A_377 : vector<16xi32>
        %and3A_379 = arith.constant 127 : i32
        %and3A_380 = vector.broadcast %and3A_379 : i32 to vector<16xi32>
        %and3A_381 = arith.andi %add3A_378, %and3A_380 : vector<16xi32>
        %gather3A_382 = tpu.vector_load_idx %arg8[%add3A_56, %and3A_381] : memref<80x128xf32, #tpu.memory_space<vmem>>[vector<16xi32>, vector<16xi32>], vector<16xf32>,
        %gather3A_383 = tpu.vector_load_idx %arg12[%add3A_56, %and3A_381] : memref<80x128xf32, #tpu.memory_space<vmem>>[vector<16xi32>, vector<16xi32>], vector<16xf32>,
        %mul3A_384 = arith.mulf %gather3A_382, %gather3A_383 : vector<16xf32>
        %add3A_385 = arith.addf %add3A_374, %mul3A_384 : vector<16xf32>
        %scan3A_386 = arith.constant 29 : i32
        %scan3A_387 = arith.addi %scan3A_69, %scan3A_386 : i32
        %add3A_388 = vector.broadcast %scan3A_387 : i32 to vector<16xi32>
        %add3A_389 = arith.addi %iota3A, %add3A_388 : vector<16xi32>
        %and3A_390 = arith.constant 127 : i32
        %and3A_391 = vector.broadcast %and3A_390 : i32 to vector<16xi32>
        %and3A_392 = arith.andi %add3A_389, %and3A_391 : vector<16xi32>
        %gather3A_393 = tpu.vector_load_idx %arg8[%add3A_56, %and3A_392] : memref<80x128xf32, #tpu.memory_space<vmem>>[vector<16xi32>, vector<16xi32>], vector<16xf32>,
        %gather3A_394 = tpu.vector_load_idx %arg12[%add3A_56, %and3A_392] : memref<80x128xf32, #tpu.memory_space<vmem>>[vector<16xi32>, vector<16xi32>], vector<16xf32>,
        %mul3A_395 = arith.mulf %gather3A_393, %gather3A_394 : vector<16xf32>
        %add3A_396 = arith.addf %add3A_385, %mul3A_395 : vector<16xf32>
        %scan3A_397 = arith.constant 30 : i32
        %scan3A_398 = arith.addi %scan3A_69, %scan3A_397 : i32
        %add3A_399 = vector.broadcast %scan3A_398 : i32 to vector<16xi32>
        %add3A_400 = arith.addi %iota3A, %add3A_399 : vector<16xi32>
        %and3A_401 = arith.constant 127 : i32
        %and3A_402 = vector.broadcast %and3A_401 : i32 to vector<16xi32>
        %and3A_403 = arith.andi %add3A_400, %and3A_402 : vector<16xi32>
        %gather3A_404 = tpu.vector_load_idx %arg8[%add3A_56, %and3A_403] : memref<80x128xf32, #tpu.memory_space<vmem>>[vector<16xi32>, vector<16xi32>], vector<16xf32>,
        %gather3A_405 = tpu.vector_load_idx %arg12[%add3A_56, %and3A_403] : memref<80x128xf32, #tpu.memory_space<vmem>>[vector<16xi32>, vector<16xi32>], vector<16xf32>,
        %mul3A_406 = arith.mulf %gather3A_404, %gather3A_405 : vector<16xf32>
        %add3A_407 = arith.addf %add3A_396, %mul3A_406 : vector<16xf32>
        %scan3A_408 = arith.constant 31 : i32
        %scan3A_409 = arith.addi %scan3A_69, %scan3A_408 : i32
        %add3A_410 = vector.broadcast %scan3A_409 : i32 to vector<16xi32>
        %add3A_411 = arith.addi %iota3A, %add3A_410 : vector<16xi32>
        %and3A_412 = arith.constant 127 : i32
        %and3A_413 = vector.broadcast %and3A_412 : i32 to vector<16xi32>
        %and3A_414 = arith.andi %add3A_411, %and3A_413 : vector<16xi32>
        %gather3A_415 = tpu.vector_load_idx %arg8[%add3A_56, %and3A_414] : memref<80x128xf32, #tpu.memory_space<vmem>>[vector<16xi32>, vector<16xi32>], vector<16xf32>,
        %gather3A_416 = tpu.vector_load_idx %arg12[%add3A_56, %and3A_414] : memref<80x128xf32, #tpu.memory_space<vmem>>[vector<16xi32>, vector<16xi32>], vector<16xf32>,
        %mul3A_417 = arith.mulf %gather3A_415, %gather3A_416 : vector<16xf32>
        %add3A_418 = arith.addf %add3A_407, %mul3A_417 : vector<16xf32>
        scf.yield %add3A_418 : vector<16xf32>
      }
      %scan3A_63 = arith.constant 128 : i32
      %mul3A_64 = arith.constant 16 : i32
      %mul3A_65 = arith.muli %scan3A_52, %mul3A_64 : i32
      %add3A_66 = arith.constant 9920 : i32
      %add3A_67 = arith.addi %add3A_66, %mul3A_65 : i32
      %swap3A = arith.index_cast %add3A_67 : i32 to index
      %swap3A_68 = tpu.vector_load %arg16[%swap3A] {strides = array<i32>} : memref<10000xf32, #tpu.memory_space<vmem>>, vector<16xf32>,
      tpu.vector_store %arg16[%swap3A], %scan3A_62 {strides = array<i32>} : memref<10000xf32, #tpu.memory_space<vmem>>, vector<16xf32>,
    }
    %scan3A_51 = arith.constant 5 : i32
    "tpu.region"() ({
      %run_scoped3A = tpu.sem_alloc : memref<!tpu.dma_semaphore, #tpu.memory_space<semaphore_mem>>
      %dma_start3A_52 = tpu.memref_slice %arg5[%mul3A_2] : memref<320000xf32, #tpu.memory_space<hbm>> -> memref<10000xf32, #tpu.memory_space<hbm>>
      %dma_start3A_53 = tpu.memref_slice %arg5[%mul3A_2] : memref<320000xf32, #tpu.memory_space<hbm>> -> memref<10000xf32, #tpu.memory_space<hbm>>
      tpu.enqueue_dma source(%arg16 : memref<10000xf32, #tpu.memory_space<vmem>>) target(%dma_start3A_53 : memref<10000xf32, #tpu.memory_space<hbm>>) target_semaphore(%run_scoped3A : memref<!tpu.dma_semaphore, #tpu.memory_space<semaphore_mem>>)
      %dma_wait3A_54 = tpu.memref_slice %arg5[%mul3A_2] : memref<320000xf32, #tpu.memory_space<hbm>> -> memref<10000xf32, #tpu.memory_space<hbm>>
      %dma_wait3A_55 = tpu.memref_slice %arg5[%mul3A_2] : memref<320000xf32, #tpu.memory_space<hbm>> -> memref<10000xf32, #tpu.memory_space<hbm>>
      tpu.wait_dma2 semaphore(%run_scoped3A : memref<!tpu.dma_semaphore, #tpu.memory_space<semaphore_mem>>) src(%arg16 : memref<10000xf32, #tpu.memory_space<vmem>>) dst(%dma_wait3A_55 : memref<10000xf32, #tpu.memory_space<hbm>>)
      tpu.yield
    }) : () -> ()
    return
  }
}

</mosaic_0001>

<sc_bundles>
// kernel: _dot_predict_sc.3.cloned.1.call-start
scs
__scs_entry_jumppad:
0x0: {  	(pc) =	sbr.rel $0x88, $3  }
0x1: {  	(tag) =	ssettag $0x0;
	lr =	simm.s32 $0x1  }
0x2: {  	[smem:$0x3F9E] =	sst lr;
	_ =	strace $0xD0000000  }
0x3: {  	_ = 	snop  }
0x4: {  	_ = 	snop  }
0x5: {  	_ = 	snop  }
0x6: {  	_ = 	snop  }
0x7: {  	_ = 	snop  }
__scs_overlays_trampoline_lowered:
0x8: {  	[smem:$0x3FAD] =	sst s0  }
0x9: {  	[smem:$0x3FAE] =	sst s1  }
0xa: {  	[smem:$0x3FAF] =	sst s2  }
0xb: {  	[smem:$0x3FB0] =	sst s3  }
0xc: {  	[smem:$0x3FB1] =	sst s4  }
0xd: {  	[smem:$0x3FB2] =	sst s5  }
0xe: {  	[smem:$0x3FB3] =	sst s6  }
0xf: {  	[smem:$0x3FB4] =	sst s7  }
0x10: {  	[smem:$0x3FB5] =	sst s8  }
0x11: {  	[smem:$0x3FB6] =	sst s9;
	s0 =	simm.s32 @!p0 $0x0  }
0x12: {  	s1 =	sld [smem:$0x3F9C];
	s0 =	simm.s32 @p0 $0x1  }
0x13: {  	[smem:$0x3FB7] =	sst s0;
	s0 =	simm.s32 @!p1 $0x0  }
0x14: {  	s2 =	sld [smem:$0x3F9B];
	s0 =	simm.s32 @p1 $0x1  }
0x15: {  	[smem:$0x3FB8] =	sst s0;
	s0 =	simm.s32 @!p2 $0x0  }
0x16: {  	s3 =	sld [smem:$0x3FDB];
	s0 =	simm.s32 @p2 $0x1  }
0x17: {  	s4 =	simm.s32 $0x1BF5;
	[smem:$0x3FBA] =	sst s0  }
0x18: {  	s0 =	sld [smem:$0x3F9D];
	_ =	swait.ge [sflag:s4], $0x0  }
0x19: {  	s7 =	sld [smem:$0x3F9E]  }
0x1a: {  	s8 =	sadd.s32 $0xFFFFE003, lr  }
0x1b: {  	s9 =	sadd.s32 $0xFFFFFEF7, lr;
	s5 =	simm.s32 $0xFFFFFFFF;
	p2 =	slt.u32 s8, $0xFFFFF086  }
0x1c: {  	p1 =	slt.u32 s9, $0xF7A;
	s5 =	simm.s32 @!p2 $0x0  }
0x1d: {  	s5 =	simm.s32 @p1 $0x1;
	p0 =	seq.s32 s7, s2  }
0x1e: {  	s7 =	smul.u32 @!p0 $0xF7A, s2;
	p2 =	seq.s32 @!p0 s5, $0x0  }
0x1f: {  	s9 =	smul.u32 $0xF7A, s1;
	s8 =	simm.s32 @!p0 $0x1BF5;
	p2 =	por !p2, p0  }
0x20: {  	[sflag:s8] =	ssyncset.s32 @!p0 $0xFFFFF086;
	s6 =	sadd.s32 @!p0 s3, s7;
	s7 =	simm.s32 @!p0 $0x108  }
0x21: {  	s3 =	sadd.s32 s3, s9;
	s6 =	sadd.s32 @!p0 $0x88, s6;
	s7 =	simm.s32 @p2 $0x1082  }
0x22: {  	[simem:s7], [sflag:s8] =	dma.local @!p0 [hbm:s6], $0xF7A  }
0x23: {  	s9 =	sor.u32 $0xD0000000, s2;
	s6 =	simm.s32 $0x108;
	_ =	swait.ge @!p0 [sflag:s8], $0x0  }
0x24: {  	s3 =	sadd.s32 $0x88, s3;
	s6 =	simm.s32 @!p1 $0x1082;
	[sflag:s4] =	ssyncset.s32 $0xFFFFF086  }
0x25: {  	[simem:s6], [sflag:s4] =	dma.local [hbm:s3], $0xF7A  }
0x26: {  	[smem:$0x3F9E] =	sst s1;
	(tag) =	ssettag s2;
	_ =	strace s9  }
0x27: {  	s1 =	sld [smem:$0x3FAE]  }
0x28: {  	s2 =	sld [smem:$0x3FAF]  }
0x29: {  	s4 =	sld [smem:$0x3FB1]  }
0x2a: {  	p0 =	seq.s32 s5, $0x0;
	s5 =	sld [smem:$0x3FB2]  }
0x2b: {  	s6 =	sld [smem:$0x3FB3]  }
0x2c: {  	s7 =	sld [smem:$0x3FB4]  }
0x2d: {  	s3 =	simm.s32 $0x108;
	s8 =	sld [smem:$0x3FB5]  }
0x2e: {  	s3 =	simm.s32 @!p0 $0x1082;
	s9 =	sld [smem:$0x3FB6]  }
0x2f: {  	lr =	sadd.s32 s0, s3;
	s0 =	sld [smem:$0x3FAD]  }
0x30: {  	s3 =	sld [smem:$0x3FB0]  }
0x31: {  	[smem:$0x3FB9] =	sst s10  }
0x32: {  	s10 =	sld [smem:$0x3FB7];
	_ =	sdelay $0x3  }
0x33: {  	p0 =	seq.s32 s10, $0x1;
	s10 =	sld [smem:$0x3FB9];
	_ =	sdelay $0x3  }
0x34: {  	[smem:$0x3FB9] =	sst s10  }
0x35: {  	s10 =	sld [smem:$0x3FB8];
	_ =	sdelay $0x3  }
0x36: {  	p1 =	seq.s32 s10, $0x1;
	s10 =	sld [smem:$0x3FB9];
	_ =	sdelay $0x3  }
0x37: {  	[smem:$0x3FB9] =	sst s10  }
0x38: {  	s10 =	sld [smem:$0x3FBA]  }
0x39: {  	_ = 	snop;
	(pc) =	sbr.ind lr, $3  }
0x3a: {  	_ = 	snop  }
0x3b: {  	_ = 	snop  }
0x3c: {  	p2 =	seq.s32 s10, $0x1;
	s10 =	sld [smem:$0x3FB9]  }
0x3d: {  	_ =	shalt  }
0x3e: {  	_ =	shalt  }
0x3f: {  	_ =	shalt  }
0x40: {  	_ =	shalt  }
0x41: {  	_ =	shalt  }
0x42: {  	_ =	shalt  }
0x43: {  	_ =	shalt  }
0x44: {  	_ =	shalt  }
0x45: {  	_ =	shalt  }
0x46: {  	_ =	shalt  }
0x47: {  	_ =	shalt  }
0x48: {  	_ =	shalt  }
0x49: {  	_ =	shalt  }
0x4a: {  	_ =	shalt  }
0x4b: {  	_ =	shalt  }
0x4c: {  	_ =	shalt  }
0x4d: {  	_ =	shalt  }
0x4e: {  	_ =	shalt  }
0x4f: {  	_ =	shalt  }
0x50: {  	_ =	shalt  }
0x51: {  	_ =	shalt  }
0x52: {  	_ =	shalt  }
0x53: {  	_ =	shalt  }
0x54: {  	_ =	shalt  }
0x55: {  	_ =	shalt  }
0x56: {  	_ =	shalt  }
0x57: {  	_ =	shalt  }
0x58: {  	_ =	shalt  }
0x59: {  	_ =	shalt  }
0x5a: {  	_ =	shalt  }
0x5b: {  	_ =	shalt  }
0x5c: {  	_ =	shalt  }
0x5d: {  	_ =	shalt  }
0x5e: {  	_ =	shalt  }
0x5f: {  	_ =	shalt  }
0x60: {  	_ =	shalt  }
0x61: {  	_ =	shalt  }
0x62: {  	_ =	shalt  }
0x63: {  	_ =	shalt  }
0x64: {  	_ =	shalt  }
0x65: {  	_ =	shalt  }
0x66: {  	_ =	shalt  }
0x67: {  	_ =	shalt  }
0x68: {  	_ =	shalt  }
0x69: {  	_ =	shalt  }
0x6a: {  	_ =	shalt  }
0x6b: {  	_ =	shalt  }
0x6c: {  	_ =	shalt  }
0x6d: {  	_ =	shalt  }
0x6e: {  	_ =	shalt  }
0x6f: {  	_ =	shalt  }
0x70: {  	_ =	shalt  }
0x71: {  	_ =	shalt  }
0x72: {  	_ =	shalt  }
0x73: {  	_ =	shalt  }
0x74: {  	_ =	shalt  }
0x75: {  	_ =	shalt  }
0x76: {  	_ =	shalt  }
0x77: {  	_ =	shalt  }
0x78: {  	_ =	shalt  }
0x79: {  	_ =	shalt  }
0x7a: {  	_ =	shalt  }
0x7b: {  	_ =	shalt  }
0x7c: {  	_ =	shalt  }
0x7d: {  	_ =	shalt  }
0x7e: {  	_ =	shalt  }
0x7f: {  	_ =	shalt  }
0x80: {  	_ =	shalt  }
0x81: {  	_ =	shalt  }
0x82: {  	_ =	shalt  }
0x83: {  	_ =	shalt  }
0x84: {  	_ =	shalt  }
0x85: {  	_ =	shalt  }
0x86: {  	_ =	shalt  }
0x87: {  	_ =	shalt  }
.Lfunc_end0:
.L_simem_size_0:
called_computation_lowered:
.L_overlay_start_0:
0x88: {  	s2 =	sld [smem:$0x3FD9]  }
0x89: {  	s3 =	sld [smem:$0x3FFE];
	_ =	sdelay $0x1  }
0x8a: {  	s1 =	srdreg.scid  }
0x8b: {  	s0 =	sand.u32 $0x1, s1  }
0x8c: {  	s18 =	sshll.u32 s0, $0xA;
	s2 =	sadd.s32 s3, s2  }
0x8d: {  	s2 =	sadd.s32 s2, s18  }
0x8e: {  	[smem:$0x3FC5] =	sst s2  }
0x8f: {  	_ = 	snop  }
0x90: {  	s2 =	sld [smem:$0x3FC9]  }
0x91: {  	s19 =	sld [smem:$0x3FC8]  }
0x92: {  	s4 =	sld [smem:$0x3FC7]  }
0x93: {  	s5 =	sld [smem:$0x3FD0];
	(tm) =	ssettm $0x1  }
0x94: {  	s6 =	sld [smem:$0x3FFB];
	_ =	sdelay $0x3  }
0x95: {  	_ =	strace s6  }
0x96: {  	s6 =	sld [smem:$0x3FFC];
	_ =	sdelay $0x3  }
0x97: {  	_ =	strace s6  }
0x98: {  	s6 =	sld [smem:$0x3FFD];
	_ =	sdelay $0x3  }
0x99: {  	_ =	strace s6  }
0x9a: {  	_ =	strace $0x8FFFFFFF  }
0x9b: {  	s20 =	sld [smem:$0x3FDB];
	_ =	sdelay $0x1  }
0x9c: {  	s7 =	simm.s32 $_scs_section_size  }
0x9d: {  	s8 =	simm.s32 $_size__tile_overlayer_lowered;
	s9 =	simm.s32 $_tile_overlayer_lowered  }
0x9e: {  	s23 =	simm.s32 $0x1BFF;
	s22 =	sshll.u32 s9, $0x1;
	s6 =	sadd.s32 s7, s20  }
0x9f: {  	s10 =	simm.s32 $0x0;
	s21 =	sshll.u32 s8, $0x1;
	s8 =	sadd.s32 s22, s6  }
0xa0: {  	[timem:s10], [sflag:s23] =	dma.local [hbm:s8], s21  }
0xa1: {  	_ =	swait.ge [sflag:s23], s21  }
0xa2: {  	s7 =	ssub.s32 $0x0, s21;
	[sflag:s23] =	ssyncset.done $0x0  }
0xa3: {  	[sflag:s23] =	ssyncadd.s32 s7;
	_ =	sdelay $0x1  }
0xa4: {  	s24 =	simm.s32 $0x1B8B  }
0xa5: {  	_ =	swait.ge [sflag:s24], $0x1  }
0xa6: {  	[sflag:s24] =	ssyncset.done $0x0  }
0xa7: {  	s25 =	simm.s32 $0x1B8E;
	[sflag:s24] =	ssyncadd.s32 $0xFFFFFFFF  }
0xa8: {  	s26 =	simm.s32 $execute0_lowered;
	[smem:$0x3FD2] =	sst s25  }
0xa9: {  	s7 =	sshll.u32 s26, $0x1;
	_ =	strace $0x80000046;
	[dreg:$0x1] =	wrdreg $0xFFFFFFFF  }
0xaa: {  	s28 =	simm.s32 $_size_execute0_lowered;
	s6 =	sadd.s32 s6, s7;
	[dreg:$0x0] =	wrdreg $0x0  }
0xab: {  	s7 =	sshll.u32 s28, $0x1;
	[dreg:$0x2] =	wrdreg s6  }
0xac: {  	[dreg:$0x3] =	wrdreg s7  }
0xad: {  	[dreg:$0x4] =	wrdreg $0xC0  }
0xae: {  	_ =	task [dreg:s10], $0x5FFFF  }
0xaf: {  	[dreg:$0x1] =	wrdreg $0xFFFFFFFF  }
0xb0: {  	[dreg:$0x0] =	wrdreg $0x60  }
0xb1: {  	[dreg:$0x2] =	wrdreg s2  }
0xb2: {  	[dreg:$0x3] =	wrdreg s19  }
0xb3: {  	[dreg:$0x4] =	wrdreg s4  }
0xb4: {  	[dreg:$0x5] =	wrdreg s5  }
0xb5: {  	[dreg:$0x6] =	wrdreg $0x9  }
0xb6: {  	_ =	task.clear_ibuf [dreg:s10], $0x7FFFF;
	_ =	strace $0x90000046  }
0xb7: {  	s29 =	simm.s32 $0x9;
	_ =	strace $0x80000048  }
0xb8: {  	_ =	swait.ge [sflag:s29], $0x1  }
0xb9: {  	[sflag:s29] =	ssyncadd.s32 $0xFFFFFFFF  }
0xba: {  	_ =	strace $0x90000048  }
0xbb: {  	_ =	sfence  }
0xbc: {  	s30 =	sld [smem:$0x0];
	_ =	sdelay $0x2  }
0xbd: {  	s31 =	sshll.u32 s1, $0xD;
	s1 =	sshrl.u32 s1, $0x2  }
0xbe: {  	s3 =	sand.u32 $0x4000, s31;
	s1 =	sadd.s32 s1, s30  }
0xbf: {  	s0 =	sor.u32 s3, s0;
	s1 =	sshll.u32 s1, $0x11  }
0xc0: {  	s0 =	sor.u32 s1, s0  }
0xc1: {  	s0 =	sadd.s32 $0x8F2B, s0  }
0xc2: {  	[sflag:s0] =	ssyncadd.remote.s32 $0x1  }
0xc3: {  	_ =	sfence.sel $0xFFFF  }
0xc4: {  	[dreg:$0x0] =	wrdreg $0xFFFFFFFF;
	(pc) =	sbr.abs _section_cstart, $3  }
0xc5: {  	[dreg:$0x1] =	wrdreg $0xFFFFFFFF  }
0xc6: {  	_ =	task.clear_ibuf [dreg:s10], $0x2FFFF;
	_ =	strace $0x9FFFFFFF  }
0xc7: {  	(tm) =	ssettm $0x7FFFFFFF  }
tec
execute0_lowered:
.L_overlay_start_1:
0x0: {  	(tag) =	ssettag $0x1  }
0x1: {  	s1 =	rddreg [dreg:$0x0]  }
0x2: {  	s0 =	rddreg [dreg:$0x1]  }
0x3: {  	s2 =	rddreg [dreg:$0x2];
	s3 =	srdreg.scid  }
0x4: {  	s6 =	stileid.u32;
	s4 =	rddreg [dreg:$0x3];
	s8 =	simm.s32 $0x9  }
0x5: {  	s10 =	simm.s32 $0x50;
	s11 =	simm.s32 $0x4F00;
	s12 =	simm.s32 $0xEF00  }
0x6: {  	s13 =	simm.s32 $0x7700;
	s15 =	simm.s32 $0x11700;
	s17 =	simm.s32 $0x9F00  }
0x7: {  	s19 =	simm.s32 $0x13F00;
	s20 =	simm.s32 $0xC700;
	s21 =	simm.s32 $0x16700  }
0x8: {  	s22 =	simm.s32 $0x1;
	s5 =	sand.u32 $0x1, s3;
	s24 =	sshll.u32 s6, $0x1  }
0x9: {  	s23 =	simm.s32 $0x5;
	s28 =	simm.s32 $0x7;
	s6 =	sor.u32 s5, s24  }
0xa: {  	s29 =	simm.s32 $0x4;
	s3 =	simm.s32 $0x0;
	s6 =	smul.u32 $0x4E2, s6  }
0xb: {  	s30 =	simm.s32 $0x8;
	s5 =	ssub.s32 $0x2, s5;
	[smem:$0x7FF] =	sst s3  }
0xc: {  	s24 =	simm.s32 $0x2;
	s7 =	sshrl.u32 s5, $0x1;
	s0 =	sadd.s32 s0, s6  }
0xd: {  	_ =	strace $0x80000047;
	s25 =	sadd.s32 s2, s6;
	[dreg:$0x5] =	wrdreg s0  }
0xe: {  	s5 =	ssub.s32 s5, s7;
	s26 =	sadd.s32 s4, s6;
	[dreg:$0x6] =	wrdreg s25  }
0xf: {  	v0 =	vlaneseq.u32;
	s31 =	smax.u32 s5, $0x1;
	s2 =	simm.s32 $0x0;
	[dreg:$0x7] =	wrdreg s26  }
0x10: {  	v1 =	vmul.u32 $0x80, v0;
	[dreg:$0x8] =	wrdreg s31;
	s25 =	simm.s32 $0x6;
	s26 =	simm.s32 $0x3  }
.LBB2_1:
0x11: {  	s0 =	rddreg [dreg:$0x5]  }
0x12: {  	[tilespmem:s3], [sflag:$0x9] =	stream.linear.gather [hbm4b:s0+s3], $0x2710, $0x38;
	[tilespmem:$0x1B680] =	vst v63  }
0x13: {  	_ =	swait.ge [sflag:s8], $0x2710  }
0x14: {  	[sflag:s8] =	ssyncset.done $0x0  }
0x15: {  	s4 =	simm.s32 $0x2780;
	s14 =	rddreg [dreg:$0x6];
	[sflag:s8] =	ssyncadd.s32 $0xFFFFD8F0  }
0x16: {  	[tilespmem:s4], [sflag:$0x9] =	stream.linear.gather [hbm4b:s14+s3], $0x2710, $0x38;
	[tilespmem:$0x1B680] =	vst v63  }
0x17: {  	_ =	swait.ge [sflag:s8], $0x2710  }
0x18: {  	[sflag:s8] =	ssyncset.done $0x0  }
0x19: {  	[sflag:s8] =	ssyncadd.s32 $0xFFFFD8F0  }
0x1a: {  	[tilespmem:s11], [sflag:$0x1] =	stream.indirect.gather [hbm4b:s1+s10], $0x80, s3, s10, $0xb8;
	[tilespmem:$0x1B680] =	vst v63  }
0x1b: {  	_ = 	snop  }
0x1c: {  	[tilespmem:s12], [sflag:$0x5] =	stream.indirect.gather [hbm4b:s1+s10], $0x80, s4, s10, $0xb8;
	[tilespmem:$0x1B680] =	vst v63  }
0x1d: {  	_ = 	snop  }
0x1e: {  	[tilespmem:s13], [sflag:$0x2] =	stream.indirect.gather [hbm4b:s1+s10], $0x80, s10, s10, $0xb8;
	[tilespmem:$0x1B680] =	vst v63  }
0x1f: {  	s16 =	simm.s32 $0x27D0  }
0x20: {  	[tilespmem:s15], [sflag:$0x6] =	stream.indirect.gather [hbm4b:s1+s10], $0x80, s16, s10, $0xb8;
	[tilespmem:$0x1B680] =	vst v63  }
0x21: {  	s18 =	simm.s32 $0xA0  }
0x22: {  	[tilespmem:s17], [sflag:$0x3] =	stream.indirect.gather [hbm4b:s1+s10], $0x80, s18, s10, $0xb8;
	[tilespmem:$0x1B680] =	vst v63  }
0x23: {  	s31 =	simm.s32 $0x2820;
	s0 =	simm.s32 $0x0  }
0x24: {  	[tilespmem:s19], [sflag:$0x7] =	stream.indirect.gather [hbm4b:s1+s10], $0x80, s31, s10, $0xb8;
	[tilespmem:$0x1B680] =	vst v63  }
.LBB2_2:
0x25: {  	s14 =	sshllo.u32 s0, $0x2  }
0x26: {  	s4 =	smul.u32 $0x50, s14;
	_ =	sdelay $0x1  }
0x27: {  	[tilespmem:s20], [sflag:$0x4] =	stream.indirect.gather [hbm4b:s1+s10], $0x80, s4, s10, $0xb8;
	[tilespmem:$0x1B680] =	vst v63  }
0x28: {  	s4 =	sadd.s32 $0x2780, s4  }
0x29: {  	[tilespmem:s21], [sflag:$0x8] =	stream.indirect.gather [hbm4b:s1+s10], $0x80, s4, s10, $0xb8;
	[tilespmem:$0x1B680] =	vst v63  }
0x2a: {  	_ =	swait.ge [sflag:s22], $0x2800  }
0x2b: {  	s18 =	smul.u32 $0x500, s0;
	[sflag:s22] =	ssyncset.done $0x0  }
0x2c: {  	[sflag:s22] =	ssyncadd.s32 $0xFFFFD800  }
0x2d: {  	s18 =	sshra.s32 s18, $0x2;
	_ =	swait.ge [sflag:s23], $0x2800  }
0x2e: {  	s4 =	sadd.s32 $0x18F00, s18;
	[sflag:s23] =	ssyncset.done $0x0  }
0x2f: {  	s16 =	simm.s32 $0x0;
	s31 =	simm.s32 $0x0;
	v2 =	vmov s4;
	[sflag:s23] =	ssyncadd.s32 $0xFFFFD800  }
.LBB2_3:
0x30: {  	s9 =	sshll.u32 s31, $0x4  }
0x31: {  	v3 =	vmov s9  }
0x32: {  	v3 =	vshll.u32 v3, $0x7  }
0x33: {  	v3 =	vor.u32 v1, v3  }
0x34: {  	v4 =	vor.u32 v0, v3  }
0x35: {  	v5 =	vor.u32 s16, v4  }
0x36: {  	s4 =	simm.s32 $0x1  }
0x37: {  	v6 =	vadd.s32 s4, v4  }
0x38: {  	s5 =	simm.s32 $0x2  }
0x39: {  	v7 =	vadd.s32 s5, v4  }
0x3a: {  	s6 =	simm.s32 $0x3;
	v8 =	vld.idx.msk [tilespmem:v5+s11+$0x0], $0xffff  }
0x3b: {  	v9 =	vadd.s32 s6, v4;
	v5 =	vld.idx.msk [tilespmem:v5+s12+$0x0], $0xffff  }
0x3c: {  	s7 =	simm.s32 $0x4;
	v10 =	vld.idx.msk [tilespmem:v6+s11+$0x0], $0xffff  }
0x3d: {  	v11 =	vadd.s32 s7, v4;
	v6 =	vld.idx.msk [tilespmem:v6+s12+$0x0], $0xffff  }
0x3e: {  	s5 =	simm.s32 $0x5;
	v12 =	vld.idx.msk [tilespmem:v7+s11+$0x0], $0xffff  }
0x3f: {  	v13 =	vadd.s32 s5, v4;
	v7 =	vld.idx.msk [tilespmem:v7+s12+$0x0], $0xffff  }
0x40: {  	s6 =	simm.s32 $0x6;
	v14 =	vld.idx.msk [tilespmem:v9+s11+$0x0], $0xffff  }
0x41: {  	v15 =	vadd.s32 s6, v4;
	v9 =	vld.idx.msk [tilespmem:v9+s12+$0x0], $0xffff;
	v5 =	vmul.f32 v5, v8  }
0x42: {  	v16 =	vimm.f32 $0.0e+00;
	s7 =	simm.s32 $0x7;
	v8 =	vld.idx.msk [tilespmem:v11+s11+$0x0], $0xffff  }
0x43: {  	v17 =	vadd.s32 s7, v4;
	v11 =	vld.idx.msk [tilespmem:v11+s12+$0x0], $0xffff;
	v6 =	vmul.f32 v6, v10;
	v5 =	vadd.f32 v5, v16  }
0x44: {  	s5 =	simm.s32 $0x8;
	v10 =	vld.idx.msk [tilespmem:v13+s11+$0x0], $0xffff  }
0x45: {  	v13 =	vld.idx.msk [tilespmem:v13+s12+$0x0], $0xffff;
	v16 =	vadd.s32 s5, v4;
	v5 =	vadd.f32 v6, v5;
	v6 =	vmul.f32 v7, v12  }
0x46: {  	s6 =	simm.s32 $0x9;
	v7 =	vld.idx.msk [tilespmem:v15+s11+$0x0], $0xffff  }
0x47: {  	v12 =	vld.idx.msk [tilespmem:v15+s12+$0x0], $0xffff;
	v15 =	vadd.s32 s6, v4;
	v5 =	vadd.f32 v6, v5;
	v6 =	vmul.f32 v9, v14  }
0x48: {  	s7 =	simm.s32 $0xA;
	v9 =	vld.idx.msk [tilespmem:v17+s11+$0x0], $0xffff  }
0x49: {  	v14 =	vld.idx.msk [tilespmem:v17+s12+$0x0], $0xffff;
	v17 =	vadd.s32 s7, v4;
	v5 =	vadd.f32 v6, v5;
	v6 =	vmul.f32 v11, v8  }
0x4a: {  	s5 =	simm.s32 $0xB;
	v8 =	vld.idx.msk [tilespmem:v16+s11+$0x0], $0xffff  }
0x4b: {  	v11 =	vld.idx.msk [tilespmem:v16+s12+$0x0], $0xffff;
	v16 =	vadd.s32 s5, v4;
	v5 =	vadd.f32 v6, v5;
	v6 =	vmul.f32 v13, v10  }
0x4c: {  	s6 =	simm.s32 $0xC;
	v10 =	vld.idx.msk [tilespmem:v15+s11+$0x0], $0xffff  }
0x4d: {  	v13 =	vld.idx.msk [tilespmem:v15+s12+$0x0], $0xffff;
	v15 =	vadd.s32 s6, v4;
	v5 =	vadd.f32 v6, v5;
	v6 =	vmul.f32 v12, v7  }
0x4e: {  	s7 =	simm.s32 $0xD;
	v7 =	vld.idx.msk [tilespmem:v17+s11+$0x0], $0xffff  }
0x4f: {  	v12 =	vld.idx.msk [tilespmem:v17+s12+$0x0], $0xffff;
	v17 =	vadd.s32 s7, v4;
	v5 =	vadd.f32 v6, v5;
	v6 =	vmul.f32 v14, v9  }
0x50: {  	s5 =	simm.s32 $0xE;
	v9 =	vld.idx.msk [tilespmem:v16+s11+$0x0], $0xffff  }
0x51: {  	v14 =	vld.idx.msk [tilespmem:v16+s12+$0x0], $0xffff;
	v16 =	vadd.s32 s5, v4;
	v5 =	vadd.f32 v6, v5;
	v6 =	vmul.f32 v11, v8  }
0x52: {  	s6 =	simm.s32 $0xF;
	v8 =	vld.idx.msk [tilespmem:v15+s11+$0x0], $0xffff  }
0x53: {  	s5 =	simm.s32 $0x11;
	v11 =	vld.idx.msk [tilespmem:v15+s12+$0x0], $0xffff;
	v15 =	vadd.s32 s6, v4;
	v5 =	vadd.f32 v6, v5;
	v6 =	vmul.f32 v13, v10  }
0x54: {  	s7 =	simm.s32 $0x10;
	v18 =	vadd.s32 s5, v0;
	v10 =	vld.idx.msk [tilespmem:v17+s11+$0x0], $0xffff  }
0x55: {  	s6 =	simm.s32 $0x12;
	v13 =	vor.u32 s7, v4;
	v17 =	vld.idx.msk [tilespmem:v17+s12+$0x0], $0xffff;
	v5 =	vadd.f32 v6, v5;
	v6 =	vmul.f32 v12, v7  }
0x56: {  	v7 =	vld.idx.msk [tilespmem:v16+s11+$0x0], $0xffff;
	v12 =	vand.u32 $0x7F, v18;
	v18 =	vadd.s32 s6, v0  }
0x57: {  	s7 =	simm.s32 $0x13;
	v16 =	vld.idx.msk [tilespmem:v16+s12+$0x0], $0xffff;
	v12 =	vor.u32 v3, v12;
	v5 =	vadd.f32 v6, v5;
	v6 =	vmul.f32 v14, v9  }
0x58: {  	v9 =	vld.idx.msk [tilespmem:v15+s11+$0x0], $0xffff;
	v14 =	vand.u32 $0x7F, v18;
	v18 =	vadd.s32 s7, v0  }
0x59: {  	s5 =	simm.s32 $0x14;
	v15 =	vld.idx.msk [tilespmem:v15+s12+$0x0], $0xffff;
	v14 =	vor.u32 v3, v14;
	v5 =	vadd.f32 v6, v5;
	v6 =	vmul.f32 v11, v8  }
0x5a: {  	v8 =	vld.idx.msk [tilespmem:v13+s11+$0x0], $0xffff;
	v11 =	vand.u32 $0x7F, v18;
	v18 =	vadd.s32 s5, v0  }
0x5b: {  	s6 =	simm.s32 $0x15;
	v13 =	vld.idx.msk [tilespmem:v13+s12+$0x0], $0xffff;
	v11 =	vor.u32 v3, v11;
	v5 =	vadd.f32 v6, v5;
	v6 =	vmul.f32 v17, v10  }
0x5c: {  	v10 =	vld.idx.msk [tilespmem:v12+s11+$0x0], $0xffff;
	v17 =	vand.u32 $0x7F, v18;
	v18 =	vadd.s32 s6, v0  }
0x5d: {  	s7 =	simm.s32 $0x16;
	v12 =	vld.idx.msk [tilespmem:v12+s12+$0x0], $0xffff;
	v17 =	vor.u32 v3, v17;
	v5 =	vadd.f32 v6, v5;
	v6 =	vmul.f32 v16, v7  }
0x5e: {  	v7 =	vld.idx.msk [tilespmem:v14+s11+$0x0], $0xffff;
	v16 =	vand.u32 $0x7F, v18;
	v18 =	vadd.s32 s7, v0  }
0x5f: {  	s5 =	simm.s32 $0x17;
	v14 =	vld.idx.msk [tilespmem:v14+s12+$0x0], $0xffff;
	v16 =	vor.u32 v3, v16;
	v5 =	vadd.f32 v6, v5;
	v6 =	vmul.f32 v15, v9  }
0x60: {  	v9 =	vld.idx.msk [tilespmem:v11+s11+$0x0], $0xffff;
	v15 =	vand.u32 $0x7F, v18;
	v18 =	vadd.s32 s5, v0  }
0x61: {  	s6 =	simm.s32 $0x18;
	v11 =	vld.idx.msk [tilespmem:v11+s12+$0x0], $0xffff;
	v15 =	vor.u32 v3, v15;
	v5 =	vadd.f32 v6, v5;
	v6 =	vmul.f32 v13, v8  }
0x62: {  	v8 =	vld.idx.msk [tilespmem:v17+s11+$0x0], $0xffff;
	v13 =	vand.u32 $0x7F, v18;
	v18 =	vadd.s32 s6, v0  }
0x63: {  	s7 =	simm.s32 $0x19;
	v17 =	vld.idx.msk [tilespmem:v17+s12+$0x0], $0xffff;
	v13 =	vor.u32 v3, v13;
	v5 =	vadd.f32 v6, v5;
	v6 =	vmul.f32 v12, v10  }
0x64: {  	v10 =	vld.idx.msk [tilespmem:v16+s11+$0x0], $0xffff;
	v12 =	vand.u32 $0x7F, v18;
	v18 =	vadd.s32 s7, v0  }
0x65: {  	s5 =	simm.s32 $0x1A;
	v16 =	vld.idx.msk [tilespmem:v16+s12+$0x0], $0xffff;
	v12 =	vor.u32 v3, v12;
	v5 =	vadd.f32 v6, v5;
	v6 =	vmul.f32 v14, v7  }
0x66: {  	v7 =	vld.idx.msk [tilespmem:v15+s11+$0x0], $0xffff;
	v14 =	vand.u32 $0x7F, v18;
	v18 =	vadd.s32 s5, v0  }
0x67: {  	s6 =	simm.s32 $0x1B;
	v15 =	vld.idx.msk [tilespmem:v15+s12+$0x0], $0xffff;
	v14 =	vor.u32 v3, v14;
	v5 =	vadd.f32 v6, v5;
	v6 =	vmul.f32 v11, v9  }
0x68: {  	v9 =	vld.idx.msk [tilespmem:v13+s11+$0x0], $0xffff;
	v11 =	vand.u32 $0x7F, v18;
	v18 =	vadd.s32 s6, v0  }
0x69: {  	s7 =	simm.s32 $0x1C;
	v13 =	vld.idx.msk [tilespmem:v13+s12+$0x0], $0xffff;
	v11 =	vor.u32 v3, v11;
	v5 =	vadd.f32 v6, v5;
	v6 =	vmul.f32 v17, v8  }
0x6a: {  	v8 =	vld.idx.msk [tilespmem:v12+s11+$0x0], $0xffff;
	v17 =	vand.u32 $0x7F, v18;
	v18 =	vadd.s32 s7, v0  }
0x6b: {  	s5 =	simm.s32 $0x1D;
	v12 =	vld.idx.msk [tilespmem:v12+s12+$0x0], $0xffff;
	v17 =	vor.u32 v3, v17;
	v5 =	vadd.f32 v6, v5;
	v6 =	vmul.f32 v16, v10  }
0x6c: {  	v16 =	vld.idx.msk [tilespmem:v14+s11+$0x0], $0xffff;
	v10 =	vand.u32 $0x7F, v18;
	v18 =	vadd.s32 s5, v0  }
0x6d: {  	s6 =	simm.s32 $0x1E;
	v14 =	vld.idx.msk [tilespmem:v14+s12+$0x0], $0xffff;
	v19 =	vor.u32 v3, v10;
	v5 =	vadd.f32 v6, v5;
	v6 =	vmul.f32 v15, v7  }
0x6e: {  	v10 =	vadd.s32 s6, v0;
	v20 =	vld.idx.msk [tilespmem:v11+s11+$0x0], $0xffff;
	v7 =	vand.u32 $0x7F, v18  }
0x6f: {  	v18 =	vld.idx.msk [tilespmem:v11+s12+$0x0], $0xffff;
	v15 =	vor.u32 v3, v7;
	v7 =	vmul.f32 v13, v9;
	v6 =	vadd.f32 v6, v5  }
0x70: {  	s7 =	simm.s32 $0x1F;
	v9 =	vand.u32 $0x7F, v10;
	v8 =	vmul.f32 v12, v8;
	v5 =	vld.idx.msk [tilespmem:v17+s11+$0x0], $0xffff  }
0x71: {  	v12 =	vadd.s32 s7, v0;
	v10 =	vld.idx.msk [tilespmem:v17+s12+$0x0], $0xffff;
	v9 =	vor.u32 v3, v9;
	v6 =	vadd.f32 v7, v6  }
0x72: {  	v12 =	vand.u32 $0x7F, v12;
	v7 =	vld.idx.msk [tilespmem:v19+s11+$0x0], $0xffff  }
0x73: {  	v16 =	vmul.f32 v14, v16;
	v14 =	vor.u32 v3, v12;
	v11 =	vld.idx.msk [tilespmem:v19+s12+$0x0], $0xffff;
	v8 =	vadd.f32 v8, v6  }
0x74: {  	s4 =	simm.s32 $0x20;
	v6 =	vld.idx.msk [tilespmem:v15+s11+$0x0], $0xffff  }
0x75: {  	v12 =	vor.u32 s4, v4;
	v13 =	vld.idx.msk [tilespmem:v15+s12+$0x0], $0xffff;
	v15 =	vadd.f32 v16, v8;
	v16 =	vmul.f32 v18, v20  }
0x76: {  	s5 =	simm.s32 $0x40;
	s6 =	simm.s32 $0x21;
	v8 =	vld.idx.msk [tilespmem:v9+s11+$0x0], $0xffff  }
.LBB2_4:
0x77: {  	p0 =	slt.u32 s5, $0x60;
	v17 =	vadd.s32 s6, v4;
	v15 =	vadd.f32 v16, v15;
	v5 =	vmul.f32 v10, v5;
	v9 =	vld.idx.msk [tilespmem:v9+s12+$0x0], $0xffff  }
0x78: {  	s6 =	sadd.s32 $0x2, s4;
	v10 =	vld.idx.msk [tilespmem:v14+s11+$0x0], $0xffff  }
0x79: {  	v16 =	vadd.s32 s6, v4;
	v7 =	vmul.f32 v11, v7;
	v5 =	vadd.f32 v5, v15;
	v11 =	vld.idx.msk [tilespmem:v14+s12+$0x0], $0xffff  }
0x7a: {  	s6 =	sadd.s32 $0x3, s4;
	v14 =	vld.idx.msk [tilespmem:v12+s11+$0x0], $0xffff  }
0x7b: {  	v15 =	vadd.s32 s6, v4;
	v6 =	vmul.f32 v13, v6;
	v12 =	vld.idx.msk [tilespmem:v12+s12+$0x0], $0xffff;
	v5 =	vadd.f32 v7, v5  }
0x7c: {  	s6 =	sadd.s32 $0x4, s4;
	v7 =	vld.idx.msk [tilespmem:v17+s11+$0x0], $0xffff  }
0x7d: {  	v13 =	vld.idx.msk [tilespmem:v17+s12+$0x0], $0xffff;
	v17 =	vadd.s32 s6, v4;
	v5 =	vadd.f32 v6, v5;
	v6 =	vmul.f32 v9, v8  }
0x7e: {  	s6 =	sadd.s32 $0x5, s4;
	v8 =	vld.idx.msk [tilespmem:v16+s11+$0x0], $0xffff  }
0x7f: {  	v9 =	vld.idx.msk [tilespmem:v16+s12+$0x0], $0xffff;
	v16 =	vadd.s32 s6, v4;
	v5 =	vadd.f32 v6, v5;
	v6 =	vmul.f32 v11, v10  }
0x80: {  	s6 =	sadd.s32 $0x6, s4;
	v10 =	vld.idx.msk [tilespmem:v15+s11+$0x0], $0xffff  }
0x81: {  	v11 =	vmul.f32 v12, v14;
	v14 =	vadd.s32 s6, v4;
	v12 =	vld.idx.msk [tilespmem:v15+s12+$0x0], $0xffff;
	v5 =	vadd.f32 v6, v5  }
0x82: {  	s6 =	sadd.s32 $0x7, s4;
	v6 =	vld.idx.msk [tilespmem:v17+s11+$0x0], $0xffff  }
0x83: {  	v7 =	vmul.f32 v13, v7;
	v13 =	vadd.s32 s6, v4;
	v5 =	vadd.f32 v11, v5;
	v11 =	vld.idx.msk [tilespmem:v17+s12+$0x0], $0xffff  }
0x84: {  	s6 =	sadd.s32 $0x8, s4;
	v15 =	vld.idx.msk [tilespmem:v16+s11+$0x0], $0xffff  }
0x85: {  	v5 =	vadd.f32 v7, v5;
	v7 =	vmul.f32 v9, v8;
	v8 =	vld.idx.msk [tilespmem:v16+s12+$0x0], $0xffff;
	v9 =	vadd.s32 s6, v4  }
0x86: {  	s6 =	sadd.s32 $0x9, s4;
	v16 =	vld.idx.msk [tilespmem:v14+s11+$0x0], $0xffff  }
0x87: {  	v5 =	vadd.f32 v7, v5;
	v7 =	vmul.f32 v12, v10;
	v10 =	vld.idx.msk [tilespmem:v14+s12+$0x0], $0xffff;
	v12 =	vadd.s32 s6, v4  }
0x88: {  	s6 =	sadd.s32 $0xA, s4;
	v14 =	vld.idx.msk [tilespmem:v13+s11+$0x0], $0xffff  }
0x89: {  	v6 =	vmul.f32 v11, v6;
	v11 =	vadd.s32 s6, v4;
	v5 =	vadd.f32 v7, v5;
	v7 =	vld.idx.msk [tilespmem:v13+s12+$0x0], $0xffff  }
0x8a: {  	s6 =	sadd.s32 $0xB, s4;
	v13 =	vld.idx.msk [tilespmem:v9+s11+$0x0], $0xffff  }
0x8b: {  	v5 =	vadd.f32 v6, v5;
	v6 =	vmul.f32 v8, v15;
	v8 =	vld.idx.msk [tilespmem:v9+s12+$0x0], $0xffff;
	v9 =	vadd.s32 s6, v4  }
0x8c: {  	s6 =	sadd.s32 $0xC, s4;
	v15 =	vld.idx.msk [tilespmem:v12+s11+$0x0], $0xffff  }
0x8d: {  	v5 =	vadd.f32 v6, v5;
	v6 =	vmul.f32 v10, v16;
	v10 =	vld.idx.msk [tilespmem:v12+s12+$0x0], $0xffff;
	v12 =	vadd.s32 s6, v4  }
0x8e: {  	s6 =	sadd.s32 $0xD, s4;
	v16 =	vld.idx.msk [tilespmem:v11+s11+$0x0], $0xffff  }
0x8f: {  	v5 =	vadd.f32 v6, v5;
	v6 =	vmul.f32 v7, v14;
	v7 =	vld.idx.msk [tilespmem:v11+s12+$0x0], $0xffff;
	v11 =	vadd.s32 s6, v4  }
0x90: {  	s6 =	sadd.s32 $0xE, s4;
	v14 =	vld.idx.msk [tilespmem:v9+s11+$0x0], $0xffff  }
0x91: {  	v5 =	vadd.f32 v6, v5;
	v6 =	vmul.f32 v8, v13;
	v8 =	vld.idx.msk [tilespmem:v9+s12+$0x0], $0xffff;
	v9 =	vadd.s32 s6, v4  }
0x92: {  	s6 =	sadd.s32 $0xF, s4;
	v13 =	vld.idx.msk [tilespmem:v12+s11+$0x0], $0xffff  }
0x93: {  	v5 =	vadd.f32 v6, v5;
	v6 =	vmul.f32 v10, v15;
	v10 =	vld.idx.msk [tilespmem:v12+s12+$0x0], $0xffff;
	v12 =	vadd.s32 s6, v4;
	s6 =	sadd.s32 $0x10, s4  }
0x94: {  	v15 =	vld.idx.msk [tilespmem:v11+s11+$0x0], $0xffff;
	v17 =	vor.u32 s6, v4;
	s6 =	sadd.s32 $0x11, s4  }
0x95: {  	v5 =	vadd.f32 v6, v5;
	v6 =	vmul.f32 v7, v16;
	v7 =	vld.idx.msk [tilespmem:v11+s12+$0x0], $0xffff;
	v11 =	vadd.s32 s6, v0;
	s6 =	sadd.s32 $0x12, s4  }
0x96: {  	v16 =	vld.idx.msk [tilespmem:v9+s11+$0x0], $0xffff;
	v11 =	vand.u32 $0x7F, v11;
	v18 =	vadd.s32 s6, v0  }
0x97: {  	s6 =	sadd.s32 $0x13, s4;
	v5 =	vadd.f32 v6, v5;
	v6 =	vmul.f32 v8, v14;
	v8 =	vld.idx.msk [tilespmem:v9+s12+$0x0], $0xffff;
	v9 =	vor.u32 v3, v11  }
0x98: {  	v14 =	vand.u32 $0x7F, v18;
	v18 =	vadd.s32 s6, v0;
	v11 =	vld.idx.msk [tilespmem:v12+s11+$0x0], $0xffff  }
0x99: {  	s6 =	sadd.s32 $0x14, s4;
	v5 =	vadd.f32 v6, v5;
	v6 =	vmul.f32 v10, v13;
	v10 =	vld.idx.msk [tilespmem:v12+s12+$0x0], $0xffff;
	v12 =	vor.u32 v3, v14  }
0x9a: {  	v14 =	vand.u32 $0x7F, v18;
	v18 =	vadd.s32 s6, v0;
	v13 =	vld.idx.msk [tilespmem:v17+s11+$0x0], $0xffff  }
0x9b: {  	s6 =	sadd.s32 $0x15, s4;
	v14 =	vor.u32 v3, v14;
	v5 =	vadd.f32 v6, v5;
	v6 =	vmul.f32 v7, v15;
	v7 =	vld.idx.msk [tilespmem:v17+s12+$0x0], $0xffff  }
0x9c: {  	v17 =	vand.u32 $0x7F, v18;
	v18 =	vadd.s32 s6, v0;
	v15 =	vld.idx.msk [tilespmem:v9+s11+$0x0], $0xffff  }
0x9d: {  	s6 =	sadd.s32 $0x16, s4;
	v5 =	vadd.f32 v6, v5;
	v6 =	vmul.f32 v8, v16;
	v8 =	vld.idx.msk [tilespmem:v9+s12+$0x0], $0xffff;
	v9 =	vor.u32 v3, v17  }
0x9e: {  	v17 =	vand.u32 $0x7F, v18;
	v18 =	vadd.s32 s6, v0;
	v16 =	vld.idx.msk [tilespmem:v12+s11+$0x0], $0xffff  }
0x9f: {  	s6 =	sadd.s32 $0x17, s4;
	v5 =	vadd.f32 v6, v5;
	v6 =	vmul.f32 v10, v11;
	v10 =	vld.idx.msk [tilespmem:v12+s12+$0x0], $0xffff;
	v11 =	vor.u32 v3, v17  }
0xa0: {  	v17 =	vand.u32 $0x7F, v18;
	v18 =	vadd.s32 s6, v0;
	v12 =	vld.idx.msk [tilespmem:v14+s11+$0x0], $0xffff  }
0xa1: {  	s6 =	sadd.s32 $0x18, s4;
	v5 =	vadd.f32 v6, v5;
	v6 =	vmul.f32 v7, v13;
	v7 =	vld.idx.msk [tilespmem:v14+s12+$0x0], $0xffff;
	v13 =	vor.u32 v3, v17  }
0xa2: {  	v17 =	vand.u32 $0x7F, v18;
	v18 =	vadd.s32 s6, v0;
	v14 =	vld.idx.msk [tilespmem:v9+s11+$0x0], $0xffff  }
0xa3: {  	s6 =	sadd.s32 $0x19, s4;
	v5 =	vadd.f32 v6, v5;
	v6 =	vmul.f32 v8, v15;
	v8 =	vld.idx.msk [tilespmem:v9+s12+$0x0], $0xffff;
	v9 =	vor.u32 v3, v17  }
0xa4: {  	v17 =	vand.u32 $0x7F, v18;
	v18 =	vadd.s32 s6, v0;
	v15 =	vld.idx.msk [tilespmem:v11+s11+$0x0], $0xffff  }
0xa5: {  	s6 =	sadd.s32 $0x1A, s4;
	v5 =	vadd.f32 v6, v5;
	v6 =	vmul.f32 v10, v16;
	v10 =	vld.idx.msk [tilespmem:v11+s12+$0x0], $0xffff;
	v11 =	vor.u32 v3, v17  }
0xa6: {  	v17 =	vand.u32 $0x7F, v18;
	v18 =	vadd.s32 s6, v0;
	v16 =	vld.idx.msk [tilespmem:v13+s11+$0x0], $0xffff  }
0xa7: {  	s6 =	sadd.s32 $0x1B, s4;
	v5 =	vadd.f32 v6, v5;
	v6 =	vmul.f32 v7, v12;
	v7 =	vld.idx.msk [tilespmem:v13+s12+$0x0], $0xffff;
	v12 =	vor.u32 v3, v17  }
0xa8: {  	v17 =	vand.u32 $0x7F, v18;
	v18 =	vadd.s32 s6, v0;
	v13 =	vld.idx.msk [tilespmem:v9+s11+$0x0], $0xffff  }
0xa9: {  	s6 =	sadd.s32 $0x1C, s4;
	v5 =	vadd.f32 v6, v5;
	v6 =	vmul.f32 v8, v14;
	v8 =	vld.idx.msk [tilespmem:v9+s12+$0x0], $0xffff;
	v9 =	vor.u32 v3, v17  }
0xaa: {  	v17 =	vand.u32 $0x7F, v18;
	v18 =	vadd.s32 s6, v0;
	v14 =	vld.idx.msk [tilespmem:v11+s11+$0x0], $0xffff  }
0xab: {  	s6 =	sadd.s32 $0x1D, s4;
	v5 =	vadd.f32 v6, v5;
	v6 =	vmul.f32 v10, v15;
	v10 =	vld.idx.msk [tilespmem:v11+s12+$0x0], $0xffff;
	v11 =	vor.u32 v3, v17  }
0xac: {  	v17 =	vand.u32 $0x7F, v18;
	v18 =	vadd.s32 s6, v0;
	v15 =	vld.idx.msk [tilespmem:v12+s11+$0x0], $0xffff  }
0xad: {  	s6 =	sadd.s32 $0x1E, s4;
	v5 =	vadd.f32 v6, v5;
	v6 =	vmul.f32 v7, v16;
	v12 =	vld.idx.msk [tilespmem:v12+s12+$0x0], $0xffff;
	v16 =	vor.u32 v3, v17  }
0xae: {  	v7 =	vand.u32 $0x7F, v18;
	v18 =	vadd.s32 s6, v0;
	v17 =	vld.idx.msk [tilespmem:v9+s11+$0x0], $0xffff  }
0xaf: {  	s6 =	sadd.s32 $0x1F, s4;
	s4 =	smov.u32 s5;
	v8 =	vmul.f32 v8, v13;
	v19 =	vor.u32 v3, v7;
	v6 =	vadd.f32 v6, v5;
	v13 =	vld.idx.msk [tilespmem:v9+s12+$0x0], $0xffff  }
0xb0: {  	v7 =	vand.u32 $0x7F, v18;
	v18 =	vadd.s32 s6, v0;
	v5 =	vld.idx.msk [tilespmem:v11+s11+$0x0], $0xffff  }
0xb1: {  	v9 =	vor.u32 v3, v7;
	v6 =	vadd.f32 v8, v6;
	v8 =	vmul.f32 v10, v14;
	v10 =	vld.idx.msk [tilespmem:v11+s12+$0x0], $0xffff  }
.Ltmp0:
0xb2: {  	v14 =	vand.u32 $0x7F, v18;
	v7 =	vld.idx.msk [tilespmem:v16+s11+$0x0], $0xffff;
	(pc) =	sbr.rel @p0 .LBB2_4-.Ltmp0, $4  }
0xb3: {  	v15 =	vmul.f32 v12, v15;
	v14 =	vor.u32 v3, v14;
	v8 =	vadd.f32 v8, v6;
	v11 =	vld.idx.msk [tilespmem:v16+s12+$0x0], $0xffff  }
0xb4: {  	v6 =	vld.idx.msk [tilespmem:v19+s11+$0x0], $0xffff  }
0xb5: {  	v12 =	vor.u32 s5, v4;
	v16 =	vmul.f32 v13, v17;
	v15 =	vadd.f32 v15, v8;
	v13 =	vld.idx.msk [tilespmem:v19+s12+$0x0], $0xffff  }
0xb6: {  	s6 =	sadd.s32 $0x1, s4;
	s5 =	sadd.s32 $0x20, s5;
	v8 =	vld.idx.msk [tilespmem:v9+s11+$0x0], $0xffff  }
0xb7: {  	_ =	sdelay $0x2  }
0xb8: {  	v15 =	vadd.f32 v16, v15;
	v5 =	vmul.f32 v10, v5  }
0xb9: {  	v44 =	vadd.s32 s6, v4;
	v9 =	vld.idx.msk [tilespmem:v9+s12+$0x0], $0xffff  }
0xba: {  	s5 =	sadd.s32 $0x2, s4;
	v45 =	vld.idx.msk [tilespmem:v14+s11+$0x0], $0xffff;
	v7 =	vmul.f32 v11, v7;
	v5 =	vadd.f32 v5, v15  }
0xbb: {  	v47 =	vld.idx.msk [tilespmem:v14+s12+$0x0], $0xffff;
	v46 =	vadd.s32 s5, v4  }
0xbc: {  	v48 =	vld.idx.msk [tilespmem:v12+s11+$0x0], $0xffff;
	s7 =	sadd.s32 $0x3, s4;
	v6 =	vmul.f32 v13, v6;
	v5 =	vadd.f32 v7, v5  }
0xbd: {  	v49 =	vld.idx.msk [tilespmem:v12+s12+$0x0], $0xffff;
	v50 =	vadd.s32 s7, v4  }
0xbe: {  	s6 =	sadd.s32 $0x4, s4;
	v51 =	vld.idx.msk [tilespmem:v44+s11+$0x0], $0xffff;
	v52 =	vmul.f32 v9, v8;
	v5 =	vadd.f32 v6, v5  }
0xbf: {  	v54 =	vadd.s32 s6, v4;
	v53 =	vld.idx.msk [tilespmem:v44+s12+$0x0], $0xffff  }
0xc0: {  	s7 =	sadd.s32 $0x5, s4;
	v56 =	vmul.f32 v47, v45;
	v55 =	vld.idx.msk [tilespmem:v46+s11+$0x0], $0xffff;
	v5 =	vadd.f32 v52, v5  }
0xc1: {  	v57 =	vadd.s32 s7, v4;
	v11 =	vld.idx.msk [tilespmem:v46+s12+$0x0], $0xffff  }
0xc2: {  	s6 =	sadd.s32 $0x6, s4;
	v7 =	vmul.f32 v49, v48;
	v58 =	vld.idx.msk [tilespmem:v50+s11+$0x0], $0xffff;
	v5 =	vadd.f32 v56, v5  }
0xc3: {  	v60 =	vadd.s32 s6, v4;
	v59 =	vld.idx.msk [tilespmem:v50+s12+$0x0], $0xffff  }
0xc4: {  	s7 =	sadd.s32 $0x7, s4;
	v61 =	vld.idx.msk [tilespmem:v54+s11+$0x0], $0xffff;
	v62 =	vmul.f32 v53, v51;
	v5 =	vadd.f32 v7, v5  }
0xc5: {  	v20 =	vadd.s32 s7, v4;
	v63 =	vld.idx.msk [tilespmem:v54+s12+$0x0], $0xffff  }
0xc6: {  	s6 =	sadd.s32 $0x8, s4;
	v21 =	vld.idx.msk [tilespmem:v57+s11+$0x0], $0xffff;
	v22 =	vmul.f32 v11, v55;
	v5 =	vadd.f32 v62, v5  }
0xc7: {  	v24 =	vadd.s32 s6, v4;
	v23 =	vld.idx.msk [tilespmem:v57+s12+$0x0], $0xffff  }
0xc8: {  	s7 =	sadd.s32 $0x9, s4;
	v25 =	vld.idx.msk [tilespmem:v60+s11+$0x0], $0xffff;
	v6 =	vmul.f32 v59, v58;
	v5 =	vadd.f32 v22, v5  }
0xc9: {  	v27 =	vadd.s32 s7, v4;
	v26 =	vld.idx.msk [tilespmem:v60+s12+$0x0], $0xffff  }
0xca: {  	s6 =	sadd.s32 $0xA, s4;
	v28 =	vld.idx.msk [tilespmem:v20+s11+$0x0], $0xffff;
	v29 =	vmul.f32 v63, v61;
	v5 =	vadd.f32 v6, v5  }
0xcb: {  	v31 =	vadd.s32 s6, v4;
	v30 =	vld.idx.msk [tilespmem:v20+s12+$0x0], $0xffff  }
0xcc: {  	s7 =	sadd.s32 $0xB, s4;
	v32 =	vld.idx.msk [tilespmem:v24+s11+$0x0], $0xffff;
	v33 =	vmul.f32 v23, v21;
	v5 =	vadd.f32 v29, v5  }
0xcd: {  	v35 =	vadd.s32 s7, v4;
	v34 =	vld.idx.msk [tilespmem:v24+s12+$0x0], $0xffff  }
0xce: {  	s6 =	sadd.s32 $0xC, s4;
	v36 =	vld.idx.msk [tilespmem:v27+s11+$0x0], $0xffff;
	v37 =	vmul.f32 v26, v25;
	v5 =	vadd.f32 v33, v5  }
0xcf: {  	v39 =	vadd.s32 s6, v4;
	v38 =	vld.idx.msk [tilespmem:v27+s12+$0x0], $0xffff  }
0xd0: {  	s7 =	sadd.s32 $0xD, s4;
	v40 =	vld.idx.msk [tilespmem:v31+s11+$0x0], $0xffff;
	v41 =	vmul.f32 v30, v28;
	v5 =	vadd.f32 v37, v5  }
0xd1: {  	v43 =	vadd.s32 s7, v4;
	v42 =	vld.idx.msk [tilespmem:v31+s12+$0x0], $0xffff  }
0xd2: {  	s6 =	sadd.s32 $0xE, s4;
	v44 =	vld.idx.msk [tilespmem:v35+s11+$0x0], $0xffff;
	v45 =	vmul.f32 v34, v32;
	v5 =	vadd.f32 v41, v5  }
0xd3: {  	v47 =	vadd.s32 s6, v4;
	v46 =	vld.idx.msk [tilespmem:v35+s12+$0x0], $0xffff  }
0xd4: {  	s7 =	sadd.s32 $0xF, s4;
	v48 =	vld.idx.msk [tilespmem:v39+s11+$0x0], $0xffff;
	v49 =	vmul.f32 v38, v36;
	v5 =	vadd.f32 v45, v5  }
0xd5: {  	v50 =	vld.idx.msk [tilespmem:v39+s12+$0x0], $0xffff;
	v51 =	vadd.s32 s7, v4  }
0xd6: {  	s6 =	sadd.s32 $0x10, s4;
	s7 =	sadd.s32 $0x11, s4;
	v52 =	vld.idx.msk [tilespmem:v43+s11+$0x0], $0xffff;
	v53 =	vmul.f32 v42, v40;
	v5 =	vadd.f32 v49, v5  }
0xd7: {  	v54 =	vor.u32 s6, v4;
	v55 =	vld.idx.msk [tilespmem:v43+s12+$0x0], $0xffff;
	v56 =	vadd.s32 s7, v0  }
0xd8: {  	s6 =	sadd.s32 $0x12, s4;
	v57 =	vld.idx.msk [tilespmem:v47+s11+$0x0], $0xffff;
	v9 =	vand.u32 $0x7F, v56;
	v58 =	vmul.f32 v46, v44;
	v5 =	vadd.f32 v53, v5  }
0xd9: {  	v59 =	vadd.s32 s6, v0;
	v11 =	vld.idx.msk [tilespmem:v47+s12+$0x0], $0xffff;
	v9 =	vor.u32 v3, v9  }
0xda: {  	s7 =	sadd.s32 $0x13, s4;
	v10 =	vand.u32 $0x7F, v59;
	v60 =	vld.idx.msk [tilespmem:v51+s11+$0x0], $0xffff;
	v61 =	vmul.f32 v50, v48;
	v5 =	vadd.f32 v58, v5  }
0xdb: {  	v10 =	vor.u32 v3, v10;
	v62 =	vadd.s32 s7, v0;
	v12 =	vld.idx.msk [tilespmem:v51+s12+$0x0], $0xffff  }
0xdc: {  	s6 =	sadd.s32 $0x14, s4;
	v63 =	vld.idx.msk [tilespmem:v54+s11+$0x0], $0xffff;
	v7 =	vand.u32 $0x7F, v62;
	v18 =	vmul.f32 v55, v52;
	v5 =	vadd.f32 v61, v5  }
0xdd: {  	v19 =	vadd.s32 s6, v0;
	v4 =	vld.idx.msk [tilespmem:v54+s12+$0x0], $0xffff;
	v7 =	vor.u32 v3, v7  }
0xde: {  	v8 =	vand.u32 $0x7F, v19;
	s7 =	sadd.s32 $0x15, s4;
	v21 =	vmul.f32 v11, v57;
	v20 =	vld.idx.msk [tilespmem:v9+s11+$0x0], $0xffff;
	v5 =	vadd.f32 v18, v5  }
0xdf: {  	v8 =	vor.u32 v3, v8;
	v22 =	vadd.s32 s7, v0;
	v9 =	vld.idx.msk [tilespmem:v9+s12+$0x0], $0xffff  }
0xe0: {  	s6 =	sadd.s32 $0x16, s4;
	v11 =	vand.u32 $0x7F, v22;
	v23 =	vld.idx.msk [tilespmem:v10+s11+$0x0], $0xffff;
	v24 =	vmul.f32 v12, v60;
	v5 =	vadd.f32 v21, v5  }
0xe1: {  	v25 =	vadd.s32 s6, v0;
	v10 =	vld.idx.msk [tilespmem:v10+s12+$0x0], $0xffff;
	v11 =	vor.u32 v3, v11  }
0xe2: {  	s7 =	sadd.s32 $0x17, s4;
	v4 =	vmul.f32 v4, v63;
	v12 =	vand.u32 $0x7F, v25;
	v26 =	vld.idx.msk [tilespmem:v7+s11+$0x0], $0xffff;
	v5 =	vadd.f32 v24, v5  }
0xe3: {  	v27 =	vadd.s32 s7, v0;
	v7 =	vld.idx.msk [tilespmem:v7+s12+$0x0], $0xffff;
	v12 =	vor.u32 v3, v12  }
0xe4: {  	s6 =	sadd.s32 $0x18, s4;
	v6 =	vand.u32 $0x7F, v27;
	v28 =	vld.idx.msk [tilespmem:v8+s11+$0x0], $0xffff;
	v29 =	vmul.f32 v9, v20;
	v4 =	vadd.f32 v4, v5  }
0xe5: {  	v30 =	vadd.s32 s6, v0;
	v8 =	vld.idx.msk [tilespmem:v8+s12+$0x0], $0xffff;
	v6 =	vor.u32 v3, v6  }
0xe6: {  	s7 =	sadd.s32 $0x19, s4;
	v31 =	vld.idx.msk [tilespmem:v11+s11+$0x0], $0xffff;
	v9 =	vand.u32 $0x7F, v30;
	v32 =	vmul.f32 v10, v23;
	v4 =	vadd.f32 v29, v4  }
0xe7: {  	v33 =	vadd.s32 s7, v0;
	v11 =	vld.idx.msk [tilespmem:v11+s12+$0x0], $0xffff;
	v9 =	vor.u32 v3, v9  }
0xe8: {  	s6 =	sadd.s32 $0x1A, s4;
	v10 =	vand.u32 $0x7F, v33;
	v34 =	vld.idx.msk [tilespmem:v12+s11+$0x0], $0xffff;
	v35 =	vmul.f32 v7, v26;
	v4 =	vadd.f32 v32, v4  }
0xe9: {  	v36 =	vadd.s32 s6, v0;
	v10 =	vor.u32 v3, v10;
	v12 =	vld.idx.msk [tilespmem:v12+s12+$0x0], $0xffff  }
0xea: {  	s7 =	sadd.s32 $0x1B, s4;
	v37 =	vld.idx.msk [tilespmem:v6+s11+$0x0], $0xffff;
	v38 =	vmul.f32 v8, v28;
	v7 =	vand.u32 $0x7F, v36;
	v4 =	vadd.f32 v35, v4  }
0xeb: {  	v39 =	vadd.s32 s7, v0;
	v6 =	vld.idx.msk [tilespmem:v6+s12+$0x0], $0xffff;
	v7 =	vor.u32 v3, v7  }
0xec: {  	s6 =	sadd.s32 $0x1C, s4;
	v8 =	vand.u32 $0x7F, v39;
	v41 =	vmul.f32 v11, v31;
	v40 =	vld.idx.msk [tilespmem:v9+s11+$0x0], $0xffff;
	v4 =	vadd.f32 v38, v4  }
0xed: {  	v42 =	vadd.s32 s6, v0;
	v8 =	vor.u32 v3, v8;
	v9 =	vld.idx.msk [tilespmem:v9+s12+$0x0], $0xffff  }
0xee: {  	s7 =	sadd.s32 $0x1D, s4;
	v11 =	vand.u32 $0x7F, v42;
	v43 =	vld.idx.msk [tilespmem:v10+s11+$0x0], $0xffff;
	v44 =	vmul.f32 v12, v34;
	v4 =	vadd.f32 v41, v4  }
0xef: {  	v45 =	vadd.s32 s7, v0;
	v10 =	vld.idx.msk [tilespmem:v10+s12+$0x0], $0xffff;
	v11 =	vor.u32 v3, v11  }
0xf0: {  	s6 =	sadd.s32 $0x1E, s4;
	v47 =	vmul.f32 v6, v37;
	v12 =	vand.u32 $0x7F, v45;
	v46 =	vld.idx.msk [tilespmem:v7+s11+$0x0], $0xffff;
	v4 =	vadd.f32 v44, v4  }
0xf1: {  	v48 =	vadd.s32 s6, v0;
	v7 =	vld.idx.msk [tilespmem:v7+s12+$0x0], $0xffff;
	v12 =	vor.u32 v3, v12  }
0xf2: {  	s7 =	sadd.s32 $0x1F, s4;
	v6 =	vand.u32 $0x7F, v48;
	v49 =	vld.idx.msk [tilespmem:v8+s11+$0x0], $0xffff;
	v50 =	vmul.f32 v9, v40;
	v4 =	vadd.f32 v47, v4  }
0xf3: {  	v51 =	vadd.s32 s7, v0;
	v8 =	vld.idx.msk [tilespmem:v8+s12+$0x0], $0xffff;
	v6 =	vor.u32 v3, v6  }
0xf4: {  	v52 =	vld.idx.msk [tilespmem:v11+s11+$0x0], $0xffff;
	v9 =	vand.u32 $0x7F, v51;
	v53 =	vmul.f32 v10, v43;
	v4 =	vadd.f32 v50, v4  }
0xf5: {  	v54 =	vld.idx.msk [tilespmem:v11+s12+$0x0], $0xffff;
	v3 =	vor.u32 v3, v9  }
0xf6: {  	v55 =	vld.idx.msk [tilespmem:v12+s11+$0x0], $0xffff;
	v56 =	vmul.f32 v7, v46;
	v4 =	vadd.f32 v53, v4  }
0xf7: {  	v57 =	vld.idx.msk [tilespmem:v12+s12+$0x0], $0xffff  }
0xf8: {  	v58 =	vld.idx.msk [tilespmem:v6+s11+$0x0], $0xffff;
	v59 =	vmul.f32 v8, v49;
	v4 =	vadd.f32 v56, v4  }
0xf9: {  	v6 =	vld.idx.msk [tilespmem:v6+s12+$0x0], $0xffff  }
0xfa: {  	v61 =	vmul.f32 v54, v52;
	v60 =	vld.idx.msk [tilespmem:v3+s11+$0x0], $0xffff;
	v4 =	vadd.f32 v59, v4  }
0xfb: {  	v3 =	vld.idx.msk [tilespmem:v3+s12+$0x0], $0xffff  }
0xfc: {  	v62 =	vmul.f32 v57, v55;
	v4 =	vadd.f32 v61, v4;
	_ =	sdelay $0x1  }
0xfd: {  	s31 =	sadd.s32 $0x1, s31;
	v63 =	vmul.f32 v6, v58;
	v4 =	vadd.f32 v62, v4  }
0xfe: {  	p0 =	sne.s32 s31, $0x5  }
.Ltmp1:
0xff: {  	v3 =	vmul.f32 v3, v60;
	v4 =	vadd.f32 v63, v4;
	(pc) =	sbr.rel @p0 .LBB2_3-.Ltmp1, $3  }
0x100: {  	_ = 	snop  }
0x101: {  	v3 =	vadd.f32 v3, v4;
	_ =	sdelay $0x1  }
0x102: {  	[tilespmem:v2+s9+$0x0 ss:$0x1] =	vst.idx.msk $0xffff, v3  }
0x103: {  	s16 =	smul.u32 $0x140, s0;
	_ =	sdelay $0x1  }
0x104: {  	s4 =	sadd.s32 $0x140, s16  }
0x105: {  	[tilespmem:s11], [sflag:$0x1] =	stream.indirect.gather [hbm4b:s1+s10], $0x80, s4, s10, $0xb8;
	[tilespmem:$0x1B680] =	vst v63  }
0x106: {  	s7 =	sadd.s32 $0x28C0, s16  }
0x107: {  	[tilespmem:s12], [sflag:$0x5] =	stream.indirect.gather [hbm4b:s1+s10], $0x80, s7, s10, $0xb8;
	[tilespmem:$0x1B680] =	vst v63  }
0x108: {  	_ =	swait.ge [sflag:s24], $0x2800  }
0x109: {  	[sflag:s24] =	ssyncset.done $0x0  }
0x10a: {  	[sflag:s24] =	ssyncadd.s32 $0xFFFFD800  }
0x10b: {  	_ =	swait.ge [sflag:s25], $0x2800  }
0x10c: {  	s9 =	sadd.s32 $0x18F50, s18;
	[sflag:s25] =	ssyncset.done $0x0  }
0x10d: {  	s31 =	simm.s32 $0x0;
	v2 =	vmov s9;
	s9 =	simm.s32 $0x0;
	[sflag:s25] =	ssyncadd.s32 $0xFFFFD800  }
.LBB2_7:
0x10e: {  	s4 =	sshll.u32 s9, $0x4  }
0x10f: {  	v3 =	vmov s4  }
0x110: {  	v3 =	vshll.u32 v3, $0x7  }
0x111: {  	v3 =	vor.u32 v1, v3  }
0x112: {  	v4 =	vor.u32 v0, v3  }
0x113: {  	v5 =	vor.u32 s31, v4  }
0x114: {  	s5 =	simm.s32 $0x1  }
0x115: {  	v6 =	vadd.s32 s5, v4  }
0x116: {  	s7 =	simm.s32 $0x2  }
0x117: {  	v7 =	vadd.s32 s7, v4  }
0x118: {  	s6 =	simm.s32 $0x3;
	v8 =	vld.idx.msk [tilespmem:v5+s13+$0x0], $0xffff  }
0x119: {  	v9 =	vadd.s32 s6, v4;
	v5 =	vld.idx.msk [tilespmem:v5+s15+$0x0], $0xffff  }
0x11a: {  	s7 =	simm.s32 $0x4;
	v10 =	vld.idx.msk [tilespmem:v6+s13+$0x0], $0xffff  }
0x11b: {  	v11 =	vadd.s32 s7, v4;
	v6 =	vld.idx.msk [tilespmem:v6+s15+$0x0], $0xffff  }
0x11c: {  	s6 =	simm.s32 $0x5;
	v12 =	vld.idx.msk [tilespmem:v7+s13+$0x0], $0xffff  }
0x11d: {  	v13 =	vadd.s32 s6, v4;
	v7 =	vld.idx.msk [tilespmem:v7+s15+$0x0], $0xffff  }
0x11e: {  	s7 =	simm.s32 $0x6;
	v14 =	vld.idx.msk [tilespmem:v9+s13+$0x0], $0xffff  }
0x11f: {  	v15 =	vadd.s32 s7, v4;
	v9 =	vld.idx.msk [tilespmem:v9+s15+$0x0], $0xffff;
	v5 =	vmul.f32 v5, v8  }
0x120: {  	v16 =	vimm.f32 $0.0e+00;
	s6 =	simm.s32 $0x7;
	v8 =	vld.idx.msk [tilespmem:v11+s13+$0x0], $0xffff  }
0x121: {  	v17 =	vadd.s32 s6, v4;
	v11 =	vld.idx.msk [tilespmem:v11+s15+$0x0], $0xffff;
	v6 =	vmul.f32 v6, v10;
	v5 =	vadd.f32 v5, v16  }
0x122: {  	s7 =	simm.s32 $0x8;
	v10 =	vld.idx.msk [tilespmem:v13+s13+$0x0], $0xffff  }
0x123: {  	v13 =	vld.idx.msk [tilespmem:v13+s15+$0x0], $0xffff;
	v16 =	vadd.s32 s7, v4;
	v5 =	vadd.f32 v6, v5;
	v6 =	vmul.f32 v7, v12  }
0x124: {  	s6 =	simm.s32 $0x9;
	v7 =	vld.idx.msk [tilespmem:v15+s13+$0x0], $0xffff  }
0x125: {  	v12 =	vld.idx.msk [tilespmem:v15+s15+$0x0], $0xffff;
	v15 =	vadd.s32 s6, v4;
	v5 =	vadd.f32 v6, v5;
	v6 =	vmul.f32 v9, v14  }
0x126: {  	s7 =	simm.s32 $0xA;
	v9 =	vld.idx.msk [tilespmem:v17+s13+$0x0], $0xffff  }
0x127: {  	v14 =	vld.idx.msk [tilespmem:v17+s15+$0x0], $0xffff;
	v17 =	vadd.s32 s7, v4;
	v5 =	vadd.f32 v6, v5;
	v6 =	vmul.f32 v11, v8  }
0x128: {  	s6 =	simm.s32 $0xB;
	v8 =	vld.idx.msk [tilespmem:v16+s13+$0x0], $0xffff  }
0x129: {  	v11 =	vld.idx.msk [tilespmem:v16+s15+$0x0], $0xffff;
	v16 =	vadd.s32 s6, v4;
	v5 =	vadd.f32 v6, v5;
	v6 =	vmul.f32 v13, v10  }
0x12a: {  	s7 =	simm.s32 $0xC;
	v10 =	vld.idx.msk [tilespmem:v15+s13+$0x0], $0xffff  }
0x12b: {  	v13 =	vld.idx.msk [tilespmem:v15+s15+$0x0], $0xffff;
	v15 =	vadd.s32 s7, v4;
	v5 =	vadd.f32 v6, v5;
	v6 =	vmul.f32 v12, v7  }
0x12c: {  	s6 =	simm.s32 $0xD;
	v7 =	vld.idx.msk [tilespmem:v17+s13+$0x0], $0xffff  }
0x12d: {  	v12 =	vld.idx.msk [tilespmem:v17+s15+$0x0], $0xffff;
	v17 =	vadd.s32 s6, v4;
	v5 =	vadd.f32 v6, v5;
	v6 =	vmul.f32 v14, v9  }
0x12e: {  	s7 =	simm.s32 $0xE;
	v9 =	vld.idx.msk [tilespmem:v16+s13+$0x0], $0xffff  }
0x12f: {  	v14 =	vld.idx.msk [tilespmem:v16+s15+$0x0], $0xffff;
	v16 =	vadd.s32 s7, v4;
	v5 =	vadd.f32 v6, v5;
	v6 =	vmul.f32 v11, v8  }
0x130: {  	s6 =	simm.s32 $0xF;
	v8 =	vld.idx.msk [tilespmem:v15+s13+$0x0], $0xffff  }
0x131: {  	v11 =	vld.idx.msk [tilespmem:v15+s15+$0x0], $0xffff;
	v15 =	vadd.s32 s6, v4;
	s6 =	simm.s32 $0x11;
	v5 =	vadd.f32 v6, v5;
	v6 =	vmul.f32 v13, v10  }
0x132: {  	s7 =	simm.s32 $0x10;
	v18 =	vadd.s32 s6, v0;
	v10 =	vld.idx.msk [tilespmem:v17+s13+$0x0], $0xffff  }
0x133: {  	s6 =	simm.s32 $0x12;
	v13 =	vor.u32 s7, v4;
	v17 =	vld.idx.msk [tilespmem:v17+s15+$0x0], $0xffff;
	v5 =	vadd.f32 v6, v5;
	v6 =	vmul.f32 v12, v7  }
0x134: {  	v7 =	vld.idx.msk [tilespmem:v16+s13+$0x0], $0xffff;
	v12 =	vand.u32 $0x7F, v18;
	v18 =	vadd.s32 s6, v0  }
0x135: {  	s7 =	simm.s32 $0x13;
	v16 =	vld.idx.msk [tilespmem:v16+s15+$0x0], $0xffff;
	v12 =	vor.u32 v3, v12;
	v5 =	vadd.f32 v6, v5;
	v6 =	vmul.f32 v14, v9  }
0x136: {  	v9 =	vld.idx.msk [tilespmem:v15+s13+$0x0], $0xffff;
	v14 =	vand.u32 $0x7F, v18;
	v18 =	vadd.s32 s7, v0  }
0x137: {  	s6 =	simm.s32 $0x14;
	v15 =	vld.idx.msk [tilespmem:v15+s15+$0x0], $0xffff;
	v14 =	vor.u32 v3, v14;
	v5 =	vadd.f32 v6, v5;
	v6 =	vmul.f32 v11, v8  }
0x138: {  	v8 =	vld.idx.msk [tilespmem:v13+s13+$0x0], $0xffff;
	v11 =	vand.u32 $0x7F, v18;
	v18 =	vadd.s32 s6, v0  }
0x139: {  	s7 =	simm.s32 $0x15;
	v13 =	vld.idx.msk [tilespmem:v13+s15+$0x0], $0xffff;
	v11 =	vor.u32 v3, v11;
	v5 =	vadd.f32 v6, v5;
	v6 =	vmul.f32 v17, v10  }
0x13a: {  	v10 =	vld.idx.msk [tilespmem:v12+s13+$0x0], $0xffff;
	v17 =	vand.u32 $0x7F, v18;
	v18 =	vadd.s32 s7, v0  }
0x13b: {  	s6 =	simm.s32 $0x16;
	v12 =	vld.idx.msk [tilespmem:v12+s15+$0x0], $0xffff;
	v17 =	vor.u32 v3, v17;
	v5 =	vadd.f32 v6, v5;
	v6 =	vmul.f32 v16, v7  }
0x13c: {  	v7 =	vld.idx.msk [tilespmem:v14+s13+$0x0], $0xffff;
	v16 =	vand.u32 $0x7F, v18;
	v18 =	vadd.s32 s6, v0  }
0x13d: {  	s7 =	simm.s32 $0x17;
	v14 =	vld.idx.msk [tilespmem:v14+s15+$0x0], $0xffff;
	v16 =	vor.u32 v3, v16;
	v5 =	vadd.f32 v6, v5;
	v6 =	vmul.f32 v15, v9  }
0x13e: {  	v9 =	vld.idx.msk [tilespmem:v11+s13+$0x0], $0xffff;
	v15 =	vand.u32 $0x7F, v18;
	v18 =	vadd.s32 s7, v0  }
0x13f: {  	s6 =	simm.s32 $0x18;
	v11 =	vld.idx.msk [tilespmem:v11+s15+$0x0], $0xffff;
	v15 =	vor.u32 v3, v15;
	v5 =	vadd.f32 v6, v5;
	v6 =	vmul.f32 v13, v8  }
0x140: {  	v8 =	vld.idx.msk [tilespmem:v17+s13+$0x0], $0xffff;
	v13 =	vand.u32 $0x7F, v18;
	v18 =	vadd.s32 s6, v0  }
0x141: {  	s7 =	simm.s32 $0x19;
	v17 =	vld.idx.msk [tilespmem:v17+s15+$0x0], $0xffff;
	v13 =	vor.u32 v3, v13;
	v5 =	vadd.f32 v6, v5;
	v6 =	vmul.f32 v12, v10  }
0x142: {  	v10 =	vld.idx.msk [tilespmem:v16+s13+$0x0], $0xffff;
	v12 =	vand.u32 $0x7F, v18;
	v18 =	vadd.s32 s7, v0  }
0x143: {  	s6 =	simm.s32 $0x1A;
	v16 =	vld.idx.msk [tilespmem:v16+s15+$0x0], $0xffff;
	v12 =	vor.u32 v3, v12;
	v5 =	vadd.f32 v6, v5;
	v6 =	vmul.f32 v14, v7  }
0x144: {  	v7 =	vld.idx.msk [tilespmem:v15+s13+$0x0], $0xffff;
	v14 =	vand.u32 $0x7F, v18;
	v18 =	vadd.s32 s6, v0  }
0x145: {  	s7 =	simm.s32 $0x1B;
	v15 =	vld.idx.msk [tilespmem:v15+s15+$0x0], $0xffff;
	v14 =	vor.u32 v3, v14;
	v5 =	vadd.f32 v6, v5;
	v6 =	vmul.f32 v11, v9  }
0x146: {  	v9 =	vld.idx.msk [tilespmem:v13+s13+$0x0], $0xffff;
	v11 =	vand.u32 $0x7F, v18;
	v18 =	vadd.s32 s7, v0  }
0x147: {  	s6 =	simm.s32 $0x1C;
	v13 =	vld.idx.msk [tilespmem:v13+s15+$0x0], $0xffff;
	v11 =	vor.u32 v3, v11;
	v5 =	vadd.f32 v6, v5;
	v6 =	vmul.f32 v17, v8  }
0x148: {  	v8 =	vld.idx.msk [tilespmem:v12+s13+$0x0], $0xffff;
	v17 =	vand.u32 $0x7F, v18;
	v18 =	vadd.s32 s6, v0  }
0x149: {  	s7 =	simm.s32 $0x1D;
	v12 =	vld.idx.msk [tilespmem:v12+s15+$0x0], $0xffff;
	v17 =	vor.u32 v3, v17;
	v5 =	vadd.f32 v6, v5;
	v6 =	vmul.f32 v16, v10  }
0x14a: {  	v16 =	vld.idx.msk [tilespmem:v14+s13+$0x0], $0xffff;
	v10 =	vand.u32 $0x7F, v18;
	v18 =	vadd.s32 s7, v0  }
0x14b: {  	s6 =	simm.s32 $0x1E;
	v14 =	vld.idx.msk [tilespmem:v14+s15+$0x0], $0xffff;
	v19 =	vor.u32 v3, v10;
	v5 =	vadd.f32 v6, v5;
	v6 =	vmul.f32 v15, v7  }
0x14c: {  	v10 =	vadd.s32 s6, v0;
	v20 =	vld.idx.msk [tilespmem:v11+s13+$0x0], $0xffff;
	v7 =	vand.u32 $0x7F, v18  }
0x14d: {  	v18 =	vld.idx.msk [tilespmem:v11+s15+$0x0], $0xffff;
	v15 =	vor.u32 v3, v7;
	v7 =	vmul.f32 v13, v9;
	v6 =	vadd.f32 v6, v5  }
0x14e: {  	s7 =	simm.s32 $0x1F;
	v9 =	vand.u32 $0x7F, v10;
	v8 =	vmul.f32 v12, v8;
	v5 =	vld.idx.msk [tilespmem:v17+s13+$0x0], $0xffff  }
0x14f: {  	v12 =	vadd.s32 s7, v0;
	v10 =	vld.idx.msk [tilespmem:v17+s15+$0x0], $0xffff;
	v9 =	vor.u32 v3, v9;
	v6 =	vadd.f32 v7, v6  }
0x150: {  	v12 =	vand.u32 $0x7F, v12;
	v7 =	vld.idx.msk [tilespmem:v19+s13+$0x0], $0xffff  }
0x151: {  	v16 =	vmul.f32 v14, v16;
	v14 =	vor.u32 v3, v12;
	v11 =	vld.idx.msk [tilespmem:v19+s15+$0x0], $0xffff;
	v8 =	vadd.f32 v8, v6  }
0x152: {  	s5 =	simm.s32 $0x20;
	v6 =	vld.idx.msk [tilespmem:v15+s13+$0x0], $0xffff  }
0x153: {  	v12 =	vor.u32 s5, v4;
	v13 =	vld.idx.msk [tilespmem:v15+s15+$0x0], $0xffff;
	v15 =	vadd.f32 v16, v8;
	v16 =	vmul.f32 v18, v20  }
0x154: {  	s6 =	simm.s32 $0x40;
	s7 =	simm.s32 $0x21;
	v8 =	vld.idx.msk [tilespmem:v9+s13+$0x0], $0xffff  }
.LBB2_8:
0x155: {  	p0 =	slt.u32 s6, $0x60;
	v17 =	vadd.s32 s7, v4;
	v15 =	vadd.f32 v16, v15;
	v5 =	vmul.f32 v10, v5;
	v9 =	vld.idx.msk [tilespmem:v9+s15+$0x0], $0xffff  }
0x156: {  	s7 =	sadd.s32 $0x2, s5;
	v10 =	vld.idx.msk [tilespmem:v14+s13+$0x0], $0xffff  }
0x157: {  	v16 =	vadd.s32 s7, v4;
	v7 =	vmul.f32 v11, v7;
	v5 =	vadd.f32 v5, v15;
	v11 =	vld.idx.msk [tilespmem:v14+s15+$0x0], $0xffff  }
0x158: {  	s7 =	sadd.s32 $0x3, s5;
	v14 =	vld.idx.msk [tilespmem:v12+s13+$0x0], $0xffff  }
0x159: {  	v15 =	vadd.s32 s7, v4;
	v6 =	vmul.f32 v13, v6;
	v12 =	vld.idx.msk [tilespmem:v12+s15+$0x0], $0xffff;
	v5 =	vadd.f32 v7, v5  }
0x15a: {  	s7 =	sadd.s32 $0x4, s5;
	v7 =	vld.idx.msk [tilespmem:v17+s13+$0x0], $0xffff  }
0x15b: {  	v13 =	vld.idx.msk [tilespmem:v17+s15+$0x0], $0xffff;
	v17 =	vadd.s32 s7, v4;
	v5 =	vadd.f32 v6, v5;
	v6 =	vmul.f32 v9, v8  }
0x15c: {  	s7 =	sadd.s32 $0x5, s5;
	v8 =	vld.idx.msk [tilespmem:v16+s13+$0x0], $0xffff  }
0x15d: {  	v9 =	vld.idx.msk [tilespmem:v16+s15+$0x0], $0xffff;
	v16 =	vadd.s32 s7, v4;
	v5 =	vadd.f32 v6, v5;
	v6 =	vmul.f32 v11, v10  }
0x15e: {  	s7 =	sadd.s32 $0x6, s5;
	v10 =	vld.idx.msk [tilespmem:v15+s13+$0x0], $0xffff  }
0x15f: {  	v11 =	vmul.f32 v12, v14;
	v14 =	vadd.s32 s7, v4;
	v12 =	vld.idx.msk [tilespmem:v15+s15+$0x0], $0xffff;
	v5 =	vadd.f32 v6, v5  }
0x160: {  	s7 =	sadd.s32 $0x7, s5;
	v6 =	vld.idx.msk [tilespmem:v17+s13+$0x0], $0xffff  }
0x161: {  	v7 =	vmul.f32 v13, v7;
	v13 =	vadd.s32 s7, v4;
	v5 =	vadd.f32 v11, v5;
	v11 =	vld.idx.msk [tilespmem:v17+s15+$0x0], $0xffff  }
0x162: {  	s7 =	sadd.s32 $0x8, s5;
	v15 =	vld.idx.msk [tilespmem:v16+s13+$0x0], $0xffff  }
0x163: {  	v5 =	vadd.f32 v7, v5;
	v7 =	vmul.f32 v9, v8;
	v8 =	vld.idx.msk [tilespmem:v16+s15+$0x0], $0xffff;
	v9 =	vadd.s32 s7, v4  }
0x164: {  	s7 =	sadd.s32 $0x9, s5;
	v16 =	vld.idx.msk [tilespmem:v14+s13+$0x0], $0xffff  }
0x165: {  	v5 =	vadd.f32 v7, v5;
	v7 =	vmul.f32 v12, v10;
	v10 =	vld.idx.msk [tilespmem:v14+s15+$0x0], $0xffff;
	v12 =	vadd.s32 s7, v4  }
0x166: {  	s7 =	sadd.s32 $0xA, s5;
	v14 =	vld.idx.msk [tilespmem:v13+s13+$0x0], $0xffff  }
0x167: {  	v6 =	vmul.f32 v11, v6;
	v11 =	vadd.s32 s7, v4;
	v5 =	vadd.f32 v7, v5;
	v7 =	vld.idx.msk [tilespmem:v13+s15+$0x0], $0xffff  }
0x168: {  	s7 =	sadd.s32 $0xB, s5;
	v13 =	vld.idx.msk [tilespmem:v9+s13+$0x0], $0xffff  }
0x169: {  	v5 =	vadd.f32 v6, v5;
	v6 =	vmul.f32 v8, v15;
	v8 =	vld.idx.msk [tilespmem:v9+s15+$0x0], $0xffff;
	v9 =	vadd.s32 s7, v4  }
0x16a: {  	s7 =	sadd.s32 $0xC, s5;
	v15 =	vld.idx.msk [tilespmem:v12+s13+$0x0], $0xffff  }
0x16b: {  	v5 =	vadd.f32 v6, v5;
	v6 =	vmul.f32 v10, v16;
	v10 =	vld.idx.msk [tilespmem:v12+s15+$0x0], $0xffff;
	v12 =	vadd.s32 s7, v4  }
0x16c: {  	s7 =	sadd.s32 $0xD, s5;
	v16 =	vld.idx.msk [tilespmem:v11+s13+$0x0], $0xffff  }
0x16d: {  	v5 =	vadd.f32 v6, v5;
	v6 =	vmul.f32 v7, v14;
	v7 =	vld.idx.msk [tilespmem:v11+s15+$0x0], $0xffff;
	v11 =	vadd.s32 s7, v4  }
0x16e: {  	s7 =	sadd.s32 $0xE, s5;
	v14 =	vld.idx.msk [tilespmem:v9+s13+$0x0], $0xffff  }
0x16f: {  	v5 =	vadd.f32 v6, v5;
	v6 =	vmul.f32 v8, v13;
	v8 =	vld.idx.msk [tilespmem:v9+s15+$0x0], $0xffff;
	v9 =	vadd.s32 s7, v4  }
0x170: {  	s7 =	sadd.s32 $0xF, s5;
	v13 =	vld.idx.msk [tilespmem:v12+s13+$0x0], $0xffff  }
0x171: {  	v5 =	vadd.f32 v6, v5;
	v6 =	vmul.f32 v10, v15;
	v10 =	vld.idx.msk [tilespmem:v12+s15+$0x0], $0xffff;
	v12 =	vadd.s32 s7, v4;
	s7 =	sadd.s32 $0x10, s5  }
0x172: {  	v15 =	vld.idx.msk [tilespmem:v11+s13+$0x0], $0xffff;
	v17 =	vor.u32 s7, v4;
	s7 =	sadd.s32 $0x11, s5  }
0x173: {  	v5 =	vadd.f32 v6, v5;
	v6 =	vmul.f32 v7, v16;
	v7 =	vld.idx.msk [tilespmem:v11+s15+$0x0], $0xffff;
	v11 =	vadd.s32 s7, v0;
	s7 =	sadd.s32 $0x12, s5  }
0x174: {  	v16 =	vld.idx.msk [tilespmem:v9+s13+$0x0], $0xffff;
	v11 =	vand.u32 $0x7F, v11;
	v18 =	vadd.s32 s7, v0  }
0x175: {  	s7 =	sadd.s32 $0x13, s5;
	v5 =	vadd.f32 v6, v5;
	v6 =	vmul.f32 v8, v14;
	v8 =	vld.idx.msk [tilespmem:v9+s15+$0x0], $0xffff;
	v9 =	vor.u32 v3, v11  }
0x176: {  	v14 =	vand.u32 $0x7F, v18;
	v18 =	vadd.s32 s7, v0;
	v11 =	vld.idx.msk [tilespmem:v12+s13+$0x0], $0xffff  }
0x177: {  	s7 =	sadd.s32 $0x14, s5;
	v5 =	vadd.f32 v6, v5;
	v6 =	vmul.f32 v10, v13;
	v10 =	vld.idx.msk [tilespmem:v12+s15+$0x0], $0xffff;
	v12 =	vor.u32 v3, v14  }
0x178: {  	v14 =	vand.u32 $0x7F, v18;
	v18 =	vadd.s32 s7, v0;
	v13 =	vld.idx.msk [tilespmem:v17+s13+$0x0], $0xffff  }
0x179: {  	s7 =	sadd.s32 $0x15, s5;
	v14 =	vor.u32 v3, v14;
	v5 =	vadd.f32 v6, v5;
	v6 =	vmul.f32 v7, v15;
	v7 =	vld.idx.msk [tilespmem:v17+s15+$0x0], $0xffff  }
0x17a: {  	v17 =	vand.u32 $0x7F, v18;
	v18 =	vadd.s32 s7, v0;
	v15 =	vld.idx.msk [tilespmem:v9+s13+$0x0], $0xffff  }
0x17b: {  	s7 =	sadd.s32 $0x16, s5;
	v5 =	vadd.f32 v6, v5;
	v6 =	vmul.f32 v8, v16;
	v8 =	vld.idx.msk [tilespmem:v9+s15+$0x0], $0xffff;
	v9 =	vor.u32 v3, v17  }
0x17c: {  	v17 =	vand.u32 $0x7F, v18;
	v18 =	vadd.s32 s7, v0;
	v16 =	vld.idx.msk [tilespmem:v12+s13+$0x0], $0xffff  }
0x17d: {  	s7 =	sadd.s32 $0x17, s5;
	v5 =	vadd.f32 v6, v5;
	v6 =	vmul.f32 v10, v11;
	v10 =	vld.idx.msk [tilespmem:v12+s15+$0x0], $0xffff;
	v11 =	vor.u32 v3, v17  }
0x17e: {  	v17 =	vand.u32 $0x7F, v18;
	v18 =	vadd.s32 s7, v0;
	v12 =	vld.idx.msk [tilespmem:v14+s13+$0x0], $0xffff  }
0x17f: {  	s7 =	sadd.s32 $0x18, s5;
	v5 =	vadd.f32 v6, v5;
	v6 =	vmul.f32 v7, v13;
	v7 =	vld.idx.msk [tilespmem:v14+s15+$0x0], $0xffff;
	v13 =	vor.u32 v3, v17  }
0x180: {  	v17 =	vand.u32 $0x7F, v18;
	v18 =	vadd.s32 s7, v0;
	v14 =	vld.idx.msk [tilespmem:v9+s13+$0x0], $0xffff  }
0x181: {  	s7 =	sadd.s32 $0x19, s5;
	v5 =	vadd.f32 v6, v5;
	v6 =	vmul.f32 v8, v15;
	v8 =	vld.idx.msk [tilespmem:v9+s15+$0x0], $0xffff;
	v9 =	vor.u32 v3, v17  }
0x182: {  	v17 =	vand.u32 $0x7F, v18;
	v18 =	vadd.s32 s7, v0;
	v15 =	vld.idx.msk [tilespmem:v11+s13+$0x0], $0xffff  }
0x183: {  	s7 =	sadd.s32 $0x1A, s5;
	v5 =	vadd.f32 v6, v5;
	v6 =	vmul.f32 v10, v16;
	v10 =	vld.idx.msk [tilespmem:v11+s15+$0x0], $0xffff;
	v11 =	vor.u32 v3, v17  }
0x184: {  	v17 =	vand.u32 $0x7F, v18;
	v18 =	vadd.s32 s7, v0;
	v16 =	vld.idx.msk [tilespmem:v13+s13+$0x0], $0xffff  }
0x185: {  	s7 =	sadd.s32 $0x1B, s5;
	v5 =	vadd.f32 v6, v5;
	v6 =	vmul.f32 v7, v12;
	v7 =	vld.idx.msk [tilespmem:v13+s15+$0x0], $0xffff;
	v12 =	vor.u32 v3, v17  }
0x186: {  	v17 =	vand.u32 $0x7F, v18;
	v18 =	vadd.s32 s7, v0;
	v13 =	vld.idx.msk [tilespmem:v9+s13+$0x0], $0xffff  }
0x187: {  	s7 =	sadd.s32 $0x1C, s5;
	v5 =	vadd.f32 v6, v5;
	v6 =	vmul.f32 v8, v14;
	v8 =	vld.idx.msk [tilespmem:v9+s15+$0x0], $0xffff;
	v9 =	vor.u32 v3, v17  }
0x188: {  	v17 =	vand.u32 $0x7F, v18;
	v18 =	vadd.s32 s7, v0;
	v14 =	vld.idx.msk [tilespmem:v11+s13+$0x0], $0xffff  }
0x189: {  	s7 =	sadd.s32 $0x1D, s5;
	v5 =	vadd.f32 v6, v5;
	v6 =	vmul.f32 v10, v15;
	v10 =	vld.idx.msk [tilespmem:v11+s15+$0x0], $0xffff;
	v11 =	vor.u32 v3, v17  }
0x18a: {  	v17 =	vand.u32 $0x7F, v18;
	v18 =	vadd.s32 s7, v0;
	v15 =	vld.idx.msk [tilespmem:v12+s13+$0x0], $0xffff  }
0x18b: {  	s7 =	sadd.s32 $0x1E, s5;
	v5 =	vadd.f32 v6, v5;
	v6 =	vmul.f32 v7, v16;
	v12 =	vld.idx.msk [tilespmem:v12+s15+$0x0], $0xffff;
	v16 =	vor.u32 v3, v17  }
0x18c: {  	v7 =	vand.u32 $0x7F, v18;
	v18 =	vadd.s32 s7, v0;
	v17 =	vld.idx.msk [tilespmem:v9+s13+$0x0], $0xffff  }
0x18d: {  	s7 =	sadd.s32 $0x1F, s5;
	s5 =	smov.u32 s6;
	v8 =	vmul.f32 v8, v13;
	v19 =	vor.u32 v3, v7;
	v6 =	vadd.f32 v6, v5;
	v13 =	vld.idx.msk [tilespmem:v9+s15+$0x0], $0xffff  }
0x18e: {  	v7 =	vand.u32 $0x7F, v18;
	v18 =	vadd.s32 s7, v0;
	v5 =	vld.idx.msk [tilespmem:v11+s13+$0x0], $0xffff  }
0x18f: {  	v9 =	vor.u32 v3, v7;
	v6 =	vadd.f32 v8, v6;
	v8 =	vmul.f32 v10, v14;
	v10 =	vld.idx.msk [tilespmem:v11+s15+$0x0], $0xffff  }
.Ltmp2:
0x190: {  	v14 =	vand.u32 $0x7F, v18;
	v7 =	vld.idx.msk [tilespmem:v16+s13+$0x0], $0xffff;
	(pc) =	sbr.rel @p0 .LBB2_8-.Ltmp2, $4  }
0x191: {  	v15 =	vmul.f32 v12, v15;
	v14 =	vor.u32 v3, v14;
	v8 =	vadd.f32 v8, v6;
	v11 =	vld.idx.msk [tilespmem:v16+s15+$0x0], $0xffff  }
0x192: {  	v6 =	vld.idx.msk [tilespmem:v19+s13+$0x0], $0xffff  }
0x193: {  	v12 =	vor.u32 s6, v4;
	v16 =	vmul.f32 v13, v17;
	v15 =	vadd.f32 v15, v8;
	v13 =	vld.idx.msk [tilespmem:v19+s15+$0x0], $0xffff  }
0x194: {  	s7 =	sadd.s32 $0x1, s5;
	s6 =	sadd.s32 $0x20, s6;
	v8 =	vld.idx.msk [tilespmem:v9+s13+$0x0], $0xffff  }
0x195: {  	_ =	sdelay $0x2  }
0x196: {  	v15 =	vadd.f32 v16, v15;
	v5 =	vmul.f32 v10, v5  }
0x197: {  	v44 =	vadd.s32 s7, v4;
	v9 =	vld.idx.msk [tilespmem:v9+s15+$0x0], $0xffff  }
0x198: {  	s6 =	sadd.s32 $0x2, s5;
	v45 =	vld.idx.msk [tilespmem:v14+s13+$0x0], $0xffff;
	v7 =	vmul.f32 v11, v7;
	v5 =	vadd.f32 v5, v15  }
0x199: {  	v47 =	vld.idx.msk [tilespmem:v14+s15+$0x0], $0xffff;
	v46 =	vadd.s32 s6, v4  }
0x19a: {  	v48 =	vld.idx.msk [tilespmem:v12+s13+$0x0], $0xffff;
	s7 =	sadd.s32 $0x3, s5;
	v6 =	vmul.f32 v13, v6;
	v5 =	vadd.f32 v7, v5  }
0x19b: {  	v49 =	vld.idx.msk [tilespmem:v12+s15+$0x0], $0xffff;
	v50 =	vadd.s32 s7, v4  }
0x19c: {  	s7 =	sadd.s32 $0x4, s5;
	v51 =	vld.idx.msk [tilespmem:v44+s13+$0x0], $0xffff;
	v52 =	vmul.f32 v9, v8;
	v5 =	vadd.f32 v6, v5  }
0x19d: {  	v54 =	vadd.s32 s7, v4;
	v53 =	vld.idx.msk [tilespmem:v44+s15+$0x0], $0xffff  }
0x19e: {  	s7 =	sadd.s32 $0x5, s5;
	v56 =	vmul.f32 v47, v45;
	v55 =	vld.idx.msk [tilespmem:v46+s13+$0x0], $0xffff;
	v5 =	vadd.f32 v52, v5  }
0x19f: {  	v57 =	vadd.s32 s7, v4;
	v11 =	vld.idx.msk [tilespmem:v46+s15+$0x0], $0xffff  }
0x1a0: {  	s7 =	sadd.s32 $0x6, s5;
	v7 =	vmul.f32 v49, v48;
	v58 =	vld.idx.msk [tilespmem:v50+s13+$0x0], $0xffff;
	v5 =	vadd.f32 v56, v5  }
0x1a1: {  	v60 =	vadd.s32 s7, v4;
	v59 =	vld.idx.msk [tilespmem:v50+s15+$0x0], $0xffff  }
0x1a2: {  	s7 =	sadd.s32 $0x7, s5;
	v61 =	vld.idx.msk [tilespmem:v54+s13+$0x0], $0xffff;
	v62 =	vmul.f32 v53, v51;
	v5 =	vadd.f32 v7, v5  }
0x1a3: {  	v20 =	vadd.s32 s7, v4;
	v63 =	vld.idx.msk [tilespmem:v54+s15+$0x0], $0xffff  }
0x1a4: {  	s7 =	sadd.s32 $0x8, s5;
	v21 =	vld.idx.msk [tilespmem:v57+s13+$0x0], $0xffff;
	v22 =	vmul.f32 v11, v55;
	v5 =	vadd.f32 v62, v5  }
0x1a5: {  	v24 =	vadd.s32 s7, v4;
	v23 =	vld.idx.msk [tilespmem:v57+s15+$0x0], $0xffff  }
0x1a6: {  	s7 =	sadd.s32 $0x9, s5;
	v25 =	vld.idx.msk [tilespmem:v60+s13+$0x0], $0xffff;
	v6 =	vmul.f32 v59, v58;
	v5 =	vadd.f32 v22, v5  }
0x1a7: {  	v27 =	vadd.s32 s7, v4;
	v26 =	vld.idx.msk [tilespmem:v60+s15+$0x0], $0xffff  }
0x1a8: {  	s7 =	sadd.s32 $0xA, s5;
	v28 =	vld.idx.msk [tilespmem:v20+s13+$0x0], $0xffff;
	v29 =	vmul.f32 v63, v61;
	v5 =	vadd.f32 v6, v5  }
0x1a9: {  	v31 =	vadd.s32 s7, v4;
	v30 =	vld.idx.msk [tilespmem:v20+s15+$0x0], $0xffff  }
0x1aa: {  	s7 =	sadd.s32 $0xB, s5;
	v32 =	vld.idx.msk [tilespmem:v24+s13+$0x0], $0xffff;
	v33 =	vmul.f32 v23, v21;
	v5 =	vadd.f32 v29, v5  }
0x1ab: {  	v35 =	vadd.s32 s7, v4;
	v34 =	vld.idx.msk [tilespmem:v24+s15+$0x0], $0xffff  }
0x1ac: {  	s7 =	sadd.s32 $0xC, s5;
	v36 =	vld.idx.msk [tilespmem:v27+s13+$0x0], $0xffff;
	v37 =	vmul.f32 v26, v25;
	v5 =	vadd.f32 v33, v5  }
0x1ad: {  	v39 =	vadd.s32 s7, v4;
	v38 =	vld.idx.msk [tilespmem:v27+s15+$0x0], $0xffff  }
0x1ae: {  	s7 =	sadd.s32 $0xD, s5;
	v40 =	vld.idx.msk [tilespmem:v31+s13+$0x0], $0xffff;
	v41 =	vmul.f32 v30, v28;
	v5 =	vadd.f32 v37, v5  }
0x1af: {  	v43 =	vadd.s32 s7, v4;
	v42 =	vld.idx.msk [tilespmem:v31+s15+$0x0], $0xffff  }
0x1b0: {  	s7 =	sadd.s32 $0xE, s5;
	v44 =	vld.idx.msk [tilespmem:v35+s13+$0x0], $0xffff;
	v45 =	vmul.f32 v34, v32;
	v5 =	vadd.f32 v41, v5  }
0x1b1: {  	v47 =	vadd.s32 s7, v4;
	v46 =	vld.idx.msk [tilespmem:v35+s15+$0x0], $0xffff  }
0x1b2: {  	s7 =	sadd.s32 $0xF, s5;
	v48 =	vld.idx.msk [tilespmem:v39+s13+$0x0], $0xffff;
	v49 =	vmul.f32 v38, v36;
	v5 =	vadd.f32 v45, v5  }
0x1b3: {  	v51 =	vadd.s32 s7, v4;
	v50 =	vld.idx.msk [tilespmem:v39+s15+$0x0], $0xffff  }
0x1b4: {  	s6 =	sadd.s32 $0x10, s5;
	s7 =	sadd.s32 $0x11, s5;
	v52 =	vld.idx.msk [tilespmem:v43+s13+$0x0], $0xffff;
	v53 =	vmul.f32 v42, v40;
	v5 =	vadd.f32 v49, v5  }
0x1b5: {  	v54 =	vor.u32 s6, v4;
	v56 =	vadd.s32 s7, v0;
	v55 =	vld.idx.msk [tilespmem:v43+s15+$0x0], $0xffff  }
0x1b6: {  	s7 =	sadd.s32 $0x12, s5;
	v9 =	vand.u32 $0x7F, v56;
	v57 =	vld.idx.msk [tilespmem:v47+s13+$0x0], $0xffff;
	v58 =	vmul.f32 v46, v44;
	v5 =	vadd.f32 v53, v5  }
0x1b7: {  	v59 =	vadd.s32 s7, v0;
	v9 =	vor.u32 v3, v9;
	v11 =	vld.idx.msk [tilespmem:v47+s15+$0x0], $0xffff  }
0x1b8: {  	s7 =	sadd.s32 $0x13, s5;
	v10 =	vand.u32 $0x7F, v59;
	v60 =	vld.idx.msk [tilespmem:v51+s13+$0x0], $0xffff;
	v61 =	vmul.f32 v50, v48;
	v5 =	vadd.f32 v58, v5  }
0x1b9: {  	v62 =	vadd.s32 s7, v0;
	v10 =	vor.u32 v3, v10;
	v12 =	vld.idx.msk [tilespmem:v51+s15+$0x0], $0xffff  }
0x1ba: {  	v63 =	vld.idx.msk [tilespmem:v54+s13+$0x0], $0xffff;
	s7 =	sadd.s32 $0x14, s5;
	v7 =	vand.u32 $0x7F, v62;
	v18 =	vmul.f32 v55, v52;
	v5 =	vadd.f32 v61, v5  }
0x1bb: {  	v4 =	vld.idx.msk [tilespmem:v54+s15+$0x0], $0xffff;
	v19 =	vadd.s32 s7, v0;
	v7 =	vor.u32 v3, v7  }
0x1bc: {  	s7 =	sadd.s32 $0x15, s5;
	v8 =	vand.u32 $0x7F, v19;
	v20 =	vld.idx.msk [tilespmem:v9+s13+$0x0], $0xffff;
	v21 =	vmul.f32 v11, v57;
	v5 =	vadd.f32 v18, v5  }
0x1bd: {  	v22 =	vadd.s32 s7, v0;
	v8 =	vor.u32 v3, v8;
	v9 =	vld.idx.msk [tilespmem:v9+s15+$0x0], $0xffff  }
0x1be: {  	s7 =	sadd.s32 $0x16, s5;
	v23 =	vld.idx.msk [tilespmem:v10+s13+$0x0], $0xffff;
	v11 =	vand.u32 $0x7F, v22;
	v24 =	vmul.f32 v12, v60;
	v5 =	vadd.f32 v21, v5  }
0x1bf: {  	v25 =	vadd.s32 s7, v0;
	v10 =	vld.idx.msk [tilespmem:v10+s15+$0x0], $0xffff;
	v11 =	vor.u32 v3, v11  }
0x1c0: {  	v4 =	vmul.f32 v4, v63;
	s7 =	sadd.s32 $0x17, s5;
	v26 =	vld.idx.msk [tilespmem:v7+s13+$0x0], $0xffff;
	v12 =	vand.u32 $0x7F, v25;
	v5 =	vadd.f32 v24, v5  }
0x1c1: {  	v27 =	vadd.s32 s7, v0;
	v7 =	vld.idx.msk [tilespmem:v7+s15+$0x0], $0xffff;
	v12 =	vor.u32 v3, v12  }
0x1c2: {  	s7 =	sadd.s32 $0x18, s5;
	v6 =	vand.u32 $0x7F, v27;
	v28 =	vld.idx.msk [tilespmem:v8+s13+$0x0], $0xffff;
	v29 =	vmul.f32 v9, v20;
	v4 =	vadd.f32 v4, v5  }
0x1c3: {  	v30 =	vadd.s32 s7, v0;
	v6 =	vor.u32 v3, v6;
	v8 =	vld.idx.msk [tilespmem:v8+s15+$0x0], $0xffff  }
0x1c4: {  	s7 =	sadd.s32 $0x19, s5;
	v9 =	vand.u32 $0x7F, v30;
	v32 =	vmul.f32 v10, v23;
	v31 =	vld.idx.msk [tilespmem:v11+s13+$0x0], $0xffff;
	v4 =	vadd.f32 v29, v4  }
0x1c5: {  	v33 =	vadd.s32 s7, v0;
	v9 =	vor.u32 v3, v9;
	v11 =	vld.idx.msk [tilespmem:v11+s15+$0x0], $0xffff  }
0x1c6: {  	s7 =	sadd.s32 $0x1A, s5;
	v10 =	vand.u32 $0x7F, v33;
	v35 =	vmul.f32 v7, v26;
	v34 =	vld.idx.msk [tilespmem:v12+s13+$0x0], $0xffff;
	v4 =	vadd.f32 v32, v4  }
0x1c7: {  	v36 =	vadd.s32 s7, v0;
	v10 =	vor.u32 v3, v10;
	v12 =	vld.idx.msk [tilespmem:v12+s15+$0x0], $0xffff  }
0x1c8: {  	s7 =	sadd.s32 $0x1B, s5;
	v37 =	vld.idx.msk [tilespmem:v6+s13+$0x0], $0xffff;
	v7 =	vand.u32 $0x7F, v36;
	v38 =	vmul.f32 v8, v28;
	v4 =	vadd.f32 v35, v4  }
0x1c9: {  	v39 =	vadd.s32 s7, v0;
	v6 =	vld.idx.msk [tilespmem:v6+s15+$0x0], $0xffff;
	v7 =	vor.u32 v3, v7  }
0x1ca: {  	s7 =	sadd.s32 $0x1C, s5;
	v8 =	vand.u32 $0x7F, v39;
	v40 =	vld.idx.msk [tilespmem:v9+s13+$0x0], $0xffff;
	v41 =	vmul.f32 v11, v31;
	v4 =	vadd.f32 v38, v4  }
0x1cb: {  	v42 =	vadd.s32 s7, v0;
	v8 =	vor.u32 v3, v8;
	v9 =	vld.idx.msk [tilespmem:v9+s15+$0x0], $0xffff  }
0x1cc: {  	s7 =	sadd.s32 $0x1D, s5;
	v43 =	vld.idx.msk [tilespmem:v10+s13+$0x0], $0xffff;
	v11 =	vand.u32 $0x7F, v42;
	v44 =	vmul.f32 v12, v34;
	v4 =	vadd.f32 v41, v4  }
0x1cd: {  	v45 =	vadd.s32 s7, v0;
	v10 =	vld.idx.msk [tilespmem:v10+s15+$0x0], $0xffff;
	v11 =	vor.u32 v3, v11  }
0x1ce: {  	s7 =	sadd.s32 $0x1E, s5;
	v47 =	vmul.f32 v6, v37;
	v46 =	vld.idx.msk [tilespmem:v7+s13+$0x0], $0xffff;
	v12 =	vand.u32 $0x7F, v45;
	v4 =	vadd.f32 v44, v4  }
0x1cf: {  	v48 =	vadd.s32 s7, v0;
	v7 =	vld.idx.msk [tilespmem:v7+s15+$0x0], $0xffff;
	v12 =	vor.u32 v3, v12  }
0x1d0: {  	s7 =	sadd.s32 $0x1F, s5;
	v6 =	vand.u32 $0x7F, v48;
	v49 =	vld.idx.msk [tilespmem:v8+s13+$0x0], $0xffff;
	v50 =	vmul.f32 v9, v40;
	v4 =	vadd.f32 v47, v4  }
0x1d1: {  	v51 =	vadd.s32 s7, v0;
	v6 =	vor.u32 v3, v6;
	v8 =	vld.idx.msk [tilespmem:v8+s15+$0x0], $0xffff  }
0x1d2: {  	v9 =	vand.u32 $0x7F, v51;
	v53 =	vmul.f32 v10, v43;
	v52 =	vld.idx.msk [tilespmem:v11+s13+$0x0], $0xffff;
	v4 =	vadd.f32 v50, v4  }
0x1d3: {  	v3 =	vor.u32 v3, v9;
	v54 =	vld.idx.msk [tilespmem:v11+s15+$0x0], $0xffff  }
0x1d4: {  	v56 =	vmul.f32 v7, v46;
	v55 =	vld.idx.msk [tilespmem:v12+s13+$0x0], $0xffff;
	v4 =	vadd.f32 v53, v4  }
0x1d5: {  	v57 =	vld.idx.msk [tilespmem:v12+s15+$0x0], $0xffff  }
0x1d6: {  	v58 =	vld.idx.msk [tilespmem:v6+s13+$0x0], $0xffff;
	v59 =	vmul.f32 v8, v49;
	v4 =	vadd.f32 v56, v4  }
0x1d7: {  	v6 =	vld.idx.msk [tilespmem:v6+s15+$0x0], $0xffff  }
0x1d8: {  	v60 =	vld.idx.msk [tilespmem:v3+s13+$0x0], $0xffff;
	v61 =	vmul.f32 v54, v52;
	v4 =	vadd.f32 v59, v4  }
0x1d9: {  	v3 =	vld.idx.msk [tilespmem:v3+s15+$0x0], $0xffff  }
0x1da: {  	v62 =	vmul.f32 v57, v55;
	v4 =	vadd.f32 v61, v4;
	_ =	sdelay $0x1  }
0x1db: {  	s9 =	sadd.s32 $0x1, s9;
	v63 =	vmul.f32 v6, v58;
	v4 =	vadd.f32 v62, v4  }
0x1dc: {  	p0 =	sne.s32 s9, $0x5  }
.Ltmp3:
0x1dd: {  	v3 =	vmul.f32 v3, v60;
	v4 =	vadd.f32 v63, v4;
	(pc) =	sbr.rel @p0 .LBB2_7-.Ltmp3, $3  }
0x1de: {  	_ = 	snop  }
0x1df: {  	v3 =	vadd.f32 v3, v4;
	_ =	sdelay $0x1  }
0x1e0: {  	[tilespmem:v2+s4+$0x0 ss:$0x1] =	vst.idx.msk $0xffff, v3  }
0x1e1: {  	p0 =	seq.s32 s0, $0x1E  }
0x1e2: {  	s4 =	sadd.s32 @!p0 $0x190, s16;
	s5 =	simm.s32 @!p0 $0x50;
	s6 =	simm.s32 @!p0 $0x7700  }
0x1e3: {  	[tilespmem:s6], [sflag:$0x2] =	stream.indirect.gather @!p0 [hbm4b:s1+s5], $0x80, s4, s5, $0xb8;
	[tilespmem:$0x1B680] =	vst v63  }
0x1e4: {  	s4 =	sadd.s32 @!p0 $0x2910, s16;
	s6 =	simm.s32 @!p0 $0x11700  }
0x1e5: {  	[tilespmem:s6], [sflag:$0x6] =	stream.indirect.gather @!p0 [hbm4b:s1+s5], $0x80, s4, s5, $0xb8;
	[tilespmem:$0x1B680] =	vst v63  }
0x1e6: {  	_ =	swait.ge [sflag:s26], $0x2800  }
0x1e7: {  	[sflag:s26] =	ssyncset.done $0x0  }
0x1e8: {  	[sflag:s26] =	ssyncadd.s32 $0xFFFFD800  }
0x1e9: {  	_ =	swait.ge [sflag:s28], $0x2800  }
0x1ea: {  	s31 =	sadd.s32 $0x18FA0, s18;
	[sflag:s28] =	ssyncset.done $0x0  }
0x1eb: {  	s18 =	simm.s32 $0x0;
	s9 =	simm.s32 $0x0;
	v2 =	vmov s31;
	[sflag:s28] =	ssyncadd.s32 $0xFFFFD800  }
.LBB2_11:
0x1ec: {  	s4 =	sshll.u32 s9, $0x4  }
0x1ed: {  	v3 =	vmov s4  }
0x1ee: {  	v3 =	vshll.u32 v3, $0x7  }
0x1ef: {  	v3 =	vor.u32 v1, v3  }
0x1f0: {  	v4 =	vor.u32 v0, v3  }
0x1f1: {  	v5 =	vor.u32 s18, v4  }
0x1f2: {  	s5 =	simm.s32 $0x1  }
0x1f3: {  	v6 =	vadd.s32 s5, v4  }
0x1f4: {  	s6 =	simm.s32 $0x2  }
0x1f5: {  	v7 =	vadd.s32 s6, v4  }
0x1f6: {  	s7 =	simm.s32 $0x3;
	v8 =	vld.idx.msk [tilespmem:v5+s17+$0x0], $0xffff  }
0x1f7: {  	v9 =	vadd.s32 s7, v4;
	v5 =	vld.idx.msk [tilespmem:v5+s19+$0x0], $0xffff  }
0x1f8: {  	s31 =	simm.s32 $0x4;
	v10 =	vld.idx.msk [tilespmem:v6+s17+$0x0], $0xffff  }
0x1f9: {  	v11 =	vadd.s32 s31, v4;
	v6 =	vld.idx.msk [tilespmem:v6+s19+$0x0], $0xffff  }
0x1fa: {  	s6 =	simm.s32 $0x5;
	v12 =	vld.idx.msk [tilespmem:v7+s17+$0x0], $0xffff  }
0x1fb: {  	v13 =	vadd.s32 s6, v4;
	v7 =	vld.idx.msk [tilespmem:v7+s19+$0x0], $0xffff  }
0x1fc: {  	s7 =	simm.s32 $0x6;
	v14 =	vld.idx.msk [tilespmem:v9+s17+$0x0], $0xffff  }
0x1fd: {  	v15 =	vadd.s32 s7, v4;
	v9 =	vld.idx.msk [tilespmem:v9+s19+$0x0], $0xffff;
	v5 =	vmul.f32 v5, v8  }
0x1fe: {  	v16 =	vimm.f32 $0.0e+00;
	s31 =	simm.s32 $0x7;
	v8 =	vld.idx.msk [tilespmem:v11+s17+$0x0], $0xffff  }
0x1ff: {  	v17 =	vadd.s32 s31, v4;
	v11 =	vld.idx.msk [tilespmem:v11+s19+$0x0], $0xffff;
	v6 =	vmul.f32 v6, v10;
	v5 =	vadd.f32 v5, v16  }
0x200: {  	s6 =	simm.s32 $0x8;
	v10 =	vld.idx.msk [tilespmem:v13+s17+$0x0], $0xffff  }
0x201: {  	v13 =	vld.idx.msk [tilespmem:v13+s19+$0x0], $0xffff;
	v16 =	vadd.s32 s6, v4;
	v5 =	vadd.f32 v6, v5;
	v6 =	vmul.f32 v7, v12  }
0x202: {  	s7 =	simm.s32 $0x9;
	v7 =	vld.idx.msk [tilespmem:v15+s17+$0x0], $0xffff  }
0x203: {  	v12 =	vld.idx.msk [tilespmem:v15+s19+$0x0], $0xffff;
	v15 =	vadd.s32 s7, v4;
	v5 =	vadd.f32 v6, v5;
	v6 =	vmul.f32 v9, v14  }
0x204: {  	s31 =	simm.s32 $0xA;
	v9 =	vld.idx.msk [tilespmem:v17+s17+$0x0], $0xffff  }
0x205: {  	v14 =	vld.idx.msk [tilespmem:v17+s19+$0x0], $0xffff;
	v17 =	vadd.s32 s31, v4;
	v5 =	vadd.f32 v6, v5;
	v6 =	vmul.f32 v11, v8  }
0x206: {  	s6 =	simm.s32 $0xB;
	v8 =	vld.idx.msk [tilespmem:v16+s17+$0x0], $0xffff  }
0x207: {  	v11 =	vld.idx.msk [tilespmem:v16+s19+$0x0], $0xffff;
	v16 =	vadd.s32 s6, v4;
	v5 =	vadd.f32 v6, v5;
	v6 =	vmul.f32 v13, v10  }
0x208: {  	s7 =	simm.s32 $0xC;
	v10 =	vld.idx.msk [tilespmem:v15+s17+$0x0], $0xffff  }
0x209: {  	v13 =	vld.idx.msk [tilespmem:v15+s19+$0x0], $0xffff;
	v15 =	vadd.s32 s7, v4;
	v5 =	vadd.f32 v6, v5;
	v6 =	vmul.f32 v12, v7  }
0x20a: {  	s31 =	simm.s32 $0xD;
	v7 =	vld.idx.msk [tilespmem:v17+s17+$0x0], $0xffff  }
0x20b: {  	v12 =	vld.idx.msk [tilespmem:v17+s19+$0x0], $0xffff;
	v17 =	vadd.s32 s31, v4;
	v5 =	vadd.f32 v6, v5;
	v6 =	vmul.f32 v14, v9  }
0x20c: {  	s6 =	simm.s32 $0xE;
	v9 =	vld.idx.msk [tilespmem:v16+s17+$0x0], $0xffff  }
0x20d: {  	v14 =	vld.idx.msk [tilespmem:v16+s19+$0x0], $0xffff;
	v16 =	vadd.s32 s6, v4;
	v5 =	vadd.f32 v6, v5;
	v6 =	vmul.f32 v11, v8  }
0x20e: {  	s7 =	simm.s32 $0xF;
	v8 =	vld.idx.msk [tilespmem:v15+s17+$0x0], $0xffff  }
0x20f: {  	s6 =	simm.s32 $0x11;
	v11 =	vld.idx.msk [tilespmem:v15+s19+$0x0], $0xffff;
	v15 =	vadd.s32 s7, v4;
	v5 =	vadd.f32 v6, v5;
	v6 =	vmul.f32 v13, v10  }
0x210: {  	s31 =	simm.s32 $0x10;
	v18 =	vadd.s32 s6, v0;
	v10 =	vld.idx.msk [tilespmem:v17+s17+$0x0], $0xffff  }
0x211: {  	s7 =	simm.s32 $0x12;
	v13 =	vor.u32 s31, v4;
	v17 =	vld.idx.msk [tilespmem:v17+s19+$0x0], $0xffff;
	v5 =	vadd.f32 v6, v5;
	v6 =	vmul.f32 v12, v7  }
0x212: {  	v7 =	vld.idx.msk [tilespmem:v16+s17+$0x0], $0xffff;
	v12 =	vand.u32 $0x7F, v18;
	v18 =	vadd.s32 s7, v0  }
0x213: {  	s31 =	simm.s32 $0x13;
	v16 =	vld.idx.msk [tilespmem:v16+s19+$0x0], $0xffff;
	v12 =	vor.u32 v3, v12;
	v5 =	vadd.f32 v6, v5;
	v6 =	vmul.f32 v14, v9  }
0x214: {  	v9 =	vld.idx.msk [tilespmem:v15+s17+$0x0], $0xffff;
	v14 =	vand.u32 $0x7F, v18;
	v18 =	vadd.s32 s31, v0  }
0x215: {  	s6 =	simm.s32 $0x14;
	v15 =	vld.idx.msk [tilespmem:v15+s19+$0x0], $0xffff;
	v14 =	vor.u32 v3, v14;
	v5 =	vadd.f32 v6, v5;
	v6 =	vmul.f32 v11, v8  }
0x216: {  	v8 =	vld.idx.msk [tilespmem:v13+s17+$0x0], $0xffff;
	v11 =	vand.u32 $0x7F, v18;
	v18 =	vadd.s32 s6, v0  }
0x217: {  	s7 =	simm.s32 $0x15;
	v13 =	vld.idx.msk [tilespmem:v13+s19+$0x0], $0xffff;
	v11 =	vor.u32 v3, v11;
	v5 =	vadd.f32 v6, v5;
	v6 =	vmul.f32 v17, v10  }
0x218: {  	v10 =	vld.idx.msk [tilespmem:v12+s17+$0x0], $0xffff;
	v17 =	vand.u32 $0x7F, v18;
	v18 =	vadd.s32 s7, v0  }
0x219: {  	s31 =	simm.s32 $0x16;
	v12 =	vld.idx.msk [tilespmem:v12+s19+$0x0], $0xffff;
	v17 =	vor.u32 v3, v17;
	v5 =	vadd.f32 v6, v5;
	v6 =	vmul.f32 v16, v7  }
0x21a: {  	v7 =	vld.idx.msk [tilespmem:v14+s17+$0x0], $0xffff;
	v16 =	vand.u32 $0x7F, v18;
	v18 =	vadd.s32 s31, v0  }
0x21b: {  	s6 =	simm.s32 $0x17;
	v14 =	vld.idx.msk [tilespmem:v14+s19+$0x0], $0xffff;
	v16 =	vor.u32 v3, v16;
	v5 =	vadd.f32 v6, v5;
	v6 =	vmul.f32 v15, v9  }
0x21c: {  	v9 =	vld.idx.msk [tilespmem:v11+s17+$0x0], $0xffff;
	v15 =	vand.u32 $0x7F, v18;
	v18 =	vadd.s32 s6, v0  }
0x21d: {  	s7 =	simm.s32 $0x18;
	v11 =	vld.idx.msk [tilespmem:v11+s19+$0x0], $0xffff;
	v15 =	vor.u32 v3, v15;
	v5 =	vadd.f32 v6, v5;
	v6 =	vmul.f32 v13, v8  }
0x21e: {  	v8 =	vld.idx.msk [tilespmem:v17+s17+$0x0], $0xffff;
	v13 =	vand.u32 $0x7F, v18;
	v18 =	vadd.s32 s7, v0  }
0x21f: {  	s31 =	simm.s32 $0x19;
	v17 =	vld.idx.msk [tilespmem:v17+s19+$0x0], $0xffff;
	v13 =	vor.u32 v3, v13;
	v5 =	vadd.f32 v6, v5;
	v6 =	vmul.f32 v12, v10  }
0x220: {  	v10 =	vld.idx.msk [tilespmem:v16+s17+$0x0], $0xffff;
	v12 =	vand.u32 $0x7F, v18;
	v18 =	vadd.s32 s31, v0  }
0x221: {  	s6 =	simm.s32 $0x1A;
	v16 =	vld.idx.msk [tilespmem:v16+s19+$0x0], $0xffff;
	v12 =	vor.u32 v3, v12;
	v5 =	vadd.f32 v6, v5;
	v6 =	vmul.f32 v14, v7  }
0x222: {  	v7 =	vld.idx.msk [tilespmem:v15+s17+$0x0], $0xffff;
	v14 =	vand.u32 $0x7F, v18;
	v18 =	vadd.s32 s6, v0  }
0x223: {  	s7 =	simm.s32 $0x1B;
	v15 =	vld.idx.msk [tilespmem:v15+s19+$0x0], $0xffff;
	v14 =	vor.u32 v3, v14;
	v5 =	vadd.f32 v6, v5;
	v6 =	vmul.f32 v11, v9  }
0x224: {  	v9 =	vld.idx.msk [tilespmem:v13+s17+$0x0], $0xffff;
	v11 =	vand.u32 $0x7F, v18;
	v18 =	vadd.s32 s7, v0  }
0x225: {  	s31 =	simm.s32 $0x1C;
	v13 =	vld.idx.msk [tilespmem:v13+s19+$0x0], $0xffff;
	v11 =	vor.u32 v3, v11;
	v5 =	vadd.f32 v6, v5;
	v6 =	vmul.f32 v17, v8  }
0x226: {  	v8 =	vld.idx.msk [tilespmem:v12+s17+$0x0], $0xffff;
	v17 =	vand.u32 $0x7F, v18;
	v18 =	vadd.s32 s31, v0  }
0x227: {  	s6 =	simm.s32 $0x1D;
	v12 =	vld.idx.msk [tilespmem:v12+s19+$0x0], $0xffff;
	v17 =	vor.u32 v3, v17;
	v5 =	vadd.f32 v6, v5;
	v6 =	vmul.f32 v16, v10  }
0x228: {  	v16 =	vld.idx.msk [tilespmem:v14+s17+$0x0], $0xffff;
	v10 =	vand.u32 $0x7F, v18;
	v18 =	vadd.s32 s6, v0  }
0x229: {  	s7 =	simm.s32 $0x1E;
	v14 =	vld.idx.msk [tilespmem:v14+s19+$0x0], $0xffff;
	v19 =	vor.u32 v3, v10;
	v5 =	vadd.f32 v6, v5;
	v6 =	vmul.f32 v15, v7  }
0x22a: {  	v10 =	vadd.s32 s7, v0;
	v20 =	vld.idx.msk [tilespmem:v11+s17+$0x0], $0xffff;
	v7 =	vand.u32 $0x7F, v18  }
0x22b: {  	v18 =	vld.idx.msk [tilespmem:v11+s19+$0x0], $0xffff;
	v15 =	vor.u32 v3, v7;
	v7 =	vmul.f32 v13, v9;
	v6 =	vadd.f32 v6, v5  }
0x22c: {  	s31 =	simm.s32 $0x1F;
	v9 =	vand.u32 $0x7F, v10;
	v8 =	vmul.f32 v12, v8;
	v5 =	vld.idx.msk [tilespmem:v17+s17+$0x0], $0xffff  }
0x22d: {  	v12 =	vadd.s32 s31, v0;
	v10 =	vld.idx.msk [tilespmem:v17+s19+$0x0], $0xffff;
	v9 =	vor.u32 v3, v9;
	v6 =	vadd.f32 v7, v6  }
0x22e: {  	v12 =	vand.u32 $0x7F, v12;
	v7 =	vld.idx.msk [tilespmem:v19+s17+$0x0], $0xffff  }
0x22f: {  	v16 =	vmul.f32 v14, v16;
	v14 =	vor.u32 v3, v12;
	v11 =	vld.idx.msk [tilespmem:v19+s19+$0x0], $0xffff;
	v8 =	vadd.f32 v8, v6  }
0x230: {  	s5 =	simm.s32 $0x20;
	v6 =	vld.idx.msk [tilespmem:v15+s17+$0x0], $0xffff  }
0x231: {  	v12 =	vor.u32 s5, v4;
	v13 =	vld.idx.msk [tilespmem:v15+s19+$0x0], $0xffff;
	v15 =	vadd.f32 v16, v8;
	v16 =	vmul.f32 v18, v20  }
0x232: {  	s6 =	simm.s32 $0x40;
	s7 =	simm.s32 $0x21;
	v8 =	vld.idx.msk [tilespmem:v9+s17+$0x0], $0xffff  }
.LBB2_12:
0x233: {  	p1 =	slt.u32 s6, $0x60;
	v17 =	vadd.s32 s7, v4;
	v15 =	vadd.f32 v16, v15;
	v5 =	vmul.f32 v10, v5;
	v9 =	vld.idx.msk [tilespmem:v9+s19+$0x0], $0xffff  }
0x234: {  	s7 =	sadd.s32 $0x2, s5;
	v10 =	vld.idx.msk [tilespmem:v14+s17+$0x0], $0xffff  }
0x235: {  	v16 =	vadd.s32 s7, v4;
	v7 =	vmul.f32 v11, v7;
	v5 =	vadd.f32 v5, v15;
	v11 =	vld.idx.msk [tilespmem:v14+s19+$0x0], $0xffff  }
0x236: {  	s7 =	sadd.s32 $0x3, s5;
	v14 =	vld.idx.msk [tilespmem:v12+s17+$0x0], $0xffff  }
0x237: {  	v15 =	vadd.s32 s7, v4;
	v6 =	vmul.f32 v13, v6;
	v12 =	vld.idx.msk [tilespmem:v12+s19+$0x0], $0xffff;
	v5 =	vadd.f32 v7, v5  }
0x238: {  	s7 =	sadd.s32 $0x4, s5;
	v7 =	vld.idx.msk [tilespmem:v17+s17+$0x0], $0xffff  }
0x239: {  	v13 =	vld.idx.msk [tilespmem:v17+s19+$0x0], $0xffff;
	v17 =	vadd.s32 s7, v4;
	v5 =	vadd.f32 v6, v5;
	v6 =	vmul.f32 v9, v8  }
0x23a: {  	s7 =	sadd.s32 $0x5, s5;
	v8 =	vld.idx.msk [tilespmem:v16+s17+$0x0], $0xffff  }
0x23b: {  	v9 =	vld.idx.msk [tilespmem:v16+s19+$0x0], $0xffff;
	v16 =	vadd.s32 s7, v4;
	v5 =	vadd.f32 v6, v5;
	v6 =	vmul.f32 v11, v10  }
0x23c: {  	s7 =	sadd.s32 $0x6, s5;
	v10 =	vld.idx.msk [tilespmem:v15+s17+$0x0], $0xffff  }
0x23d: {  	v11 =	vmul.f32 v12, v14;
	v14 =	vadd.s32 s7, v4;
	v12 =	vld.idx.msk [tilespmem:v15+s19+$0x0], $0xffff;
	v5 =	vadd.f32 v6, v5  }
0x23e: {  	s7 =	sadd.s32 $0x7, s5;
	v6 =	vld.idx.msk [tilespmem:v17+s17+$0x0], $0xffff  }
0x23f: {  	v7 =	vmul.f32 v13, v7;
	v13 =	vadd.s32 s7, v4;
	v5 =	vadd.f32 v11, v5;
	v11 =	vld.idx.msk [tilespmem:v17+s19+$0x0], $0xffff  }
0x240: {  	s7 =	sadd.s32 $0x8, s5;
	v15 =	vld.idx.msk [tilespmem:v16+s17+$0x0], $0xffff  }
0x241: {  	v5 =	vadd.f32 v7, v5;
	v7 =	vmul.f32 v9, v8;
	v8 =	vld.idx.msk [tilespmem:v16+s19+$0x0], $0xffff;
	v9 =	vadd.s32 s7, v4  }
0x242: {  	s7 =	sadd.s32 $0x9, s5;
	v16 =	vld.idx.msk [tilespmem:v14+s17+$0x0], $0xffff  }
0x243: {  	v5 =	vadd.f32 v7, v5;
	v7 =	vmul.f32 v12, v10;
	v10 =	vld.idx.msk [tilespmem:v14+s19+$0x0], $0xffff;
	v12 =	vadd.s32 s7, v4  }
0x244: {  	s7 =	sadd.s32 $0xA, s5;
	v14 =	vld.idx.msk [tilespmem:v13+s17+$0x0], $0xffff  }
0x245: {  	v6 =	vmul.f32 v11, v6;
	v11 =	vadd.s32 s7, v4;
	v5 =	vadd.f32 v7, v5;
	v7 =	vld.idx.msk [tilespmem:v13+s19+$0x0], $0xffff  }
0x246: {  	s7 =	sadd.s32 $0xB, s5;
	v13 =	vld.idx.msk [tilespmem:v9+s17+$0x0], $0xffff  }
0x247: {  	v5 =	vadd.f32 v6, v5;
	v6 =	vmul.f32 v8, v15;
	v8 =	vld.idx.msk [tilespmem:v9+s19+$0x0], $0xffff;
	v9 =	vadd.s32 s7, v4  }
0x248: {  	s7 =	sadd.s32 $0xC, s5;
	v15 =	vld.idx.msk [tilespmem:v12+s17+$0x0], $0xffff  }
0x249: {  	v5 =	vadd.f32 v6, v5;
	v6 =	vmul.f32 v10, v16;
	v10 =	vld.idx.msk [tilespmem:v12+s19+$0x0], $0xffff;
	v12 =	vadd.s32 s7, v4  }
0x24a: {  	s7 =	sadd.s32 $0xD, s5;
	v16 =	vld.idx.msk [tilespmem:v11+s17+$0x0], $0xffff  }
0x24b: {  	v5 =	vadd.f32 v6, v5;
	v6 =	vmul.f32 v7, v14;
	v7 =	vld.idx.msk [tilespmem:v11+s19+$0x0], $0xffff;
	v11 =	vadd.s32 s7, v4  }
0x24c: {  	s7 =	sadd.s32 $0xE, s5;
	v14 =	vld.idx.msk [tilespmem:v9+s17+$0x0], $0xffff  }
0x24d: {  	v5 =	vadd.f32 v6, v5;
	v6 =	vmul.f32 v8, v13;
	v8 =	vld.idx.msk [tilespmem:v9+s19+$0x0], $0xffff;
	v9 =	vadd.s32 s7, v4  }
0x24e: {  	s7 =	sadd.s32 $0xF, s5;
	v13 =	vld.idx.msk [tilespmem:v12+s17+$0x0], $0xffff  }
0x24f: {  	v5 =	vadd.f32 v6, v5;
	v6 =	vmul.f32 v10, v15;
	v10 =	vld.idx.msk [tilespmem:v12+s19+$0x0], $0xffff;
	v12 =	vadd.s32 s7, v4;
	s7 =	sadd.s32 $0x10, s5  }
0x250: {  	v15 =	vld.idx.msk [tilespmem:v11+s17+$0x0], $0xffff;
	v17 =	vor.u32 s7, v4;
	s7 =	sadd.s32 $0x11, s5  }
0x251: {  	v5 =	vadd.f32 v6, v5;
	v6 =	vmul.f32 v7, v16;
	v7 =	vld.idx.msk [tilespmem:v11+s19+$0x0], $0xffff;
	v11 =	vadd.s32 s7, v0;
	s7 =	sadd.s32 $0x12, s5  }
0x252: {  	v16 =	vld.idx.msk [tilespmem:v9+s17+$0x0], $0xffff;
	v11 =	vand.u32 $0x7F, v11;
	v18 =	vadd.s32 s7, v0  }
0x253: {  	s7 =	sadd.s32 $0x13, s5;
	v5 =	vadd.f32 v6, v5;
	v6 =	vmul.f32 v8, v14;
	v8 =	vld.idx.msk [tilespmem:v9+s19+$0x0], $0xffff;
	v9 =	vor.u32 v3, v11  }
0x254: {  	v14 =	vand.u32 $0x7F, v18;
	v18 =	vadd.s32 s7, v0;
	v11 =	vld.idx.msk [tilespmem:v12+s17+$0x0], $0xffff  }
0x255: {  	s7 =	sadd.s32 $0x14, s5;
	v5 =	vadd.f32 v6, v5;
	v6 =	vmul.f32 v10, v13;
	v10 =	vld.idx.msk [tilespmem:v12+s19+$0x0], $0xffff;
	v12 =	vor.u32 v3, v14  }
0x256: {  	v14 =	vand.u32 $0x7F, v18;
	v18 =	vadd.s32 s7, v0;
	v13 =	vld.idx.msk [tilespmem:v17+s17+$0x0], $0xffff  }
0x257: {  	s7 =	sadd.s32 $0x15, s5;
	v14 =	vor.u32 v3, v14;
	v5 =	vadd.f32 v6, v5;
	v6 =	vmul.f32 v7, v15;
	v7 =	vld.idx.msk [tilespmem:v17+s19+$0x0], $0xffff  }
0x258: {  	v17 =	vand.u32 $0x7F, v18;
	v18 =	vadd.s32 s7, v0;
	v15 =	vld.idx.msk [tilespmem:v9+s17+$0x0], $0xffff  }
0x259: {  	s7 =	sadd.s32 $0x16, s5;
	v5 =	vadd.f32 v6, v5;
	v6 =	vmul.f32 v8, v16;
	v8 =	vld.idx.msk [tilespmem:v9+s19+$0x0], $0xffff;
	v9 =	vor.u32 v3, v17  }
0x25a: {  	v17 =	vand.u32 $0x7F, v18;
	v18 =	vadd.s32 s7, v0;
	v16 =	vld.idx.msk [tilespmem:v12+s17+$0x0], $0xffff  }
0x25b: {  	s7 =	sadd.s32 $0x17, s5;
	v5 =	vadd.f32 v6, v5;
	v6 =	vmul.f32 v10, v11;
	v10 =	vld.idx.msk [tilespmem:v12+s19+$0x0], $0xffff;
	v11 =	vor.u32 v3, v17  }
0x25c: {  	v17 =	vand.u32 $0x7F, v18;
	v18 =	vadd.s32 s7, v0;
	v12 =	vld.idx.msk [tilespmem:v14+s17+$0x0], $0xffff  }
0x25d: {  	s7 =	sadd.s32 $0x18, s5;
	v5 =	vadd.f32 v6, v5;
	v6 =	vmul.f32 v7, v13;
	v7 =	vld.idx.msk [tilespmem:v14+s19+$0x0], $0xffff;
	v13 =	vor.u32 v3, v17  }
0x25e: {  	v17 =	vand.u32 $0x7F, v18;
	v18 =	vadd.s32 s7, v0;
	v14 =	vld.idx.msk [tilespmem:v9+s17+$0x0], $0xffff  }
0x25f: {  	s7 =	sadd.s32 $0x19, s5;
	v5 =	vadd.f32 v6, v5;
	v6 =	vmul.f32 v8, v15;
	v8 =	vld.idx.msk [tilespmem:v9+s19+$0x0], $0xffff;
	v9 =	vor.u32 v3, v17  }
0x260: {  	v17 =	vand.u32 $0x7F, v18;
	v18 =	vadd.s32 s7, v0;
	v15 =	vld.idx.msk [tilespmem:v11+s17+$0x0], $0xffff  }
0x261: {  	s7 =	sadd.s32 $0x1A, s5;
	v5 =	vadd.f32 v6, v5;
	v6 =	vmul.f32 v10, v16;
	v10 =	vld.idx.msk [tilespmem:v11+s19+$0x0], $0xffff;
	v11 =	vor.u32 v3, v17  }
0x262: {  	v17 =	vand.u32 $0x7F, v18;
	v18 =	vadd.s32 s7, v0;
	v16 =	vld.idx.msk [tilespmem:v13+s17+$0x0], $0xffff  }
0x263: {  	s7 =	sadd.s32 $0x1B, s5;
	v5 =	vadd.f32 v6, v5;
	v6 =	vmul.f32 v7, v12;
	v7 =	vld.idx.msk [tilespmem:v13+s19+$0x0], $0xffff;
	v12 =	vor.u32 v3, v17  }
0x264: {  	v17 =	vand.u32 $0x7F, v18;
	v18 =	vadd.s32 s7, v0;
	v13 =	vld.idx.msk [tilespmem:v9+s17+$0x0], $0xffff  }
0x265: {  	s7 =	sadd.s32 $0x1C, s5;
	v5 =	vadd.f32 v6, v5;
	v6 =	vmul.f32 v8, v14;
	v8 =	vld.idx.msk [tilespmem:v9+s19+$0x0], $0xffff;
	v9 =	vor.u32 v3, v17  }
0x266: {  	v17 =	vand.u32 $0x7F, v18;
	v18 =	vadd.s32 s7, v0;
	v14 =	vld.idx.msk [tilespmem:v11+s17+$0x0], $0xffff  }
0x267: {  	s7 =	sadd.s32 $0x1D, s5;
	v5 =	vadd.f32 v6, v5;
	v6 =	vmul.f32 v10, v15;
	v10 =	vld.idx.msk [tilespmem:v11+s19+$0x0], $0xffff;
	v11 =	vor.u32 v3, v17  }
0x268: {  	v17 =	vand.u32 $0x7F, v18;
	v18 =	vadd.s32 s7, v0;
	v15 =	vld.idx.msk [tilespmem:v12+s17+$0x0], $0xffff  }
0x269: {  	s7 =	sadd.s32 $0x1E, s5;
	v5 =	vadd.f32 v6, v5;
	v6 =	vmul.f32 v7, v16;
	v12 =	vld.idx.msk [tilespmem:v12+s19+$0x0], $0xffff;
	v16 =	vor.u32 v3, v17  }
0x26a: {  	v7 =	vand.u32 $0x7F, v18;
	v18 =	vadd.s32 s7, v0;
	v17 =	vld.idx.msk [tilespmem:v9+s17+$0x0], $0xffff  }
0x26b: {  	s7 =	sadd.s32 $0x1F, s5;
	s5 =	smov.u32 s6;
	v8 =	vmul.f32 v8, v13;
	v19 =	vor.u32 v3, v7;
	v6 =	vadd.f32 v6, v5;
	v13 =	vld.idx.msk [tilespmem:v9+s19+$0x0], $0xffff  }
0x26c: {  	v7 =	vand.u32 $0x7F, v18;
	v18 =	vadd.s32 s7, v0;
	v5 =	vld.idx.msk [tilespmem:v11+s17+$0x0], $0xffff  }
0x26d: {  	v9 =	vor.u32 v3, v7;
	v6 =	vadd.f32 v8, v6;
	v8 =	vmul.f32 v10, v14;
	v10 =	vld.idx.msk [tilespmem:v11+s19+$0x0], $0xffff  }
.Ltmp4:
0x26e: {  	v14 =	vand.u32 $0x7F, v18;
	v7 =	vld.idx.msk [tilespmem:v16+s17+$0x0], $0xffff;
	(pc) =	sbr.rel @p1 .LBB2_12-.Ltmp4, $4  }
0x26f: {  	v15 =	vmul.f32 v12, v15;
	v14 =	vor.u32 v3, v14;
	v8 =	vadd.f32 v8, v6;
	v11 =	vld.idx.msk [tilespmem:v16+s19+$0x0], $0xffff  }
0x270: {  	v6 =	vld.idx.msk [tilespmem:v19+s17+$0x0], $0xffff  }
0x271: {  	v12 =	vor.u32 s6, v4;
	v16 =	vmul.f32 v13, v17;
	v15 =	vadd.f32 v15, v8;
	v13 =	vld.idx.msk [tilespmem:v19+s19+$0x0], $0xffff  }
0x272: {  	s7 =	sadd.s32 $0x1, s5;
	s6 =	sadd.s32 $0x20, s6;
	v8 =	vld.idx.msk [tilespmem:v9+s17+$0x0], $0xffff  }
0x273: {  	_ =	sdelay $0x2  }
0x274: {  	v15 =	vadd.f32 v16, v15;
	v5 =	vmul.f32 v10, v5  }
0x275: {  	v44 =	vadd.s32 s7, v4;
	v9 =	vld.idx.msk [tilespmem:v9+s19+$0x0], $0xffff  }
0x276: {  	s6 =	sadd.s32 $0x2, s5;
	v45 =	vld.idx.msk [tilespmem:v14+s17+$0x0], $0xffff;
	v7 =	vmul.f32 v11, v7;
	v5 =	vadd.f32 v5, v15  }
0x277: {  	v47 =	vld.idx.msk [tilespmem:v14+s19+$0x0], $0xffff;
	v46 =	vadd.s32 s6, v4  }
0x278: {  	v48 =	vld.idx.msk [tilespmem:v12+s17+$0x0], $0xffff;
	s31 =	sadd.s32 $0x3, s5;
	v6 =	vmul.f32 v13, v6;
	v5 =	vadd.f32 v7, v5  }
0x279: {  	v49 =	vld.idx.msk [tilespmem:v12+s19+$0x0], $0xffff;
	v50 =	vadd.s32 s31, v4  }
0x27a: {  	s7 =	sadd.s32 $0x4, s5;
	v51 =	vld.idx.msk [tilespmem:v44+s17+$0x0], $0xffff;
	v52 =	vmul.f32 v9, v8;
	v5 =	vadd.f32 v6, v5  }
0x27b: {  	v54 =	vadd.s32 s7, v4;
	v53 =	vld.idx.msk [tilespmem:v44+s19+$0x0], $0xffff  }
0x27c: {  	s31 =	sadd.s32 $0x5, s5;
	v56 =	vmul.f32 v47, v45;
	v55 =	vld.idx.msk [tilespmem:v46+s17+$0x0], $0xffff;
	v5 =	vadd.f32 v52, v5  }
0x27d: {  	v57 =	vadd.s32 s31, v4;
	v11 =	vld.idx.msk [tilespmem:v46+s19+$0x0], $0xffff  }
0x27e: {  	s7 =	sadd.s32 $0x6, s5;
	v7 =	vmul.f32 v49, v48;
	v58 =	vld.idx.msk [tilespmem:v50+s17+$0x0], $0xffff;
	v5 =	vadd.f32 v56, v5  }
0x27f: {  	v60 =	vadd.s32 s7, v4;
	v59 =	vld.idx.msk [tilespmem:v50+s19+$0x0], $0xffff  }
0x280: {  	s31 =	sadd.s32 $0x7, s5;
	v61 =	vld.idx.msk [tilespmem:v54+s17+$0x0], $0xffff;
	v62 =	vmul.f32 v53, v51;
	v5 =	vadd.f32 v7, v5  }
0x281: {  	v20 =	vadd.s32 s31, v4;
	v63 =	vld.idx.msk [tilespmem:v54+s19+$0x0], $0xffff  }
0x282: {  	s7 =	sadd.s32 $0x8, s5;
	v21 =	vld.idx.msk [tilespmem:v57+s17+$0x0], $0xffff;
	v22 =	vmul.f32 v11, v55;
	v5 =	vadd.f32 v62, v5  }
0x283: {  	v24 =	vadd.s32 s7, v4;
	v23 =	vld.idx.msk [tilespmem:v57+s19+$0x0], $0xffff  }
0x284: {  	s31 =	sadd.s32 $0x9, s5;
	v25 =	vld.idx.msk [tilespmem:v60+s17+$0x0], $0xffff;
	v6 =	vmul.f32 v59, v58;
	v5 =	vadd.f32 v22, v5  }
0x285: {  	v27 =	vadd.s32 s31, v4;
	v26 =	vld.idx.msk [tilespmem:v60+s19+$0x0], $0xffff  }
0x286: {  	s7 =	sadd.s32 $0xA, s5;
	v28 =	vld.idx.msk [tilespmem:v20+s17+$0x0], $0xffff;
	v29 =	vmul.f32 v63, v61;
	v5 =	vadd.f32 v6, v5  }
0x287: {  	v31 =	vadd.s32 s7, v4;
	v30 =	vld.idx.msk [tilespmem:v20+s19+$0x0], $0xffff  }
0x288: {  	s31 =	sadd.s32 $0xB, s5;
	v32 =	vld.idx.msk [tilespmem:v24+s17+$0x0], $0xffff;
	v33 =	vmul.f32 v23, v21;
	v5 =	vadd.f32 v29, v5  }
0x289: {  	v35 =	vadd.s32 s31, v4;
	v34 =	vld.idx.msk [tilespmem:v24+s19+$0x0], $0xffff  }
0x28a: {  	s7 =	sadd.s32 $0xC, s5;
	v36 =	vld.idx.msk [tilespmem:v27+s17+$0x0], $0xffff;
	v37 =	vmul.f32 v26, v25;
	v5 =	vadd.f32 v33, v5  }
0x28b: {  	v39 =	vadd.s32 s7, v4;
	v38 =	vld.idx.msk [tilespmem:v27+s19+$0x0], $0xffff  }
0x28c: {  	s31 =	sadd.s32 $0xD, s5;
	v40 =	vld.idx.msk [tilespmem:v31+s17+$0x0], $0xffff;
	v41 =	vmul.f32 v30, v28;
	v5 =	vadd.f32 v37, v5  }
0x28d: {  	v43 =	vadd.s32 s31, v4;
	v42 =	vld.idx.msk [tilespmem:v31+s19+$0x0], $0xffff  }
0x28e: {  	s7 =	sadd.s32 $0xE, s5;
	v44 =	vld.idx.msk [tilespmem:v35+s17+$0x0], $0xffff;
	v45 =	vmul.f32 v34, v32;
	v5 =	vadd.f32 v41, v5  }
0x28f: {  	v47 =	vadd.s32 s7, v4;
	v46 =	vld.idx.msk [tilespmem:v35+s19+$0x0], $0xffff  }
0x290: {  	s31 =	sadd.s32 $0xF, s5;
	v48 =	vld.idx.msk [tilespmem:v39+s17+$0x0], $0xffff;
	v49 =	vmul.f32 v38, v36;
	v5 =	vadd.f32 v45, v5  }
0x291: {  	v50 =	vld.idx.msk [tilespmem:v39+s19+$0x0], $0xffff;
	v51 =	vadd.s32 s31, v4  }
0x292: {  	s7 =	sadd.s32 $0x10, s5;
	s31 =	sadd.s32 $0x11, s5;
	v52 =	vld.idx.msk [tilespmem:v43+s17+$0x0], $0xffff;
	v53 =	vmul.f32 v42, v40;
	v5 =	vadd.f32 v49, v5  }
0x293: {  	v54 =	vor.u32 s7, v4;
	v55 =	vld.idx.msk [tilespmem:v43+s19+$0x0], $0xffff;
	v56 =	vadd.s32 s31, v0  }
0x294: {  	s7 =	sadd.s32 $0x12, s5;
	v57 =	vld.idx.msk [tilespmem:v47+s17+$0x0], $0xffff;
	v9 =	vand.u32 $0x7F, v56;
	v58 =	vmul.f32 v46, v44;
	v5 =	vadd.f32 v53, v5  }
0x295: {  	v59 =	vadd.s32 s7, v0;
	v11 =	vld.idx.msk [tilespmem:v47+s19+$0x0], $0xffff;
	v9 =	vor.u32 v3, v9  }
0x296: {  	s31 =	sadd.s32 $0x13, s5;
	v10 =	vand.u32 $0x7F, v59;
	v60 =	vld.idx.msk [tilespmem:v51+s17+$0x0], $0xffff;
	v61 =	vmul.f32 v50, v48;
	v5 =	vadd.f32 v58, v5  }
0x297: {  	v10 =	vor.u32 v3, v10;
	v62 =	vadd.s32 s31, v0;
	v12 =	vld.idx.msk [tilespmem:v51+s19+$0x0], $0xffff  }
0x298: {  	s7 =	sadd.s32 $0x14, s5;
	v63 =	vld.idx.msk [tilespmem:v54+s17+$0x0], $0xffff;
	v7 =	vand.u32 $0x7F, v62;
	v18 =	vmul.f32 v55, v52;
	v5 =	vadd.f32 v61, v5  }
0x299: {  	v19 =	vadd.s32 s7, v0;
	v4 =	vld.idx.msk [tilespmem:v54+s19+$0x0], $0xffff;
	v7 =	vor.u32 v3, v7  }
0x29a: {  	v8 =	vand.u32 $0x7F, v19;
	s31 =	sadd.s32 $0x15, s5;
	v21 =	vmul.f32 v11, v57;
	v20 =	vld.idx.msk [tilespmem:v9+s17+$0x0], $0xffff;
	v5 =	vadd.f32 v18, v5  }
0x29b: {  	v8 =	vor.u32 v3, v8;
	v22 =	vadd.s32 s31, v0;
	v9 =	vld.idx.msk [tilespmem:v9+s19+$0x0], $0xffff  }
0x29c: {  	s7 =	sadd.s32 $0x16, s5;
	v11 =	vand.u32 $0x7F, v22;
	v23 =	vld.idx.msk [tilespmem:v10+s17+$0x0], $0xffff;
	v24 =	vmul.f32 v12, v60;
	v5 =	vadd.f32 v21, v5  }
0x29d: {  	v25 =	vadd.s32 s7, v0;
	v10 =	vld.idx.msk [tilespmem:v10+s19+$0x0], $0xffff;
	v11 =	vor.u32 v3, v11  }
0x29e: {  	s31 =	sadd.s32 $0x17, s5;
	v4 =	vmul.f32 v4, v63;
	v12 =	vand.u32 $0x7F, v25;
	v26 =	vld.idx.msk [tilespmem:v7+s17+$0x0], $0xffff;
	v5 =	vadd.f32 v24, v5  }
0x29f: {  	v27 =	vadd.s32 s31, v0;
	v7 =	vld.idx.msk [tilespmem:v7+s19+$0x0], $0xffff;
	v12 =	vor.u32 v3, v12  }
0x2a0: {  	s7 =	sadd.s32 $0x18, s5;
	v6 =	vand.u32 $0x7F, v27;
	v28 =	vld.idx.msk [tilespmem:v8+s17+$0x0], $0xffff;
	v29 =	vmul.f32 v9, v20;
	v4 =	vadd.f32 v4, v5  }
0x2a1: {  	v30 =	vadd.s32 s7, v0;
	v8 =	vld.idx.msk [tilespmem:v8+s19+$0x0], $0xffff;
	v6 =	vor.u32 v3, v6  }
0x2a2: {  	s31 =	sadd.s32 $0x19, s5;
	v31 =	vld.idx.msk [tilespmem:v11+s17+$0x0], $0xffff;
	v9 =	vand.u32 $0x7F, v30;
	v32 =	vmul.f32 v10, v23;
	v4 =	vadd.f32 v29, v4  }
0x2a3: {  	v33 =	vadd.s32 s31, v0;
	v11 =	vld.idx.msk [tilespmem:v11+s19+$0x0], $0xffff;
	v9 =	vor.u32 v3, v9  }
0x2a4: {  	s7 =	sadd.s32 $0x1A, s5;
	v10 =	vand.u32 $0x7F, v33;
	v34 =	vld.idx.msk [tilespmem:v12+s17+$0x0], $0xffff;
	v35 =	vmul.f32 v7, v26;
	v4 =	vadd.f32 v32, v4  }
0x2a5: {  	v36 =	vadd.s32 s7, v0;
	v10 =	vor.u32 v3, v10;
	v12 =	vld.idx.msk [tilespmem:v12+s19+$0x0], $0xffff  }
0x2a6: {  	s31 =	sadd.s32 $0x1B, s5;
	v37 =	vld.idx.msk [tilespmem:v6+s17+$0x0], $0xffff;
	v38 =	vmul.f32 v8, v28;
	v7 =	vand.u32 $0x7F, v36;
	v4 =	vadd.f32 v35, v4  }
0x2a7: {  	v39 =	vadd.s32 s31, v0;
	v6 =	vld.idx.msk [tilespmem:v6+s19+$0x0], $0xffff;
	v7 =	vor.u32 v3, v7  }
0x2a8: {  	s7 =	sadd.s32 $0x1C, s5;
	v8 =	vand.u32 $0x7F, v39;
	v41 =	vmul.f32 v11, v31;
	v40 =	vld.idx.msk [tilespmem:v9+s17+$0x0], $0xffff;
	v4 =	vadd.f32 v38, v4  }
0x2a9: {  	v42 =	vadd.s32 s7, v0;
	v8 =	vor.u32 v3, v8;
	v9 =	vld.idx.msk [tilespmem:v9+s19+$0x0], $0xffff  }
0x2aa: {  	s31 =	sadd.s32 $0x1D, s5;
	v11 =	vand.u32 $0x7F, v42;
	v43 =	vld.idx.msk [tilespmem:v10+s17+$0x0], $0xffff;
	v44 =	vmul.f32 v12, v34;
	v4 =	vadd.f32 v41, v4  }
0x2ab: {  	v45 =	vadd.s32 s31, v0;
	v10 =	vld.idx.msk [tilespmem:v10+s19+$0x0], $0xffff;
	v11 =	vor.u32 v3, v11  }
0x2ac: {  	s7 =	sadd.s32 $0x1E, s5;
	v47 =	vmul.f32 v6, v37;
	v12 =	vand.u32 $0x7F, v45;
	v46 =	vld.idx.msk [tilespmem:v7+s17+$0x0], $0xffff;
	v4 =	vadd.f32 v44, v4  }
0x2ad: {  	v48 =	vadd.s32 s7, v0;
	v7 =	vld.idx.msk [tilespmem:v7+s19+$0x0], $0xffff;
	v12 =	vor.u32 v3, v12  }
0x2ae: {  	s31 =	sadd.s32 $0x1F, s5;
	v6 =	vand.u32 $0x7F, v48;
	v49 =	vld.idx.msk [tilespmem:v8+s17+$0x0], $0xffff;
	v50 =	vmul.f32 v9, v40;
	v4 =	vadd.f32 v47, v4  }
0x2af: {  	v51 =	vadd.s32 s31, v0;
	v8 =	vld.idx.msk [tilespmem:v8+s19+$0x0], $0xffff;
	v6 =	vor.u32 v3, v6  }
0x2b0: {  	v52 =	vld.idx.msk [tilespmem:v11+s17+$0x0], $0xffff;
	v9 =	vand.u32 $0x7F, v51;
	v53 =	vmul.f32 v10, v43;
	v4 =	vadd.f32 v50, v4  }
0x2b1: {  	v54 =	vld.idx.msk [tilespmem:v11+s19+$0x0], $0xffff;
	v3 =	vor.u32 v3, v9  }
0x2b2: {  	v55 =	vld.idx.msk [tilespmem:v12+s17+$0x0], $0xffff;
	v56 =	vmul.f32 v7, v46;
	v4 =	vadd.f32 v53, v4  }
0x2b3: {  	v57 =	vld.idx.msk [tilespmem:v12+s19+$0x0], $0xffff  }
0x2b4: {  	v58 =	vld.idx.msk [tilespmem:v6+s17+$0x0], $0xffff;
	v59 =	vmul.f32 v8, v49;
	v4 =	vadd.f32 v56, v4  }
0x2b5: {  	v6 =	vld.idx.msk [tilespmem:v6+s19+$0x0], $0xffff  }
0x2b6: {  	v61 =	vmul.f32 v54, v52;
	v60 =	vld.idx.msk [tilespmem:v3+s17+$0x0], $0xffff;
	v4 =	vadd.f32 v59, v4  }
0x2b7: {  	v3 =	vld.idx.msk [tilespmem:v3+s19+$0x0], $0xffff  }
0x2b8: {  	v62 =	vmul.f32 v57, v55;
	v4 =	vadd.f32 v61, v4;
	_ =	sdelay $0x1  }
0x2b9: {  	s9 =	sadd.s32 $0x1, s9;
	v63 =	vmul.f32 v6, v58;
	v4 =	vadd.f32 v62, v4  }
0x2ba: {  	p1 =	sne.s32 s9, $0x5  }
.Ltmp5:
0x2bb: {  	v3 =	vmul.f32 v3, v60;
	v4 =	vadd.f32 v63, v4;
	(pc) =	sbr.rel @p1 .LBB2_11-.Ltmp5, $3  }
0x2bc: {  	_ = 	snop  }
0x2bd: {  	v3 =	vadd.f32 v3, v4;
	_ =	sdelay $0x1  }
0x2be: {  	[tilespmem:v2+s4+$0x0 ss:$0x1] =	vst.idx.msk $0xffff, v3  }
0x2bf: {  	s4 =	sadd.s32 @!p0 $0x1E0, s16;
	s5 =	simm.s32 @!p0 $0x50;
	s6 =	simm.s32 @!p0 $0x9F00  }
0x2c0: {  	[tilespmem:s6], [sflag:$0x3] =	stream.indirect.gather @!p0 [hbm4b:s1+s5], $0x80, s4, s5, $0xb8;
	[tilespmem:$0x1B680] =	vst v63  }
0x2c1: {  	s4 =	sadd.s32 @!p0 $0x2960, s16;
	s6 =	simm.s32 @!p0 $0x13F00  }
0x2c2: {  	[tilespmem:s6], [sflag:$0x7] =	stream.indirect.gather @!p0 [hbm4b:s1+s5], $0x80, s4, s5, $0xb8;
	[tilespmem:$0x1B680] =	vst v63  }
0x2c3: {  	_ =	swait.ge [sflag:s29], $0x2800  }
0x2c4: {  	s31 =	smul.u32 $0x140, s14;
	[sflag:s29] =	ssyncset.done $0x0  }
0x2c5: {  	[sflag:s29] =	ssyncadd.s32 $0xFFFFD800  }
0x2c6: {  	s4 =	sshra.s32 s31, $0x2;
	_ =	swait.ge [sflag:s30], $0x2800  }
0x2c7: {  	s4 =	sadd.s32 $0x18F00, s4;
	[sflag:s30] =	ssyncset.done $0x0  }
0x2c8: {  	s14 =	simm.s32 $0x0;
	s9 =	simm.s32 $0x0;
	v2 =	vmov s4;
	[sflag:s30] =	ssyncadd.s32 $0xFFFFD800  }
.LBB2_15:
0x2c9: {  	s4 =	sshll.u32 s9, $0x4  }
0x2ca: {  	v3 =	vmov s4  }
0x2cb: {  	v3 =	vshll.u32 v3, $0x7  }
0x2cc: {  	v3 =	vor.u32 v1, v3  }
0x2cd: {  	v4 =	vor.u32 v0, v3  }
0x2ce: {  	v5 =	vor.u32 s14, v4  }
0x2cf: {  	s5 =	simm.s32 $0x1  }
0x2d0: {  	v6 =	vadd.s32 s5, v4  }
0x2d1: {  	s6 =	simm.s32 $0x2  }
0x2d2: {  	v7 =	vadd.s32 s6, v4  }
0x2d3: {  	s7 =	simm.s32 $0x3;
	v8 =	vld.idx.msk [tilespmem:v5+s20+$0x0], $0xffff  }
0x2d4: {  	v9 =	vadd.s32 s7, v4;
	v5 =	vld.idx.msk [tilespmem:v5+s21+$0x0], $0xffff  }
0x2d5: {  	s16 =	simm.s32 $0x4;
	v10 =	vld.idx.msk [tilespmem:v6+s20+$0x0], $0xffff  }
0x2d6: {  	v11 =	vadd.s32 s16, v4;
	v6 =	vld.idx.msk [tilespmem:v6+s21+$0x0], $0xffff  }
0x2d7: {  	s18 =	simm.s32 $0x5;
	v12 =	vld.idx.msk [tilespmem:v7+s20+$0x0], $0xffff  }
0x2d8: {  	v13 =	vadd.s32 s18, v4;
	v7 =	vld.idx.msk [tilespmem:v7+s21+$0x0], $0xffff  }
0x2d9: {  	s31 =	simm.s32 $0x6;
	v14 =	vld.idx.msk [tilespmem:v9+s20+$0x0], $0xffff  }
0x2da: {  	v15 =	vadd.s32 s31, v4;
	v9 =	vld.idx.msk [tilespmem:v9+s21+$0x0], $0xffff;
	v5 =	vmul.f32 v5, v8  }
0x2db: {  	v16 =	vimm.f32 $0.0e+00;
	s6 =	simm.s32 $0x7;
	v8 =	vld.idx.msk [tilespmem:v11+s20+$0x0], $0xffff  }
0x2dc: {  	v17 =	vadd.s32 s6, v4;
	v11 =	vld.idx.msk [tilespmem:v11+s21+$0x0], $0xffff;
	v6 =	vmul.f32 v6, v10;
	v5 =	vadd.f32 v5, v16  }
0x2dd: {  	s7 =	simm.s32 $0x8;
	v10 =	vld.idx.msk [tilespmem:v13+s20+$0x0], $0xffff  }
0x2de: {  	v13 =	vld.idx.msk [tilespmem:v13+s21+$0x0], $0xffff;
	v16 =	vadd.s32 s7, v4;
	v5 =	vadd.f32 v6, v5;
	v6 =	vmul.f32 v7, v12  }
0x2df: {  	s16 =	simm.s32 $0x9;
	v7 =	vld.idx.msk [tilespmem:v15+s20+$0x0], $0xffff  }
0x2e0: {  	v12 =	vld.idx.msk [tilespmem:v15+s21+$0x0], $0xffff;
	v15 =	vadd.s32 s16, v4;
	v5 =	vadd.f32 v6, v5;
	v6 =	vmul.f32 v9, v14  }
0x2e1: {  	s18 =	simm.s32 $0xA;
	v9 =	vld.idx.msk [tilespmem:v17+s20+$0x0], $0xffff  }
0x2e2: {  	v14 =	vld.idx.msk [tilespmem:v17+s21+$0x0], $0xffff;
	v17 =	vadd.s32 s18, v4;
	v5 =	vadd.f32 v6, v5;
	v6 =	vmul.f32 v11, v8  }
0x2e3: {  	s31 =	simm.s32 $0xB;
	v8 =	vld.idx.msk [tilespmem:v16+s20+$0x0], $0xffff  }
0x2e4: {  	v11 =	vld.idx.msk [tilespmem:v16+s21+$0x0], $0xffff;
	v16 =	vadd.s32 s31, v4;
	v5 =	vadd.f32 v6, v5;
	v6 =	vmul.f32 v13, v10  }
0x2e5: {  	s6 =	simm.s32 $0xC;
	v10 =	vld.idx.msk [tilespmem:v15+s20+$0x0], $0xffff  }
0x2e6: {  	v13 =	vld.idx.msk [tilespmem:v15+s21+$0x0], $0xffff;
	v15 =	vadd.s32 s6, v4;
	v5 =	vadd.f32 v6, v5;
	v6 =	vmul.f32 v12, v7  }
0x2e7: {  	s7 =	simm.s32 $0xD;
	v7 =	vld.idx.msk [tilespmem:v17+s20+$0x0], $0xffff  }
0x2e8: {  	v12 =	vld.idx.msk [tilespmem:v17+s21+$0x0], $0xffff;
	v17 =	vadd.s32 s7, v4;
	v5 =	vadd.f32 v6, v5;
	v6 =	vmul.f32 v14, v9  }
0x2e9: {  	s16 =	simm.s32 $0xE;
	v9 =	vld.idx.msk [tilespmem:v16+s20+$0x0], $0xffff  }
0x2ea: {  	v14 =	vld.idx.msk [tilespmem:v16+s21+$0x0], $0xffff;
	v16 =	vadd.s32 s16, v4;
	v5 =	vadd.f32 v6, v5;
	v6 =	vmul.f32 v11, v8  }
0x2eb: {  	s18 =	simm.s32 $0xF;
	v8 =	vld.idx.msk [tilespmem:v15+s20+$0x0], $0xffff  }
0x2ec: {  	s6 =	simm.s32 $0x11;
	v11 =	vld.idx.msk [tilespmem:v15+s21+$0x0], $0xffff;
	v15 =	vadd.s32 s18, v4;
	v5 =	vadd.f32 v6, v5;
	v6 =	vmul.f32 v13, v10  }
0x2ed: {  	s31 =	simm.s32 $0x10;
	v18 =	vadd.s32 s6, v0;
	v10 =	vld.idx.msk [tilespmem:v17+s20+$0x0], $0xffff  }
0x2ee: {  	s7 =	simm.s32 $0x12;
	v13 =	vor.u32 s31, v4;
	v17 =	vld.idx.msk [tilespmem:v17+s21+$0x0], $0xffff;
	v5 =	vadd.f32 v6, v5;
	v6 =	vmul.f32 v12, v7  }
0x2ef: {  	v7 =	vld.idx.msk [tilespmem:v16+s20+$0x0], $0xffff;
	v12 =	vand.u32 $0x7F, v18;
	v18 =	vadd.s32 s7, v0  }
0x2f0: {  	s16 =	simm.s32 $0x13;
	v16 =	vld.idx.msk [tilespmem:v16+s21+$0x0], $0xffff;
	v12 =	vor.u32 v3, v12;
	v5 =	vadd.f32 v6, v5;
	v6 =	vmul.f32 v14, v9  }
0x2f1: {  	v9 =	vld.idx.msk [tilespmem:v15+s20+$0x0], $0xffff;
	v14 =	vand.u32 $0x7F, v18;
	v18 =	vadd.s32 s16, v0  }
0x2f2: {  	s18 =	simm.s32 $0x14;
	v15 =	vld.idx.msk [tilespmem:v15+s21+$0x0], $0xffff;
	v14 =	vor.u32 v3, v14;
	v5 =	vadd.f32 v6, v5;
	v6 =	vmul.f32 v11, v8  }
0x2f3: {  	v8 =	vld.idx.msk [tilespmem:v13+s20+$0x0], $0xffff;
	v11 =	vand.u32 $0x7F, v18;
	v18 =	vadd.s32 s18, v0  }
0x2f4: {  	s31 =	simm.s32 $0x15;
	v13 =	vld.idx.msk [tilespmem:v13+s21+$0x0], $0xffff;
	v11 =	vor.u32 v3, v11;
	v5 =	vadd.f32 v6, v5;
	v6 =	vmul.f32 v17, v10  }
0x2f5: {  	v10 =	vld.idx.msk [tilespmem:v12+s20+$0x0], $0xffff;
	v17 =	vand.u32 $0x7F, v18;
	v18 =	vadd.s32 s31, v0  }
0x2f6: {  	s6 =	simm.s32 $0x16;
	v12 =	vld.idx.msk [tilespmem:v12+s21+$0x0], $0xffff;
	v17 =	vor.u32 v3, v17;
	v5 =	vadd.f32 v6, v5;
	v6 =	vmul.f32 v16, v7  }
0x2f7: {  	v7 =	vld.idx.msk [tilespmem:v14+s20+$0x0], $0xffff;
	v16 =	vand.u32 $0x7F, v18;
	v18 =	vadd.s32 s6, v0  }
0x2f8: {  	s7 =	simm.s32 $0x17;
	v14 =	vld.idx.msk [tilespmem:v14+s21+$0x0], $0xffff;
	v16 =	vor.u32 v3, v16;
	v5 =	vadd.f32 v6, v5;
	v6 =	vmul.f32 v15, v9  }
0x2f9: {  	v9 =	vld.idx.msk [tilespmem:v11+s20+$0x0], $0xffff;
	v15 =	vand.u32 $0x7F, v18;
	v18 =	vadd.s32 s7, v0  }
0x2fa: {  	s16 =	simm.s32 $0x18;
	v11 =	vld.idx.msk [tilespmem:v11+s21+$0x0], $0xffff;
	v15 =	vor.u32 v3, v15;
	v5 =	vadd.f32 v6, v5;
	v6 =	vmul.f32 v13, v8  }
0x2fb: {  	v8 =	vld.idx.msk [tilespmem:v17+s20+$0x0], $0xffff;
	v13 =	vand.u32 $0x7F, v18;
	v18 =	vadd.s32 s16, v0  }
0x2fc: {  	s18 =	simm.s32 $0x19;
	v17 =	vld.idx.msk [tilespmem:v17+s21+$0x0], $0xffff;
	v13 =	vor.u32 v3, v13;
	v5 =	vadd.f32 v6, v5;
	v6 =	vmul.f32 v12, v10  }
0x2fd: {  	v10 =	vld.idx.msk [tilespmem:v16+s20+$0x0], $0xffff;
	v12 =	vand.u32 $0x7F, v18;
	v18 =	vadd.s32 s18, v0  }
0x2fe: {  	s31 =	simm.s32 $0x1A;
	v16 =	vld.idx.msk [tilespmem:v16+s21+$0x0], $0xffff;
	v12 =	vor.u32 v3, v12;
	v5 =	vadd.f32 v6, v5;
	v6 =	vmul.f32 v14, v7  }
0x2ff: {  	v7 =	vld.idx.msk [tilespmem:v15+s20+$0x0], $0xffff;
	v14 =	vand.u32 $0x7F, v18;
	v18 =	vadd.s32 s31, v0  }
0x300: {  	s6 =	simm.s32 $0x1B;
	v15 =	vld.idx.msk [tilespmem:v15+s21+$0x0], $0xffff;
	v14 =	vor.u32 v3, v14;
	v5 =	vadd.f32 v6, v5;
	v6 =	vmul.f32 v11, v9  }
0x301: {  	v9 =	vld.idx.msk [tilespmem:v13+s20+$0x0], $0xffff;
	v11 =	vand.u32 $0x7F, v18;
	v18 =	vadd.s32 s6, v0  }
0x302: {  	s7 =	simm.s32 $0x1C;
	v13 =	vld.idx.msk [tilespmem:v13+s21+$0x0], $0xffff;
	v11 =	vor.u32 v3, v11;
	v5 =	vadd.f32 v6, v5;
	v6 =	vmul.f32 v17, v8  }
0x303: {  	v8 =	vld.idx.msk [tilespmem:v12+s20+$0x0], $0xffff;
	v17 =	vand.u32 $0x7F, v18;
	v18 =	vadd.s32 s7, v0  }
0x304: {  	s16 =	simm.s32 $0x1D;
	v12 =	vld.idx.msk [tilespmem:v12+s21+$0x0], $0xffff;
	v17 =	vor.u32 v3, v17;
	v5 =	vadd.f32 v6, v5;
	v6 =	vmul.f32 v16, v10  }
0x305: {  	v16 =	vld.idx.msk [tilespmem:v14+s20+$0x0], $0xffff;
	v10 =	vand.u32 $0x7F, v18;
	v18 =	vadd.s32 s16, v0  }
0x306: {  	s18 =	simm.s32 $0x1E;
	v14 =	vld.idx.msk [tilespmem:v14+s21+$0x0], $0xffff;
	v19 =	vor.u32 v3, v10;
	v5 =	vadd.f32 v6, v5;
	v6 =	vmul.f32 v15, v7  }
0x307: {  	v10 =	vadd.s32 s18, v0;
	v20 =	vld.idx.msk [tilespmem:v11+s20+$0x0], $0xffff;
	v7 =	vand.u32 $0x7F, v18  }
0x308: {  	v18 =	vld.idx.msk [tilespmem:v11+s21+$0x0], $0xffff;
	v15 =	vor.u32 v3, v7;
	v7 =	vmul.f32 v13, v9;
	v6 =	vadd.f32 v6, v5  }
0x309: {  	s31 =	simm.s32 $0x1F;
	v9 =	vand.u32 $0x7F, v10;
	v8 =	vmul.f32 v12, v8;
	v5 =	vld.idx.msk [tilespmem:v17+s20+$0x0], $0xffff  }
0x30a: {  	v12 =	vadd.s32 s31, v0;
	v10 =	vld.idx.msk [tilespmem:v17+s21+$0x0], $0xffff;
	v9 =	vor.u32 v3, v9;
	v6 =	vadd.f32 v7, v6  }
0x30b: {  	v12 =	vand.u32 $0x7F, v12;
	v7 =	vld.idx.msk [tilespmem:v19+s20+$0x0], $0xffff  }
0x30c: {  	v16 =	vmul.f32 v14, v16;
	v14 =	vor.u32 v3, v12;
	v11 =	vld.idx.msk [tilespmem:v19+s21+$0x0], $0xffff;
	v8 =	vadd.f32 v8, v6  }
0x30d: {  	s5 =	simm.s32 $0x20;
	v6 =	vld.idx.msk [tilespmem:v15+s20+$0x0], $0xffff  }
0x30e: {  	v12 =	vor.u32 s5, v4;
	v13 =	vld.idx.msk [tilespmem:v15+s21+$0x0], $0xffff;
	v15 =	vadd.f32 v16, v8;
	v16 =	vmul.f32 v18, v20  }
0x30f: {  	s6 =	simm.s32 $0x40;
	s7 =	simm.s32 $0x21;
	v8 =	vld.idx.msk [tilespmem:v9+s20+$0x0], $0xffff  }
.LBB2_16:
0x310: {  	p0 =	slt.u32 s6, $0x60;
	v17 =	vadd.s32 s7, v4;
	v15 =	vadd.f32 v16, v15;
	v5 =	vmul.f32 v10, v5;
	v9 =	vld.idx.msk [tilespmem:v9+s21+$0x0], $0xffff  }
0x311: {  	s7 =	sadd.s32 $0x2, s5;
	v10 =	vld.idx.msk [tilespmem:v14+s20+$0x0], $0xffff  }
0x312: {  	v16 =	vadd.s32 s7, v4;
	v7 =	vmul.f32 v11, v7;
	v5 =	vadd.f32 v5, v15;
	v11 =	vld.idx.msk [tilespmem:v14+s21+$0x0], $0xffff  }
0x313: {  	s7 =	sadd.s32 $0x3, s5;
	v14 =	vld.idx.msk [tilespmem:v12+s20+$0x0], $0xffff  }
0x314: {  	v15 =	vadd.s32 s7, v4;
	v6 =	vmul.f32 v13, v6;
	v12 =	vld.idx.msk [tilespmem:v12+s21+$0x0], $0xffff;
	v5 =	vadd.f32 v7, v5  }
0x315: {  	s7 =	sadd.s32 $0x4, s5;
	v7 =	vld.idx.msk [tilespmem:v17+s20+$0x0], $0xffff  }
0x316: {  	v13 =	vld.idx.msk [tilespmem:v17+s21+$0x0], $0xffff;
	v17 =	vadd.s32 s7, v4;
	v5 =	vadd.f32 v6, v5;
	v6 =	vmul.f32 v9, v8  }
0x317: {  	s7 =	sadd.s32 $0x5, s5;
	v8 =	vld.idx.msk [tilespmem:v16+s20+$0x0], $0xffff  }
0x318: {  	v9 =	vld.idx.msk [tilespmem:v16+s21+$0x0], $0xffff;
	v16 =	vadd.s32 s7, v4;
	v5 =	vadd.f32 v6, v5;
	v6 =	vmul.f32 v11, v10  }
0x319: {  	s7 =	sadd.s32 $0x6, s5;
	v10 =	vld.idx.msk [tilespmem:v15+s20+$0x0], $0xffff  }
0x31a: {  	v11 =	vmul.f32 v12, v14;
	v14 =	vadd.s32 s7, v4;
	v12 =	vld.idx.msk [tilespmem:v15+s21+$0x0], $0xffff;
	v5 =	vadd.f32 v6, v5  }
0x31b: {  	s7 =	sadd.s32 $0x7, s5;
	v6 =	vld.idx.msk [tilespmem:v17+s20+$0x0], $0xffff  }
0x31c: {  	v7 =	vmul.f32 v13, v7;
	v13 =	vadd.s32 s7, v4;
	v5 =	vadd.f32 v11, v5;
	v11 =	vld.idx.msk [tilespmem:v17+s21+$0x0], $0xffff  }
0x31d: {  	s7 =	sadd.s32 $0x8, s5;
	v15 =	vld.idx.msk [tilespmem:v16+s20+$0x0], $0xffff  }
0x31e: {  	v5 =	vadd.f32 v7, v5;
	v7 =	vmul.f32 v9, v8;
	v8 =	vld.idx.msk [tilespmem:v16+s21+$0x0], $0xffff;
	v9 =	vadd.s32 s7, v4  }
0x31f: {  	s7 =	sadd.s32 $0x9, s5;
	v16 =	vld.idx.msk [tilespmem:v14+s20+$0x0], $0xffff  }
0x320: {  	v5 =	vadd.f32 v7, v5;
	v7 =	vmul.f32 v12, v10;
	v10 =	vld.idx.msk [tilespmem:v14+s21+$0x0], $0xffff;
	v12 =	vadd.s32 s7, v4  }
0x321: {  	s7 =	sadd.s32 $0xA, s5;
	v14 =	vld.idx.msk [tilespmem:v13+s20+$0x0], $0xffff  }
0x322: {  	v6 =	vmul.f32 v11, v6;
	v11 =	vadd.s32 s7, v4;
	v5 =	vadd.f32 v7, v5;
	v7 =	vld.idx.msk [tilespmem:v13+s21+$0x0], $0xffff  }
0x323: {  	s7 =	sadd.s32 $0xB, s5;
	v13 =	vld.idx.msk [tilespmem:v9+s20+$0x0], $0xffff  }
0x324: {  	v5 =	vadd.f32 v6, v5;
	v6 =	vmul.f32 v8, v15;
	v8 =	vld.idx.msk [tilespmem:v9+s21+$0x0], $0xffff;
	v9 =	vadd.s32 s7, v4  }
0x325: {  	s7 =	sadd.s32 $0xC, s5;
	v15 =	vld.idx.msk [tilespmem:v12+s20+$0x0], $0xffff  }
0x326: {  	v5 =	vadd.f32 v6, v5;
	v6 =	vmul.f32 v10, v16;
	v10 =	vld.idx.msk [tilespmem:v12+s21+$0x0], $0xffff;
	v12 =	vadd.s32 s7, v4  }
0x327: {  	s7 =	sadd.s32 $0xD, s5;
	v16 =	vld.idx.msk [tilespmem:v11+s20+$0x0], $0xffff  }
0x328: {  	v5 =	vadd.f32 v6, v5;
	v6 =	vmul.f32 v7, v14;
	v7 =	vld.idx.msk [tilespmem:v11+s21+$0x0], $0xffff;
	v11 =	vadd.s32 s7, v4  }
0x329: {  	s7 =	sadd.s32 $0xE, s5;
	v14 =	vld.idx.msk [tilespmem:v9+s20+$0x0], $0xffff  }
0x32a: {  	v5 =	vadd.f32 v6, v5;
	v6 =	vmul.f32 v8, v13;
	v8 =	vld.idx.msk [tilespmem:v9+s21+$0x0], $0xffff;
	v9 =	vadd.s32 s7, v4  }
0x32b: {  	s7 =	sadd.s32 $0xF, s5;
	v13 =	vld.idx.msk [tilespmem:v12+s20+$0x0], $0xffff  }
0x32c: {  	v5 =	vadd.f32 v6, v5;
	v6 =	vmul.f32 v10, v15;
	v10 =	vld.idx.msk [tilespmem:v12+s21+$0x0], $0xffff;
	v12 =	vadd.s32 s7, v4;
	s7 =	sadd.s32 $0x10, s5  }
0x32d: {  	v15 =	vld.idx.msk [tilespmem:v11+s20+$0x0], $0xffff;
	v17 =	vor.u32 s7, v4;
	s7 =	sadd.s32 $0x11, s5  }
0x32e: {  	v5 =	vadd.f32 v6, v5;
	v6 =	vmul.f32 v7, v16;
	v7 =	vld.idx.msk [tilespmem:v11+s21+$0x0], $0xffff;
	v11 =	vadd.s32 s7, v0;
	s7 =	sadd.s32 $0x12, s5  }
0x32f: {  	v16 =	vld.idx.msk [tilespmem:v9+s20+$0x0], $0xffff;
	v11 =	vand.u32 $0x7F, v11;
	v18 =	vadd.s32 s7, v0  }
0x330: {  	s7 =	sadd.s32 $0x13, s5;
	v5 =	vadd.f32 v6, v5;
	v6 =	vmul.f32 v8, v14;
	v8 =	vld.idx.msk [tilespmem:v9+s21+$0x0], $0xffff;
	v9 =	vor.u32 v3, v11  }
0x331: {  	v14 =	vand.u32 $0x7F, v18;
	v18 =	vadd.s32 s7, v0;
	v11 =	vld.idx.msk [tilespmem:v12+s20+$0x0], $0xffff  }
0x332: {  	s7 =	sadd.s32 $0x14, s5;
	v5 =	vadd.f32 v6, v5;
	v6 =	vmul.f32 v10, v13;
	v10 =	vld.idx.msk [tilespmem:v12+s21+$0x0], $0xffff;
	v12 =	vor.u32 v3, v14  }
0x333: {  	v14 =	vand.u32 $0x7F, v18;
	v18 =	vadd.s32 s7, v0;
	v13 =	vld.idx.msk [tilespmem:v17+s20+$0x0], $0xffff  }
0x334: {  	s7 =	sadd.s32 $0x15, s5;
	v14 =	vor.u32 v3, v14;
	v5 =	vadd.f32 v6, v5;
	v6 =	vmul.f32 v7, v15;
	v7 =	vld.idx.msk [tilespmem:v17+s21+$0x0], $0xffff  }
0x335: {  	v17 =	vand.u32 $0x7F, v18;
	v18 =	vadd.s32 s7, v0;
	v15 =	vld.idx.msk [tilespmem:v9+s20+$0x0], $0xffff  }
0x336: {  	s7 =	sadd.s32 $0x16, s5;
	v5 =	vadd.f32 v6, v5;
	v6 =	vmul.f32 v8, v16;
	v8 =	vld.idx.msk [tilespmem:v9+s21+$0x0], $0xffff;
	v9 =	vor.u32 v3, v17  }
0x337: {  	v17 =	vand.u32 $0x7F, v18;
	v18 =	vadd.s32 s7, v0;
	v16 =	vld.idx.msk [tilespmem:v12+s20+$0x0], $0xffff  }
0x338: {  	s7 =	sadd.s32 $0x17, s5;
	v5 =	vadd.f32 v6, v5;
	v6 =	vmul.f32 v10, v11;
	v10 =	vld.idx.msk [tilespmem:v12+s21+$0x0], $0xffff;
	v11 =	vor.u32 v3, v17  }
0x339: {  	v17 =	vand.u32 $0x7F, v18;
	v18 =	vadd.s32 s7, v0;
	v12 =	vld.idx.msk [tilespmem:v14+s20+$0x0], $0xffff  }
0x33a: {  	s7 =	sadd.s32 $0x18, s5;
	v5 =	vadd.f32 v6, v5;
	v6 =	vmul.f32 v7, v13;
	v7 =	vld.idx.msk [tilespmem:v14+s21+$0x0], $0xffff;
	v13 =	vor.u32 v3, v17  }
0x33b: {  	v17 =	vand.u32 $0x7F, v18;
	v18 =	vadd.s32 s7, v0;
	v14 =	vld.idx.msk [tilespmem:v9+s20+$0x0], $0xffff  }
0x33c: {  	s7 =	sadd.s32 $0x19, s5;
	v5 =	vadd.f32 v6, v5;
	v6 =	vmul.f32 v8, v15;
	v8 =	vld.idx.msk [tilespmem:v9+s21+$0x0], $0xffff;
	v9 =	vor.u32 v3, v17  }
0x33d: {  	v17 =	vand.u32 $0x7F, v18;
	v18 =	vadd.s32 s7, v0;
	v15 =	vld.idx.msk [tilespmem:v11+s20+$0x0], $0xffff  }
0x33e: {  	s7 =	sadd.s32 $0x1A, s5;
	v5 =	vadd.f32 v6, v5;
	v6 =	vmul.f32 v10, v16;
	v10 =	vld.idx.msk [tilespmem:v11+s21+$0x0], $0xffff;
	v11 =	vor.u32 v3, v17  }
0x33f: {  	v17 =	vand.u32 $0x7F, v18;
	v18 =	vadd.s32 s7, v0;
	v16 =	vld.idx.msk [tilespmem:v13+s20+$0x0], $0xffff  }
0x340: {  	s7 =	sadd.s32 $0x1B, s5;
	v5 =	vadd.f32 v6, v5;
	v6 =	vmul.f32 v7, v12;
	v7 =	vld.idx.msk [tilespmem:v13+s21+$0x0], $0xffff;
	v12 =	vor.u32 v3, v17  }
0x341: {  	v17 =	vand.u32 $0x7F, v18;
	v18 =	vadd.s32 s7, v0;
	v13 =	vld.idx.msk [tilespmem:v9+s20+$0x0], $0xffff  }
0x342: {  	s7 =	sadd.s32 $0x1C, s5;
	v5 =	vadd.f32 v6, v5;
	v6 =	vmul.f32 v8, v14;
	v8 =	vld.idx.msk [tilespmem:v9+s21+$0x0], $0xffff;
	v9 =	vor.u32 v3, v17  }
0x343: {  	v17 =	vand.u32 $0x7F, v18;
	v18 =	vadd.s32 s7, v0;
	v14 =	vld.idx.msk [tilespmem:v11+s20+$0x0], $0xffff  }
0x344: {  	s7 =	sadd.s32 $0x1D, s5;
	v5 =	vadd.f32 v6, v5;
	v6 =	vmul.f32 v10, v15;
	v10 =	vld.idx.msk [tilespmem:v11+s21+$0x0], $0xffff;
	v11 =	vor.u32 v3, v17  }
0x345: {  	v17 =	vand.u32 $0x7F, v18;
	v18 =	vadd.s32 s7, v0;
	v15 =	vld.idx.msk [tilespmem:v12+s20+$0x0], $0xffff  }
0x346: {  	s7 =	sadd.s32 $0x1E, s5;
	v5 =	vadd.f32 v6, v5;
	v6 =	vmul.f32 v7, v16;
	v12 =	vld.idx.msk [tilespmem:v12+s21+$0x0], $0xffff;
	v16 =	vor.u32 v3, v17  }
0x347: {  	v7 =	vand.u32 $0x7F, v18;
	v18 =	vadd.s32 s7, v0;
	v17 =	vld.idx.msk [tilespmem:v9+s20+$0x0], $0xffff  }
0x348: {  	s7 =	sadd.s32 $0x1F, s5;
	s5 =	smov.u32 s6;
	v8 =	vmul.f32 v8, v13;
	v19 =	vor.u32 v3, v7;
	v6 =	vadd.f32 v6, v5;
	v13 =	vld.idx.msk [tilespmem:v9+s21+$0x0], $0xffff  }
0x349: {  	v7 =	vand.u32 $0x7F, v18;
	v18 =	vadd.s32 s7, v0;
	v5 =	vld.idx.msk [tilespmem:v11+s20+$0x0], $0xffff  }
0x34a: {  	v9 =	vor.u32 v3, v7;
	v6 =	vadd.f32 v8, v6;
	v8 =	vmul.f32 v10, v14;
	v10 =	vld.idx.msk [tilespmem:v11+s21+$0x0], $0xffff  }
.Ltmp6:
0x34b: {  	v14 =	vand.u32 $0x7F, v18;
	v7 =	vld.idx.msk [tilespmem:v16+s20+$0x0], $0xffff;
	(pc) =	sbr.rel @p0 .LBB2_16-.Ltmp6, $4  }
0x34c: {  	v15 =	vmul.f32 v12, v15;
	v14 =	vor.u32 v3, v14;
	v8 =	vadd.f32 v8, v6;
	v11 =	vld.idx.msk [tilespmem:v16+s21+$0x0], $0xffff  }
0x34d: {  	v6 =	vld.idx.msk [tilespmem:v19+s20+$0x0], $0xffff  }
0x34e: {  	v12 =	vor.u32 s6, v4;
	v16 =	vmul.f32 v13, v17;
	v15 =	vadd.f32 v15, v8;
	v13 =	vld.idx.msk [tilespmem:v19+s21+$0x0], $0xffff  }
0x34f: {  	s7 =	sadd.s32 $0x1, s5;
	s6 =	sadd.s32 $0x20, s6;
	v8 =	vld.idx.msk [tilespmem:v9+s20+$0x0], $0xffff  }
0x350: {  	_ =	sdelay $0x2  }
0x351: {  	v15 =	vadd.f32 v16, v15;
	v5 =	vmul.f32 v10, v5  }
0x352: {  	v44 =	vadd.s32 s7, v4;
	v9 =	vld.idx.msk [tilespmem:v9+s21+$0x0], $0xffff  }
0x353: {  	s6 =	sadd.s32 $0x2, s5;
	v45 =	vld.idx.msk [tilespmem:v14+s20+$0x0], $0xffff;
	v7 =	vmul.f32 v11, v7;
	v5 =	vadd.f32 v5, v15  }
0x354: {  	v47 =	vld.idx.msk [tilespmem:v14+s21+$0x0], $0xffff;
	v46 =	vadd.s32 s6, v4  }
0x355: {  	v48 =	vld.idx.msk [tilespmem:v12+s20+$0x0], $0xffff;
	s31 =	sadd.s32 $0x3, s5;
	v6 =	vmul.f32 v13, v6;
	v5 =	vadd.f32 v7, v5  }
0x356: {  	v49 =	vld.idx.msk [tilespmem:v12+s21+$0x0], $0xffff;
	v50 =	vadd.s32 s31, v4  }
0x357: {  	s7 =	sadd.s32 $0x4, s5;
	v51 =	vld.idx.msk [tilespmem:v44+s20+$0x0], $0xffff;
	v52 =	vmul.f32 v9, v8;
	v5 =	vadd.f32 v6, v5  }
0x358: {  	v54 =	vadd.s32 s7, v4;
	v53 =	vld.idx.msk [tilespmem:v44+s21+$0x0], $0xffff  }
0x359: {  	s16 =	sadd.s32 $0x5, s5;
	v56 =	vmul.f32 v47, v45;
	v55 =	vld.idx.msk [tilespmem:v46+s20+$0x0], $0xffff;
	v5 =	vadd.f32 v52, v5  }
0x35a: {  	v57 =	vadd.s32 s16, v4;
	v11 =	vld.idx.msk [tilespmem:v46+s21+$0x0], $0xffff  }
0x35b: {  	s18 =	sadd.s32 $0x6, s5;
	v7 =	vmul.f32 v49, v48;
	v58 =	vld.idx.msk [tilespmem:v50+s20+$0x0], $0xffff;
	v5 =	vadd.f32 v56, v5  }
0x35c: {  	v60 =	vadd.s32 s18, v4;
	v59 =	vld.idx.msk [tilespmem:v50+s21+$0x0], $0xffff  }
0x35d: {  	s31 =	sadd.s32 $0x7, s5;
	v61 =	vld.idx.msk [tilespmem:v54+s20+$0x0], $0xffff;
	v62 =	vmul.f32 v53, v51;
	v5 =	vadd.f32 v7, v5  }
0x35e: {  	v20 =	vadd.s32 s31, v4;
	v63 =	vld.idx.msk [tilespmem:v54+s21+$0x0], $0xffff  }
0x35f: {  	s7 =	sadd.s32 $0x8, s5;
	v21 =	vld.idx.msk [tilespmem:v57+s20+$0x0], $0xffff;
	v22 =	vmul.f32 v11, v55;
	v5 =	vadd.f32 v62, v5  }
0x360: {  	v24 =	vadd.s32 s7, v4;
	v23 =	vld.idx.msk [tilespmem:v57+s21+$0x0], $0xffff  }
0x361: {  	s16 =	sadd.s32 $0x9, s5;
	v25 =	vld.idx.msk [tilespmem:v60+s20+$0x0], $0xffff;
	v6 =	vmul.f32 v59, v58;
	v5 =	vadd.f32 v22, v5  }
0x362: {  	v27 =	vadd.s32 s16, v4;
	v26 =	vld.idx.msk [tilespmem:v60+s21+$0x0], $0xffff  }
0x363: {  	s18 =	sadd.s32 $0xA, s5;
	v28 =	vld.idx.msk [tilespmem:v20+s20+$0x0], $0xffff;
	v29 =	vmul.f32 v63, v61;
	v5 =	vadd.f32 v6, v5  }
0x364: {  	v31 =	vadd.s32 s18, v4;
	v30 =	vld.idx.msk [tilespmem:v20+s21+$0x0], $0xffff  }
0x365: {  	s31 =	sadd.s32 $0xB, s5;
	v32 =	vld.idx.msk [tilespmem:v24+s20+$0x0], $0xffff;
	v33 =	vmul.f32 v23, v21;
	v5 =	vadd.f32 v29, v5  }
0x366: {  	v35 =	vadd.s32 s31, v4;
	v34 =	vld.idx.msk [tilespmem:v24+s21+$0x0], $0xffff  }
0x367: {  	s7 =	sadd.s32 $0xC, s5;
	v36 =	vld.idx.msk [tilespmem:v27+s20+$0x0], $0xffff;
	v37 =	vmul.f32 v26, v25;
	v5 =	vadd.f32 v33, v5  }
0x368: {  	v39 =	vadd.s32 s7, v4;
	v38 =	vld.idx.msk [tilespmem:v27+s21+$0x0], $0xffff  }
0x369: {  	s16 =	sadd.s32 $0xD, s5;
	v40 =	vld.idx.msk [tilespmem:v31+s20+$0x0], $0xffff;
	v41 =	vmul.f32 v30, v28;
	v5 =	vadd.f32 v37, v5  }
0x36a: {  	v43 =	vadd.s32 s16, v4;
	v42 =	vld.idx.msk [tilespmem:v31+s21+$0x0], $0xffff  }
0x36b: {  	s18 =	sadd.s32 $0xE, s5;
	v44 =	vld.idx.msk [tilespmem:v35+s20+$0x0], $0xffff;
	v45 =	vmul.f32 v34, v32;
	v5 =	vadd.f32 v41, v5  }
0x36c: {  	v47 =	vadd.s32 s18, v4;
	v46 =	vld.idx.msk [tilespmem:v35+s21+$0x0], $0xffff  }
0x36d: {  	s31 =	sadd.s32 $0xF, s5;
	v48 =	vld.idx.msk [tilespmem:v39+s20+$0x0], $0xffff;
	v49 =	vmul.f32 v38, v36;
	v5 =	vadd.f32 v45, v5  }
0x36e: {  	v50 =	vld.idx.msk [tilespmem:v39+s21+$0x0], $0xffff;
	v51 =	vadd.s32 s31, v4  }
0x36f: {  	s7 =	sadd.s32 $0x10, s5;
	s16 =	sadd.s32 $0x11, s5;
	v52 =	vld.idx.msk [tilespmem:v43+s20+$0x0], $0xffff;
	v53 =	vmul.f32 v42, v40;
	v5 =	vadd.f32 v49, v5  }
0x370: {  	v54 =	vor.u32 s7, v4;
	v56 =	vadd.s32 s16, v0;
	v55 =	vld.idx.msk [tilespmem:v43+s21+$0x0], $0xffff  }
0x371: {  	s18 =	sadd.s32 $0x12, s5;
	v57 =	vld.idx.msk [tilespmem:v47+s20+$0x0], $0xffff;
	v9 =	vand.u32 $0x7F, v56;
	v58 =	vmul.f32 v46, v44;
	v5 =	vadd.f32 v53, v5  }
0x372: {  	v59 =	vadd.s32 s18, v0;
	v11 =	vld.idx.msk [tilespmem:v47+s21+$0x0], $0xffff;
	v9 =	vor.u32 v3, v9  }
0x373: {  	s31 =	sadd.s32 $0x13, s5;
	v10 =	vand.u32 $0x7F, v59;
	v61 =	vmul.f32 v50, v48;
	v60 =	vld.idx.msk [tilespmem:v51+s20+$0x0], $0xffff;
	v5 =	vadd.f32 v58, v5  }
0x374: {  	v10 =	vor.u32 v3, v10;
	v62 =	vadd.s32 s31, v0;
	v12 =	vld.idx.msk [tilespmem:v51+s21+$0x0], $0xffff  }
0x375: {  	s7 =	sadd.s32 $0x14, s5;
	v63 =	vld.idx.msk [tilespmem:v54+s20+$0x0], $0xffff;
	v7 =	vand.u32 $0x7F, v62;
	v18 =	vmul.f32 v55, v52;
	v5 =	vadd.f32 v61, v5  }
0x376: {  	v19 =	vadd.s32 s7, v0;
	v4 =	vld.idx.msk [tilespmem:v54+s21+$0x0], $0xffff;
	v7 =	vor.u32 v3, v7  }
0x377: {  	v8 =	vand.u32 $0x7F, v19;
	s16 =	sadd.s32 $0x15, s5;
	v21 =	vmul.f32 v11, v57;
	v20 =	vld.idx.msk [tilespmem:v9+s20+$0x0], $0xffff;
	v5 =	vadd.f32 v18, v5  }
0x378: {  	v8 =	vor.u32 v3, v8;
	v22 =	vadd.s32 s16, v0;
	v9 =	vld.idx.msk [tilespmem:v9+s21+$0x0], $0xffff  }
0x379: {  	s18 =	sadd.s32 $0x16, s5;
	v11 =	vand.u32 $0x7F, v22;
	v23 =	vld.idx.msk [tilespmem:v10+s20+$0x0], $0xffff;
	v24 =	vmul.f32 v12, v60;
	v5 =	vadd.f32 v21, v5  }
0x37a: {  	v25 =	vadd.s32 s18, v0;
	v10 =	vld.idx.msk [tilespmem:v10+s21+$0x0], $0xffff;
	v11 =	vor.u32 v3, v11  }
0x37b: {  	s31 =	sadd.s32 $0x17, s5;
	v4 =	vmul.f32 v4, v63;
	v12 =	vand.u32 $0x7F, v25;
	v26 =	vld.idx.msk [tilespmem:v7+s20+$0x0], $0xffff;
	v5 =	vadd.f32 v24, v5  }
0x37c: {  	v27 =	vadd.s32 s31, v0;
	v7 =	vld.idx.msk [tilespmem:v7+s21+$0x0], $0xffff;
	v12 =	vor.u32 v3, v12  }
0x37d: {  	s7 =	sadd.s32 $0x18, s5;
	v28 =	vld.idx.msk [tilespmem:v8+s20+$0x0], $0xffff;
	v6 =	vand.u32 $0x7F, v27;
	v29 =	vmul.f32 v9, v20;
	v4 =	vadd.f32 v4, v5  }
0x37e: {  	v30 =	vadd.s32 s7, v0;
	v8 =	vld.idx.msk [tilespmem:v8+s21+$0x0], $0xffff;
	v6 =	vor.u32 v3, v6  }
0x37f: {  	s16 =	sadd.s32 $0x19, s5;
	v9 =	vand.u32 $0x7F, v30;
	v31 =	vld.idx.msk [tilespmem:v11+s20+$0x0], $0xffff;
	v32 =	vmul.f32 v10, v23;
	v4 =	vadd.f32 v29, v4  }
0x380: {  	v33 =	vadd.s32 s16, v0;
	v11 =	vld.idx.msk [tilespmem:v11+s21+$0x0], $0xffff;
	v9 =	vor.u32 v3, v9  }
0x381: {  	s18 =	sadd.s32 $0x1A, s5;
	v10 =	vand.u32 $0x7F, v33;
	v34 =	vld.idx.msk [tilespmem:v12+s20+$0x0], $0xffff;
	v35 =	vmul.f32 v7, v26;
	v4 =	vadd.f32 v32, v4  }
0x382: {  	v36 =	vadd.s32 s18, v0;
	v10 =	vor.u32 v3, v10;
	v12 =	vld.idx.msk [tilespmem:v12+s21+$0x0], $0xffff  }
0x383: {  	s31 =	sadd.s32 $0x1B, s5;
	v38 =	vmul.f32 v8, v28;
	v37 =	vld.idx.msk [tilespmem:v6+s20+$0x0], $0xffff;
	v7 =	vand.u32 $0x7F, v36;
	v4 =	vadd.f32 v35, v4  }
0x384: {  	v39 =	vadd.s32 s31, v0;
	v6 =	vld.idx.msk [tilespmem:v6+s21+$0x0], $0xffff;
	v7 =	vor.u32 v3, v7  }
0x385: {  	s7 =	sadd.s32 $0x1C, s5;
	v8 =	vand.u32 $0x7F, v39;
	v40 =	vld.idx.msk [tilespmem:v9+s20+$0x0], $0xffff;
	v41 =	vmul.f32 v11, v31;
	v4 =	vadd.f32 v38, v4  }
0x386: {  	v42 =	vadd.s32 s7, v0;
	v8 =	vor.u32 v3, v8;
	v9 =	vld.idx.msk [tilespmem:v9+s21+$0x0], $0xffff  }
0x387: {  	s16 =	sadd.s32 $0x1D, s5;
	v11 =	vand.u32 $0x7F, v42;
	v43 =	vld.idx.msk [tilespmem:v10+s20+$0x0], $0xffff;
	v44 =	vmul.f32 v12, v34;
	v4 =	vadd.f32 v41, v4  }
0x388: {  	v45 =	vadd.s32 s16, v0;
	v10 =	vld.idx.msk [tilespmem:v10+s21+$0x0], $0xffff;
	v11 =	vor.u32 v3, v11  }
0x389: {  	s18 =	sadd.s32 $0x1E, s5;
	v47 =	vmul.f32 v6, v37;
	v12 =	vand.u32 $0x7F, v45;
	v46 =	vld.idx.msk [tilespmem:v7+s20+$0x0], $0xffff;
	v4 =	vadd.f32 v44, v4  }
0x38a: {  	v48 =	vadd.s32 s18, v0;
	v7 =	vld.idx.msk [tilespmem:v7+s21+$0x0], $0xffff;
	v12 =	vor.u32 v3, v12  }
0x38b: {  	s31 =	sadd.s32 $0x1F, s5;
	v6 =	vand.u32 $0x7F, v48;
	v49 =	vld.idx.msk [tilespmem:v8+s20+$0x0], $0xffff;
	v50 =	vmul.f32 v9, v40;
	v4 =	vadd.f32 v47, v4  }
0x38c: {  	v51 =	vadd.s32 s31, v0;
	v8 =	vld.idx.msk [tilespmem:v8+s21+$0x0], $0xffff;
	v6 =	vor.u32 v3, v6  }
0x38d: {  	v9 =	vand.u32 $0x7F, v51;
	v52 =	vld.idx.msk [tilespmem:v11+s20+$0x0], $0xffff;
	v53 =	vmul.f32 v10, v43;
	v4 =	vadd.f32 v50, v4  }
0x38e: {  	v54 =	vld.idx.msk [tilespmem:v11+s21+$0x0], $0xffff;
	v3 =	vor.u32 v3, v9  }
0x38f: {  	v55 =	vld.idx.msk [tilespmem:v12+s20+$0x0], $0xffff;
	v56 =	vmul.f32 v7, v46;
	v4 =	vadd.f32 v53, v4  }
0x390: {  	v57 =	vld.idx.msk [tilespmem:v12+s21+$0x0], $0xffff  }
0x391: {  	v58 =	vld.idx.msk [tilespmem:v6+s20+$0x0], $0xffff;
	v59 =	vmul.f32 v8, v49;
	v4 =	vadd.f32 v56, v4  }
0x392: {  	v6 =	vld.idx.msk [tilespmem:v6+s21+$0x0], $0xffff  }
0x393: {  	v60 =	vld.idx.msk [tilespmem:v3+s20+$0x0], $0xffff;
	v61 =	vmul.f32 v54, v52;
	v4 =	vadd.f32 v59, v4  }
0x394: {  	v3 =	vld.idx.msk [tilespmem:v3+s21+$0x0], $0xffff  }
0x395: {  	v62 =	vmul.f32 v57, v55;
	v4 =	vadd.f32 v61, v4;
	_ =	sdelay $0x1  }
0x396: {  	s9 =	sadd.s32 $0x1, s9;
	v63 =	vmul.f32 v6, v58;
	v4 =	vadd.f32 v62, v4  }
0x397: {  	p0 =	sne.s32 s9, $0x5  }
.Ltmp7:
0x398: {  	v3 =	vmul.f32 v3, v60;
	v4 =	vadd.f32 v63, v4;
	(pc) =	sbr.rel @p0 .LBB2_15-.Ltmp7, $3  }
0x399: {  	_ = 	snop  }
0x39a: {  	v3 =	vadd.f32 v3, v4;
	_ =	sdelay $0x1  }
0x39b: {  	[tilespmem:v2+s4+$0x0 ss:$0x1] =	vst.idx.msk $0xffff, v3  }
0x39c: {  	s0 =	sadd.s32 $0x1, s0  }
0x39d: {  	p0 =	sne.s32 s0, $0x1F  }
.Ltmp8:
0x39e: {  	_ = 	snop;
	(pc) =	sbr.rel @p0 .LBB2_2-.Ltmp8, $1  }
0x39f: {  	_ =	sdelay $0x3  }
0x3a0: {  	_ =	swait.ge [sflag:s22], $0x2800  }
0x3a1: {  	[sflag:s22] =	ssyncset.done $0x0  }
0x3a2: {  	[sflag:s22] =	ssyncadd.s32 $0xFFFFD800  }
0x3a3: {  	_ =	swait.ge [sflag:s23], $0x2800  }
0x3a4: {  	[sflag:s23] =	ssyncset.done $0x0  }
0x3a5: {  	s0 =	simm.s32 $0x0;
	s9 =	simm.s32 $0x0;
	[sflag:s23] =	ssyncadd.s32 $0xFFFFD800  }
.LBB2_20:
0x3a6: {  	s4 =	sshll.u32 s9, $0x4  }
0x3a7: {  	v2 =	vmov s4  }
0x3a8: {  	v2 =	vshll.u32 v2, $0x7  }
0x3a9: {  	v2 =	vor.u32 v1, v2  }
0x3aa: {  	v3 =	vor.u32 v0, v2  }
0x3ab: {  	v4 =	vor.u32 s0, v3  }
0x3ac: {  	s5 =	simm.s32 $0x1  }
0x3ad: {  	v5 =	vadd.s32 s5, v3  }
0x3ae: {  	s7 =	simm.s32 $0x2  }
0x3af: {  	v6 =	vadd.s32 s7, v3  }
0x3b0: {  	s14 =	simm.s32 $0x3;
	v7 =	vld.idx.msk [tilespmem:v4+s11+$0x0], $0xffff  }
0x3b1: {  	v8 =	vadd.s32 s14, v3;
	v4 =	vld.idx.msk [tilespmem:v4+s12+$0x0], $0xffff  }
0x3b2: {  	s16 =	simm.s32 $0x4;
	v9 =	vld.idx.msk [tilespmem:v5+s11+$0x0], $0xffff  }
0x3b3: {  	v10 =	vadd.s32 s16, v3;
	v5 =	vld.idx.msk [tilespmem:v5+s12+$0x0], $0xffff  }
0x3b4: {  	s18 =	simm.s32 $0x5;
	v11 =	vld.idx.msk [tilespmem:v6+s11+$0x0], $0xffff  }
0x3b5: {  	v12 =	vadd.s32 s18, v3;
	v6 =	vld.idx.msk [tilespmem:v6+s12+$0x0], $0xffff  }
0x3b6: {  	s31 =	simm.s32 $0x6;
	v13 =	vld.idx.msk [tilespmem:v8+s11+$0x0], $0xffff  }
0x3b7: {  	v14 =	vadd.s32 s31, v3;
	v8 =	vld.idx.msk [tilespmem:v8+s12+$0x0], $0xffff;
	v4 =	vmul.f32 v4, v7  }
0x3b8: {  	s6 =	simm.s32 $0x7;
	v15 =	vimm.f32 $0.0e+00;
	v7 =	vld.idx.msk [tilespmem:v10+s11+$0x0], $0xffff  }
0x3b9: {  	v16 =	vadd.s32 s6, v3;
	v10 =	vld.idx.msk [tilespmem:v10+s12+$0x0], $0xffff;
	v5 =	vmul.f32 v5, v9;
	v4 =	vadd.f32 v4, v15  }
0x3ba: {  	s7 =	simm.s32 $0x8;
	v9 =	vld.idx.msk [tilespmem:v12+s11+$0x0], $0xffff  }
0x3bb: {  	v12 =	vld.idx.msk [tilespmem:v12+s12+$0x0], $0xffff;
	v15 =	vadd.s32 s7, v3;
	v4 =	vadd.f32 v5, v4;
	v5 =	vmul.f32 v6, v11  }
0x3bc: {  	s14 =	simm.s32 $0x9;
	v6 =	vld.idx.msk [tilespmem:v14+s11+$0x0], $0xffff  }
0x3bd: {  	v11 =	vld.idx.msk [tilespmem:v14+s12+$0x0], $0xffff;
	v14 =	vadd.s32 s14, v3;
	v4 =	vadd.f32 v5, v4;
	v5 =	vmul.f32 v8, v13  }
0x3be: {  	s16 =	simm.s32 $0xA;
	v8 =	vld.idx.msk [tilespmem:v16+s11+$0x0], $0xffff  }
0x3bf: {  	v13 =	vld.idx.msk [tilespmem:v16+s12+$0x0], $0xffff;
	v16 =	vadd.s32 s16, v3;
	v4 =	vadd.f32 v5, v4;
	v5 =	vmul.f32 v10, v7  }
0x3c0: {  	s18 =	simm.s32 $0xB;
	v7 =	vld.idx.msk [tilespmem:v15+s11+$0x0], $0xffff  }
0x3c1: {  	v10 =	vld.idx.msk [tilespmem:v15+s12+$0x0], $0xffff;
	v15 =	vadd.s32 s18, v3;
	v4 =	vadd.f32 v5, v4;
	v5 =	vmul.f32 v12, v9  }
0x3c2: {  	s31 =	simm.s32 $0xC;
	v9 =	vld.idx.msk [tilespmem:v14+s11+$0x0], $0xffff  }
0x3c3: {  	v12 =	vld.idx.msk [tilespmem:v14+s12+$0x0], $0xffff;
	v14 =	vadd.s32 s31, v3;
	v4 =	vadd.f32 v5, v4;
	v5 =	vmul.f32 v11, v6  }
0x3c4: {  	s6 =	simm.s32 $0xD;
	v6 =	vld.idx.msk [tilespmem:v16+s11+$0x0], $0xffff  }
0x3c5: {  	v11 =	vld.idx.msk [tilespmem:v16+s12+$0x0], $0xffff;
	v16 =	vadd.s32 s6, v3;
	v4 =	vadd.f32 v5, v4;
	v5 =	vmul.f32 v13, v8  }
0x3c6: {  	s7 =	simm.s32 $0xE;
	v8 =	vld.idx.msk [tilespmem:v15+s11+$0x0], $0xffff  }
0x3c7: {  	v13 =	vld.idx.msk [tilespmem:v15+s12+$0x0], $0xffff;
	v15 =	vadd.s32 s7, v3;
	v4 =	vadd.f32 v5, v4;
	v5 =	vmul.f32 v10, v7  }
0x3c8: {  	s14 =	simm.s32 $0xF;
	v7 =	vld.idx.msk [tilespmem:v14+s11+$0x0], $0xffff  }
0x3c9: {  	s6 =	simm.s32 $0x11;
	v10 =	vld.idx.msk [tilespmem:v14+s12+$0x0], $0xffff;
	v14 =	vadd.s32 s14, v3;
	v4 =	vadd.f32 v5, v4;
	v5 =	vmul.f32 v12, v9  }
0x3ca: {  	s16 =	simm.s32 $0x10;
	v17 =	vadd.s32 s6, v0;
	v9 =	vld.idx.msk [tilespmem:v16+s11+$0x0], $0xffff  }
0x3cb: {  	s18 =	simm.s32 $0x12;
	v12 =	vor.u32 s16, v3;
	v16 =	vld.idx.msk [tilespmem:v16+s12+$0x0], $0xffff;
	v4 =	vadd.f32 v5, v4;
	v5 =	vmul.f32 v11, v6  }
0x3cc: {  	v6 =	vld.idx.msk [tilespmem:v15+s11+$0x0], $0xffff;
	v11 =	vand.u32 $0x7F, v17;
	v17 =	vadd.s32 s18, v0  }
0x3cd: {  	s31 =	simm.s32 $0x13;
	v15 =	vld.idx.msk [tilespmem:v15+s12+$0x0], $0xffff;
	v11 =	vor.u32 v2, v11;
	v4 =	vadd.f32 v5, v4;
	v5 =	vmul.f32 v13, v8  }
0x3ce: {  	v8 =	vld.idx.msk [tilespmem:v14+s11+$0x0], $0xffff;
	v13 =	vand.u32 $0x7F, v17;
	v17 =	vadd.s32 s31, v0  }
0x3cf: {  	s6 =	simm.s32 $0x14;
	v14 =	vld.idx.msk [tilespmem:v14+s12+$0x0], $0xffff;
	v13 =	vor.u32 v2, v13;
	v4 =	vadd.f32 v5, v4;
	v5 =	vmul.f32 v10, v7  }
0x3d0: {  	v7 =	vld.idx.msk [tilespmem:v12+s11+$0x0], $0xffff;
	v10 =	vand.u32 $0x7F, v17;
	v17 =	vadd.s32 s6, v0  }
0x3d1: {  	s7 =	simm.s32 $0x15;
	v12 =	vld.idx.msk [tilespmem:v12+s12+$0x0], $0xffff;
	v10 =	vor.u32 v2, v10;
	v4 =	vadd.f32 v5, v4;
	v5 =	vmul.f32 v16, v9  }
0x3d2: {  	v9 =	vld.idx.msk [tilespmem:v11+s11+$0x0], $0xffff;
	v16 =	vand.u32 $0x7F, v17;
	v17 =	vadd.s32 s7, v0  }
0x3d3: {  	s14 =	simm.s32 $0x16;
	v11 =	vld.idx.msk [tilespmem:v11+s12+$0x0], $0xffff;
	v16 =	vor.u32 v2, v16;
	v4 =	vadd.f32 v5, v4;
	v5 =	vmul.f32 v15, v6  }
0x3d4: {  	v6 =	vld.idx.msk [tilespmem:v13+s11+$0x0], $0xffff;
	v15 =	vand.u32 $0x7F, v17;
	v17 =	vadd.s32 s14, v0  }
0x3d5: {  	s16 =	simm.s32 $0x17;
	v13 =	vld.idx.msk [tilespmem:v13+s12+$0x0], $0xffff;
	v15 =	vor.u32 v2, v15;
	v4 =	vadd.f32 v5, v4;
	v5 =	vmul.f32 v14, v8  }
0x3d6: {  	v8 =	vld.idx.msk [tilespmem:v10+s11+$0x0], $0xffff;
	v14 =	vand.u32 $0x7F, v17;
	v17 =	vadd.s32 s16, v0  }
0x3d7: {  	s18 =	simm.s32 $0x18;
	v10 =	vld.idx.msk [tilespmem:v10+s12+$0x0], $0xffff;
	v14 =	vor.u32 v2, v14;
	v4 =	vadd.f32 v5, v4;
	v5 =	vmul.f32 v12, v7  }
0x3d8: {  	v7 =	vld.idx.msk [tilespmem:v16+s11+$0x0], $0xffff;
	v12 =	vand.u32 $0x7F, v17;
	v17 =	vadd.s32 s18, v0  }
0x3d9: {  	s31 =	simm.s32 $0x19;
	v16 =	vld.idx.msk [tilespmem:v16+s12+$0x0], $0xffff;
	v12 =	vor.u32 v2, v12;
	v4 =	vadd.f32 v5, v4;
	v5 =	vmul.f32 v11, v9  }
0x3da: {  	v9 =	vld.idx.msk [tilespmem:v15+s11+$0x0], $0xffff;
	v11 =	vand.u32 $0x7F, v17;
	v17 =	vadd.s32 s31, v0  }
0x3db: {  	s6 =	simm.s32 $0x1A;
	v15 =	vld.idx.msk [tilespmem:v15+s12+$0x0], $0xffff;
	v11 =	vor.u32 v2, v11;
	v4 =	vadd.f32 v5, v4;
	v5 =	vmul.f32 v13, v6  }
0x3dc: {  	v6 =	vld.idx.msk [tilespmem:v14+s11+$0x0], $0xffff;
	v13 =	vand.u32 $0x7F, v17;
	v17 =	vadd.s32 s6, v0  }
0x3dd: {  	s7 =	simm.s32 $0x1B;
	v14 =	vld.idx.msk [tilespmem:v14+s12+$0x0], $0xffff;
	v13 =	vor.u32 v2, v13;
	v4 =	vadd.f32 v5, v4;
	v5 =	vmul.f32 v10, v8  }
0x3de: {  	v8 =	vld.idx.msk [tilespmem:v12+s11+$0x0], $0xffff;
	v10 =	vand.u32 $0x7F, v17;
	v17 =	vadd.s32 s7, v0  }
0x3df: {  	s14 =	simm.s32 $0x1C;
	v12 =	vld.idx.msk [tilespmem:v12+s12+$0x0], $0xffff;
	v10 =	vor.u32 v2, v10;
	v4 =	vadd.f32 v5, v4;
	v5 =	vmul.f32 v16, v7  }
0x3e0: {  	v7 =	vld.idx.msk [tilespmem:v11+s11+$0x0], $0xffff;
	v16 =	vand.u32 $0x7F, v17;
	v17 =	vadd.s32 s14, v0  }
0x3e1: {  	s16 =	simm.s32 $0x1D;
	v11 =	vld.idx.msk [tilespmem:v11+s12+$0x0], $0xffff;
	v16 =	vor.u32 v2, v16;
	v4 =	vadd.f32 v5, v4;
	v5 =	vmul.f32 v15, v9  }
0x3e2: {  	v15 =	vld.idx.msk [tilespmem:v13+s11+$0x0], $0xffff;
	v9 =	vand.u32 $0x7F, v17;
	v17 =	vadd.s32 s16, v0  }
0x3e3: {  	s18 =	simm.s32 $0x1E;
	v13 =	vld.idx.msk [tilespmem:v13+s12+$0x0], $0xffff;
	v18 =	vor.u32 v2, v9;
	v4 =	vadd.f32 v5, v4;
	v5 =	vmul.f32 v14, v6  }
0x3e4: {  	v9 =	vadd.s32 s18, v0;
	v19 =	vld.idx.msk [tilespmem:v10+s11+$0x0], $0xffff;
	v6 =	vand.u32 $0x7F, v17  }
0x3e5: {  	v17 =	vld.idx.msk [tilespmem:v10+s12+$0x0], $0xffff;
	v14 =	vor.u32 v2, v6;
	v6 =	vmul.f32 v12, v8;
	v5 =	vadd.f32 v5, v4  }
0x3e6: {  	s31 =	simm.s32 $0x1F;
	v8 =	vand.u32 $0x7F, v9;
	v7 =	vmul.f32 v11, v7;
	v4 =	vld.idx.msk [tilespmem:v16+s11+$0x0], $0xffff  }
0x3e7: {  	v11 =	vadd.s32 s31, v0;
	v9 =	vld.idx.msk [tilespmem:v16+s12+$0x0], $0xffff;
	v8 =	vor.u32 v2, v8;
	v5 =	vadd.f32 v6, v5  }
0x3e8: {  	v11 =	vand.u32 $0x7F, v11;
	v6 =	vld.idx.msk [tilespmem:v18+s11+$0x0], $0xffff  }
0x3e9: {  	v15 =	vmul.f32 v13, v15;
	v13 =	vor.u32 v2, v11;
	v10 =	vld.idx.msk [tilespmem:v18+s12+$0x0], $0xffff;
	v7 =	vadd.f32 v7, v5  }
0x3ea: {  	s5 =	simm.s32 $0x20;
	v5 =	vld.idx.msk [tilespmem:v14+s11+$0x0], $0xffff  }
0x3eb: {  	v11 =	vor.u32 s5, v3;
	v12 =	vld.idx.msk [tilespmem:v14+s12+$0x0], $0xffff;
	v14 =	vadd.f32 v15, v7;
	v15 =	vmul.f32 v17, v19  }
0x3ec: {  	s6 =	simm.s32 $0x40;
	s7 =	simm.s32 $0x21;
	v7 =	vld.idx.msk [tilespmem:v8+s11+$0x0], $0xffff  }
.LBB2_21:
0x3ed: {  	p0 =	slt.u32 s6, $0x60;
	v16 =	vadd.s32 s7, v3;
	v14 =	vadd.f32 v15, v14;
	v4 =	vmul.f32 v9, v4;
	v8 =	vld.idx.msk [tilespmem:v8+s12+$0x0], $0xffff  }
0x3ee: {  	s7 =	sadd.s32 $0x2, s5;
	v9 =	vld.idx.msk [tilespmem:v13+s11+$0x0], $0xffff  }
0x3ef: {  	v15 =	vadd.s32 s7, v3;
	v6 =	vmul.f32 v10, v6;
	v4 =	vadd.f32 v4, v14;
	v10 =	vld.idx.msk [tilespmem:v13+s12+$0x0], $0xffff  }
0x3f0: {  	s7 =	sadd.s32 $0x3, s5;
	v13 =	vld.idx.msk [tilespmem:v11+s11+$0x0], $0xffff  }
0x3f1: {  	v14 =	vadd.s32 s7, v3;
	v5 =	vmul.f32 v12, v5;
	v11 =	vld.idx.msk [tilespmem:v11+s12+$0x0], $0xffff;
	v4 =	vadd.f32 v6, v4  }
0x3f2: {  	s7 =	sadd.s32 $0x4, s5;
	v6 =	vld.idx.msk [tilespmem:v16+s11+$0x0], $0xffff  }
0x3f3: {  	v12 =	vld.idx.msk [tilespmem:v16+s12+$0x0], $0xffff;
	v16 =	vadd.s32 s7, v3;
	v4 =	vadd.f32 v5, v4;
	v5 =	vmul.f32 v8, v7  }
0x3f4: {  	s7 =	sadd.s32 $0x5, s5;
	v7 =	vld.idx.msk [tilespmem:v15+s11+$0x0], $0xffff  }
0x3f5: {  	v8 =	vld.idx.msk [tilespmem:v15+s12+$0x0], $0xffff;
	v15 =	vadd.s32 s7, v3;
	v4 =	vadd.f32 v5, v4;
	v5 =	vmul.f32 v10, v9  }
0x3f6: {  	s7 =	sadd.s32 $0x6, s5;
	v9 =	vld.idx.msk [tilespmem:v14+s11+$0x0], $0xffff  }
0x3f7: {  	v10 =	vmul.f32 v11, v13;
	v13 =	vadd.s32 s7, v3;
	v11 =	vld.idx.msk [tilespmem:v14+s12+$0x0], $0xffff;
	v4 =	vadd.f32 v5, v4  }
0x3f8: {  	s7 =	sadd.s32 $0x7, s5;
	v5 =	vld.idx.msk [tilespmem:v16+s11+$0x0], $0xffff  }
0x3f9: {  	v6 =	vmul.f32 v12, v6;
	v12 =	vadd.s32 s7, v3;
	v4 =	vadd.f32 v10, v4;
	v10 =	vld.idx.msk [tilespmem:v16+s12+$0x0], $0xffff  }
0x3fa: {  	s7 =	sadd.s32 $0x8, s5;
	v14 =	vld.idx.msk [tilespmem:v15+s11+$0x0], $0xffff  }
0x3fb: {  	v4 =	vadd.f32 v6, v4;
	v6 =	vmul.f32 v8, v7;
	v7 =	vld.idx.msk [tilespmem:v15+s12+$0x0], $0xffff;
	v8 =	vadd.s32 s7, v3  }
0x3fc: {  	s7 =	sadd.s32 $0x9, s5;
	v15 =	vld.idx.msk [tilespmem:v13+s11+$0x0], $0xffff  }
0x3fd: {  	v4 =	vadd.f32 v6, v4;
	v6 =	vmul.f32 v11, v9;
	v9 =	vld.idx.msk [tilespmem:v13+s12+$0x0], $0xffff;
	v11 =	vadd.s32 s7, v3  }
0x3fe: {  	s7 =	sadd.s32 $0xA, s5;
	v13 =	vld.idx.msk [tilespmem:v12+s11+$0x0], $0xffff  }
0x3ff: {  	v5 =	vmul.f32 v10, v5;
	v10 =	vadd.s32 s7, v3;
	v4 =	vadd.f32 v6, v4;
	v6 =	vld.idx.msk [tilespmem:v12+s12+$0x0], $0xffff  }
0x400: {  	s7 =	sadd.s32 $0xB, s5;
	v12 =	vld.idx.msk [tilespmem:v8+s11+$0x0], $0xffff  }
0x401: {  	v4 =	vadd.f32 v5, v4;
	v5 =	vmul.f32 v7, v14;
	v7 =	vld.idx.msk [tilespmem:v8+s12+$0x0], $0xffff;
	v8 =	vadd.s32 s7, v3  }
0x402: {  	s7 =	sadd.s32 $0xC, s5;
	v14 =	vld.idx.msk [tilespmem:v11+s11+$0x0], $0xffff  }
0x403: {  	v4 =	vadd.f32 v5, v4;
	v5 =	vmul.f32 v9, v15;
	v9 =	vld.idx.msk [tilespmem:v11+s12+$0x0], $0xffff;
	v11 =	vadd.s32 s7, v3  }
0x404: {  	s7 =	sadd.s32 $0xD, s5;
	v15 =	vld.idx.msk [tilespmem:v10+s11+$0x0], $0xffff  }
0x405: {  	v4 =	vadd.f32 v5, v4;
	v5 =	vmul.f32 v6, v13;
	v6 =	vld.idx.msk [tilespmem:v10+s12+$0x0], $0xffff;
	v10 =	vadd.s32 s7, v3  }
0x406: {  	s7 =	sadd.s32 $0xE, s5;
	v13 =	vld.idx.msk [tilespmem:v8+s11+$0x0], $0xffff  }
0x407: {  	v4 =	vadd.f32 v5, v4;
	v5 =	vmul.f32 v7, v12;
	v7 =	vld.idx.msk [tilespmem:v8+s12+$0x0], $0xffff;
	v8 =	vadd.s32 s7, v3  }
0x408: {  	s7 =	sadd.s32 $0xF, s5;
	v12 =	vld.idx.msk [tilespmem:v11+s11+$0x0], $0xffff  }
0x409: {  	v4 =	vadd.f32 v5, v4;
	v5 =	vmul.f32 v9, v14;
	v9 =	vld.idx.msk [tilespmem:v11+s12+$0x0], $0xffff;
	v11 =	vadd.s32 s7, v3;
	s7 =	sadd.s32 $0x10, s5  }
0x40a: {  	v14 =	vld.idx.msk [tilespmem:v10+s11+$0x0], $0xffff;
	v16 =	vor.u32 s7, v3;
	s7 =	sadd.s32 $0x11, s5  }
0x40b: {  	v4 =	vadd.f32 v5, v4;
	v5 =	vmul.f32 v6, v15;
	v6 =	vld.idx.msk [tilespmem:v10+s12+$0x0], $0xffff;
	v10 =	vadd.s32 s7, v0;
	s7 =	sadd.s32 $0x12, s5  }
0x40c: {  	v15 =	vld.idx.msk [tilespmem:v8+s11+$0x0], $0xffff;
	v10 =	vand.u32 $0x7F, v10;
	v17 =	vadd.s32 s7, v0  }
0x40d: {  	s7 =	sadd.s32 $0x13, s5;
	v4 =	vadd.f32 v5, v4;
	v5 =	vmul.f32 v7, v13;
	v7 =	vld.idx.msk [tilespmem:v8+s12+$0x0], $0xffff;
	v8 =	vor.u32 v2, v10  }
0x40e: {  	v13 =	vand.u32 $0x7F, v17;
	v17 =	vadd.s32 s7, v0;
	v10 =	vld.idx.msk [tilespmem:v11+s11+$0x0], $0xffff  }
0x40f: {  	s7 =	sadd.s32 $0x14, s5;
	v4 =	vadd.f32 v5, v4;
	v5 =	vmul.f32 v9, v12;
	v9 =	vld.idx.msk [tilespmem:v11+s12+$0x0], $0xffff;
	v11 =	vor.u32 v2, v13  }
0x410: {  	v13 =	vand.u32 $0x7F, v17;
	v17 =	vadd.s32 s7, v0;
	v12 =	vld.idx.msk [tilespmem:v16+s11+$0x0], $0xffff  }
0x411: {  	s7 =	sadd.s32 $0x15, s5;
	v13 =	vor.u32 v2, v13;
	v4 =	vadd.f32 v5, v4;
	v5 =	vmul.f32 v6, v14;
	v6 =	vld.idx.msk [tilespmem:v16+s12+$0x0], $0xffff  }
0x412: {  	v16 =	vand.u32 $0x7F, v17;
	v17 =	vadd.s32 s7, v0;
	v14 =	vld.idx.msk [tilespmem:v8+s11+$0x0], $0xffff  }
0x413: {  	s7 =	sadd.s32 $0x16, s5;
	v4 =	vadd.f32 v5, v4;
	v5 =	vmul.f32 v7, v15;
	v7 =	vld.idx.msk [tilespmem:v8+s12+$0x0], $0xffff;
	v8 =	vor.u32 v2, v16  }
0x414: {  	v16 =	vand.u32 $0x7F, v17;
	v17 =	vadd.s32 s7, v0;
	v15 =	vld.idx.msk [tilespmem:v11+s11+$0x0], $0xffff  }
0x415: {  	s7 =	sadd.s32 $0x17, s5;
	v4 =	vadd.f32 v5, v4;
	v5 =	vmul.f32 v9, v10;
	v9 =	vld.idx.msk [tilespmem:v11+s12+$0x0], $0xffff;
	v10 =	vor.u32 v2, v16  }
0x416: {  	v16 =	vand.u32 $0x7F, v17;
	v17 =	vadd.s32 s7, v0;
	v11 =	vld.idx.msk [tilespmem:v13+s11+$0x0], $0xffff  }
0x417: {  	s7 =	sadd.s32 $0x18, s5;
	v4 =	vadd.f32 v5, v4;
	v5 =	vmul.f32 v6, v12;
	v6 =	vld.idx.msk [tilespmem:v13+s12+$0x0], $0xffff;
	v12 =	vor.u32 v2, v16  }
0x418: {  	v16 =	vand.u32 $0x7F, v17;
	v17 =	vadd.s32 s7, v0;
	v13 =	vld.idx.msk [tilespmem:v8+s11+$0x0], $0xffff  }
0x419: {  	s7 =	sadd.s32 $0x19, s5;
	v4 =	vadd.f32 v5, v4;
	v5 =	vmul.f32 v7, v14;
	v7 =	vld.idx.msk [tilespmem:v8+s12+$0x0], $0xffff;
	v8 =	vor.u32 v2, v16  }
0x41a: {  	v16 =	vand.u32 $0x7F, v17;
	v17 =	vadd.s32 s7, v0;
	v14 =	vld.idx.msk [tilespmem:v10+s11+$0x0], $0xffff  }
0x41b: {  	s7 =	sadd.s32 $0x1A, s5;
	v4 =	vadd.f32 v5, v4;
	v5 =	vmul.f32 v9, v15;
	v9 =	vld.idx.msk [tilespmem:v10+s12+$0x0], $0xffff;
	v10 =	vor.u32 v2, v16  }
0x41c: {  	v16 =	vand.u32 $0x7F, v17;
	v17 =	vadd.s32 s7, v0;
	v15 =	vld.idx.msk [tilespmem:v12+s11+$0x0], $0xffff  }
0x41d: {  	s7 =	sadd.s32 $0x1B, s5;
	v4 =	vadd.f32 v5, v4;
	v5 =	vmul.f32 v6, v11;
	v6 =	vld.idx.msk [tilespmem:v12+s12+$0x0], $0xffff;
	v11 =	vor.u32 v2, v16  }
0x41e: {  	v16 =	vand.u32 $0x7F, v17;
	v17 =	vadd.s32 s7, v0;
	v12 =	vld.idx.msk [tilespmem:v8+s11+$0x0], $0xffff  }
0x41f: {  	s7 =	sadd.s32 $0x1C, s5;
	v4 =	vadd.f32 v5, v4;
	v5 =	vmul.f32 v7, v13;
	v7 =	vld.idx.msk [tilespmem:v8+s12+$0x0], $0xffff;
	v8 =	vor.u32 v2, v16  }
0x420: {  	v16 =	vand.u32 $0x7F, v17;
	v17 =	vadd.s32 s7, v0;
	v13 =	vld.idx.msk [tilespmem:v10+s11+$0x0], $0xffff  }
0x421: {  	s7 =	sadd.s32 $0x1D, s5;
	v4 =	vadd.f32 v5, v4;
	v5 =	vmul.f32 v9, v14;
	v9 =	vld.idx.msk [tilespmem:v10+s12+$0x0], $0xffff;
	v10 =	vor.u32 v2, v16  }
0x422: {  	v16 =	vand.u32 $0x7F, v17;
	v17 =	vadd.s32 s7, v0;
	v14 =	vld.idx.msk [tilespmem:v11+s11+$0x0], $0xffff  }
0x423: {  	s7 =	sadd.s32 $0x1E, s5;
	v4 =	vadd.f32 v5, v4;
	v5 =	vmul.f32 v6, v15;
	v11 =	vld.idx.msk [tilespmem:v11+s12+$0x0], $0xffff;
	v15 =	vor.u32 v2, v16  }
0x424: {  	v6 =	vand.u32 $0x7F, v17;
	v17 =	vadd.s32 s7, v0;
	v16 =	vld.idx.msk [tilespmem:v8+s11+$0x0], $0xffff  }
0x425: {  	s7 =	sadd.s32 $0x1F, s5;
	s5 =	smov.u32 s6;
	v7 =	vmul.f32 v7, v12;
	v18 =	vor.u32 v2, v6;
	v5 =	vadd.f32 v5, v4;
	v12 =	vld.idx.msk [tilespmem:v8+s12+$0x0], $0xffff  }
0x426: {  	v6 =	vand.u32 $0x7F, v17;
	v17 =	vadd.s32 s7, v0;
	v4 =	vld.idx.msk [tilespmem:v10+s11+$0x0], $0xffff  }
0x427: {  	v8 =	vor.u32 v2, v6;
	v5 =	vadd.f32 v7, v5;
	v7 =	vmul.f32 v9, v13;
	v9 =	vld.idx.msk [tilespmem:v10+s12+$0x0], $0xffff  }
.Ltmp9:
0x428: {  	v13 =	vand.u32 $0x7F, v17;
	v6 =	vld.idx.msk [tilespmem:v15+s11+$0x0], $0xffff;
	(pc) =	sbr.rel @p0 .LBB2_21-.Ltmp9, $4  }
0x429: {  	v14 =	vmul.f32 v11, v14;
	v13 =	vor.u32 v2, v13;
	v7 =	vadd.f32 v7, v5;
	v10 =	vld.idx.msk [tilespmem:v15+s12+$0x0], $0xffff  }
0x42a: {  	v5 =	vld.idx.msk [tilespmem:v18+s11+$0x0], $0xffff  }
0x42b: {  	v11 =	vor.u32 s6, v3;
	v15 =	vmul.f32 v12, v16;
	v14 =	vadd.f32 v14, v7;
	v12 =	vld.idx.msk [tilespmem:v18+s12+$0x0], $0xffff  }
0x42c: {  	s7 =	sadd.s32 $0x1, s5;
	s6 =	sadd.s32 $0x20, s6;
	v7 =	vld.idx.msk [tilespmem:v8+s11+$0x0], $0xffff  }
0x42d: {  	_ =	sdelay $0x2  }
0x42e: {  	v14 =	vadd.f32 v15, v14;
	v4 =	vmul.f32 v9, v4  }
0x42f: {  	v49 =	vadd.s32 s7, v3;
	v8 =	vld.idx.msk [tilespmem:v8+s12+$0x0], $0xffff  }
0x430: {  	s6 =	sadd.s32 $0x2, s5;
	v50 =	vld.idx.msk [tilespmem:v13+s11+$0x0], $0xffff;
	v6 =	vmul.f32 v10, v6;
	v4 =	vadd.f32 v4, v14  }
0x431: {  	v52 =	vld.idx.msk [tilespmem:v13+s12+$0x0], $0xffff;
	v51 =	vadd.s32 s6, v3  }
0x432: {  	v53 =	vld.idx.msk [tilespmem:v11+s11+$0x0], $0xffff;
	s7 =	sadd.s32 $0x3, s5;
	v5 =	vmul.f32 v12, v5;
	v4 =	vadd.f32 v6, v4  }
0x433: {  	v54 =	vld.idx.msk [tilespmem:v11+s12+$0x0], $0xffff;
	v55 =	vadd.s32 s7, v3  }
0x434: {  	s14 =	sadd.s32 $0x4, s5;
	v56 =	vld.idx.msk [tilespmem:v49+s11+$0x0], $0xffff;
	v57 =	vmul.f32 v8, v7;
	v4 =	vadd.f32 v5, v4  }
0x435: {  	v59 =	vadd.s32 s14, v3;
	v58 =	vld.idx.msk [tilespmem:v49+s12+$0x0], $0xffff  }
0x436: {  	s16 =	sadd.s32 $0x5, s5;
	v61 =	vmul.f32 v52, v50;
	v60 =	vld.idx.msk [tilespmem:v51+s11+$0x0], $0xffff;
	v4 =	vadd.f32 v57, v4  }
0x437: {  	v62 =	vadd.s32 s16, v3;
	v10 =	vld.idx.msk [tilespmem:v51+s12+$0x0], $0xffff  }
0x438: {  	s18 =	sadd.s32 $0x6, s5;
	v6 =	vmul.f32 v54, v53;
	v63 =	vld.idx.msk [tilespmem:v55+s11+$0x0], $0xffff;
	v4 =	vadd.f32 v61, v4  }
0x439: {  	v17 =	vadd.s32 s18, v3;
	v16 =	vld.idx.msk [tilespmem:v55+s12+$0x0], $0xffff  }
0x43a: {  	s31 =	sadd.s32 $0x7, s5;
	v18 =	vld.idx.msk [tilespmem:v59+s11+$0x0], $0xffff;
	v19 =	vmul.f32 v58, v56;
	v4 =	vadd.f32 v6, v4  }
0x43b: {  	v21 =	vadd.s32 s31, v3;
	v20 =	vld.idx.msk [tilespmem:v59+s12+$0x0], $0xffff  }
0x43c: {  	s7 =	sadd.s32 $0x8, s5;
	v22 =	vld.idx.msk [tilespmem:v62+s11+$0x0], $0xffff;
	v23 =	vmul.f32 v10, v60;
	v4 =	vadd.f32 v19, v4  }
0x43d: {  	v25 =	vadd.s32 s7, v3;
	v24 =	vld.idx.msk [tilespmem:v62+s12+$0x0], $0xffff  }
0x43e: {  	s14 =	sadd.s32 $0x9, s5;
	v26 =	vld.idx.msk [tilespmem:v17+s11+$0x0], $0xffff;
	v5 =	vmul.f32 v16, v63;
	v4 =	vadd.f32 v23, v4  }
0x43f: {  	v28 =	vadd.s32 s14, v3;
	v27 =	vld.idx.msk [tilespmem:v17+s12+$0x0], $0xffff  }
0x440: {  	s16 =	sadd.s32 $0xA, s5;
	v29 =	vld.idx.msk [tilespmem:v21+s11+$0x0], $0xffff;
	v30 =	vmul.f32 v20, v18;
	v4 =	vadd.f32 v5, v4  }
0x441: {  	v32 =	vadd.s32 s16, v3;
	v31 =	vld.idx.msk [tilespmem:v21+s12+$0x0], $0xffff  }
0x442: {  	s18 =	sadd.s32 $0xB, s5;
	v33 =	vld.idx.msk [tilespmem:v25+s11+$0x0], $0xffff;
	v34 =	vmul.f32 v24, v22;
	v4 =	vadd.f32 v30, v4  }
0x443: {  	v36 =	vadd.s32 s18, v3;
	v35 =	vld.idx.msk [tilespmem:v25+s12+$0x0], $0xffff  }
0x444: {  	s31 =	sadd.s32 $0xC, s5;
	v37 =	vld.idx.msk [tilespmem:v28+s11+$0x0], $0xffff;
	v38 =	vmul.f32 v27, v26;
	v4 =	vadd.f32 v34, v4  }
0x445: {  	v40 =	vadd.s32 s31, v3;
	v39 =	vld.idx.msk [tilespmem:v28+s12+$0x0], $0xffff  }
0x446: {  	s7 =	sadd.s32 $0xD, s5;
	v41 =	vld.idx.msk [tilespmem:v32+s11+$0x0], $0xffff;
	v42 =	vmul.f32 v31, v29;
	v4 =	vadd.f32 v38, v4  }
0x447: {  	v44 =	vadd.s32 s7, v3;
	v43 =	vld.idx.msk [tilespmem:v32+s12+$0x0], $0xffff  }
0x448: {  	s14 =	sadd.s32 $0xE, s5;
	v45 =	vld.idx.msk [tilespmem:v36+s11+$0x0], $0xffff;
	v46 =	vmul.f32 v35, v33;
	v4 =	vadd.f32 v42, v4  }
0x449: {  	v48 =	vadd.s32 s14, v3;
	v47 =	vld.idx.msk [tilespmem:v36+s12+$0x0], $0xffff  }
0x44a: {  	s16 =	sadd.s32 $0xF, s5;
	v49 =	vld.idx.msk [tilespmem:v40+s11+$0x0], $0xffff;
	v50 =	vmul.f32 v39, v37;
	v4 =	vadd.f32 v46, v4  }
0x44b: {  	v52 =	vadd.s32 s16, v3;
	v51 =	vld.idx.msk [tilespmem:v40+s12+$0x0], $0xffff  }
0x44c: {  	s18 =	sadd.s32 $0x10, s5;
	s31 =	sadd.s32 $0x11, s5;
	v53 =	vld.idx.msk [tilespmem:v44+s11+$0x0], $0xffff;
	v54 =	vmul.f32 v43, v41;
	v4 =	vadd.f32 v50, v4  }
0x44d: {  	v3 =	vor.u32 s18, v3;
	v55 =	vld.idx.msk [tilespmem:v44+s12+$0x0], $0xffff;
	v56 =	vadd.s32 s31, v0  }
0x44e: {  	s14 =	sadd.s32 $0x12, s5;
	v57 =	vld.idx.msk [tilespmem:v48+s11+$0x0], $0xffff;
	v8 =	vand.u32 $0x7F, v56;
	v58 =	vmul.f32 v47, v45;
	v4 =	vadd.f32 v54, v4  }
0x44f: {  	v59 =	vadd.s32 s14, v0;
	v10 =	vld.idx.msk [tilespmem:v48+s12+$0x0], $0xffff;
	v8 =	vor.u32 v2, v8  }
0x450: {  	s16 =	sadd.s32 $0x13, s5;
	v9 =	vand.u32 $0x7F, v59;
	v11 =	vld.idx.msk [tilespmem:v52+s12+$0x0], $0xffff;
	v61 =	vmul.f32 v51, v49;
	v4 =	vadd.f32 v58, v4  }
0x451: {  	v62 =	vadd.s32 s16, v0;
	v9 =	vor.u32 v2, v9;
	v60 =	vld.idx.msk [tilespmem:v52+s11+$0x0], $0xffff  }
0x452: {  	s18 =	sadd.s32 $0x14, s5;
	v63 =	vld.idx.msk [tilespmem:v3+s11+$0x0], $0xffff;
	v6 =	vand.u32 $0x7F, v62;
	v18 =	vmul.f32 v55, v53;
	v4 =	vadd.f32 v61, v4  }
0x453: {  	v3 =	vld.idx.msk [tilespmem:v3+s12+$0x0], $0xffff;
	v6 =	vor.u32 v2, v6;
	v19 =	vadd.s32 s18, v0  }
0x454: {  	s31 =	sadd.s32 $0x15, s5;
	v7 =	vand.u32 $0x7F, v19;
	v21 =	vmul.f32 v10, v57;
	v20 =	vld.idx.msk [tilespmem:v8+s11+$0x0], $0xffff;
	v4 =	vadd.f32 v18, v4  }
0x455: {  	v22 =	vadd.s32 s31, v0;
	v7 =	vor.u32 v2, v7;
	v8 =	vld.idx.msk [tilespmem:v8+s12+$0x0], $0xffff  }
0x456: {  	s7 =	sadd.s32 $0x16, s5;
	v23 =	vld.idx.msk [tilespmem:v9+s11+$0x0], $0xffff;
	v10 =	vand.u32 $0x7F, v22;
	v24 =	vmul.f32 v11, v60;
	v4 =	vadd.f32 v21, v4  }
0x457: {  	v25 =	vadd.s32 s7, v0;
	v9 =	vld.idx.msk [tilespmem:v9+s12+$0x0], $0xffff;
	v10 =	vor.u32 v2, v10  }
0x458: {  	s14 =	sadd.s32 $0x17, s5;
	v11 =	vand.u32 $0x7F, v25;
	v3 =	vmul.f32 v3, v63;
	v26 =	vld.idx.msk [tilespmem:v6+s11+$0x0], $0xffff;
	v4 =	vadd.f32 v24, v4  }
0x459: {  	v27 =	vadd.s32 s14, v0;
	v11 =	vor.u32 v2, v11;
	v6 =	vld.idx.msk [tilespmem:v6+s12+$0x0], $0xffff  }
0x45a: {  	s16 =	sadd.s32 $0x18, s5;
	v5 =	vand.u32 $0x7F, v27;
	v28 =	vld.idx.msk [tilespmem:v7+s11+$0x0], $0xffff;
	v29 =	vmul.f32 v8, v20;
	v3 =	vadd.f32 v3, v4  }
0x45b: {  	v5 =	vor.u32 v2, v5;
	v30 =	vadd.s32 s16, v0;
	v7 =	vld.idx.msk [tilespmem:v7+s12+$0x0], $0xffff  }
0x45c: {  	s18 =	sadd.s32 $0x19, s5;
	v32 =	vmul.f32 v9, v23;
	v31 =	vld.idx.msk [tilespmem:v10+s11+$0x0], $0xffff;
	v8 =	vand.u32 $0x7F, v30;
	v3 =	vadd.f32 v29, v3  }
0x45d: {  	v33 =	vadd.s32 s18, v0;
	v10 =	vld.idx.msk [tilespmem:v10+s12+$0x0], $0xffff;
	v8 =	vor.u32 v2, v8  }
0x45e: {  	s31 =	sadd.s32 $0x1A, s5;
	v9 =	vand.u32 $0x7F, v33;
	v34 =	vld.idx.msk [tilespmem:v11+s11+$0x0], $0xffff;
	v35 =	vmul.f32 v6, v26;
	v3 =	vadd.f32 v32, v3  }
0x45f: {  	v36 =	vadd.s32 s31, v0;
	v11 =	vld.idx.msk [tilespmem:v11+s12+$0x0], $0xffff;
	v9 =	vor.u32 v2, v9  }
0x460: {  	s7 =	sadd.s32 $0x1B, s5;
	v6 =	vand.u32 $0x7F, v36;
	v37 =	vld.idx.msk [tilespmem:v5+s11+$0x0], $0xffff;
	v38 =	vmul.f32 v7, v28;
	v3 =	vadd.f32 v35, v3  }
0x461: {  	v39 =	vadd.s32 s7, v0;
	v5 =	vld.idx.msk [tilespmem:v5+s12+$0x0], $0xffff;
	v6 =	vor.u32 v2, v6  }
0x462: {  	s14 =	sadd.s32 $0x1C, s5;
	v7 =	vand.u32 $0x7F, v39;
	v41 =	vmul.f32 v10, v31;
	v40 =	vld.idx.msk [tilespmem:v8+s11+$0x0], $0xffff;
	v3 =	vadd.f32 v38, v3  }
0x463: {  	v42 =	vadd.s32 s14, v0;
	v7 =	vor.u32 v2, v7;
	v8 =	vld.idx.msk [tilespmem:v8+s12+$0x0], $0xffff  }
0x464: {  	s16 =	sadd.s32 $0x1D, s5;
	v43 =	vld.idx.msk [tilespmem:v9+s11+$0x0], $0xffff;
	v10 =	vand.u32 $0x7F, v42;
	v44 =	vmul.f32 v11, v34;
	v3 =	vadd.f32 v41, v3  }
0x465: {  	v45 =	vadd.s32 s16, v0;
	v9 =	vld.idx.msk [tilespmem:v9+s12+$0x0], $0xffff;
	v10 =	vor.u32 v2, v10  }
0x466: {  	s18 =	sadd.s32 $0x1E, s5;
	v11 =	vand.u32 $0x7F, v45;
	v46 =	vld.idx.msk [tilespmem:v6+s11+$0x0], $0xffff;
	v47 =	vmul.f32 v5, v37;
	v3 =	vadd.f32 v44, v3  }
0x467: {  	v48 =	vadd.s32 s18, v0;
	v11 =	vor.u32 v2, v11;
	v6 =	vld.idx.msk [tilespmem:v6+s12+$0x0], $0xffff  }
0x468: {  	s31 =	sadd.s32 $0x1F, s5;
	v5 =	vand.u32 $0x7F, v48;
	v49 =	vld.idx.msk [tilespmem:v7+s11+$0x0], $0xffff;
	v50 =	vmul.f32 v8, v40;
	v3 =	vadd.f32 v47, v3  }
0x469: {  	v51 =	vadd.s32 s31, v0;
	v5 =	vor.u32 v2, v5;
	v7 =	vld.idx.msk [tilespmem:v7+s12+$0x0], $0xffff  }
0x46a: {  	v53 =	vmul.f32 v9, v43;
	v52 =	vld.idx.msk [tilespmem:v10+s11+$0x0], $0xffff;
	v8 =	vand.u32 $0x7F, v51;
	v3 =	vadd.f32 v50, v3  }
0x46b: {  	v54 =	vld.idx.msk [tilespmem:v10+s12+$0x0], $0xffff;
	v2 =	vor.u32 v2, v8  }
0x46c: {  	v55 =	vld.idx.msk [tilespmem:v11+s11+$0x0], $0xffff;
	v56 =	vmul.f32 v6, v46;
	v3 =	vadd.f32 v53, v3  }
0x46d: {  	v57 =	vld.idx.msk [tilespmem:v11+s12+$0x0], $0xffff  }
0x46e: {  	v58 =	vld.idx.msk [tilespmem:v5+s11+$0x0], $0xffff;
	v59 =	vmul.f32 v7, v49;
	v3 =	vadd.f32 v56, v3  }
0x46f: {  	v5 =	vld.idx.msk [tilespmem:v5+s12+$0x0], $0xffff  }
0x470: {  	v61 =	vmul.f32 v54, v52;
	v60 =	vld.idx.msk [tilespmem:v2+s11+$0x0], $0xffff;
	v3 =	vadd.f32 v59, v3  }
0x471: {  	v2 =	vld.idx.msk [tilespmem:v2+s12+$0x0], $0xffff  }
0x472: {  	v62 =	vmul.f32 v57, v55;
	v3 =	vadd.f32 v61, v3;
	_ =	sdelay $0x1  }
0x473: {  	s9 =	sadd.s32 $0x1, s9;
	v63 =	vmul.f32 v5, v58;
	v3 =	vadd.f32 v62, v3  }
0x474: {  	p0 =	sne.s32 s9, $0x5  }
.Ltmp10:
0x475: {  	v2 =	vmul.f32 v2, v60;
	v3 =	vadd.f32 v63, v3;
	(pc) =	sbr.rel @p0 .LBB2_20-.Ltmp10, $3  }
0x476: {  	_ = 	snop  }
0x477: {  	v2 =	vadd.f32 v2, v3;
	_ =	sdelay $0x1  }
0x478: {  	[tilespmem:s4+$0x1B5C0] =	vst v2  }
0x479: {  	s0 =	rddreg [dreg:$0x7];
	s4 =	simm.s32 $0x18F00  }
0x47a: {  	[hbm4b:s0+s3] =	stream.linear.scatter [tilespmem:s4], [sflag:$0x9], $0x2710, $0x38;
	[tilespmem:$0x1B680] =	vst v63  }
0x47b: {  	_ =	swait.ge [sflag:s8], $0x2710  }
0x47c: {  	s2 =	sadd.s32 $0x1, s2;
	s31 =	rddreg [dreg:$0x8]  }
0x47d: {  	p0 =	sne.s32 s2, s31  }
.Ltmp11:
0x47e: {  	_ = 	snop;
	(pc) =	sbr.rel @p0 .LBB2_1-.Ltmp11, $3  }
0x47f: {  	_ =	sdelay $0x1  }
0x480: {  	[sflag:s8] =	ssyncset.done $0x0  }
0x481: {  	[sflag:s8] =	ssyncadd.s32 $0xFFFFD8F0  }
0x482: {  	_ =	sfence.sel $0x180000  }
0x483: {  	[bflag:$0x0] =	sbarrier.arrive $0xFFFF  }
0x484: {  	_ =	strace $0x90000047  }
0x485: {  	s0 =	stileid.u32;
	[bflag:$0x2] =	sbarrier.arrive $0xFFFF  }
0x486: {  	p0 =	sne.s32 s0, $0x0;
	s0 =	rddreg [dreg:$0x4]  }
0x487: {  	s0 =	sadd.s32 @!p0 $0x100000, s0  }
0x488: {  	[sflag:s0] =	ssyncadd.tile.s32 @!p0 $0x1;
	_ =	shalt  }
.Lfunc_end2:
_tile_overlayer_lowered:
.L_overlay_start_2:
0x489: {  	(tag) =	ssettag $0x2  }
0x48a: {  	s0 =	rddreg [dreg:$0x0];
	s2 =	stileid.u32  }
0x48b: {  	s1 =	rddreg [dreg:$0x1];
	p0 =	sne.s32 s2, $0x0  }
0x48c: {  	s3 =	rddreg [dreg:$0x2];
	[bflag:$0x3] =	sbarrier.arrive $0xFFFF;
	s2 =	simm.s32 @!p0 $0x1C09  }
0x48d: {  	[timem:s3], [sflag:s2] =	dma.local @!p0 [hbm:s0], s1  }
0x48e: {  	s0 =	simm.s32 @!p0 $0x9  }
0x48f: {  	_ =	swait.ge @!p0 [sflag:s0], s1  }
0x490: {  	s1 =	ssub.s32 @!p0 $0x0, s1;
	[sflag:s0] =	ssyncset.done @!p0 $0x0  }
0x491: {  	[sflag:s0] =	ssyncadd.s32 @!p0 s1  }
0x492: {  	[bflag:$0x3] =	sbarrier.arrive $0xFFFF  }
0x493: {  	_ =	shalt  }

</sc_bundles>
